<compile_context>
chip_gen: v7x
topology: tpu7x:2x2x1
jax: 0.10.2.dev20260603
libtpu: 0.0.44.dev20260713+nightly
codegen_flags: <defaults>
</compile_context>

<pallas_src>
import functools

import jax
import jax.numpy as jnp
from jax import lax
from jax.experimental import pallas as pl
from jax.experimental.pallas import tpu as pltpu
from jax.experimental.pallas import tpu_sc as plsc

N = 10000
E = 320000
D = 128
CHUNK = 125
NC, NS = 2, 16
ROWS = E // CHUNK
RPT = ROWS // NS
IB = 40
NBLK = RPT // IB
NPAD = 10240
HSTRIPE = NPAD // NS
VSTRIPE = 624
VTAIL = N - NS * VSTRIPE

_MESH = plsc.VectorSubcoreMesh(
    core_axis_name="c", subcore_axis_name="s", num_cores=NC, num_subcores=NS
)


@functools.partial(
    pl.kernel,
    out_type=(
        jax.ShapeDtypeStruct((NPAD,), jnp.float32),
        jax.ShapeDtypeStruct((NPAD,), jnp.float32),
    ),
    mesh=_MESH,
    scratch_types=[
        pltpu.VMEM((RPT, CHUNK), jnp.int32),
        pltpu.VMEM((128,), jnp.float32),
        pltpu.VMEM((HSTRIPE,), jnp.float32),
        pltpu.VMEM_SHARED((NPAD,), jnp.float32),
    ],
)
def _sc_degrees(row2d, col2d, out_row, out_col, idx_v, ones_v, zbuf, hist):
    c = lax.axis_index("c")
    sid = lax.axis_index("s")

    for j in range(8):
        ones_v[pl.ds(j * 16, 16)] = jnp.ones((16,), jnp.float32)

    def _z(i, carry):
        zbuf[pl.ds(i * 16, 16)] = jnp.zeros((16,), jnp.float32)
        return carry

    lax.fori_loop(0, HSTRIPE // 16, _z, 0)
    pltpu.sync_copy(zbuf, hist.at[pl.ds(sid * HSTRIPE, HSTRIPE)])
    plsc.subcore_barrier()

    def _accum(src2d):
        pltpu.sync_copy(src2d.at[pl.ds(sid * RPT, RPT)], idx_v)

        def _step(i, carry):
            pltpu.sync_copy(
                ones_v.at[pl.ds(0, CHUNK)], hist.at[idx_v.at[i]], add=True
            )
            return carry

        lax.fori_loop(0, RPT, _step, 0)

    pl.when(c == 0)(lambda: _accum(row2d))
    pl.when(c == 1)(lambda: _accum(col2d))
    plsc.subcore_barrier()

    sl = pl.ds(sid * HSTRIPE, HSTRIPE)
    pl.when(c == 0)(lambda: pltpu.sync_copy(hist.at[sl], out_row.at[sl]))
    pl.when(c == 1)(lambda: pltpu.sync_copy(hist.at[sl], out_col.at[sl]))


@functools.partial(
    pl.kernel,
    out_type=(
        jax.ShapeDtypeStruct((N, D), jnp.float32),
        jax.ShapeDtypeStruct((N, D), jnp.float32),
    ),
    mesh=_MESH,
    scratch_types=[
        pltpu.VMEM((IB, CHUNK), jnp.int32),
        pltpu.VMEM((IB, CHUNK), jnp.int32),
        pltpu.VMEM((2, CHUNK, D), jnp.float32),
        pltpu.VMEM_SHARED((N, D), jnp.float32),
        pltpu.SemaphoreType.DMA,
        pltpu.SemaphoreType.DMA,
    ],
)
def _sc_spmm(x_t, x_s, row2d, col2d, out_s, out_t,
             gidx, sidx, buf, acc, gsem, ssem):
    c = lax.axis_index("c")
    sid = lax.axis_index("s")

    def _striped_copy(src, dst):
        rsl = pl.ds(sid * VSTRIPE, VSTRIPE)
        pltpu.sync_copy(src.at[rsl], dst.at[rsl])

        @pl.when(sid == NS - 1)
        def _tail():
            tsl = pl.ds(NS * VSTRIPE, VTAIL)
            pltpu.sync_copy(src.at[tsl], dst.at[tsl])

    def _run(src_hbm, gather2d, scatter2d, out_hbm):
        _striped_copy(src_hbm, acc)
        plsc.subcore_barrier()

        for b in range(NBLK):
            bsl = pl.ds(sid * RPT + b * IB, IB)
            pltpu.sync_copy(gather2d.at[bsl], gidx)
            pltpu.sync_copy(scatter2d.at[bsl], sidx)

            pltpu.async_copy(src_hbm.at[gidx.at[0]], buf.at[0], gsem)

            def _step(i, carry):
                pltpu.make_async_copy(
                    src_hbm.at[gidx.at[i]], buf.at[i % 2], gsem
                ).wait()
                pltpu.async_copy(
                    buf.at[i % 2], acc.at[sidx.at[i]], ssem, add=True
                )

                @pl.when(i + 1 < IB)
                def _prefetch():
                    @pl.when(i > 0)
                    def _drain_prev():
                        pltpu.make_async_copy(
                            buf.at[(i + 1) % 2], acc.at[sidx.at[i]], ssem
                        ).wait()

                    pltpu.async_copy(
                        src_hbm.at[gidx.at[i + 1]], buf.at[(i + 1) % 2], gsem
                    )

                return carry

            lax.fori_loop(0, IB, _step, 0)
            pltpu.make_async_copy(buf.at[0], acc.at[sidx.at[0]], ssem).wait()
            pltpu.make_async_copy(buf.at[1], acc.at[sidx.at[0]], ssem).wait()
        plsc.subcore_barrier()
        _striped_copy(acc, out_hbm)

    pl.when(c == 0)(lambda: _run(x_t, col2d, row2d, out_s))
    pl.when(c == 1)(lambda: _run(x_s, row2d, col2d, out_t))


BM = 2000
GRID = N // BM

_row_spec = pl.BlockSpec((BM, D), lambda i: (i, 0))
_w_spec = pl.BlockSpec((D, D), lambda i: (0, 0))
_b_spec = pl.BlockSpec((1, D), lambda i: (0, 0))
_col_spec = pl.BlockSpec((BM, 1), lambda i: (i, 0))
_s2_spec = pl.BlockSpec((1, 2), lambda i: (0, 0))


def _mlp_scale_body(s_ref, t_ref, ws1, bs1, ws2, bs2, wt1, bt1, wt2, bt2,
                    hr_ref, hc_ref,
                    s0_ref, t0_ref, s0s_ref, t0s_ref, oi_ref, ii_ref):
    x = s_ref[...]
    h = jnp.maximum(jnp.dot(x, ws1[...], preferred_element_type=jnp.float32)
                    + bs1[...], 0.0)
    s0 = jnp.dot(h, ws2[...], preferred_element_type=jnp.float32) + bs2[...]
    y = t_ref[...]
    g = jnp.maximum(jnp.dot(y, wt1[...], preferred_element_type=jnp.float32)
                    + bt1[...], 0.0)
    t0 = jnp.dot(g, wt2[...], preferred_element_type=jnp.float32) + bt2[...]
    oi = lax.rsqrt(hr_ref[...] + 1.0)
    ii = lax.rsqrt(hc_ref[...] + 1.0)
    s0_ref[...] = s0
    t0_ref[...] = t0
    s0s_ref[...] = s0 * oi
    t0s_ref[...] = t0 * ii
    oi_ref[...] = oi
    ii_ref[...] = ii


_mlp_scale = pl.pallas_call(
    _mlp_scale_body,
    grid=(GRID,),
    in_specs=[_row_spec, _row_spec,
              _w_spec, _b_spec, _w_spec, _b_spec,
              _w_spec, _b_spec, _w_spec, _b_spec,
              _col_spec, _col_spec],
    out_specs=[_row_spec, _row_spec, _row_spec, _row_spec,
               _col_spec, _col_spec],
    out_shape=[jax.ShapeDtypeStruct((N, D), jnp.float32)] * 4
    + [jax.ShapeDtypeStruct((N, 1), jnp.float32)] * 2,
)


def _combine_body(s_ref, t_ref, accs_ref, acct_ref, oi_ref, ii_ref, w_ref,
                  s1_ref, t1_ref, s1s_ref, t1s_ref):
    oi = oi_ref[...]
    ii = ii_ref[...]
    s1 = s_ref[...] + w_ref[0, 0] * (oi * accs_ref[...])
    t1 = t_ref[...] + w_ref[0, 1] * (ii * acct_ref[...])
    s1_ref[...] = s1
    t1_ref[...] = t1
    s1s_ref[...] = s1 * oi
    t1s_ref[...] = t1 * ii


_combine_scale = pl.pallas_call(
    _combine_body,
    grid=(GRID,),
    in_specs=[_row_spec, _row_spec, _row_spec, _row_spec,
              _col_spec, _col_spec, _s2_spec],
    out_specs=[_row_spec] * 4,
    out_shape=[jax.ShapeDtypeStruct((N, D), jnp.float32)] * 4,
)


def _final_body(s_ref, t_ref, accs_ref, acct_ref, oi_ref, ii_ref, w_ref,
                s2_ref, t2_ref):
    s2_ref[...] = s_ref[...] + w_ref[0, 0] * (oi_ref[...] * accs_ref[...])
    t2_ref[...] = t_ref[...] + w_ref[0, 1] * (ii_ref[...] * acct_ref[...])


_final_combine = pl.pallas_call(
    _final_body,
    grid=(GRID,),
    in_specs=[_row_spec, _row_spec, _row_spec, _row_spec,
              _col_spec, _col_spec, _s2_spec],
    out_specs=[_row_spec] * 2,
    out_shape=[jax.ShapeDtypeStruct((N, D), jnp.float32)] * 2,
)


def kernel(s, t, edge_index, Ws1, bs1, Ws2, bs2, Wt1, bt1, Wt2, bt2, w1, w2):
    row2d = edge_index[0].reshape(ROWS, CHUNK)
    col2d = edge_index[1].reshape(ROWS, CHUNK)

    hr, hc = _sc_degrees(row2d, col2d)
    hr = hr[:N].reshape(N, 1)
    hc = hc[:N].reshape(N, 1)

    s0, t0, s0s, t0s, oi, ii = _mlp_scale(
        s, t,
        Ws1.T, bs1.reshape(1, D), Ws2.T, bs2.reshape(1, D),
        Wt1.T, bt1.reshape(1, D), Wt2.T, bt2.reshape(1, D),
        hr, hc,
    )

    acc_s, acc_t = _sc_spmm(t0s, s0s, row2d, col2d)
    s1, t1, s1s, t1s = _combine_scale(s0, t0, acc_s, acc_t, oi, ii,
                                      w1.reshape(1, 2))
    acc_s2, acc_t2 = _sc_spmm(t1s, s1s, row2d, col2d)
    s2, t2 = _final_combine(s1, t1, acc_s2, acc_t2, oi, ii, w2.reshape(1, 2))
    return (s2, t2)

# --- scband reference (transcript-rebuilt; emitter-appended) ---
"""Pipeline reference for scband-sdgae-43611097924237 (READ-ONLY COPY).

The authoritative reference and input builder live on the scoring server;
editing this copy changes nothing except your own understanding.
"""

import jax, jax.numpy as jnp
import numpy as np

N = 10000
E = 320000
D = 128   # input_dim
H = 128   # hidden
O = 128   # embed_dim


def _lin_init(key, out_c, in_c):
    k1, k2 = jax.random.split(key)
    bound = 1.0 / np.sqrt(in_c)
    W = jax.random.uniform(k1, (out_c, in_c), jnp.float32, -bound, bound)
    b = jax.random.uniform(k2, (out_c,), jnp.float32, -bound, bound)
    return W, b


def setup_inputs(seed: int = 0) -> dict:
    key = jax.random.key(seed)
    ks = jax.random.split(key, 8)
    s = jax.random.normal(ks[0], (N, D), jnp.float32)
    t = jax.random.normal(ks[1], (N, D), jnp.float32)
    edge_index = jax.random.randint(ks[2], (2, E), 0, N, dtype=jnp.int32)
    Ws1, bs1 = _lin_init(ks[3], H, D)
    Ws2, bs2 = _lin_init(ks[4], O, H)
    Wt1, bt1 = _lin_init(ks[5], H, D)
    Wt2, bt2 = _lin_init(ks[6], O, H)
    w1 = jnp.ones(2, jnp.float32)  # SimpleConv TEMP=np.ones(2)
    w2 = jnp.ones(2, jnp.float32)
    return {"s": s, "t": t, "edge_index": edge_index,
            "Ws1": Ws1, "bs1": bs1, "Ws2": Ws2, "bs2": bs2,
            "Wt1": Wt1, "bt1": bt1, "Wt2": Wt2, "bt2": bt2,
            "w1": w1, "w2": w2}


def reference(s, t, edge_index, Ws1, bs1, Ws2, bs2, Wt1, bt1, Wt2, bt2, w1, w2):
    # --- SimpleEncoder linear stacks (nlayer=2, eval mode: dropout is identity) ---
    def mlp(x, W1, b1, W2, b2):
        x = x @ W1.T + b1
        x = jax.nn.relu(x)
        x = x @ W2.T + b2
        return x

    s = mlp(s, Ws1, bs1, Ws2, bs2)
    t = mlp(t, Wt1, bt1, Wt2, bt2)

    # --- add self loops ---
    n = s.shape[0]
    loop = jnp.arange(n, dtype=edge_index.dtype)
    row = jnp.concatenate([edge_index[0], loop])
    col = jnp.concatenate([edge_index[1], loop])

    # --- directed_norm: D_out^{-1/2} A D_in^{-1/2} ---
    ones = jnp.ones(row.shape[0], jnp.float32)
    in_deg = jnp.zeros(n, jnp.float32).at[col].add(ones)    # column sums (dim=0)
    out_deg = jnp.zeros(n, jnp.float32).at[row].add(ones)   # row sums (dim=1)
    in_inv = jnp.where(in_deg > 0, in_deg ** -0.5, 0.0)
    out_inv = jnp.where(out_deg > 0, out_deg ** -0.5, 0.0)
    vals = out_inv[row] * in_inv[col]   # adj_t_norm == adj_norm^T, same edge values

    def conv(s, t, w):
        agg_s = jnp.zeros_like(t).at[row].add(vals[:, None] * t[col])  # adj_norm @ t
        agg_t = jnp.zeros_like(s).at[col].add(vals[:, None] * s[row])  # adj_t_norm @ s
        return s + w[0] * agg_s, t + w[1] * agg_t

    # K=2 conv layers (each SimpleConv computes the same normalized adjacency)
    s, t = conv(s, t, w1)
    s, t = conv(s, t, w2)
    return (s, t)

if __name__ == "__main__":
    import jax
    _d = setup_inputs()
    print(jax.jit(kernel)(*tuple(_d.values())))

</pallas_src>

<mosaic_0001>
#map = affine_map<(d0, d1) -> (0, 0)>
module attributes {stable_mosaic.version = 14 : i64} {
  func.func @_sc_spmm(%arg0: i32, %arg1: i32, %arg2: memref<10000x128xf32, #tpu.memory_space<hbm>>, %arg3: memref<10000x128xf32, #tpu.memory_space<hbm>>, %arg4: memref<2560x125xi32, #tpu.memory_space<hbm>>, %arg5: memref<2560x125xi32, #tpu.memory_space<hbm>>, %arg6: memref<10000x128xf32, #tpu.memory_space<hbm>>, %arg7: memref<10000x128xf32, #tpu.memory_space<hbm>>, %arg8: memref<40x125xi32, #tpu.memory_space<vmem>>, %arg9: memref<40x125xi32, #tpu.memory_space<vmem>>, %arg10: memref<2x125x128xf32, #tpu.memory_space<vmem>>, %arg11: memref<10000x128xf32, #tpu.memory_space<vmem_shared>>, %arg12: memref<!tpu.dma_semaphore, #tpu.memory_space<semaphore_mem>>, %arg13: memref<!tpu.dma_semaphore, #tpu.memory_space<semaphore_mem>>) attributes {dimension_semantics = [#tpu.dimension_semantics<core_parallel>, #tpu.dimension_semantics<subcore_parallel>], iteration_bounds = array<i64: 2, 16>, scalar_prefetch = 0 : i64, scratch_operands = 6 : i64, tpu.core_type = #tpu.core_type<sc_vector_subcore>, window_params = [{transform_indices = #map}, {transform_indices = #map}, {transform_indices = #map}, {transform_indices = #map}, {transform_indices = #map}, {transform_indices = #map}]} {
    %eq3A = arith.constant 0 : i32
    %eq3A_0 = arith.cmpi eq, %arg0, %eq3A : i32
    %convert_element_type3A = arith.extui %eq3A_0 : i1 to i32
    %cond3A = arith.constant 0 : i32
    %cond3A_1 = arith.cmpi ne, %convert_element_type3A, %cond3A : i32
    scf.if %cond3A_1 {
      %mul3A = arith.constant 624 : i32
      %mul3A_7 = arith.muli %arg1, %mul3A : i32
      "tpu.region"() ({
        %run_scoped3A = tpu.sem_alloc : memref<!tpu.dma_semaphore, #tpu.memory_space<semaphore_mem>>
        %dma_start3A_201 = arith.constant 0 : i32
        %dma_start3A_202 = tpu.memref_slice %arg11[%mul3A_7, %dma_start3A_201] : memref<10000x128xf32, #tpu.memory_space<vmem_shared>> -> memref<624x128xf32, #tpu.memory_space<vmem_shared>>
        %dma_start3A_203 = arith.constant 0 : i32
        %dma_start3A_204 = tpu.memref_slice %arg2[%mul3A_7, %dma_start3A_203] : memref<10000x128xf32, #tpu.memory_space<hbm>> -> memref<624x128xf32, #tpu.memory_space<hbm>>
        tpu.enqueue_dma source(%dma_start3A_204 : memref<624x128xf32, #tpu.memory_space<hbm>>) target(%dma_start3A_202 : memref<624x128xf32, #tpu.memory_space<vmem_shared>>) target_semaphore(%run_scoped3A : memref<!tpu.dma_semaphore, #tpu.memory_space<semaphore_mem>>)
        %dma_wait3A_205 = arith.constant 0 : i32
        %dma_wait3A_206 = tpu.memref_slice %arg11[%mul3A_7, %dma_wait3A_205] : memref<10000x128xf32, #tpu.memory_space<vmem_shared>> -> memref<624x128xf32, #tpu.memory_space<vmem_shared>>
        %dma_wait3A_207 = arith.constant 0 : i32
        %dma_wait3A_208 = tpu.memref_slice %arg2[%mul3A_7, %dma_wait3A_207] : memref<10000x128xf32, #tpu.memory_space<hbm>> -> memref<624x128xf32, #tpu.memory_space<hbm>>
        tpu.wait_dma2 semaphore(%run_scoped3A : memref<!tpu.dma_semaphore, #tpu.memory_space<semaphore_mem>>) src(%dma_wait3A_208 : memref<624x128xf32, #tpu.memory_space<hbm>>) dst(%dma_wait3A_206 : memref<624x128xf32, #tpu.memory_space<vmem_shared>>)
        tpu.yield
      }) : () -> ()
      %eq3A_8 = arith.constant 15 : i32
      %eq3A_9 = arith.cmpi eq, %arg1, %eq3A_8 : i32
      %convert_element_type3A_10 = arith.extui %eq3A_9 : i1 to i32
      %cond3A_11 = arith.constant 0 : i32
      %cond3A_12 = arith.cmpi ne, %convert_element_type3A_10, %cond3A_11 : i32
      scf.if %cond3A_12 {
        "tpu.region"() ({
          %run_scoped3A = tpu.sem_alloc : memref<!tpu.dma_semaphore, #tpu.memory_space<semaphore_mem>>
          %dma_start3A_201 = arith.constant 9984 : i32
          %dma_start3A_202 = arith.constant 0 : i32
          %dma_start3A_203 = tpu.memref_slice %arg11[%dma_start3A_201, %dma_start3A_202] : memref<10000x128xf32, #tpu.memory_space<vmem_shared>> -> memref<16x128xf32, #tpu.memory_space<vmem_shared>>
          %dma_start3A_204 = arith.constant 9984 : i32
          %dma_start3A_205 = arith.constant 0 : i32
          %dma_start3A_206 = tpu.memref_slice %arg2[%dma_start3A_204, %dma_start3A_205] : memref<10000x128xf32, #tpu.memory_space<hbm>> -> memref<16x128xf32, #tpu.memory_space<hbm>>
          tpu.enqueue_dma source(%dma_start3A_206 : memref<16x128xf32, #tpu.memory_space<hbm>>) target(%dma_start3A_203 : memref<16x128xf32, #tpu.memory_space<vmem_shared>>) target_semaphore(%run_scoped3A : memref<!tpu.dma_semaphore, #tpu.memory_space<semaphore_mem>>)
          %dma_wait3A_207 = arith.constant 9984 : i32
          %dma_wait3A_208 = arith.constant 0 : i32
          %dma_wait3A_209 = tpu.memref_slice %arg11[%dma_wait3A_207, %dma_wait3A_208] : memref<10000x128xf32, #tpu.memory_space<vmem_shared>> -> memref<16x128xf32, #tpu.memory_space<vmem_shared>>
          %dma_wait3A_210 = arith.constant 9984 : i32
          %dma_wait3A_211 = arith.constant 0 : i32
          %dma_wait3A_212 = tpu.memref_slice %arg2[%dma_wait3A_210, %dma_wait3A_211] : memref<10000x128xf32, #tpu.memory_space<hbm>> -> memref<16x128xf32, #tpu.memory_space<hbm>>
          tpu.wait_dma2 semaphore(%run_scoped3A : memref<!tpu.dma_semaphore, #tpu.memory_space<semaphore_mem>>) src(%dma_wait3A_212 : memref<16x128xf32, #tpu.memory_space<hbm>>) dst(%dma_wait3A_209 : memref<16x128xf32, #tpu.memory_space<vmem_shared>>)
          tpu.yield
        }) : () -> ()
      } else {
      }
      %barrier3A = arith.constant 0 : index
      tpu.barrier barrier_id(%barrier3A)
      %mul3A_13 = arith.constant 160 : i32
      %mul3A_14 = arith.muli %arg1, %mul3A_13 : i32
      %add3A = arith.constant 0 : i32
      %add3A_15 = arith.addi %mul3A_14, %add3A : i32
      "tpu.region"() ({
        %run_scoped3A = tpu.sem_alloc : memref<!tpu.dma_semaphore, #tpu.memory_space<semaphore_mem>>
        %dma_start3A_201 = arith.constant 0 : i32
        %dma_start3A_202 = tpu.memref_slice %arg5[%add3A_15, %dma_start3A_201] : memref<2560x125xi32, #tpu.memory_space<hbm>> -> memref<40x125xi32, #tpu.memory_space<hbm>>
        %dma_start3A_203 = arith.constant 0 : i32
        %dma_start3A_204 = tpu.memref_slice %arg5[%add3A_15, %dma_start3A_203] : memref<2560x125xi32, #tpu.memory_space<hbm>> -> memref<40x125xi32, #tpu.memory_space<hbm>>
        tpu.enqueue_dma source(%dma_start3A_204 : memref<40x125xi32, #tpu.memory_space<hbm>>) target(%arg8 : memref<40x125xi32, #tpu.memory_space<vmem>>) target_semaphore(%run_scoped3A : memref<!tpu.dma_semaphore, #tpu.memory_space<semaphore_mem>>)
        %dma_wait3A_205 = arith.constant 0 : i32
        %dma_wait3A_206 = tpu.memref_slice %arg5[%add3A_15, %dma_wait3A_205] : memref<2560x125xi32, #tpu.memory_space<hbm>> -> memref<40x125xi32, #tpu.memory_space<hbm>>
        %dma_wait3A_207 = arith.constant 0 : i32
        %dma_wait3A_208 = tpu.memref_slice %arg5[%add3A_15, %dma_wait3A_207] : memref<2560x125xi32, #tpu.memory_space<hbm>> -> memref<40x125xi32, #tpu.memory_space<hbm>>
        tpu.wait_dma2 semaphore(%run_scoped3A : memref<!tpu.dma_semaphore, #tpu.memory_space<semaphore_mem>>) src(%dma_wait3A_208 : memref<40x125xi32, #tpu.memory_space<hbm>>) dst(%arg8 : memref<40x125xi32, #tpu.memory_space<vmem>>)
        tpu.yield
      }) : () -> ()
      "tpu.region"() ({
        %run_scoped3A = tpu.sem_alloc : memref<!tpu.dma_semaphore, #tpu.memory_space<semaphore_mem>>
        %dma_start3A_201 = arith.constant 0 : i32
        %dma_start3A_202 = tpu.memref_slice %arg4[%add3A_15, %dma_start3A_201] : memref<2560x125xi32, #tpu.memory_space<hbm>> -> memref<40x125xi32, #tpu.memory_space<hbm>>
        %dma_start3A_203 = arith.constant 0 : i32
        %dma_start3A_204 = tpu.memref_slice %arg4[%add3A_15, %dma_start3A_203] : memref<2560x125xi32, #tpu.memory_space<hbm>> -> memref<40x125xi32, #tpu.memory_space<hbm>>
        tpu.enqueue_dma source(%dma_start3A_204 : memref<40x125xi32, #tpu.memory_space<hbm>>) target(%arg9 : memref<40x125xi32, #tpu.memory_space<vmem>>) target_semaphore(%run_scoped3A : memref<!tpu.dma_semaphore, #tpu.memory_space<semaphore_mem>>)
        %dma_wait3A_205 = arith.constant 0 : i32
        %dma_wait3A_206 = tpu.memref_slice %arg4[%add3A_15, %dma_wait3A_205] : memref<2560x125xi32, #tpu.memory_space<hbm>> -> memref<40x125xi32, #tpu.memory_space<hbm>>
        %dma_wait3A_207 = arith.constant 0 : i32
        %dma_wait3A_208 = tpu.memref_slice %arg4[%add3A_15, %dma_wait3A_207] : memref<2560x125xi32, #tpu.memory_space<hbm>> -> memref<40x125xi32, #tpu.memory_space<hbm>>
        tpu.wait_dma2 semaphore(%run_scoped3A : memref<!tpu.dma_semaphore, #tpu.memory_space<semaphore_mem>>) src(%dma_wait3A_208 : memref<40x125xi32, #tpu.memory_space<hbm>>) dst(%arg9 : memref<40x125xi32, #tpu.memory_space<vmem>>)
        tpu.yield
      }) : () -> ()
      %dma_start3A = arith.constant 0 : i32
      %dma_start3A_16 = arith.constant 0 : i32
      %dma_start3A_17 = arith.constant 0 : i32
      %dma_start3A_18 = arith.constant 0 : i32
      %dma_start3A_19 = tpu.memref_slice %arg10[%dma_start3A_16, %dma_start3A_17, %dma_start3A_18] : memref<2x125x128xf32, #tpu.memory_space<vmem>> -> memref<1x125x128xf32, #tpu.memory_space<vmem>>
      %dma_start3A_20 = tpu.memref_squeeze %dma_start3A_19 : memref<1x125x128xf32, #tpu.memory_space<vmem>> -> memref<125x128xf32, #tpu.memory_space<vmem>>
      %dma_start3A_21 = arith.constant 0 : i32
      %dma_start3A_22 = tpu.memref_slice %arg8[%dma_start3A, %dma_start3A_21] : memref<40x125xi32, #tpu.memory_space<vmem>> -> memref<1x125xi32, #tpu.memory_space<vmem>>
      %dma_start3A_23 = tpu.memref_squeeze %dma_start3A_22 : memref<1x125xi32, #tpu.memory_space<vmem>> -> memref<125xi32, #tpu.memory_space<vmem>>
      %dma_start3A_24 = arith.constant 0 : i32
      %dma_start3A_25 = arith.constant 0 : i32
      %dma_start3A_26 = tpu.memref_slice %arg2[%dma_start3A_24, %dma_start3A_25] : memref<10000x128xf32, #tpu.memory_space<hbm>> -> memref<10000x128xf32, #tpu.memory_space<hbm>>
      tpu.enqueue_indirect_dma source(%dma_start3A_26 : memref<10000x128xf32, #tpu.memory_space<hbm>>) target(%dma_start3A_20 : memref<125x128xf32, #tpu.memory_space<vmem>>) offsets(%dma_start3A_23 : memref<125xi32, #tpu.memory_space<vmem>>) semaphore(%arg12 : memref<!tpu.dma_semaphore, #tpu.memory_space<semaphore_mem>>)
      %scan3A = arith.constant 0 : i32
      %scan3A_27 = arith.constant 0 : i32
      %scan3A_28 = arith.constant 40 : i32
      %scan3A_29 = arith.addi %scan3A_27, %scan3A_28 : i32
      %scan3A_30 = arith.constant 1 : i32
      scf.for %scan3A_201 = %scan3A_27 to %scan3A_29 step %scan3A_30  : i32 {
        %jit3A = arith.constant 2 : i32
        %eq3A_202 = arith.constant 0 : i32
        %eq3A_203 = arith.cmpi eq, %jit3A, %eq3A_202 : i32
        %jit3A_204 = arith.constant 1 : i32
        %select_n3A = arith.select %eq3A_203, %jit3A_204, %jit3A : i32
        %rem3A = arith.remsi %scan3A_201, %select_n3A : i32
        %ne3A = arith.constant 0 : i32
        %ne3A_205 = arith.cmpi ne, %rem3A, %ne3A : i32
        %lt3A = arith.constant 0 : i32
        %lt3A_206 = arith.cmpi slt, %rem3A, %lt3A : i32
        %lt3A_207 = arith.constant 0 : i32
        %lt3A_208 = arith.cmpi slt, %select_n3A, %lt3A_207 : i32
        %ne3A_209 = arith.xori %lt3A_206, %lt3A_208 : i1
        %and3A = arith.andi %ne3A_209, %ne3A_205 : i1
        %add3A_210 = arith.addi %rem3A, %select_n3A : i32
        %select_n3A_211 = arith.select %and3A, %add3A_210, %rem3A : i32
        %dma_wait3A_212 = arith.constant 0 : i32
        %dma_wait3A_213 = arith.constant 0 : i32
        %dma_wait3A_214 = tpu.memref_slice %arg10[%select_n3A_211, %dma_wait3A_212, %dma_wait3A_213] : memref<2x125x128xf32, #tpu.memory_space<vmem>> -> memref<1x125x128xf32, #tpu.memory_space<vmem>>
        %dma_wait3A_215 = tpu.memref_squeeze %dma_wait3A_214 : memref<1x125x128xf32, #tpu.memory_space<vmem>> -> memref<125x128xf32, #tpu.memory_space<vmem>>
        %dma_wait3A_216 = arith.constant 0 : i32
        %dma_wait3A_217 = tpu.memref_slice %arg8[%scan3A_201, %dma_wait3A_216] : memref<40x125xi32, #tpu.memory_space<vmem>> -> memref<1x125xi32, #tpu.memory_space<vmem>>
        %dma_wait3A_218 = tpu.memref_squeeze %dma_wait3A_217 : memref<1x125xi32, #tpu.memory_space<vmem>> -> memref<125xi32, #tpu.memory_space<vmem>>
        %dma_wait3A_219 = arith.constant 0 : i32
        %dma_wait3A_220 = arith.constant 0 : i32
        %dma_wait3A_221 = tpu.memref_slice %arg2[%dma_wait3A_219, %dma_wait3A_220] : memref<10000x128xf32, #tpu.memory_space<hbm>> -> memref<10000x128xf32, #tpu.memory_space<hbm>>
        tpu.wait_indirect_dma semaphore(%arg12 : memref<!tpu.dma_semaphore, #tpu.memory_space<semaphore_mem>>) src(%dma_wait3A_221 : memref<10000x128xf32, #tpu.memory_space<hbm>>) dst(%dma_wait3A_215 : memref<125x128xf32, #tpu.memory_space<vmem>>)
        %jit3A_222 = arith.constant 2 : i32
        %eq3A_223 = arith.constant 0 : i32
        %eq3A_224 = arith.cmpi eq, %jit3A_222, %eq3A_223 : i32
        %jit3A_225 = arith.constant 1 : i32
        %select_n3A_226 = arith.select %eq3A_224, %jit3A_225, %jit3A_222 : i32
        %rem3A_227 = arith.remsi %scan3A_201, %select_n3A_226 : i32
        %ne3A_228 = arith.constant 0 : i32
        %ne3A_229 = arith.cmpi ne, %rem3A_227, %ne3A_228 : i32
        %lt3A_230 = arith.constant 0 : i32
        %lt3A_231 = arith.cmpi slt, %rem3A_227, %lt3A_230 : i32
        %lt3A_232 = arith.constant 0 : i32
        %lt3A_233 = arith.cmpi slt, %select_n3A_226, %lt3A_232 : i32
        %ne3A_234 = arith.xori %lt3A_231, %lt3A_233 : i1
        %and3A_235 = arith.andi %ne3A_234, %ne3A_229 : i1
        %add3A_236 = arith.addi %rem3A_227, %select_n3A_226 : i32
        %select_n3A_237 = arith.select %and3A_235, %add3A_236, %rem3A_227 : i32
        %dma_start3A_238 = arith.constant 0 : i32
        %dma_start3A_239 = arith.constant 0 : i32
        %dma_start3A_240 = tpu.memref_slice %arg10[%select_n3A_237, %dma_start3A_238, %dma_start3A_239] : memref<2x125x128xf32, #tpu.memory_space<vmem>> -> memref<1x125x128xf32, #tpu.memory_space<vmem>>
        %dma_start3A_241 = tpu.memref_squeeze %dma_start3A_240 : memref<1x125x128xf32, #tpu.memory_space<vmem>> -> memref<125x128xf32, #tpu.memory_space<vmem>>
        %dma_start3A_242 = arith.constant 0 : i32
        %dma_start3A_243 = tpu.memref_slice %arg9[%scan3A_201, %dma_start3A_242] : memref<40x125xi32, #tpu.memory_space<vmem>> -> memref<1x125xi32, #tpu.memory_space<vmem>>
        %dma_start3A_244 = tpu.memref_squeeze %dma_start3A_243 : memref<1x125xi32, #tpu.memory_space<vmem>> -> memref<125xi32, #tpu.memory_space<vmem>>
        %dma_start3A_245 = arith.constant 0 : i32
        %dma_start3A_246 = arith.constant 0 : i32
        %dma_start3A_247 = tpu.memref_slice %arg11[%dma_start3A_245, %dma_start3A_246] : memref<10000x128xf32, #tpu.memory_space<vmem_shared>> -> memref<10000x128xf32, #tpu.memory_space<vmem_shared>>
        tpu.enqueue_indirect_dma source(%dma_start3A_241 : memref<125x128xf32, #tpu.memory_space<vmem>>) target(%dma_start3A_247 : memref<10000x128xf32, #tpu.memory_space<vmem_shared>>) offsets(%dma_start3A_244 : memref<125xi32, #tpu.memory_space<vmem>>) semaphore(%arg13 : memref<!tpu.dma_semaphore, #tpu.memory_space<semaphore_mem>>) {add = true}
        %add3A_248 = arith.constant 1 : i32
        %add3A_249 = arith.addi %scan3A_201, %add3A_248 : i32
        %lt3A_250 = arith.constant 40 : i32
        %lt3A_251 = arith.cmpi slt, %add3A_249, %lt3A_250 : i32
        %convert_element_type3A_252 = arith.extui %lt3A_251 : i1 to i32
        %cond3A_253 = arith.constant 0 : i32
        %cond3A_254 = arith.cmpi ne, %convert_element_type3A_252, %cond3A_253 : i32
        scf.if %cond3A_254 {
          %gt3A = arith.constant 0 : i32
          %gt3A_255 = arith.cmpi sgt, %scan3A_201, %gt3A : i32
          %convert_element_type3A_256 = arith.extui %gt3A_255 : i1 to i32
          %cond3A_257 = arith.constant 0 : i32
          %cond3A_258 = arith.cmpi ne, %convert_element_type3A_256, %cond3A_257 : i32
          scf.if %cond3A_258 {
            %add3A_289 = arith.constant 1 : i32
            %add3A_290 = arith.addi %scan3A_201, %add3A_289 : i32
            %jit3A_291 = arith.constant 2 : i32
            %eq3A_292 = arith.constant 0 : i32
            %eq3A_293 = arith.cmpi eq, %jit3A_291, %eq3A_292 : i32
            %jit3A_294 = arith.constant 1 : i32
            %select_n3A_295 = arith.select %eq3A_293, %jit3A_294, %jit3A_291 : i32
            %rem3A_296 = arith.remsi %add3A_290, %select_n3A_295 : i32
            %ne3A_297 = arith.constant 0 : i32
            %ne3A_298 = arith.cmpi ne, %rem3A_296, %ne3A_297 : i32
            %lt3A_299 = arith.constant 0 : i32
            %lt3A_300 = arith.cmpi slt, %rem3A_296, %lt3A_299 : i32
            %lt3A_301 = arith.constant 0 : i32
            %lt3A_302 = arith.cmpi slt, %select_n3A_295, %lt3A_301 : i32
            %ne3A_303 = arith.xori %lt3A_300, %lt3A_302 : i1
            %and3A_304 = arith.andi %ne3A_303, %ne3A_298 : i1
            %add3A_305 = arith.addi %rem3A_296, %select_n3A_295 : i32
            %select_n3A_306 = arith.select %and3A_304, %add3A_305, %rem3A_296 : i32
            %dma_wait3A_307 = arith.constant 0 : i32
            %dma_wait3A_308 = arith.constant 0 : i32
            %dma_wait3A_309 = tpu.memref_slice %arg10[%select_n3A_306, %dma_wait3A_307, %dma_wait3A_308] : memref<2x125x128xf32, #tpu.memory_space<vmem>> -> memref<1x125x128xf32, #tpu.memory_space<vmem>>
            %dma_wait3A_310 = tpu.memref_squeeze %dma_wait3A_309 : memref<1x125x128xf32, #tpu.memory_space<vmem>> -> memref<125x128xf32, #tpu.memory_space<vmem>>
            %dma_wait3A_311 = arith.constant 0 : i32
            %dma_wait3A_312 = tpu.memref_slice %arg9[%scan3A_201, %dma_wait3A_311] : memref<40x125xi32, #tpu.memory_space<vmem>> -> memref<1x125xi32, #tpu.memory_space<vmem>>
            %dma_wait3A_313 = tpu.memref_squeeze %dma_wait3A_312 : memref<1x125xi32, #tpu.memory_space<vmem>> -> memref<125xi32, #tpu.memory_space<vmem>>
            %dma_wait3A_314 = arith.constant 0 : i32
            %dma_wait3A_315 = arith.constant 0 : i32
            %dma_wait3A_316 = tpu.memref_slice %arg11[%dma_wait3A_314, %dma_wait3A_315] : memref<10000x128xf32, #tpu.memory_space<vmem_shared>> -> memref<10000x128xf32, #tpu.memory_space<vmem_shared>>
            tpu.wait_indirect_dma semaphore(%arg13 : memref<!tpu.dma_semaphore, #tpu.memory_space<semaphore_mem>>) src(%dma_wait3A_310 : memref<125x128xf32, #tpu.memory_space<vmem>>) dst(%dma_wait3A_316 : memref<10000x128xf32, #tpu.memory_space<vmem_shared>>)
          } else {
          }
          %add3A_259 = arith.constant 1 : i32
          %add3A_260 = arith.addi %scan3A_201, %add3A_259 : i32
          %add3A_261 = arith.constant 1 : i32
          %add3A_262 = arith.addi %scan3A_201, %add3A_261 : i32
          %jit3A_263 = arith.constant 2 : i32
          %eq3A_264 = arith.constant 0 : i32
          %eq3A_265 = arith.cmpi eq, %jit3A_263, %eq3A_264 : i32
          %jit3A_266 = arith.constant 1 : i32
          %select_n3A_267 = arith.select %eq3A_265, %jit3A_266, %jit3A_263 : i32
          %rem3A_268 = arith.remsi %add3A_262, %select_n3A_267 : i32
          %ne3A_269 = arith.constant 0 : i32
          %ne3A_270 = arith.cmpi ne, %rem3A_268, %ne3A_269 : i32
          %lt3A_271 = arith.constant 0 : i32
          %lt3A_272 = arith.cmpi slt, %rem3A_268, %lt3A_271 : i32
          %lt3A_273 = arith.constant 0 : i32
          %lt3A_274 = arith.cmpi slt, %select_n3A_267, %lt3A_273 : i32
          %ne3A_275 = arith.xori %lt3A_272, %lt3A_274 : i1
          %and3A_276 = arith.andi %ne3A_275, %ne3A_270 : i1
          %add3A_277 = arith.addi %rem3A_268, %select_n3A_267 : i32
          %select_n3A_278 = arith.select %and3A_276, %add3A_277, %rem3A_268 : i32
          %dma_start3A_279 = arith.constant 0 : i32
          %dma_start3A_280 = arith.constant 0 : i32
          %dma_start3A_281 = tpu.memref_slice %arg10[%select_n3A_278, %dma_start3A_279, %dma_start3A_280] : memref<2x125x128xf32, #tpu.memory_space<vmem>> -> memref<1x125x128xf32, #tpu.memory_space<vmem>>
          %dma_start3A_282 = tpu.memref_squeeze %dma_start3A_281 : memref<1x125x128xf32, #tpu.memory_space<vmem>> -> memref<125x128xf32, #tpu.memory_space<vmem>>
          %dma_start3A_283 = arith.constant 0 : i32
          %dma_start3A_284 = tpu.memref_slice %arg8[%add3A_260, %dma_start3A_283] : memref<40x125xi32, #tpu.memory_space<vmem>> -> memref<1x125xi32, #tpu.memory_space<vmem>>
          %dma_start3A_285 = tpu.memref_squeeze %dma_start3A_284 : memref<1x125xi32, #tpu.memory_space<vmem>> -> memref<125xi32, #tpu.memory_space<vmem>>
          %dma_start3A_286 = arith.constant 0 : i32
          %dma_start3A_287 = arith.constant 0 : i32
          %dma_start3A_288 = tpu.memref_slice %arg2[%dma_start3A_286, %dma_start3A_287] : memref<10000x128xf32, #tpu.memory_space<hbm>> -> memref<10000x128xf32, #tpu.memory_space<hbm>>
          tpu.enqueue_indirect_dma source(%dma_start3A_288 : memref<10000x128xf32, #tpu.memory_space<hbm>>) target(%dma_start3A_282 : memref<125x128xf32, #tpu.memory_space<vmem>>) offsets(%dma_start3A_285 : memref<125xi32, #tpu.memory_space<vmem>>) semaphore(%arg12 : memref<!tpu.dma_semaphore, #tpu.memory_space<semaphore_mem>>)
        } else {
        }
      }
      %scan3A_31 = arith.constant 40 : i32
      %dma_wait3A = arith.constant 0 : i32
      %dma_wait3A_32 = arith.constant 0 : i32
      %dma_wait3A_33 = arith.constant 0 : i32
      %dma_wait3A_34 = arith.constant 0 : i32
      %dma_wait3A_35 = tpu.memref_slice %arg10[%dma_wait3A, %dma_wait3A_33, %dma_wait3A_34] : memref<2x125x128xf32, #tpu.memory_space<vmem>> -> memref<1x125x128xf32, #tpu.memory_space<vmem>>
      %dma_wait3A_36 = tpu.memref_squeeze %dma_wait3A_35 : memref<1x125x128xf32, #tpu.memory_space<vmem>> -> memref<125x128xf32, #tpu.memory_space<vmem>>
      %dma_wait3A_37 = arith.constant 0 : i32
      %dma_wait3A_38 = tpu.memref_slice %arg9[%dma_wait3A_32, %dma_wait3A_37] : memref<40x125xi32, #tpu.memory_space<vmem>> -> memref<1x125xi32, #tpu.memory_space<vmem>>
      %dma_wait3A_39 = tpu.memref_squeeze %dma_wait3A_38 : memref<1x125xi32, #tpu.memory_space<vmem>> -> memref<125xi32, #tpu.memory_space<vmem>>
      %dma_wait3A_40 = arith.constant 0 : i32
      %dma_wait3A_41 = arith.constant 0 : i32
      %dma_wait3A_42 = tpu.memref_slice %arg11[%dma_wait3A_40, %dma_wait3A_41] : memref<10000x128xf32, #tpu.memory_space<vmem_shared>> -> memref<10000x128xf32, #tpu.memory_space<vmem_shared>>
      tpu.wait_indirect_dma semaphore(%arg13 : memref<!tpu.dma_semaphore, #tpu.memory_space<semaphore_mem>>) src(%dma_wait3A_36 : memref<125x128xf32, #tpu.memory_space<vmem>>) dst(%dma_wait3A_42 : memref<10000x128xf32, #tpu.memory_space<vmem_shared>>)
      %dma_wait3A_43 = arith.constant 1 : i32
      %dma_wait3A_44 = arith.constant 0 : i32
      %dma_wait3A_45 = arith.constant 0 : i32
      %dma_wait3A_46 = arith.constant 0 : i32
      %dma_wait3A_47 = tpu.memref_slice %arg10[%dma_wait3A_43, %dma_wait3A_45, %dma_wait3A_46] : memref<2x125x128xf32, #tpu.memory_space<vmem>> -> memref<1x125x128xf32, #tpu.memory_space<vmem>>
      %dma_wait3A_48 = tpu.memref_squeeze %dma_wait3A_47 : memref<1x125x128xf32, #tpu.memory_space<vmem>> -> memref<125x128xf32, #tpu.memory_space<vmem>>
      %dma_wait3A_49 = arith.constant 0 : i32
      %dma_wait3A_50 = tpu.memref_slice %arg9[%dma_wait3A_44, %dma_wait3A_49] : memref<40x125xi32, #tpu.memory_space<vmem>> -> memref<1x125xi32, #tpu.memory_space<vmem>>
      %dma_wait3A_51 = tpu.memref_squeeze %dma_wait3A_50 : memref<1x125xi32, #tpu.memory_space<vmem>> -> memref<125xi32, #tpu.memory_space<vmem>>
      %dma_wait3A_52 = arith.constant 0 : i32
      %dma_wait3A_53 = arith.constant 0 : i32
      %dma_wait3A_54 = tpu.memref_slice %arg11[%dma_wait3A_52, %dma_wait3A_53] : memref<10000x128xf32, #tpu.memory_space<vmem_shared>> -> memref<10000x128xf32, #tpu.memory_space<vmem_shared>>
      tpu.wait_indirect_dma semaphore(%arg13 : memref<!tpu.dma_semaphore, #tpu.memory_space<semaphore_mem>>) src(%dma_wait3A_48 : memref<125x128xf32, #tpu.memory_space<vmem>>) dst(%dma_wait3A_54 : memref<10000x128xf32, #tpu.memory_space<vmem_shared>>)
      %mul3A_55 = arith.constant 160 : i32
      %mul3A_56 = arith.muli %arg1, %mul3A_55 : i32
      %add3A_57 = arith.constant 40 : i32
      %add3A_58 = arith.addi %mul3A_56, %add3A_57 : i32
      "tpu.region"() ({
        %run_scoped3A = tpu.sem_alloc : memref<!tpu.dma_semaphore, #tpu.memory_space<semaphore_mem>>
        %dma_start3A_201 = arith.constant 0 : i32
        %dma_start3A_202 = tpu.memref_slice %arg5[%add3A_58, %dma_start3A_201] : memref<2560x125xi32, #tpu.memory_space<hbm>> -> memref<40x125xi32, #tpu.memory_space<hbm>>
        %dma_start3A_203 = arith.constant 0 : i32
        %dma_start3A_204 = tpu.memref_slice %arg5[%add3A_58, %dma_start3A_203] : memref<2560x125xi32, #tpu.memory_space<hbm>> -> memref<40x125xi32, #tpu.memory_space<hbm>>
        tpu.enqueue_dma source(%dma_start3A_204 : memref<40x125xi32, #tpu.memory_space<hbm>>) target(%arg8 : memref<40x125xi32, #tpu.memory_space<vmem>>) target_semaphore(%run_scoped3A : memref<!tpu.dma_semaphore, #tpu.memory_space<semaphore_mem>>)
        %dma_wait3A_205 = arith.constant 0 : i32
        %dma_wait3A_206 = tpu.memref_slice %arg5[%add3A_58, %dma_wait3A_205] : memref<2560x125xi32, #tpu.memory_space<hbm>> -> memref<40x125xi32, #tpu.memory_space<hbm>>
        %dma_wait3A_207 = arith.constant 0 : i32
        %dma_wait3A_208 = tpu.memref_slice %arg5[%add3A_58, %dma_wait3A_207] : memref<2560x125xi32, #tpu.memory_space<hbm>> -> memref<40x125xi32, #tpu.memory_space<hbm>>
        tpu.wait_dma2 semaphore(%run_scoped3A : memref<!tpu.dma_semaphore, #tpu.memory_space<semaphore_mem>>) src(%dma_wait3A_208 : memref<40x125xi32, #tpu.memory_space<hbm>>) dst(%arg8 : memref<40x125xi32, #tpu.memory_space<vmem>>)
        tpu.yield
      }) : () -> ()
      "tpu.region"() ({
        %run_scoped3A = tpu.sem_alloc : memref<!tpu.dma_semaphore, #tpu.memory_space<semaphore_mem>>
        %dma_start3A_201 = arith.constant 0 : i32
        %dma_start3A_202 = tpu.memref_slice %arg4[%add3A_58, %dma_start3A_201] : memref<2560x125xi32, #tpu.memory_space<hbm>> -> memref<40x125xi32, #tpu.memory_space<hbm>>
        %dma_start3A_203 = arith.constant 0 : i32
        %dma_start3A_204 = tpu.memref_slice %arg4[%add3A_58, %dma_start3A_203] : memref<2560x125xi32, #tpu.memory_space<hbm>> -> memref<40x125xi32, #tpu.memory_space<hbm>>
        tpu.enqueue_dma source(%dma_start3A_204 : memref<40x125xi32, #tpu.memory_space<hbm>>) target(%arg9 : memref<40x125xi32, #tpu.memory_space<vmem>>) target_semaphore(%run_scoped3A : memref<!tpu.dma_semaphore, #tpu.memory_space<semaphore_mem>>)
        %dma_wait3A_205 = arith.constant 0 : i32
        %dma_wait3A_206 = tpu.memref_slice %arg4[%add3A_58, %dma_wait3A_205] : memref<2560x125xi32, #tpu.memory_space<hbm>> -> memref<40x125xi32, #tpu.memory_space<hbm>>
        %dma_wait3A_207 = arith.constant 0 : i32
        %dma_wait3A_208 = tpu.memref_slice %arg4[%add3A_58, %dma_wait3A_207] : memref<2560x125xi32, #tpu.memory_space<hbm>> -> memref<40x125xi32, #tpu.memory_space<hbm>>
        tpu.wait_dma2 semaphore(%run_scoped3A : memref<!tpu.dma_semaphore, #tpu.memory_space<semaphore_mem>>) src(%dma_wait3A_208 : memref<40x125xi32, #tpu.memory_space<hbm>>) dst(%arg9 : memref<40x125xi32, #tpu.memory_space<vmem>>)
        tpu.yield
      }) : () -> ()
      %dma_start3A_59 = arith.constant 0 : i32
      %dma_start3A_60 = arith.constant 0 : i32
      %dma_start3A_61 = arith.constant 0 : i32
      %dma_start3A_62 = arith.constant 0 : i32
      %dma_start3A_63 = tpu.memref_slice %arg10[%dma_start3A_60, %dma_start3A_61, %dma_start3A_62] : memref<2x125x128xf32, #tpu.memory_space<vmem>> -> memref<1x125x128xf32, #tpu.memory_space<vmem>>
      %dma_start3A_64 = tpu.memref_squeeze %dma_start3A_63 : memref<1x125x128xf32, #tpu.memory_space<vmem>> -> memref<125x128xf32, #tpu.memory_space<vmem>>
      %dma_start3A_65 = arith.constant 0 : i32
      %dma_start3A_66 = tpu.memref_slice %arg8[%dma_start3A_59, %dma_start3A_65] : memref<40x125xi32, #tpu.memory_space<vmem>> -> memref<1x125xi32, #tpu.memory_space<vmem>>
      %dma_start3A_67 = tpu.memref_squeeze %dma_start3A_66 : memref<1x125xi32, #tpu.memory_space<vmem>> -> memref<125xi32, #tpu.memory_space<vmem>>
      %dma_start3A_68 = arith.constant 0 : i32
      %dma_start3A_69 = arith.constant 0 : i32
      %dma_start3A_70 = tpu.memref_slice %arg2[%dma_start3A_68, %dma_start3A_69] : memref<10000x128xf32, #tpu.memory_space<hbm>> -> memref<10000x128xf32, #tpu.memory_space<hbm>>
      tpu.enqueue_indirect_dma source(%dma_start3A_70 : memref<10000x128xf32, #tpu.memory_space<hbm>>) target(%dma_start3A_64 : memref<125x128xf32, #tpu.memory_space<vmem>>) offsets(%dma_start3A_67 : memref<125xi32, #tpu.memory_space<vmem>>) semaphore(%arg12 : memref<!tpu.dma_semaphore, #tpu.memory_space<semaphore_mem>>)
      %scan3A_71 = arith.constant 0 : i32
      %scan3A_72 = arith.constant 0 : i32
      %scan3A_73 = arith.constant 40 : i32
      %scan3A_74 = arith.addi %scan3A_72, %scan3A_73 : i32
      %scan3A_75 = arith.constant 1 : i32
      scf.for %scan3A_201 = %scan3A_72 to %scan3A_74 step %scan3A_75  : i32 {
        %jit3A = arith.constant 2 : i32
        %eq3A_202 = arith.constant 0 : i32
        %eq3A_203 = arith.cmpi eq, %jit3A, %eq3A_202 : i32
        %jit3A_204 = arith.constant 1 : i32
        %select_n3A = arith.select %eq3A_203, %jit3A_204, %jit3A : i32
        %rem3A = arith.remsi %scan3A_201, %select_n3A : i32
        %ne3A = arith.constant 0 : i32
        %ne3A_205 = arith.cmpi ne, %rem3A, %ne3A : i32
        %lt3A = arith.constant 0 : i32
        %lt3A_206 = arith.cmpi slt, %rem3A, %lt3A : i32
        %lt3A_207 = arith.constant 0 : i32
        %lt3A_208 = arith.cmpi slt, %select_n3A, %lt3A_207 : i32
        %ne3A_209 = arith.xori %lt3A_206, %lt3A_208 : i1
        %and3A = arith.andi %ne3A_209, %ne3A_205 : i1
        %add3A_210 = arith.addi %rem3A, %select_n3A : i32
        %select_n3A_211 = arith.select %and3A, %add3A_210, %rem3A : i32
        %dma_wait3A_212 = arith.constant 0 : i32
        %dma_wait3A_213 = arith.constant 0 : i32
        %dma_wait3A_214 = tpu.memref_slice %arg10[%select_n3A_211, %dma_wait3A_212, %dma_wait3A_213] : memref<2x125x128xf32, #tpu.memory_space<vmem>> -> memref<1x125x128xf32, #tpu.memory_space<vmem>>
        %dma_wait3A_215 = tpu.memref_squeeze %dma_wait3A_214 : memref<1x125x128xf32, #tpu.memory_space<vmem>> -> memref<125x128xf32, #tpu.memory_space<vmem>>
        %dma_wait3A_216 = arith.constant 0 : i32
        %dma_wait3A_217 = tpu.memref_slice %arg8[%scan3A_201, %dma_wait3A_216] : memref<40x125xi32, #tpu.memory_space<vmem>> -> memref<1x125xi32, #tpu.memory_space<vmem>>
        %dma_wait3A_218 = tpu.memref_squeeze %dma_wait3A_217 : memref<1x125xi32, #tpu.memory_space<vmem>> -> memref<125xi32, #tpu.memory_space<vmem>>
        %dma_wait3A_219 = arith.constant 0 : i32
        %dma_wait3A_220 = arith.constant 0 : i32
        %dma_wait3A_221 = tpu.memref_slice %arg2[%dma_wait3A_219, %dma_wait3A_220] : memref<10000x128xf32, #tpu.memory_space<hbm>> -> memref<10000x128xf32, #tpu.memory_space<hbm>>
        tpu.wait_indirect_dma semaphore(%arg12 : memref<!tpu.dma_semaphore, #tpu.memory_space<semaphore_mem>>) src(%dma_wait3A_221 : memref<10000x128xf32, #tpu.memory_space<hbm>>) dst(%dma_wait3A_215 : memref<125x128xf32, #tpu.memory_space<vmem>>)
        %jit3A_222 = arith.constant 2 : i32
        %eq3A_223 = arith.constant 0 : i32
        %eq3A_224 = arith.cmpi eq, %jit3A_222, %eq3A_223 : i32
        %jit3A_225 = arith.constant 1 : i32
        %select_n3A_226 = arith.select %eq3A_224, %jit3A_225, %jit3A_222 : i32
        %rem3A_227 = arith.remsi %scan3A_201, %select_n3A_226 : i32
        %ne3A_228 = arith.constant 0 : i32
        %ne3A_229 = arith.cmpi ne, %rem3A_227, %ne3A_228 : i32
        %lt3A_230 = arith.constant 0 : i32
        %lt3A_231 = arith.cmpi slt, %rem3A_227, %lt3A_230 : i32
        %lt3A_232 = arith.constant 0 : i32
        %lt3A_233 = arith.cmpi slt, %select_n3A_226, %lt3A_232 : i32
        %ne3A_234 = arith.xori %lt3A_231, %lt3A_233 : i1
        %and3A_235 = arith.andi %ne3A_234, %ne3A_229 : i1
        %add3A_236 = arith.addi %rem3A_227, %select_n3A_226 : i32
        %select_n3A_237 = arith.select %and3A_235, %add3A_236, %rem3A_227 : i32
        %dma_start3A_238 = arith.constant 0 : i32
        %dma_start3A_239 = arith.constant 0 : i32
        %dma_start3A_240 = tpu.memref_slice %arg10[%select_n3A_237, %dma_start3A_238, %dma_start3A_239] : memref<2x125x128xf32, #tpu.memory_space<vmem>> -> memref<1x125x128xf32, #tpu.memory_space<vmem>>
        %dma_start3A_241 = tpu.memref_squeeze %dma_start3A_240 : memref<1x125x128xf32, #tpu.memory_space<vmem>> -> memref<125x128xf32, #tpu.memory_space<vmem>>
        %dma_start3A_242 = arith.constant 0 : i32
        %dma_start3A_243 = tpu.memref_slice %arg9[%scan3A_201, %dma_start3A_242] : memref<40x125xi32, #tpu.memory_space<vmem>> -> memref<1x125xi32, #tpu.memory_space<vmem>>
        %dma_start3A_244 = tpu.memref_squeeze %dma_start3A_243 : memref<1x125xi32, #tpu.memory_space<vmem>> -> memref<125xi32, #tpu.memory_space<vmem>>
        %dma_start3A_245 = arith.constant 0 : i32
        %dma_start3A_246 = arith.constant 0 : i32
        %dma_start3A_247 = tpu.memref_slice %arg11[%dma_start3A_245, %dma_start3A_246] : memref<10000x128xf32, #tpu.memory_space<vmem_shared>> -> memref<10000x128xf32, #tpu.memory_space<vmem_shared>>
        tpu.enqueue_indirect_dma source(%dma_start3A_241 : memref<125x128xf32, #tpu.memory_space<vmem>>) target(%dma_start3A_247 : memref<10000x128xf32, #tpu.memory_space<vmem_shared>>) offsets(%dma_start3A_244 : memref<125xi32, #tpu.memory_space<vmem>>) semaphore(%arg13 : memref<!tpu.dma_semaphore, #tpu.memory_space<semaphore_mem>>) {add = true}
        %add3A_248 = arith.constant 1 : i32
        %add3A_249 = arith.addi %scan3A_201, %add3A_248 : i32
        %lt3A_250 = arith.constant 40 : i32
        %lt3A_251 = arith.cmpi slt, %add3A_249, %lt3A_250 : i32
        %convert_element_type3A_252 = arith.extui %lt3A_251 : i1 to i32
        %cond3A_253 = arith.constant 0 : i32
        %cond3A_254 = arith.cmpi ne, %convert_element_type3A_252, %cond3A_253 : i32
        scf.if %cond3A_254 {
          %gt3A = arith.constant 0 : i32
          %gt3A_255 = arith.cmpi sgt, %scan3A_201, %gt3A : i32
          %convert_element_type3A_256 = arith.extui %gt3A_255 : i1 to i32
          %cond3A_257 = arith.constant 0 : i32
          %cond3A_258 = arith.cmpi ne, %convert_element_type3A_256, %cond3A_257 : i32
          scf.if %cond3A_258 {
            %add3A_289 = arith.constant 1 : i32
            %add3A_290 = arith.addi %scan3A_201, %add3A_289 : i32
            %jit3A_291 = arith.constant 2 : i32
            %eq3A_292 = arith.constant 0 : i32
            %eq3A_293 = arith.cmpi eq, %jit3A_291, %eq3A_292 : i32
            %jit3A_294 = arith.constant 1 : i32
            %select_n3A_295 = arith.select %eq3A_293, %jit3A_294, %jit3A_291 : i32
            %rem3A_296 = arith.remsi %add3A_290, %select_n3A_295 : i32
            %ne3A_297 = arith.constant 0 : i32
            %ne3A_298 = arith.cmpi ne, %rem3A_296, %ne3A_297 : i32
            %lt3A_299 = arith.constant 0 : i32
            %lt3A_300 = arith.cmpi slt, %rem3A_296, %lt3A_299 : i32
            %lt3A_301 = arith.constant 0 : i32
            %lt3A_302 = arith.cmpi slt, %select_n3A_295, %lt3A_301 : i32
            %ne3A_303 = arith.xori %lt3A_300, %lt3A_302 : i1
            %and3A_304 = arith.andi %ne3A_303, %ne3A_298 : i1
            %add3A_305 = arith.addi %rem3A_296, %select_n3A_295 : i32
            %select_n3A_306 = arith.select %and3A_304, %add3A_305, %rem3A_296 : i32
            %dma_wait3A_307 = arith.constant 0 : i32
            %dma_wait3A_308 = arith.constant 0 : i32
            %dma_wait3A_309 = tpu.memref_slice %arg10[%select_n3A_306, %dma_wait3A_307, %dma_wait3A_308] : memref<2x125x128xf32, #tpu.memory_space<vmem>> -> memref<1x125x128xf32, #tpu.memory_space<vmem>>
            %dma_wait3A_310 = tpu.memref_squeeze %dma_wait3A_309 : memref<1x125x128xf32, #tpu.memory_space<vmem>> -> memref<125x128xf32, #tpu.memory_space<vmem>>
            %dma_wait3A_311 = arith.constant 0 : i32
            %dma_wait3A_312 = tpu.memref_slice %arg9[%scan3A_201, %dma_wait3A_311] : memref<40x125xi32, #tpu.memory_space<vmem>> -> memref<1x125xi32, #tpu.memory_space<vmem>>
            %dma_wait3A_313 = tpu.memref_squeeze %dma_wait3A_312 : memref<1x125xi32, #tpu.memory_space<vmem>> -> memref<125xi32, #tpu.memory_space<vmem>>
            %dma_wait3A_314 = arith.constant 0 : i32
            %dma_wait3A_315 = arith.constant 0 : i32
            %dma_wait3A_316 = tpu.memref_slice %arg11[%dma_wait3A_314, %dma_wait3A_315] : memref<10000x128xf32, #tpu.memory_space<vmem_shared>> -> memref<10000x128xf32, #tpu.memory_space<vmem_shared>>
            tpu.wait_indirect_dma semaphore(%arg13 : memref<!tpu.dma_semaphore, #tpu.memory_space<semaphore_mem>>) src(%dma_wait3A_310 : memref<125x128xf32, #tpu.memory_space<vmem>>) dst(%dma_wait3A_316 : memref<10000x128xf32, #tpu.memory_space<vmem_shared>>)
          } else {
          }
          %add3A_259 = arith.constant 1 : i32
          %add3A_260 = arith.addi %scan3A_201, %add3A_259 : i32
          %add3A_261 = arith.constant 1 : i32
          %add3A_262 = arith.addi %scan3A_201, %add3A_261 : i32
          %jit3A_263 = arith.constant 2 : i32
          %eq3A_264 = arith.constant 0 : i32
          %eq3A_265 = arith.cmpi eq, %jit3A_263, %eq3A_264 : i32
          %jit3A_266 = arith.constant 1 : i32
          %select_n3A_267 = arith.select %eq3A_265, %jit3A_266, %jit3A_263 : i32
          %rem3A_268 = arith.remsi %add3A_262, %select_n3A_267 : i32
          %ne3A_269 = arith.constant 0 : i32
          %ne3A_270 = arith.cmpi ne, %rem3A_268, %ne3A_269 : i32
          %lt3A_271 = arith.constant 0 : i32
          %lt3A_272 = arith.cmpi slt, %rem3A_268, %lt3A_271 : i32
          %lt3A_273 = arith.constant 0 : i32
          %lt3A_274 = arith.cmpi slt, %select_n3A_267, %lt3A_273 : i32
          %ne3A_275 = arith.xori %lt3A_272, %lt3A_274 : i1
          %and3A_276 = arith.andi %ne3A_275, %ne3A_270 : i1
          %add3A_277 = arith.addi %rem3A_268, %select_n3A_267 : i32
          %select_n3A_278 = arith.select %and3A_276, %add3A_277, %rem3A_268 : i32
          %dma_start3A_279 = arith.constant 0 : i32
          %dma_start3A_280 = arith.constant 0 : i32
          %dma_start3A_281 = tpu.memref_slice %arg10[%select_n3A_278, %dma_start3A_279, %dma_start3A_280] : memref<2x125x128xf32, #tpu.memory_space<vmem>> -> memref<1x125x128xf32, #tpu.memory_space<vmem>>
          %dma_start3A_282 = tpu.memref_squeeze %dma_start3A_281 : memref<1x125x128xf32, #tpu.memory_space<vmem>> -> memref<125x128xf32, #tpu.memory_space<vmem>>
          %dma_start3A_283 = arith.constant 0 : i32
          %dma_start3A_284 = tpu.memref_slice %arg8[%add3A_260, %dma_start3A_283] : memref<40x125xi32, #tpu.memory_space<vmem>> -> memref<1x125xi32, #tpu.memory_space<vmem>>
          %dma_start3A_285 = tpu.memref_squeeze %dma_start3A_284 : memref<1x125xi32, #tpu.memory_space<vmem>> -> memref<125xi32, #tpu.memory_space<vmem>>
          %dma_start3A_286 = arith.constant 0 : i32
          %dma_start3A_287 = arith.constant 0 : i32
          %dma_start3A_288 = tpu.memref_slice %arg2[%dma_start3A_286, %dma_start3A_287] : memref<10000x128xf32, #tpu.memory_space<hbm>> -> memref<10000x128xf32, #tpu.memory_space<hbm>>
          tpu.enqueue_indirect_dma source(%dma_start3A_288 : memref<10000x128xf32, #tpu.memory_space<hbm>>) target(%dma_start3A_282 : memref<125x128xf32, #tpu.memory_space<vmem>>) offsets(%dma_start3A_285 : memref<125xi32, #tpu.memory_space<vmem>>) semaphore(%arg12 : memref<!tpu.dma_semaphore, #tpu.memory_space<semaphore_mem>>)
        } else {
        }
      }
      %scan3A_76 = arith.constant 40 : i32
      %dma_wait3A_77 = arith.constant 0 : i32
      %dma_wait3A_78 = arith.constant 0 : i32
      %dma_wait3A_79 = arith.constant 0 : i32
      %dma_wait3A_80 = arith.constant 0 : i32
      %dma_wait3A_81 = tpu.memref_slice %arg10[%dma_wait3A_77, %dma_wait3A_79, %dma_wait3A_80] : memref<2x125x128xf32, #tpu.memory_space<vmem>> -> memref<1x125x128xf32, #tpu.memory_space<vmem>>
      %dma_wait3A_82 = tpu.memref_squeeze %dma_wait3A_81 : memref<1x125x128xf32, #tpu.memory_space<vmem>> -> memref<125x128xf32, #tpu.memory_space<vmem>>
      %dma_wait3A_83 = arith.constant 0 : i32
      %dma_wait3A_84 = tpu.memref_slice %arg9[%dma_wait3A_78, %dma_wait3A_83] : memref<40x125xi32, #tpu.memory_space<vmem>> -> memref<1x125xi32, #tpu.memory_space<vmem>>
      %dma_wait3A_85 = tpu.memref_squeeze %dma_wait3A_84 : memref<1x125xi32, #tpu.memory_space<vmem>> -> memref<125xi32, #tpu.memory_space<vmem>>
      %dma_wait3A_86 = arith.constant 0 : i32
      %dma_wait3A_87 = arith.constant 0 : i32
      %dma_wait3A_88 = tpu.memref_slice %arg11[%dma_wait3A_86, %dma_wait3A_87] : memref<10000x128xf32, #tpu.memory_space<vmem_shared>> -> memref<10000x128xf32, #tpu.memory_space<vmem_shared>>
      tpu.wait_indirect_dma semaphore(%arg13 : memref<!tpu.dma_semaphore, #tpu.memory_space<semaphore_mem>>) src(%dma_wait3A_82 : memref<125x128xf32, #tpu.memory_space<vmem>>) dst(%dma_wait3A_88 : memref<10000x128xf32, #tpu.memory_space<vmem_shared>>)
      %dma_wait3A_89 = arith.constant 1 : i32
      %dma_wait3A_90 = arith.constant 0 : i32
      %dma_wait3A_91 = arith.constant 0 : i32
      %dma_wait3A_92 = arith.constant 0 : i32
      %dma_wait3A_93 = tpu.memref_slice %arg10[%dma_wait3A_89, %dma_wait3A_91, %dma_wait3A_92] : memref<2x125x128xf32, #tpu.memory_space<vmem>> -> memref<1x125x128xf32, #tpu.memory_space<vmem>>
      %dma_wait3A_94 = tpu.memref_squeeze %dma_wait3A_93 : memref<1x125x128xf32, #tpu.memory_space<vmem>> -> memref<125x128xf32, #tpu.memory_space<vmem>>
      %dma_wait3A_95 = arith.constant 0 : i32
      %dma_wait3A_96 = tpu.memref_slice %arg9[%dma_wait3A_90, %dma_wait3A_95] : memref<40x125xi32, #tpu.memory_space<vmem>> -> memref<1x125xi32, #tpu.memory_space<vmem>>
      %dma_wait3A_97 = tpu.memref_squeeze %dma_wait3A_96 : memref<1x125xi32, #tpu.memory_space<vmem>> -> memref<125xi32, #tpu.memory_space<vmem>>
      %dma_wait3A_98 = arith.constant 0 : i32
      %dma_wait3A_99 = arith.constant 0 : i32
      %dma_wait3A_100 = tpu.memref_slice %arg11[%dma_wait3A_98, %dma_wait3A_99] : memref<10000x128xf32, #tpu.memory_space<vmem_shared>> -> memref<10000x128xf32, #tpu.memory_space<vmem_shared>>
      tpu.wait_indirect_dma semaphore(%arg13 : memref<!tpu.dma_semaphore, #tpu.memory_space<semaphore_mem>>) src(%dma_wait3A_94 : memref<125x128xf32, #tpu.memory_space<vmem>>) dst(%dma_wait3A_100 : memref<10000x128xf32, #tpu.memory_space<vmem_shared>>)
      %mul3A_101 = arith.constant 160 : i32
      %mul3A_102 = arith.muli %arg1, %mul3A_101 : i32
      %add3A_103 = arith.constant 80 : i32
      %add3A_104 = arith.addi %mul3A_102, %add3A_103 : i32
      "tpu.region"() ({
        %run_scoped3A = tpu.sem_alloc : memref<!tpu.dma_semaphore, #tpu.memory_space<semaphore_mem>>
        %dma_start3A_201 = arith.constant 0 : i32
        %dma_start3A_202 = tpu.memref_slice %arg5[%add3A_104, %dma_start3A_201] : memref<2560x125xi32, #tpu.memory_space<hbm>> -> memref<40x125xi32, #tpu.memory_space<hbm>>
        %dma_start3A_203 = arith.constant 0 : i32
        %dma_start3A_204 = tpu.memref_slice %arg5[%add3A_104, %dma_start3A_203] : memref<2560x125xi32, #tpu.memory_space<hbm>> -> memref<40x125xi32, #tpu.memory_space<hbm>>
        tpu.enqueue_dma source(%dma_start3A_204 : memref<40x125xi32, #tpu.memory_space<hbm>>) target(%arg8 : memref<40x125xi32, #tpu.memory_space<vmem>>) target_semaphore(%run_scoped3A : memref<!tpu.dma_semaphore, #tpu.memory_space<semaphore_mem>>)
        %dma_wait3A_205 = arith.constant 0 : i32
        %dma_wait3A_206 = tpu.memref_slice %arg5[%add3A_104, %dma_wait3A_205] : memref<2560x125xi32, #tpu.memory_space<hbm>> -> memref<40x125xi32, #tpu.memory_space<hbm>>
        %dma_wait3A_207 = arith.constant 0 : i32
        %dma_wait3A_208 = tpu.memref_slice %arg5[%add3A_104, %dma_wait3A_207] : memref<2560x125xi32, #tpu.memory_space<hbm>> -> memref<40x125xi32, #tpu.memory_space<hbm>>
        tpu.wait_dma2 semaphore(%run_scoped3A : memref<!tpu.dma_semaphore, #tpu.memory_space<semaphore_mem>>) src(%dma_wait3A_208 : memref<40x125xi32, #tpu.memory_space<hbm>>) dst(%arg8 : memref<40x125xi32, #tpu.memory_space<vmem>>)
        tpu.yield
      }) : () -> ()
      "tpu.region"() ({
        %run_scoped3A = tpu.sem_alloc : memref<!tpu.dma_semaphore, #tpu.memory_space<semaphore_mem>>
        %dma_start3A_201 = arith.constant 0 : i32
        %dma_start3A_202 = tpu.memref_slice %arg4[%add3A_104, %dma_start3A_201] : memref<2560x125xi32, #tpu.memory_space<hbm>> -> memref<40x125xi32, #tpu.memory_space<hbm>>
        %dma_start3A_203 = arith.constant 0 : i32
        %dma_start3A_204 = tpu.memref_slice %arg4[%add3A_104, %dma_start3A_203] : memref<2560x125xi32, #tpu.memory_space<hbm>> -> memref<40x125xi32, #tpu.memory_space<hbm>>
        tpu.enqueue_dma source(%dma_start3A_204 : memref<40x125xi32, #tpu.memory_space<hbm>>) target(%arg9 : memref<40x125xi32, #tpu.memory_space<vmem>>) target_semaphore(%run_scoped3A : memref<!tpu.dma_semaphore, #tpu.memory_space<semaphore_mem>>)
        %dma_wait3A_205 = arith.constant 0 : i32
        %dma_wait3A_206 = tpu.memref_slice %arg4[%add3A_104, %dma_wait3A_205] : memref<2560x125xi32, #tpu.memory_space<hbm>> -> memref<40x125xi32, #tpu.memory_space<hbm>>
        %dma_wait3A_207 = arith.constant 0 : i32
        %dma_wait3A_208 = tpu.memref_slice %arg4[%add3A_104, %dma_wait3A_207] : memref<2560x125xi32, #tpu.memory_space<hbm>> -> memref<40x125xi32, #tpu.memory_space<hbm>>
        tpu.wait_dma2 semaphore(%run_scoped3A : memref<!tpu.dma_semaphore, #tpu.memory_space<semaphore_mem>>) src(%dma_wait3A_208 : memref<40x125xi32, #tpu.memory_space<hbm>>) dst(%arg9 : memref<40x125xi32, #tpu.memory_space<vmem>>)
        tpu.yield
      }) : () -> ()
      %dma_start3A_105 = arith.constant 0 : i32
      %dma_start3A_106 = arith.constant 0 : i32
      %dma_start3A_107 = arith.constant 0 : i32
      %dma_start3A_108 = arith.constant 0 : i32
      %dma_start3A_109 = tpu.memref_slice %arg10[%dma_start3A_106, %dma_start3A_107, %dma_start3A_108] : memref<2x125x128xf32, #tpu.memory_space<vmem>> -> memref<1x125x128xf32, #tpu.memory_space<vmem>>
      %dma_start3A_110 = tpu.memref_squeeze %dma_start3A_109 : memref<1x125x128xf32, #tpu.memory_space<vmem>> -> memref<125x128xf32, #tpu.memory_space<vmem>>
      %dma_start3A_111 = arith.constant 0 : i32
      %dma_start3A_112 = tpu.memref_slice %arg8[%dma_start3A_105, %dma_start3A_111] : memref<40x125xi32, #tpu.memory_space<vmem>> -> memref<1x125xi32, #tpu.memory_space<vmem>>
      %dma_start3A_113 = tpu.memref_squeeze %dma_start3A_112 : memref<1x125xi32, #tpu.memory_space<vmem>> -> memref<125xi32, #tpu.memory_space<vmem>>
      %dma_start3A_114 = arith.constant 0 : i32
      %dma_start3A_115 = arith.constant 0 : i32
      %dma_start3A_116 = tpu.memref_slice %arg2[%dma_start3A_114, %dma_start3A_115] : memref<10000x128xf32, #tpu.memory_space<hbm>> -> memref<10000x128xf32, #tpu.memory_space<hbm>>
      tpu.enqueue_indirect_dma source(%dma_start3A_116 : memref<10000x128xf32, #tpu.memory_space<hbm>>) target(%dma_start3A_110 : memref<125x128xf32, #tpu.memory_space<vmem>>) offsets(%dma_start3A_113 : memref<125xi32, #tpu.memory_space<vmem>>) semaphore(%arg12 : memref<!tpu.dma_semaphore, #tpu.memory_space<semaphore_mem>>)
      %scan3A_117 = arith.constant 0 : i32
      %scan3A_118 = arith.constant 0 : i32
      %scan3A_119 = arith.constant 40 : i32
      %scan3A_120 = arith.addi %scan3A_118, %scan3A_119 : i32
      %scan3A_121 = arith.constant 1 : i32
      scf.for %scan3A_201 = %scan3A_118 to %scan3A_120 step %scan3A_121  : i32 {
        %jit3A = arith.constant 2 : i32
        %eq3A_202 = arith.constant 0 : i32
        %eq3A_203 = arith.cmpi eq, %jit3A, %eq3A_202 : i32
        %jit3A_204 = arith.constant 1 : i32
        %select_n3A = arith.select %eq3A_203, %jit3A_204, %jit3A : i32
        %rem3A = arith.remsi %scan3A_201, %select_n3A : i32
        %ne3A = arith.constant 0 : i32
        %ne3A_205 = arith.cmpi ne, %rem3A, %ne3A : i32
        %lt3A = arith.constant 0 : i32
        %lt3A_206 = arith.cmpi slt, %rem3A, %lt3A : i32
        %lt3A_207 = arith.constant 0 : i32
        %lt3A_208 = arith.cmpi slt, %select_n3A, %lt3A_207 : i32
        %ne3A_209 = arith.xori %lt3A_206, %lt3A_208 : i1
        %and3A = arith.andi %ne3A_209, %ne3A_205 : i1
        %add3A_210 = arith.addi %rem3A, %select_n3A : i32
        %select_n3A_211 = arith.select %and3A, %add3A_210, %rem3A : i32
        %dma_wait3A_212 = arith.constant 0 : i32
        %dma_wait3A_213 = arith.constant 0 : i32
        %dma_wait3A_214 = tpu.memref_slice %arg10[%select_n3A_211, %dma_wait3A_212, %dma_wait3A_213] : memref<2x125x128xf32, #tpu.memory_space<vmem>> -> memref<1x125x128xf32, #tpu.memory_space<vmem>>
        %dma_wait3A_215 = tpu.memref_squeeze %dma_wait3A_214 : memref<1x125x128xf32, #tpu.memory_space<vmem>> -> memref<125x128xf32, #tpu.memory_space<vmem>>
        %dma_wait3A_216 = arith.constant 0 : i32
        %dma_wait3A_217 = tpu.memref_slice %arg8[%scan3A_201, %dma_wait3A_216] : memref<40x125xi32, #tpu.memory_space<vmem>> -> memref<1x125xi32, #tpu.memory_space<vmem>>
        %dma_wait3A_218 = tpu.memref_squeeze %dma_wait3A_217 : memref<1x125xi32, #tpu.memory_space<vmem>> -> memref<125xi32, #tpu.memory_space<vmem>>
        %dma_wait3A_219 = arith.constant 0 : i32
        %dma_wait3A_220 = arith.constant 0 : i32
        %dma_wait3A_221 = tpu.memref_slice %arg2[%dma_wait3A_219, %dma_wait3A_220] : memref<10000x128xf32, #tpu.memory_space<hbm>> -> memref<10000x128xf32, #tpu.memory_space<hbm>>
        tpu.wait_indirect_dma semaphore(%arg12 : memref<!tpu.dma_semaphore, #tpu.memory_space<semaphore_mem>>) src(%dma_wait3A_221 : memref<10000x128xf32, #tpu.memory_space<hbm>>) dst(%dma_wait3A_215 : memref<125x128xf32, #tpu.memory_space<vmem>>)
        %jit3A_222 = arith.constant 2 : i32
        %eq3A_223 = arith.constant 0 : i32
        %eq3A_224 = arith.cmpi eq, %jit3A_222, %eq3A_223 : i32
        %jit3A_225 = arith.constant 1 : i32
        %select_n3A_226 = arith.select %eq3A_224, %jit3A_225, %jit3A_222 : i32
        %rem3A_227 = arith.remsi %scan3A_201, %select_n3A_226 : i32
        %ne3A_228 = arith.constant 0 : i32
        %ne3A_229 = arith.cmpi ne, %rem3A_227, %ne3A_228 : i32
        %lt3A_230 = arith.constant 0 : i32
        %lt3A_231 = arith.cmpi slt, %rem3A_227, %lt3A_230 : i32
        %lt3A_232 = arith.constant 0 : i32
        %lt3A_233 = arith.cmpi slt, %select_n3A_226, %lt3A_232 : i32
        %ne3A_234 = arith.xori %lt3A_231, %lt3A_233 : i1
        %and3A_235 = arith.andi %ne3A_234, %ne3A_229 : i1
        %add3A_236 = arith.addi %rem3A_227, %select_n3A_226 : i32
        %select_n3A_237 = arith.select %and3A_235, %add3A_236, %rem3A_227 : i32
        %dma_start3A_238 = arith.constant 0 : i32
        %dma_start3A_239 = arith.constant 0 : i32
        %dma_start3A_240 = tpu.memref_slice %arg10[%select_n3A_237, %dma_start3A_238, %dma_start3A_239] : memref<2x125x128xf32, #tpu.memory_space<vmem>> -> memref<1x125x128xf32, #tpu.memory_space<vmem>>
        %dma_start3A_241 = tpu.memref_squeeze %dma_start3A_240 : memref<1x125x128xf32, #tpu.memory_space<vmem>> -> memref<125x128xf32, #tpu.memory_space<vmem>>
        %dma_start3A_242 = arith.constant 0 : i32
        %dma_start3A_243 = tpu.memref_slice %arg9[%scan3A_201, %dma_start3A_242] : memref<40x125xi32, #tpu.memory_space<vmem>> -> memref<1x125xi32, #tpu.memory_space<vmem>>
        %dma_start3A_244 = tpu.memref_squeeze %dma_start3A_243 : memref<1x125xi32, #tpu.memory_space<vmem>> -> memref<125xi32, #tpu.memory_space<vmem>>
        %dma_start3A_245 = arith.constant 0 : i32
        %dma_start3A_246 = arith.constant 0 : i32
        %dma_start3A_247 = tpu.memref_slice %arg11[%dma_start3A_245, %dma_start3A_246] : memref<10000x128xf32, #tpu.memory_space<vmem_shared>> -> memref<10000x128xf32, #tpu.memory_space<vmem_shared>>
        tpu.enqueue_indirect_dma source(%dma_start3A_241 : memref<125x128xf32, #tpu.memory_space<vmem>>) target(%dma_start3A_247 : memref<10000x128xf32, #tpu.memory_space<vmem_shared>>) offsets(%dma_start3A_244 : memref<125xi32, #tpu.memory_space<vmem>>) semaphore(%arg13 : memref<!tpu.dma_semaphore, #tpu.memory_space<semaphore_mem>>) {add = true}
        %add3A_248 = arith.constant 1 : i32
        %add3A_249 = arith.addi %scan3A_201, %add3A_248 : i32
        %lt3A_250 = arith.constant 40 : i32
        %lt3A_251 = arith.cmpi slt, %add3A_249, %lt3A_250 : i32
        %convert_element_type3A_252 = arith.extui %lt3A_251 : i1 to i32
        %cond3A_253 = arith.constant 0 : i32
        %cond3A_254 = arith.cmpi ne, %convert_element_type3A_252, %cond3A_253 : i32
        scf.if %cond3A_254 {
          %gt3A = arith.constant 0 : i32
          %gt3A_255 = arith.cmpi sgt, %scan3A_201, %gt3A : i32
          %convert_element_type3A_256 = arith.extui %gt3A_255 : i1 to i32
          %cond3A_257 = arith.constant 0 : i32
          %cond3A_258 = arith.cmpi ne, %convert_element_type3A_256, %cond3A_257 : i32
          scf.if %cond3A_258 {
            %add3A_289 = arith.constant 1 : i32
            %add3A_290 = arith.addi %scan3A_201, %add3A_289 : i32
            %jit3A_291 = arith.constant 2 : i32
            %eq3A_292 = arith.constant 0 : i32
            %eq3A_293 = arith.cmpi eq, %jit3A_291, %eq3A_292 : i32
            %jit3A_294 = arith.constant 1 : i32
            %select_n3A_295 = arith.select %eq3A_293, %jit3A_294, %jit3A_291 : i32
            %rem3A_296 = arith.remsi %add3A_290, %select_n3A_295 : i32
            %ne3A_297 = arith.constant 0 : i32
            %ne3A_298 = arith.cmpi ne, %rem3A_296, %ne3A_297 : i32
            %lt3A_299 = arith.constant 0 : i32
            %lt3A_300 = arith.cmpi slt, %rem3A_296, %lt3A_299 : i32
            %lt3A_301 = arith.constant 0 : i32
            %lt3A_302 = arith.cmpi slt, %select_n3A_295, %lt3A_301 : i32
            %ne3A_303 = arith.xori %lt3A_300, %lt3A_302 : i1
            %and3A_304 = arith.andi %ne3A_303, %ne3A_298 : i1
            %add3A_305 = arith.addi %rem3A_296, %select_n3A_295 : i32
            %select_n3A_306 = arith.select %and3A_304, %add3A_305, %rem3A_296 : i32
            %dma_wait3A_307 = arith.constant 0 : i32
            %dma_wait3A_308 = arith.constant 0 : i32
            %dma_wait3A_309 = tpu.memref_slice %arg10[%select_n3A_306, %dma_wait3A_307, %dma_wait3A_308] : memref<2x125x128xf32, #tpu.memory_space<vmem>> -> memref<1x125x128xf32, #tpu.memory_space<vmem>>
            %dma_wait3A_310 = tpu.memref_squeeze %dma_wait3A_309 : memref<1x125x128xf32, #tpu.memory_space<vmem>> -> memref<125x128xf32, #tpu.memory_space<vmem>>
            %dma_wait3A_311 = arith.constant 0 : i32
            %dma_wait3A_312 = tpu.memref_slice %arg9[%scan3A_201, %dma_wait3A_311] : memref<40x125xi32, #tpu.memory_space<vmem>> -> memref<1x125xi32, #tpu.memory_space<vmem>>
            %dma_wait3A_313 = tpu.memref_squeeze %dma_wait3A_312 : memref<1x125xi32, #tpu.memory_space<vmem>> -> memref<125xi32, #tpu.memory_space<vmem>>
            %dma_wait3A_314 = arith.constant 0 : i32
            %dma_wait3A_315 = arith.constant 0 : i32
            %dma_wait3A_316 = tpu.memref_slice %arg11[%dma_wait3A_314, %dma_wait3A_315] : memref<10000x128xf32, #tpu.memory_space<vmem_shared>> -> memref<10000x128xf32, #tpu.memory_space<vmem_shared>>
            tpu.wait_indirect_dma semaphore(%arg13 : memref<!tpu.dma_semaphore, #tpu.memory_space<semaphore_mem>>) src(%dma_wait3A_310 : memref<125x128xf32, #tpu.memory_space<vmem>>) dst(%dma_wait3A_316 : memref<10000x128xf32, #tpu.memory_space<vmem_shared>>)
          } else {
          }
          %add3A_259 = arith.constant 1 : i32
          %add3A_260 = arith.addi %scan3A_201, %add3A_259 : i32
          %add3A_261 = arith.constant 1 : i32
          %add3A_262 = arith.addi %scan3A_201, %add3A_261 : i32
          %jit3A_263 = arith.constant 2 : i32
          %eq3A_264 = arith.constant 0 : i32
          %eq3A_265 = arith.cmpi eq, %jit3A_263, %eq3A_264 : i32
          %jit3A_266 = arith.constant 1 : i32
          %select_n3A_267 = arith.select %eq3A_265, %jit3A_266, %jit3A_263 : i32
          %rem3A_268 = arith.remsi %add3A_262, %select_n3A_267 : i32
          %ne3A_269 = arith.constant 0 : i32
          %ne3A_270 = arith.cmpi ne, %rem3A_268, %ne3A_269 : i32
          %lt3A_271 = arith.constant 0 : i32
          %lt3A_272 = arith.cmpi slt, %rem3A_268, %lt3A_271 : i32
          %lt3A_273 = arith.constant 0 : i32
          %lt3A_274 = arith.cmpi slt, %select_n3A_267, %lt3A_273 : i32
          %ne3A_275 = arith.xori %lt3A_272, %lt3A_274 : i1
          %and3A_276 = arith.andi %ne3A_275, %ne3A_270 : i1
          %add3A_277 = arith.addi %rem3A_268, %select_n3A_267 : i32
          %select_n3A_278 = arith.select %and3A_276, %add3A_277, %rem3A_268 : i32
          %dma_start3A_279 = arith.constant 0 : i32
          %dma_start3A_280 = arith.constant 0 : i32
          %dma_start3A_281 = tpu.memref_slice %arg10[%select_n3A_278, %dma_start3A_279, %dma_start3A_280] : memref<2x125x128xf32, #tpu.memory_space<vmem>> -> memref<1x125x128xf32, #tpu.memory_space<vmem>>
          %dma_start3A_282 = tpu.memref_squeeze %dma_start3A_281 : memref<1x125x128xf32, #tpu.memory_space<vmem>> -> memref<125x128xf32, #tpu.memory_space<vmem>>
          %dma_start3A_283 = arith.constant 0 : i32
          %dma_start3A_284 = tpu.memref_slice %arg8[%add3A_260, %dma_start3A_283] : memref<40x125xi32, #tpu.memory_space<vmem>> -> memref<1x125xi32, #tpu.memory_space<vmem>>
          %dma_start3A_285 = tpu.memref_squeeze %dma_start3A_284 : memref<1x125xi32, #tpu.memory_space<vmem>> -> memref<125xi32, #tpu.memory_space<vmem>>
          %dma_start3A_286 = arith.constant 0 : i32
          %dma_start3A_287 = arith.constant 0 : i32
          %dma_start3A_288 = tpu.memref_slice %arg2[%dma_start3A_286, %dma_start3A_287] : memref<10000x128xf32, #tpu.memory_space<hbm>> -> memref<10000x128xf32, #tpu.memory_space<hbm>>
          tpu.enqueue_indirect_dma source(%dma_start3A_288 : memref<10000x128xf32, #tpu.memory_space<hbm>>) target(%dma_start3A_282 : memref<125x128xf32, #tpu.memory_space<vmem>>) offsets(%dma_start3A_285 : memref<125xi32, #tpu.memory_space<vmem>>) semaphore(%arg12 : memref<!tpu.dma_semaphore, #tpu.memory_space<semaphore_mem>>)
        } else {
        }
      }
      %scan3A_122 = arith.constant 40 : i32
      %dma_wait3A_123 = arith.constant 0 : i32
      %dma_wait3A_124 = arith.constant 0 : i32
      %dma_wait3A_125 = arith.constant 0 : i32
      %dma_wait3A_126 = arith.constant 0 : i32
      %dma_wait3A_127 = tpu.memref_slice %arg10[%dma_wait3A_123, %dma_wait3A_125, %dma_wait3A_126] : memref<2x125x128xf32, #tpu.memory_space<vmem>> -> memref<1x125x128xf32, #tpu.memory_space<vmem>>
      %dma_wait3A_128 = tpu.memref_squeeze %dma_wait3A_127 : memref<1x125x128xf32, #tpu.memory_space<vmem>> -> memref<125x128xf32, #tpu.memory_space<vmem>>
      %dma_wait3A_129 = arith.constant 0 : i32
      %dma_wait3A_130 = tpu.memref_slice %arg9[%dma_wait3A_124, %dma_wait3A_129] : memref<40x125xi32, #tpu.memory_space<vmem>> -> memref<1x125xi32, #tpu.memory_space<vmem>>
      %dma_wait3A_131 = tpu.memref_squeeze %dma_wait3A_130 : memref<1x125xi32, #tpu.memory_space<vmem>> -> memref<125xi32, #tpu.memory_space<vmem>>
      %dma_wait3A_132 = arith.constant 0 : i32
      %dma_wait3A_133 = arith.constant 0 : i32
      %dma_wait3A_134 = tpu.memref_slice %arg11[%dma_wait3A_132, %dma_wait3A_133] : memref<10000x128xf32, #tpu.memory_space<vmem_shared>> -> memref<10000x128xf32, #tpu.memory_space<vmem_shared>>
      tpu.wait_indirect_dma semaphore(%arg13 : memref<!tpu.dma_semaphore, #tpu.memory_space<semaphore_mem>>) src(%dma_wait3A_128 : memref<125x128xf32, #tpu.memory_space<vmem>>) dst(%dma_wait3A_134 : memref<10000x128xf32, #tpu.memory_space<vmem_shared>>)
      %dma_wait3A_135 = arith.constant 1 : i32
      %dma_wait3A_136 = arith.constant 0 : i32
      %dma_wait3A_137 = arith.constant 0 : i32
      %dma_wait3A_138 = arith.constant 0 : i32
      %dma_wait3A_139 = tpu.memref_slice %arg10[%dma_wait3A_135, %dma_wait3A_137, %dma_wait3A_138] : memref<2x125x128xf32, #tpu.memory_space<vmem>> -> memref<1x125x128xf32, #tpu.memory_space<vmem>>
      %dma_wait3A_140 = tpu.memref_squeeze %dma_wait3A_139 : memref<1x125x128xf32, #tpu.memory_space<vmem>> -> memref<125x128xf32, #tpu.memory_space<vmem>>
      %dma_wait3A_141 = arith.constant 0 : i32
      %dma_wait3A_142 = tpu.memref_slice %arg9[%dma_wait3A_136, %dma_wait3A_141] : memref<40x125xi32, #tpu.memory_space<vmem>> -> memref<1x125xi32, #tpu.memory_space<vmem>>
      %dma_wait3A_143 = tpu.memref_squeeze %dma_wait3A_142 : memref<1x125xi32, #tpu.memory_space<vmem>> -> memref<125xi32, #tpu.memory_space<vmem>>
      %dma_wait3A_144 = arith.constant 0 : i32
      %dma_wait3A_145 = arith.constant 0 : i32
      %dma_wait3A_146 = tpu.memref_slice %arg11[%dma_wait3A_144, %dma_wait3A_145] : memref<10000x128xf32, #tpu.memory_space<vmem_shared>> -> memref<10000x128xf32, #tpu.memory_space<vmem_shared>>
      tpu.wait_indirect_dma semaphore(%arg13 : memref<!tpu.dma_semaphore, #tpu.memory_space<semaphore_mem>>) src(%dma_wait3A_140 : memref<125x128xf32, #tpu.memory_space<vmem>>) dst(%dma_wait3A_146 : memref<10000x128xf32, #tpu.memory_space<vmem_shared>>)
      %mul3A_147 = arith.constant 160 : i32
      %mul3A_148 = arith.muli %arg1, %mul3A_147 : i32
      %add3A_149 = arith.constant 120 : i32
      %add3A_150 = arith.addi %mul3A_148, %add3A_149 : i32
      "tpu.region"() ({
        %run_scoped3A = tpu.sem_alloc : memref<!tpu.dma_semaphore, #tpu.memory_space<semaphore_mem>>
        %dma_start3A_201 = arith.constant 0 : i32
        %dma_start3A_202 = tpu.memref_slice %arg5[%add3A_150, %dma_start3A_201] : memref<2560x125xi32, #tpu.memory_space<hbm>> -> memref<40x125xi32, #tpu.memory_space<hbm>>
        %dma_start3A_203 = arith.constant 0 : i32
        %dma_start3A_204 = tpu.memref_slice %arg5[%add3A_150, %dma_start3A_203] : memref<2560x125xi32, #tpu.memory_space<hbm>> -> memref<40x125xi32, #tpu.memory_space<hbm>>
        tpu.enqueue_dma source(%dma_start3A_204 : memref<40x125xi32, #tpu.memory_space<hbm>>) target(%arg8 : memref<40x125xi32, #tpu.memory_space<vmem>>) target_semaphore(%run_scoped3A : memref<!tpu.dma_semaphore, #tpu.memory_space<semaphore_mem>>)
        %dma_wait3A_205 = arith.constant 0 : i32
        %dma_wait3A_206 = tpu.memref_slice %arg5[%add3A_150, %dma_wait3A_205] : memref<2560x125xi32, #tpu.memory_space<hbm>> -> memref<40x125xi32, #tpu.memory_space<hbm>>
        %dma_wait3A_207 = arith.constant 0 : i32
        %dma_wait3A_208 = tpu.memref_slice %arg5[%add3A_150, %dma_wait3A_207] : memref<2560x125xi32, #tpu.memory_space<hbm>> -> memref<40x125xi32, #tpu.memory_space<hbm>>
        tpu.wait_dma2 semaphore(%run_scoped3A : memref<!tpu.dma_semaphore, #tpu.memory_space<semaphore_mem>>) src(%dma_wait3A_208 : memref<40x125xi32, #tpu.memory_space<hbm>>) dst(%arg8 : memref<40x125xi32, #tpu.memory_space<vmem>>)
        tpu.yield
      }) : () -> ()
      "tpu.region"() ({
        %run_scoped3A = tpu.sem_alloc : memref<!tpu.dma_semaphore, #tpu.memory_space<semaphore_mem>>
        %dma_start3A_201 = arith.constant 0 : i32
        %dma_start3A_202 = tpu.memref_slice %arg4[%add3A_150, %dma_start3A_201] : memref<2560x125xi32, #tpu.memory_space<hbm>> -> memref<40x125xi32, #tpu.memory_space<hbm>>
        %dma_start3A_203 = arith.constant 0 : i32
        %dma_start3A_204 = tpu.memref_slice %arg4[%add3A_150, %dma_start3A_203] : memref<2560x125xi32, #tpu.memory_space<hbm>> -> memref<40x125xi32, #tpu.memory_space<hbm>>
        tpu.enqueue_dma source(%dma_start3A_204 : memref<40x125xi32, #tpu.memory_space<hbm>>) target(%arg9 : memref<40x125xi32, #tpu.memory_space<vmem>>) target_semaphore(%run_scoped3A : memref<!tpu.dma_semaphore, #tpu.memory_space<semaphore_mem>>)
        %dma_wait3A_205 = arith.constant 0 : i32
        %dma_wait3A_206 = tpu.memref_slice %arg4[%add3A_150, %dma_wait3A_205] : memref<2560x125xi32, #tpu.memory_space<hbm>> -> memref<40x125xi32, #tpu.memory_space<hbm>>
        %dma_wait3A_207 = arith.constant 0 : i32
        %dma_wait3A_208 = tpu.memref_slice %arg4[%add3A_150, %dma_wait3A_207] : memref<2560x125xi32, #tpu.memory_space<hbm>> -> memref<40x125xi32, #tpu.memory_space<hbm>>
        tpu.wait_dma2 semaphore(%run_scoped3A : memref<!tpu.dma_semaphore, #tpu.memory_space<semaphore_mem>>) src(%dma_wait3A_208 : memref<40x125xi32, #tpu.memory_space<hbm>>) dst(%arg9 : memref<40x125xi32, #tpu.memory_space<vmem>>)
        tpu.yield
      }) : () -> ()
      %dma_start3A_151 = arith.constant 0 : i32
      %dma_start3A_152 = arith.constant 0 : i32
      %dma_start3A_153 = arith.constant 0 : i32
      %dma_start3A_154 = arith.constant 0 : i32
      %dma_start3A_155 = tpu.memref_slice %arg10[%dma_start3A_152, %dma_start3A_153, %dma_start3A_154] : memref<2x125x128xf32, #tpu.memory_space<vmem>> -> memref<1x125x128xf32, #tpu.memory_space<vmem>>
      %dma_start3A_156 = tpu.memref_squeeze %dma_start3A_155 : memref<1x125x128xf32, #tpu.memory_space<vmem>> -> memref<125x128xf32, #tpu.memory_space<vmem>>
      %dma_start3A_157 = arith.constant 0 : i32
      %dma_start3A_158 = tpu.memref_slice %arg8[%dma_start3A_151, %dma_start3A_157] : memref<40x125xi32, #tpu.memory_space<vmem>> -> memref<1x125xi32, #tpu.memory_space<vmem>>
      %dma_start3A_159 = tpu.memref_squeeze %dma_start3A_158 : memref<1x125xi32, #tpu.memory_space<vmem>> -> memref<125xi32, #tpu.memory_space<vmem>>
      %dma_start3A_160 = arith.constant 0 : i32
      %dma_start3A_161 = arith.constant 0 : i32
      %dma_start3A_162 = tpu.memref_slice %arg2[%dma_start3A_160, %dma_start3A_161] : memref<10000x128xf32, #tpu.memory_space<hbm>> -> memref<10000x128xf32, #tpu.memory_space<hbm>>
      tpu.enqueue_indirect_dma source(%dma_start3A_162 : memref<10000x128xf32, #tpu.memory_space<hbm>>) target(%dma_start3A_156 : memref<125x128xf32, #tpu.memory_space<vmem>>) offsets(%dma_start3A_159 : memref<125xi32, #tpu.memory_space<vmem>>) semaphore(%arg12 : memref<!tpu.dma_semaphore, #tpu.memory_space<semaphore_mem>>)
      %scan3A_163 = arith.constant 0 : i32
      %scan3A_164 = arith.constant 0 : i32
      %scan3A_165 = arith.constant 40 : i32
      %scan3A_166 = arith.addi %scan3A_164, %scan3A_165 : i32
      %scan3A_167 = arith.constant 1 : i32
      scf.for %scan3A_201 = %scan3A_164 to %scan3A_166 step %scan3A_167  : i32 {
        %jit3A = arith.constant 2 : i32
        %eq3A_202 = arith.constant 0 : i32
        %eq3A_203 = arith.cmpi eq, %jit3A, %eq3A_202 : i32
        %jit3A_204 = arith.constant 1 : i32
        %select_n3A = arith.select %eq3A_203, %jit3A_204, %jit3A : i32
        %rem3A = arith.remsi %scan3A_201, %select_n3A : i32
        %ne3A = arith.constant 0 : i32
        %ne3A_205 = arith.cmpi ne, %rem3A, %ne3A : i32
        %lt3A = arith.constant 0 : i32
        %lt3A_206 = arith.cmpi slt, %rem3A, %lt3A : i32
        %lt3A_207 = arith.constant 0 : i32
        %lt3A_208 = arith.cmpi slt, %select_n3A, %lt3A_207 : i32
        %ne3A_209 = arith.xori %lt3A_206, %lt3A_208 : i1
        %and3A = arith.andi %ne3A_209, %ne3A_205 : i1
        %add3A_210 = arith.addi %rem3A, %select_n3A : i32
        %select_n3A_211 = arith.select %and3A, %add3A_210, %rem3A : i32
        %dma_wait3A_212 = arith.constant 0 : i32
        %dma_wait3A_213 = arith.constant 0 : i32
        %dma_wait3A_214 = tpu.memref_slice %arg10[%select_n3A_211, %dma_wait3A_212, %dma_wait3A_213] : memref<2x125x128xf32, #tpu.memory_space<vmem>> -> memref<1x125x128xf32, #tpu.memory_space<vmem>>
        %dma_wait3A_215 = tpu.memref_squeeze %dma_wait3A_214 : memref<1x125x128xf32, #tpu.memory_space<vmem>> -> memref<125x128xf32, #tpu.memory_space<vmem>>
        %dma_wait3A_216 = arith.constant 0 : i32
        %dma_wait3A_217 = tpu.memref_slice %arg8[%scan3A_201, %dma_wait3A_216] : memref<40x125xi32, #tpu.memory_space<vmem>> -> memref<1x125xi32, #tpu.memory_space<vmem>>
        %dma_wait3A_218 = tpu.memref_squeeze %dma_wait3A_217 : memref<1x125xi32, #tpu.memory_space<vmem>> -> memref<125xi32, #tpu.memory_space<vmem>>
        %dma_wait3A_219 = arith.constant 0 : i32
        %dma_wait3A_220 = arith.constant 0 : i32
        %dma_wait3A_221 = tpu.memref_slice %arg2[%dma_wait3A_219, %dma_wait3A_220] : memref<10000x128xf32, #tpu.memory_space<hbm>> -> memref<10000x128xf32, #tpu.memory_space<hbm>>
        tpu.wait_indirect_dma semaphore(%arg12 : memref<!tpu.dma_semaphore, #tpu.memory_space<semaphore_mem>>) src(%dma_wait3A_221 : memref<10000x128xf32, #tpu.memory_space<hbm>>) dst(%dma_wait3A_215 : memref<125x128xf32, #tpu.memory_space<vmem>>)
        %jit3A_222 = arith.constant 2 : i32
        %eq3A_223 = arith.constant 0 : i32
        %eq3A_224 = arith.cmpi eq, %jit3A_222, %eq3A_223 : i32
        %jit3A_225 = arith.constant 1 : i32
        %select_n3A_226 = arith.select %eq3A_224, %jit3A_225, %jit3A_222 : i32
        %rem3A_227 = arith.remsi %scan3A_201, %select_n3A_226 : i32
        %ne3A_228 = arith.constant 0 : i32
        %ne3A_229 = arith.cmpi ne, %rem3A_227, %ne3A_228 : i32
        %lt3A_230 = arith.constant 0 : i32
        %lt3A_231 = arith.cmpi slt, %rem3A_227, %lt3A_230 : i32
        %lt3A_232 = arith.constant 0 : i32
        %lt3A_233 = arith.cmpi slt, %select_n3A_226, %lt3A_232 : i32
        %ne3A_234 = arith.xori %lt3A_231, %lt3A_233 : i1
        %and3A_235 = arith.andi %ne3A_234, %ne3A_229 : i1
        %add3A_236 = arith.addi %rem3A_227, %select_n3A_226 : i32
        %select_n3A_237 = arith.select %and3A_235, %add3A_236, %rem3A_227 : i32
        %dma_start3A_238 = arith.constant 0 : i32
        %dma_start3A_239 = arith.constant 0 : i32
        %dma_start3A_240 = tpu.memref_slice %arg10[%select_n3A_237, %dma_start3A_238, %dma_start3A_239] : memref<2x125x128xf32, #tpu.memory_space<vmem>> -> memref<1x125x128xf32, #tpu.memory_space<vmem>>
        %dma_start3A_241 = tpu.memref_squeeze %dma_start3A_240 : memref<1x125x128xf32, #tpu.memory_space<vmem>> -> memref<125x128xf32, #tpu.memory_space<vmem>>
        %dma_start3A_242 = arith.constant 0 : i32
        %dma_start3A_243 = tpu.memref_slice %arg9[%scan3A_201, %dma_start3A_242] : memref<40x125xi32, #tpu.memory_space<vmem>> -> memref<1x125xi32, #tpu.memory_space<vmem>>
        %dma_start3A_244 = tpu.memref_squeeze %dma_start3A_243 : memref<1x125xi32, #tpu.memory_space<vmem>> -> memref<125xi32, #tpu.memory_space<vmem>>
        %dma_start3A_245 = arith.constant 0 : i32
        %dma_start3A_246 = arith.constant 0 : i32
        %dma_start3A_247 = tpu.memref_slice %arg11[%dma_start3A_245, %dma_start3A_246] : memref<10000x128xf32, #tpu.memory_space<vmem_shared>> -> memref<10000x128xf32, #tpu.memory_space<vmem_shared>>
        tpu.enqueue_indirect_dma source(%dma_start3A_241 : memref<125x128xf32, #tpu.memory_space<vmem>>) target(%dma_start3A_247 : memref<10000x128xf32, #tpu.memory_space<vmem_shared>>) offsets(%dma_start3A_244 : memref<125xi32, #tpu.memory_space<vmem>>) semaphore(%arg13 : memref<!tpu.dma_semaphore, #tpu.memory_space<semaphore_mem>>) {add = true}
        %add3A_248 = arith.constant 1 : i32
        %add3A_249 = arith.addi %scan3A_201, %add3A_248 : i32
        %lt3A_250 = arith.constant 40 : i32
        %lt3A_251 = arith.cmpi slt, %add3A_249, %lt3A_250 : i32
        %convert_element_type3A_252 = arith.extui %lt3A_251 : i1 to i32
        %cond3A_253 = arith.constant 0 : i32
        %cond3A_254 = arith.cmpi ne, %convert_element_type3A_252, %cond3A_253 : i32
        scf.if %cond3A_254 {
          %gt3A = arith.constant 0 : i32
          %gt3A_255 = arith.cmpi sgt, %scan3A_201, %gt3A : i32
          %convert_element_type3A_256 = arith.extui %gt3A_255 : i1 to i32
          %cond3A_257 = arith.constant 0 : i32
          %cond3A_258 = arith.cmpi ne, %convert_element_type3A_256, %cond3A_257 : i32
          scf.if %cond3A_258 {
            %add3A_289 = arith.constant 1 : i32
            %add3A_290 = arith.addi %scan3A_201, %add3A_289 : i32
            %jit3A_291 = arith.constant 2 : i32
            %eq3A_292 = arith.constant 0 : i32
            %eq3A_293 = arith.cmpi eq, %jit3A_291, %eq3A_292 : i32
            %jit3A_294 = arith.constant 1 : i32
            %select_n3A_295 = arith.select %eq3A_293, %jit3A_294, %jit3A_291 : i32
            %rem3A_296 = arith.remsi %add3A_290, %select_n3A_295 : i32
            %ne3A_297 = arith.constant 0 : i32
            %ne3A_298 = arith.cmpi ne, %rem3A_296, %ne3A_297 : i32
            %lt3A_299 = arith.constant 0 : i32
            %lt3A_300 = arith.cmpi slt, %rem3A_296, %lt3A_299 : i32
            %lt3A_301 = arith.constant 0 : i32
            %lt3A_302 = arith.cmpi slt, %select_n3A_295, %lt3A_301 : i32
            %ne3A_303 = arith.xori %lt3A_300, %lt3A_302 : i1
            %and3A_304 = arith.andi %ne3A_303, %ne3A_298 : i1
            %add3A_305 = arith.addi %rem3A_296, %select_n3A_295 : i32
            %select_n3A_306 = arith.select %and3A_304, %add3A_305, %rem3A_296 : i32
            %dma_wait3A_307 = arith.constant 0 : i32
            %dma_wait3A_308 = arith.constant 0 : i32
            %dma_wait3A_309 = tpu.memref_slice %arg10[%select_n3A_306, %dma_wait3A_307, %dma_wait3A_308] : memref<2x125x128xf32, #tpu.memory_space<vmem>> -> memref<1x125x128xf32, #tpu.memory_space<vmem>>
            %dma_wait3A_310 = tpu.memref_squeeze %dma_wait3A_309 : memref<1x125x128xf32, #tpu.memory_space<vmem>> -> memref<125x128xf32, #tpu.memory_space<vmem>>
            %dma_wait3A_311 = arith.constant 0 : i32
            %dma_wait3A_312 = tpu.memref_slice %arg9[%scan3A_201, %dma_wait3A_311] : memref<40x125xi32, #tpu.memory_space<vmem>> -> memref<1x125xi32, #tpu.memory_space<vmem>>
            %dma_wait3A_313 = tpu.memref_squeeze %dma_wait3A_312 : memref<1x125xi32, #tpu.memory_space<vmem>> -> memref<125xi32, #tpu.memory_space<vmem>>
            %dma_wait3A_314 = arith.constant 0 : i32
            %dma_wait3A_315 = arith.constant 0 : i32
            %dma_wait3A_316 = tpu.memref_slice %arg11[%dma_wait3A_314, %dma_wait3A_315] : memref<10000x128xf32, #tpu.memory_space<vmem_shared>> -> memref<10000x128xf32, #tpu.memory_space<vmem_shared>>
            tpu.wait_indirect_dma semaphore(%arg13 : memref<!tpu.dma_semaphore, #tpu.memory_space<semaphore_mem>>) src(%dma_wait3A_310 : memref<125x128xf32, #tpu.memory_space<vmem>>) dst(%dma_wait3A_316 : memref<10000x128xf32, #tpu.memory_space<vmem_shared>>)
          } else {
          }
          %add3A_259 = arith.constant 1 : i32
          %add3A_260 = arith.addi %scan3A_201, %add3A_259 : i32
          %add3A_261 = arith.constant 1 : i32
          %add3A_262 = arith.addi %scan3A_201, %add3A_261 : i32
          %jit3A_263 = arith.constant 2 : i32
          %eq3A_264 = arith.constant 0 : i32
          %eq3A_265 = arith.cmpi eq, %jit3A_263, %eq3A_264 : i32
          %jit3A_266 = arith.constant 1 : i32
          %select_n3A_267 = arith.select %eq3A_265, %jit3A_266, %jit3A_263 : i32
          %rem3A_268 = arith.remsi %add3A_262, %select_n3A_267 : i32
          %ne3A_269 = arith.constant 0 : i32
          %ne3A_270 = arith.cmpi ne, %rem3A_268, %ne3A_269 : i32
          %lt3A_271 = arith.constant 0 : i32
          %lt3A_272 = arith.cmpi slt, %rem3A_268, %lt3A_271 : i32
          %lt3A_273 = arith.constant 0 : i32
          %lt3A_274 = arith.cmpi slt, %select_n3A_267, %lt3A_273 : i32
          %ne3A_275 = arith.xori %lt3A_272, %lt3A_274 : i1
          %and3A_276 = arith.andi %ne3A_275, %ne3A_270 : i1
          %add3A_277 = arith.addi %rem3A_268, %select_n3A_267 : i32
          %select_n3A_278 = arith.select %and3A_276, %add3A_277, %rem3A_268 : i32
          %dma_start3A_279 = arith.constant 0 : i32
          %dma_start3A_280 = arith.constant 0 : i32
          %dma_start3A_281 = tpu.memref_slice %arg10[%select_n3A_278, %dma_start3A_279, %dma_start3A_280] : memref<2x125x128xf32, #tpu.memory_space<vmem>> -> memref<1x125x128xf32, #tpu.memory_space<vmem>>
          %dma_start3A_282 = tpu.memref_squeeze %dma_start3A_281 : memref<1x125x128xf32, #tpu.memory_space<vmem>> -> memref<125x128xf32, #tpu.memory_space<vmem>>
          %dma_start3A_283 = arith.constant 0 : i32
          %dma_start3A_284 = tpu.memref_slice %arg8[%add3A_260, %dma_start3A_283] : memref<40x125xi32, #tpu.memory_space<vmem>> -> memref<1x125xi32, #tpu.memory_space<vmem>>
          %dma_start3A_285 = tpu.memref_squeeze %dma_start3A_284 : memref<1x125xi32, #tpu.memory_space<vmem>> -> memref<125xi32, #tpu.memory_space<vmem>>
          %dma_start3A_286 = arith.constant 0 : i32
          %dma_start3A_287 = arith.constant 0 : i32
          %dma_start3A_288 = tpu.memref_slice %arg2[%dma_start3A_286, %dma_start3A_287] : memref<10000x128xf32, #tpu.memory_space<hbm>> -> memref<10000x128xf32, #tpu.memory_space<hbm>>
          tpu.enqueue_indirect_dma source(%dma_start3A_288 : memref<10000x128xf32, #tpu.memory_space<hbm>>) target(%dma_start3A_282 : memref<125x128xf32, #tpu.memory_space<vmem>>) offsets(%dma_start3A_285 : memref<125xi32, #tpu.memory_space<vmem>>) semaphore(%arg12 : memref<!tpu.dma_semaphore, #tpu.memory_space<semaphore_mem>>)
        } else {
        }
      }
      %scan3A_168 = arith.constant 40 : i32
      %dma_wait3A_169 = arith.constant 0 : i32
      %dma_wait3A_170 = arith.constant 0 : i32
      %dma_wait3A_171 = arith.constant 0 : i32
      %dma_wait3A_172 = arith.constant 0 : i32
      %dma_wait3A_173 = tpu.memref_slice %arg10[%dma_wait3A_169, %dma_wait3A_171, %dma_wait3A_172] : memref<2x125x128xf32, #tpu.memory_space<vmem>> -> memref<1x125x128xf32, #tpu.memory_space<vmem>>
      %dma_wait3A_174 = tpu.memref_squeeze %dma_wait3A_173 : memref<1x125x128xf32, #tpu.memory_space<vmem>> -> memref<125x128xf32, #tpu.memory_space<vmem>>
      %dma_wait3A_175 = arith.constant 0 : i32
      %dma_wait3A_176 = tpu.memref_slice %arg9[%dma_wait3A_170, %dma_wait3A_175] : memref<40x125xi32, #tpu.memory_space<vmem>> -> memref<1x125xi32, #tpu.memory_space<vmem>>
      %dma_wait3A_177 = tpu.memref_squeeze %dma_wait3A_176 : memref<1x125xi32, #tpu.memory_space<vmem>> -> memref<125xi32, #tpu.memory_space<vmem>>
      %dma_wait3A_178 = arith.constant 0 : i32
      %dma_wait3A_179 = arith.constant 0 : i32
      %dma_wait3A_180 = tpu.memref_slice %arg11[%dma_wait3A_178, %dma_wait3A_179] : memref<10000x128xf32, #tpu.memory_space<vmem_shared>> -> memref<10000x128xf32, #tpu.memory_space<vmem_shared>>
      tpu.wait_indirect_dma semaphore(%arg13 : memref<!tpu.dma_semaphore, #tpu.memory_space<semaphore_mem>>) src(%dma_wait3A_174 : memref<125x128xf32, #tpu.memory_space<vmem>>) dst(%dma_wait3A_180 : memref<10000x128xf32, #tpu.memory_space<vmem_shared>>)
      %dma_wait3A_181 = arith.constant 1 : i32
      %dma_wait3A_182 = arith.constant 0 : i32
      %dma_wait3A_183 = arith.constant 0 : i32
      %dma_wait3A_184 = arith.constant 0 : i32
      %dma_wait3A_185 = tpu.memref_slice %arg10[%dma_wait3A_181, %dma_wait3A_183, %dma_wait3A_184] : memref<2x125x128xf32, #tpu.memory_space<vmem>> -> memref<1x125x128xf32, #tpu.memory_space<vmem>>
      %dma_wait3A_186 = tpu.memref_squeeze %dma_wait3A_185 : memref<1x125x128xf32, #tpu.memory_space<vmem>> -> memref<125x128xf32, #tpu.memory_space<vmem>>
      %dma_wait3A_187 = arith.constant 0 : i32
      %dma_wait3A_188 = tpu.memref_slice %arg9[%dma_wait3A_182, %dma_wait3A_187] : memref<40x125xi32, #tpu.memory_space<vmem>> -> memref<1x125xi32, #tpu.memory_space<vmem>>
      %dma_wait3A_189 = tpu.memref_squeeze %dma_wait3A_188 : memref<1x125xi32, #tpu.memory_space<vmem>> -> memref<125xi32, #tpu.memory_space<vmem>>
      %dma_wait3A_190 = arith.constant 0 : i32
      %dma_wait3A_191 = arith.constant 0 : i32
      %dma_wait3A_192 = tpu.memref_slice %arg11[%dma_wait3A_190, %dma_wait3A_191] : memref<10000x128xf32, #tpu.memory_space<vmem_shared>> -> memref<10000x128xf32, #tpu.memory_space<vmem_shared>>
      tpu.wait_indirect_dma semaphore(%arg13 : memref<!tpu.dma_semaphore, #tpu.memory_space<semaphore_mem>>) src(%dma_wait3A_186 : memref<125x128xf32, #tpu.memory_space<vmem>>) dst(%dma_wait3A_192 : memref<10000x128xf32, #tpu.memory_space<vmem_shared>>)
      %barrier3A_193 = arith.constant 0 : index
      tpu.barrier barrier_id(%barrier3A_193)
      %mul3A_194 = arith.constant 624 : i32
      %mul3A_195 = arith.muli %arg1, %mul3A_194 : i32
      "tpu.region"() ({
        %run_scoped3A = tpu.sem_alloc : memref<!tpu.dma_semaphore, #tpu.memory_space<semaphore_mem>>
        %dma_start3A_201 = arith.constant 0 : i32
        %dma_start3A_202 = tpu.memref_slice %arg6[%mul3A_195, %dma_start3A_201] : memref<10000x128xf32, #tpu.memory_space<hbm>> -> memref<624x128xf32, #tpu.memory_space<hbm>>
        %dma_start3A_203 = arith.constant 0 : i32
        %dma_start3A_204 = tpu.memref_slice %arg11[%mul3A_195, %dma_start3A_203] : memref<10000x128xf32, #tpu.memory_space<vmem_shared>> -> memref<624x128xf32, #tpu.memory_space<vmem_shared>>
        tpu.enqueue_dma source(%dma_start3A_204 : memref<624x128xf32, #tpu.memory_space<vmem_shared>>) target(%dma_start3A_202 : memref<624x128xf32, #tpu.memory_space<hbm>>) target_semaphore(%run_scoped3A : memref<!tpu.dma_semaphore, #tpu.memory_space<semaphore_mem>>)
        %dma_wait3A_205 = arith.constant 0 : i32
        %dma_wait3A_206 = tpu.memref_slice %arg6[%mul3A_195, %dma_wait3A_205] : memref<10000x128xf32, #tpu.memory_space<hbm>> -> memref<624x128xf32, #tpu.memory_space<hbm>>
        %dma_wait3A_207 = arith.constant 0 : i32
        %dma_wait3A_208 = tpu.memref_slice %arg11[%mul3A_195, %dma_wait3A_207] : memref<10000x128xf32, #tpu.memory_space<vmem_shared>> -> memref<624x128xf32, #tpu.memory_space<vmem_shared>>
        tpu.wait_dma2 semaphore(%run_scoped3A : memref<!tpu.dma_semaphore, #tpu.memory_space<semaphore_mem>>) src(%dma_wait3A_208 : memref<624x128xf32, #tpu.memory_space<vmem_shared>>) dst(%dma_wait3A_206 : memref<624x128xf32, #tpu.memory_space<hbm>>)
        tpu.yield
      }) : () -> ()
      %eq3A_196 = arith.constant 15 : i32
      %eq3A_197 = arith.cmpi eq, %arg1, %eq3A_196 : i32
      %convert_element_type3A_198 = arith.extui %eq3A_197 : i1 to i32
      %cond3A_199 = arith.constant 0 : i32
      %cond3A_200 = arith.cmpi ne, %convert_element_type3A_198, %cond3A_199 : i32
      scf.if %cond3A_200 {
        "tpu.region"() ({
          %run_scoped3A = tpu.sem_alloc : memref<!tpu.dma_semaphore, #tpu.memory_space<semaphore_mem>>
          %dma_start3A_201 = arith.constant 9984 : i32
          %dma_start3A_202 = arith.constant 0 : i32
          %dma_start3A_203 = tpu.memref_slice %arg6[%dma_start3A_201, %dma_start3A_202] : memref<10000x128xf32, #tpu.memory_space<hbm>> -> memref<16x128xf32, #tpu.memory_space<hbm>>
          %dma_start3A_204 = arith.constant 9984 : i32
          %dma_start3A_205 = arith.constant 0 : i32
          %dma_start3A_206 = tpu.memref_slice %arg11[%dma_start3A_204, %dma_start3A_205] : memref<10000x128xf32, #tpu.memory_space<vmem_shared>> -> memref<16x128xf32, #tpu.memory_space<vmem_shared>>
          tpu.enqueue_dma source(%dma_start3A_206 : memref<16x128xf32, #tpu.memory_space<vmem_shared>>) target(%dma_start3A_203 : memref<16x128xf32, #tpu.memory_space<hbm>>) target_semaphore(%run_scoped3A : memref<!tpu.dma_semaphore, #tpu.memory_space<semaphore_mem>>)
          %dma_wait3A_207 = arith.constant 9984 : i32
          %dma_wait3A_208 = arith.constant 0 : i32
          %dma_wait3A_209 = tpu.memref_slice %arg6[%dma_wait3A_207, %dma_wait3A_208] : memref<10000x128xf32, #tpu.memory_space<hbm>> -> memref<16x128xf32, #tpu.memory_space<hbm>>
          %dma_wait3A_210 = arith.constant 9984 : i32
          %dma_wait3A_211 = arith.constant 0 : i32
          %dma_wait3A_212 = tpu.memref_slice %arg11[%dma_wait3A_210, %dma_wait3A_211] : memref<10000x128xf32, #tpu.memory_space<vmem_shared>> -> memref<16x128xf32, #tpu.memory_space<vmem_shared>>
          tpu.wait_dma2 semaphore(%run_scoped3A : memref<!tpu.dma_semaphore, #tpu.memory_space<semaphore_mem>>) src(%dma_wait3A_212 : memref<16x128xf32, #tpu.memory_space<vmem_shared>>) dst(%dma_wait3A_209 : memref<16x128xf32, #tpu.memory_space<hbm>>)
          tpu.yield
        }) : () -> ()
      } else {
      }
    } else {
    }
    %eq3A_2 = arith.constant 1 : i32
    %eq3A_3 = arith.cmpi eq, %arg0, %eq3A_2 : i32
    %convert_element_type3A_4 = arith.extui %eq3A_3 : i1 to i32
    %cond3A_5 = arith.constant 0 : i32
    %cond3A_6 = arith.cmpi ne, %convert_element_type3A_4, %cond3A_5 : i32
    scf.if %cond3A_6 {
      %mul3A = arith.constant 624 : i32
      %mul3A_7 = arith.muli %arg1, %mul3A : i32
      "tpu.region"() ({
        %run_scoped3A = tpu.sem_alloc : memref<!tpu.dma_semaphore, #tpu.memory_space<semaphore_mem>>
        %dma_start3A_201 = arith.constant 0 : i32
        %dma_start3A_202 = tpu.memref_slice %arg11[%mul3A_7, %dma_start3A_201] : memref<10000x128xf32, #tpu.memory_space<vmem_shared>> -> memref<624x128xf32, #tpu.memory_space<vmem_shared>>
        %dma_start3A_203 = arith.constant 0 : i32
        %dma_start3A_204 = tpu.memref_slice %arg3[%mul3A_7, %dma_start3A_203] : memref<10000x128xf32, #tpu.memory_space<hbm>> -> memref<624x128xf32, #tpu.memory_space<hbm>>
        tpu.enqueue_dma source(%dma_start3A_204 : memref<624x128xf32, #tpu.memory_space<hbm>>) target(%dma_start3A_202 : memref<624x128xf32, #tpu.memory_space<vmem_shared>>) target_semaphore(%run_scoped3A : memref<!tpu.dma_semaphore, #tpu.memory_space<semaphore_mem>>)
        %dma_wait3A_205 = arith.constant 0 : i32
        %dma_wait3A_206 = tpu.memref_slice %arg11[%mul3A_7, %dma_wait3A_205] : memref<10000x128xf32, #tpu.memory_space<vmem_shared>> -> memref<624x128xf32, #tpu.memory_space<vmem_shared>>
        %dma_wait3A_207 = arith.constant 0 : i32
        %dma_wait3A_208 = tpu.memref_slice %arg3[%mul3A_7, %dma_wait3A_207] : memref<10000x128xf32, #tpu.memory_space<hbm>> -> memref<624x128xf32, #tpu.memory_space<hbm>>
        tpu.wait_dma2 semaphore(%run_scoped3A : memref<!tpu.dma_semaphore, #tpu.memory_space<semaphore_mem>>) src(%dma_wait3A_208 : memref<624x128xf32, #tpu.memory_space<hbm>>) dst(%dma_wait3A_206 : memref<624x128xf32, #tpu.memory_space<vmem_shared>>)
        tpu.yield
      }) : () -> ()
      %eq3A_8 = arith.constant 15 : i32
      %eq3A_9 = arith.cmpi eq, %arg1, %eq3A_8 : i32
      %convert_element_type3A_10 = arith.extui %eq3A_9 : i1 to i32
      %cond3A_11 = arith.constant 0 : i32
      %cond3A_12 = arith.cmpi ne, %convert_element_type3A_10, %cond3A_11 : i32
      scf.if %cond3A_12 {
        "tpu.region"() ({
          %run_scoped3A = tpu.sem_alloc : memref<!tpu.dma_semaphore, #tpu.memory_space<semaphore_mem>>
          %dma_start3A_201 = arith.constant 9984 : i32
          %dma_start3A_202 = arith.constant 0 : i32
          %dma_start3A_203 = tpu.memref_slice %arg11[%dma_start3A_201, %dma_start3A_202] : memref<10000x128xf32, #tpu.memory_space<vmem_shared>> -> memref<16x128xf32, #tpu.memory_space<vmem_shared>>
          %dma_start3A_204 = arith.constant 9984 : i32
          %dma_start3A_205 = arith.constant 0 : i32
          %dma_start3A_206 = tpu.memref_slice %arg3[%dma_start3A_204, %dma_start3A_205] : memref<10000x128xf32, #tpu.memory_space<hbm>> -> memref<16x128xf32, #tpu.memory_space<hbm>>
          tpu.enqueue_dma source(%dma_start3A_206 : memref<16x128xf32, #tpu.memory_space<hbm>>) target(%dma_start3A_203 : memref<16x128xf32, #tpu.memory_space<vmem_shared>>) target_semaphore(%run_scoped3A : memref<!tpu.dma_semaphore, #tpu.memory_space<semaphore_mem>>)
          %dma_wait3A_207 = arith.constant 9984 : i32
          %dma_wait3A_208 = arith.constant 0 : i32
          %dma_wait3A_209 = tpu.memref_slice %arg11[%dma_wait3A_207, %dma_wait3A_208] : memref<10000x128xf32, #tpu.memory_space<vmem_shared>> -> memref<16x128xf32, #tpu.memory_space<vmem_shared>>
          %dma_wait3A_210 = arith.constant 9984 : i32
          %dma_wait3A_211 = arith.constant 0 : i32
          %dma_wait3A_212 = tpu.memref_slice %arg3[%dma_wait3A_210, %dma_wait3A_211] : memref<10000x128xf32, #tpu.memory_space<hbm>> -> memref<16x128xf32, #tpu.memory_space<hbm>>
          tpu.wait_dma2 semaphore(%run_scoped3A : memref<!tpu.dma_semaphore, #tpu.memory_space<semaphore_mem>>) src(%dma_wait3A_212 : memref<16x128xf32, #tpu.memory_space<hbm>>) dst(%dma_wait3A_209 : memref<16x128xf32, #tpu.memory_space<vmem_shared>>)
          tpu.yield
        }) : () -> ()
      } else {
      }
      %barrier3A = arith.constant 0 : index
      tpu.barrier barrier_id(%barrier3A)
      %mul3A_13 = arith.constant 160 : i32
      %mul3A_14 = arith.muli %arg1, %mul3A_13 : i32
      %add3A = arith.constant 0 : i32
      %add3A_15 = arith.addi %mul3A_14, %add3A : i32
      "tpu.region"() ({
        %run_scoped3A = tpu.sem_alloc : memref<!tpu.dma_semaphore, #tpu.memory_space<semaphore_mem>>
        %dma_start3A_201 = arith.constant 0 : i32
        %dma_start3A_202 = tpu.memref_slice %arg4[%add3A_15, %dma_start3A_201] : memref<2560x125xi32, #tpu.memory_space<hbm>> -> memref<40x125xi32, #tpu.memory_space<hbm>>
        %dma_start3A_203 = arith.constant 0 : i32
        %dma_start3A_204 = tpu.memref_slice %arg4[%add3A_15, %dma_start3A_203] : memref<2560x125xi32, #tpu.memory_space<hbm>> -> memref<40x125xi32, #tpu.memory_space<hbm>>
        tpu.enqueue_dma source(%dma_start3A_204 : memref<40x125xi32, #tpu.memory_space<hbm>>) target(%arg8 : memref<40x125xi32, #tpu.memory_space<vmem>>) target_semaphore(%run_scoped3A : memref<!tpu.dma_semaphore, #tpu.memory_space<semaphore_mem>>)
        %dma_wait3A_205 = arith.constant 0 : i32
        %dma_wait3A_206 = tpu.memref_slice %arg4[%add3A_15, %dma_wait3A_205] : memref<2560x125xi32, #tpu.memory_space<hbm>> -> memref<40x125xi32, #tpu.memory_space<hbm>>
        %dma_wait3A_207 = arith.constant 0 : i32
        %dma_wait3A_208 = tpu.memref_slice %arg4[%add3A_15, %dma_wait3A_207] : memref<2560x125xi32, #tpu.memory_space<hbm>> -> memref<40x125xi32, #tpu.memory_space<hbm>>
        tpu.wait_dma2 semaphore(%run_scoped3A : memref<!tpu.dma_semaphore, #tpu.memory_space<semaphore_mem>>) src(%dma_wait3A_208 : memref<40x125xi32, #tpu.memory_space<hbm>>) dst(%arg8 : memref<40x125xi32, #tpu.memory_space<vmem>>)
        tpu.yield
      }) : () -> ()
      "tpu.region"() ({
        %run_scoped3A = tpu.sem_alloc : memref<!tpu.dma_semaphore, #tpu.memory_space<semaphore_mem>>
        %dma_start3A_201 = arith.constant 0 : i32
        %dma_start3A_202 = tpu.memref_slice %arg5[%add3A_15, %dma_start3A_201] : memref<2560x125xi32, #tpu.memory_space<hbm>> -> memref<40x125xi32, #tpu.memory_space<hbm>>
        %dma_start3A_203 = arith.constant 0 : i32
        %dma_start3A_204 = tpu.memref_slice %arg5[%add3A_15, %dma_start3A_203] : memref<2560x125xi32, #tpu.memory_space<hbm>> -> memref<40x125xi32, #tpu.memory_space<hbm>>
        tpu.enqueue_dma source(%dma_start3A_204 : memref<40x125xi32, #tpu.memory_space<hbm>>) target(%arg9 : memref<40x125xi32, #tpu.memory_space<vmem>>) target_semaphore(%run_scoped3A : memref<!tpu.dma_semaphore, #tpu.memory_space<semaphore_mem>>)
        %dma_wait3A_205 = arith.constant 0 : i32
        %dma_wait3A_206 = tpu.memref_slice %arg5[%add3A_15, %dma_wait3A_205] : memref<2560x125xi32, #tpu.memory_space<hbm>> -> memref<40x125xi32, #tpu.memory_space<hbm>>
        %dma_wait3A_207 = arith.constant 0 : i32
        %dma_wait3A_208 = tpu.memref_slice %arg5[%add3A_15, %dma_wait3A_207] : memref<2560x125xi32, #tpu.memory_space<hbm>> -> memref<40x125xi32, #tpu.memory_space<hbm>>
        tpu.wait_dma2 semaphore(%run_scoped3A : memref<!tpu.dma_semaphore, #tpu.memory_space<semaphore_mem>>) src(%dma_wait3A_208 : memref<40x125xi32, #tpu.memory_space<hbm>>) dst(%arg9 : memref<40x125xi32, #tpu.memory_space<vmem>>)
        tpu.yield
      }) : () -> ()
      %dma_start3A = arith.constant 0 : i32
      %dma_start3A_16 = arith.constant 0 : i32
      %dma_start3A_17 = arith.constant 0 : i32
      %dma_start3A_18 = arith.constant 0 : i32
      %dma_start3A_19 = tpu.memref_slice %arg10[%dma_start3A_16, %dma_start3A_17, %dma_start3A_18] : memref<2x125x128xf32, #tpu.memory_space<vmem>> -> memref<1x125x128xf32, #tpu.memory_space<vmem>>
      %dma_start3A_20 = tpu.memref_squeeze %dma_start3A_19 : memref<1x125x128xf32, #tpu.memory_space<vmem>> -> memref<125x128xf32, #tpu.memory_space<vmem>>
      %dma_start3A_21 = arith.constant 0 : i32
      %dma_start3A_22 = tpu.memref_slice %arg8[%dma_start3A, %dma_start3A_21] : memref<40x125xi32, #tpu.memory_space<vmem>> -> memref<1x125xi32, #tpu.memory_space<vmem>>
      %dma_start3A_23 = tpu.memref_squeeze %dma_start3A_22 : memref<1x125xi32, #tpu.memory_space<vmem>> -> memref<125xi32, #tpu.memory_space<vmem>>
      %dma_start3A_24 = arith.constant 0 : i32
      %dma_start3A_25 = arith.constant 0 : i32
      %dma_start3A_26 = tpu.memref_slice %arg3[%dma_start3A_24, %dma_start3A_25] : memref<10000x128xf32, #tpu.memory_space<hbm>> -> memref<10000x128xf32, #tpu.memory_space<hbm>>
      tpu.enqueue_indirect_dma source(%dma_start3A_26 : memref<10000x128xf32, #tpu.memory_space<hbm>>) target(%dma_start3A_20 : memref<125x128xf32, #tpu.memory_space<vmem>>) offsets(%dma_start3A_23 : memref<125xi32, #tpu.memory_space<vmem>>) semaphore(%arg12 : memref<!tpu.dma_semaphore, #tpu.memory_space<semaphore_mem>>)
      %scan3A = arith.constant 0 : i32
      %scan3A_27 = arith.constant 0 : i32
      %scan3A_28 = arith.constant 40 : i32
      %scan3A_29 = arith.addi %scan3A_27, %scan3A_28 : i32
      %scan3A_30 = arith.constant 1 : i32
      scf.for %scan3A_201 = %scan3A_27 to %scan3A_29 step %scan3A_30  : i32 {
        %jit3A = arith.constant 2 : i32
        %eq3A_202 = arith.constant 0 : i32
        %eq3A_203 = arith.cmpi eq, %jit3A, %eq3A_202 : i32
        %jit3A_204 = arith.constant 1 : i32
        %select_n3A = arith.select %eq3A_203, %jit3A_204, %jit3A : i32
        %rem3A = arith.remsi %scan3A_201, %select_n3A : i32
        %ne3A = arith.constant 0 : i32
        %ne3A_205 = arith.cmpi ne, %rem3A, %ne3A : i32
        %lt3A = arith.constant 0 : i32
        %lt3A_206 = arith.cmpi slt, %rem3A, %lt3A : i32
        %lt3A_207 = arith.constant 0 : i32
        %lt3A_208 = arith.cmpi slt, %select_n3A, %lt3A_207 : i32
        %ne3A_209 = arith.xori %lt3A_206, %lt3A_208 : i1
        %and3A = arith.andi %ne3A_209, %ne3A_205 : i1
        %add3A_210 = arith.addi %rem3A, %select_n3A : i32
        %select_n3A_211 = arith.select %and3A, %add3A_210, %rem3A : i32
        %dma_wait3A_212 = arith.constant 0 : i32
        %dma_wait3A_213 = arith.constant 0 : i32
        %dma_wait3A_214 = tpu.memref_slice %arg10[%select_n3A_211, %dma_wait3A_212, %dma_wait3A_213] : memref<2x125x128xf32, #tpu.memory_space<vmem>> -> memref<1x125x128xf32, #tpu.memory_space<vmem>>
        %dma_wait3A_215 = tpu.memref_squeeze %dma_wait3A_214 : memref<1x125x128xf32, #tpu.memory_space<vmem>> -> memref<125x128xf32, #tpu.memory_space<vmem>>
        %dma_wait3A_216 = arith.constant 0 : i32
        %dma_wait3A_217 = tpu.memref_slice %arg8[%scan3A_201, %dma_wait3A_216] : memref<40x125xi32, #tpu.memory_space<vmem>> -> memref<1x125xi32, #tpu.memory_space<vmem>>
        %dma_wait3A_218 = tpu.memref_squeeze %dma_wait3A_217 : memref<1x125xi32, #tpu.memory_space<vmem>> -> memref<125xi32, #tpu.memory_space<vmem>>
        %dma_wait3A_219 = arith.constant 0 : i32
        %dma_wait3A_220 = arith.constant 0 : i32
        %dma_wait3A_221 = tpu.memref_slice %arg3[%dma_wait3A_219, %dma_wait3A_220] : memref<10000x128xf32, #tpu.memory_space<hbm>> -> memref<10000x128xf32, #tpu.memory_space<hbm>>
        tpu.wait_indirect_dma semaphore(%arg12 : memref<!tpu.dma_semaphore, #tpu.memory_space<semaphore_mem>>) src(%dma_wait3A_221 : memref<10000x128xf32, #tpu.memory_space<hbm>>) dst(%dma_wait3A_215 : memref<125x128xf32, #tpu.memory_space<vmem>>)
        %jit3A_222 = arith.constant 2 : i32
        %eq3A_223 = arith.constant 0 : i32
        %eq3A_224 = arith.cmpi eq, %jit3A_222, %eq3A_223 : i32
        %jit3A_225 = arith.constant 1 : i32
        %select_n3A_226 = arith.select %eq3A_224, %jit3A_225, %jit3A_222 : i32
        %rem3A_227 = arith.remsi %scan3A_201, %select_n3A_226 : i32
        %ne3A_228 = arith.constant 0 : i32
        %ne3A_229 = arith.cmpi ne, %rem3A_227, %ne3A_228 : i32
        %lt3A_230 = arith.constant 0 : i32
        %lt3A_231 = arith.cmpi slt, %rem3A_227, %lt3A_230 : i32
        %lt3A_232 = arith.constant 0 : i32
        %lt3A_233 = arith.cmpi slt, %select_n3A_226, %lt3A_232 : i32
        %ne3A_234 = arith.xori %lt3A_231, %lt3A_233 : i1
        %and3A_235 = arith.andi %ne3A_234, %ne3A_229 : i1
        %add3A_236 = arith.addi %rem3A_227, %select_n3A_226 : i32
        %select_n3A_237 = arith.select %and3A_235, %add3A_236, %rem3A_227 : i32
        %dma_start3A_238 = arith.constant 0 : i32
        %dma_start3A_239 = arith.constant 0 : i32
        %dma_start3A_240 = tpu.memref_slice %arg10[%select_n3A_237, %dma_start3A_238, %dma_start3A_239] : memref<2x125x128xf32, #tpu.memory_space<vmem>> -> memref<1x125x128xf32, #tpu.memory_space<vmem>>
        %dma_start3A_241 = tpu.memref_squeeze %dma_start3A_240 : memref<1x125x128xf32, #tpu.memory_space<vmem>> -> memref<125x128xf32, #tpu.memory_space<vmem>>
        %dma_start3A_242 = arith.constant 0 : i32
        %dma_start3A_243 = tpu.memref_slice %arg9[%scan3A_201, %dma_start3A_242] : memref<40x125xi32, #tpu.memory_space<vmem>> -> memref<1x125xi32, #tpu.memory_space<vmem>>
        %dma_start3A_244 = tpu.memref_squeeze %dma_start3A_243 : memref<1x125xi32, #tpu.memory_space<vmem>> -> memref<125xi32, #tpu.memory_space<vmem>>
        %dma_start3A_245 = arith.constant 0 : i32
        %dma_start3A_246 = arith.constant 0 : i32
        %dma_start3A_247 = tpu.memref_slice %arg11[%dma_start3A_245, %dma_start3A_246] : memref<10000x128xf32, #tpu.memory_space<vmem_shared>> -> memref<10000x128xf32, #tpu.memory_space<vmem_shared>>
        tpu.enqueue_indirect_dma source(%dma_start3A_241 : memref<125x128xf32, #tpu.memory_space<vmem>>) target(%dma_start3A_247 : memref<10000x128xf32, #tpu.memory_space<vmem_shared>>) offsets(%dma_start3A_244 : memref<125xi32, #tpu.memory_space<vmem>>) semaphore(%arg13 : memref<!tpu.dma_semaphore, #tpu.memory_space<semaphore_mem>>) {add = true}
        %add3A_248 = arith.constant 1 : i32
        %add3A_249 = arith.addi %scan3A_201, %add3A_248 : i32
        %lt3A_250 = arith.constant 40 : i32
        %lt3A_251 = arith.cmpi slt, %add3A_249, %lt3A_250 : i32
        %convert_element_type3A_252 = arith.extui %lt3A_251 : i1 to i32
        %cond3A_253 = arith.constant 0 : i32
        %cond3A_254 = arith.cmpi ne, %convert_element_type3A_252, %cond3A_253 : i32
        scf.if %cond3A_254 {
          %gt3A = arith.constant 0 : i32
          %gt3A_255 = arith.cmpi sgt, %scan3A_201, %gt3A : i32
          %convert_element_type3A_256 = arith.extui %gt3A_255 : i1 to i32
          %cond3A_257 = arith.constant 0 : i32
          %cond3A_258 = arith.cmpi ne, %convert_element_type3A_256, %cond3A_257 : i32
          scf.if %cond3A_258 {
            %add3A_289 = arith.constant 1 : i32
            %add3A_290 = arith.addi %scan3A_201, %add3A_289 : i32
            %jit3A_291 = arith.constant 2 : i32
            %eq3A_292 = arith.constant 0 : i32
            %eq3A_293 = arith.cmpi eq, %jit3A_291, %eq3A_292 : i32
            %jit3A_294 = arith.constant 1 : i32
            %select_n3A_295 = arith.select %eq3A_293, %jit3A_294, %jit3A_291 : i32
            %rem3A_296 = arith.remsi %add3A_290, %select_n3A_295 : i32
            %ne3A_297 = arith.constant 0 : i32
            %ne3A_298 = arith.cmpi ne, %rem3A_296, %ne3A_297 : i32
            %lt3A_299 = arith.constant 0 : i32
            %lt3A_300 = arith.cmpi slt, %rem3A_296, %lt3A_299 : i32
            %lt3A_301 = arith.constant 0 : i32
            %lt3A_302 = arith.cmpi slt, %select_n3A_295, %lt3A_301 : i32
            %ne3A_303 = arith.xori %lt3A_300, %lt3A_302 : i1
            %and3A_304 = arith.andi %ne3A_303, %ne3A_298 : i1
            %add3A_305 = arith.addi %rem3A_296, %select_n3A_295 : i32
            %select_n3A_306 = arith.select %and3A_304, %add3A_305, %rem3A_296 : i32
            %dma_wait3A_307 = arith.constant 0 : i32
            %dma_wait3A_308 = arith.constant 0 : i32
            %dma_wait3A_309 = tpu.memref_slice %arg10[%select_n3A_306, %dma_wait3A_307, %dma_wait3A_308] : memref<2x125x128xf32, #tpu.memory_space<vmem>> -> memref<1x125x128xf32, #tpu.memory_space<vmem>>
            %dma_wait3A_310 = tpu.memref_squeeze %dma_wait3A_309 : memref<1x125x128xf32, #tpu.memory_space<vmem>> -> memref<125x128xf32, #tpu.memory_space<vmem>>
            %dma_wait3A_311 = arith.constant 0 : i32
            %dma_wait3A_312 = tpu.memref_slice %arg9[%scan3A_201, %dma_wait3A_311] : memref<40x125xi32, #tpu.memory_space<vmem>> -> memref<1x125xi32, #tpu.memory_space<vmem>>
            %dma_wait3A_313 = tpu.memref_squeeze %dma_wait3A_312 : memref<1x125xi32, #tpu.memory_space<vmem>> -> memref<125xi32, #tpu.memory_space<vmem>>
            %dma_wait3A_314 = arith.constant 0 : i32
            %dma_wait3A_315 = arith.constant 0 : i32
            %dma_wait3A_316 = tpu.memref_slice %arg11[%dma_wait3A_314, %dma_wait3A_315] : memref<10000x128xf32, #tpu.memory_space<vmem_shared>> -> memref<10000x128xf32, #tpu.memory_space<vmem_shared>>
            tpu.wait_indirect_dma semaphore(%arg13 : memref<!tpu.dma_semaphore, #tpu.memory_space<semaphore_mem>>) src(%dma_wait3A_310 : memref<125x128xf32, #tpu.memory_space<vmem>>) dst(%dma_wait3A_316 : memref<10000x128xf32, #tpu.memory_space<vmem_shared>>)
          } else {
          }
          %add3A_259 = arith.constant 1 : i32
          %add3A_260 = arith.addi %scan3A_201, %add3A_259 : i32
          %add3A_261 = arith.constant 1 : i32
          %add3A_262 = arith.addi %scan3A_201, %add3A_261 : i32
          %jit3A_263 = arith.constant 2 : i32
          %eq3A_264 = arith.constant 0 : i32
          %eq3A_265 = arith.cmpi eq, %jit3A_263, %eq3A_264 : i32
          %jit3A_266 = arith.constant 1 : i32
          %select_n3A_267 = arith.select %eq3A_265, %jit3A_266, %jit3A_263 : i32
          %rem3A_268 = arith.remsi %add3A_262, %select_n3A_267 : i32
          %ne3A_269 = arith.constant 0 : i32
          %ne3A_270 = arith.cmpi ne, %rem3A_268, %ne3A_269 : i32
          %lt3A_271 = arith.constant 0 : i32
          %lt3A_272 = arith.cmpi slt, %rem3A_268, %lt3A_271 : i32
          %lt3A_273 = arith.constant 0 : i32
          %lt3A_274 = arith.cmpi slt, %select_n3A_267, %lt3A_273 : i32
          %ne3A_275 = arith.xori %lt3A_272, %lt3A_274 : i1
          %and3A_276 = arith.andi %ne3A_275, %ne3A_270 : i1
          %add3A_277 = arith.addi %rem3A_268, %select_n3A_267 : i32
          %select_n3A_278 = arith.select %and3A_276, %add3A_277, %rem3A_268 : i32
          %dma_start3A_279 = arith.constant 0 : i32
          %dma_start3A_280 = arith.constant 0 : i32
          %dma_start3A_281 = tpu.memref_slice %arg10[%select_n3A_278, %dma_start3A_279, %dma_start3A_280] : memref<2x125x128xf32, #tpu.memory_space<vmem>> -> memref<1x125x128xf32, #tpu.memory_space<vmem>>
          %dma_start3A_282 = tpu.memref_squeeze %dma_start3A_281 : memref<1x125x128xf32, #tpu.memory_space<vmem>> -> memref<125x128xf32, #tpu.memory_space<vmem>>
          %dma_start3A_283 = arith.constant 0 : i32
          %dma_start3A_284 = tpu.memref_slice %arg8[%add3A_260, %dma_start3A_283] : memref<40x125xi32, #tpu.memory_space<vmem>> -> memref<1x125xi32, #tpu.memory_space<vmem>>
          %dma_start3A_285 = tpu.memref_squeeze %dma_start3A_284 : memref<1x125xi32, #tpu.memory_space<vmem>> -> memref<125xi32, #tpu.memory_space<vmem>>
          %dma_start3A_286 = arith.constant 0 : i32
          %dma_start3A_287 = arith.constant 0 : i32
          %dma_start3A_288 = tpu.memref_slice %arg3[%dma_start3A_286, %dma_start3A_287] : memref<10000x128xf32, #tpu.memory_space<hbm>> -> memref<10000x128xf32, #tpu.memory_space<hbm>>
          tpu.enqueue_indirect_dma source(%dma_start3A_288 : memref<10000x128xf32, #tpu.memory_space<hbm>>) target(%dma_start3A_282 : memref<125x128xf32, #tpu.memory_space<vmem>>) offsets(%dma_start3A_285 : memref<125xi32, #tpu.memory_space<vmem>>) semaphore(%arg12 : memref<!tpu.dma_semaphore, #tpu.memory_space<semaphore_mem>>)
        } else {
        }
      }
      %scan3A_31 = arith.constant 40 : i32
      %dma_wait3A = arith.constant 0 : i32
      %dma_wait3A_32 = arith.constant 0 : i32
      %dma_wait3A_33 = arith.constant 0 : i32
      %dma_wait3A_34 = arith.constant 0 : i32
      %dma_wait3A_35 = tpu.memref_slice %arg10[%dma_wait3A, %dma_wait3A_33, %dma_wait3A_34] : memref<2x125x128xf32, #tpu.memory_space<vmem>> -> memref<1x125x128xf32, #tpu.memory_space<vmem>>
      %dma_wait3A_36 = tpu.memref_squeeze %dma_wait3A_35 : memref<1x125x128xf32, #tpu.memory_space<vmem>> -> memref<125x128xf32, #tpu.memory_space<vmem>>
      %dma_wait3A_37 = arith.constant 0 : i32
      %dma_wait3A_38 = tpu.memref_slice %arg9[%dma_wait3A_32, %dma_wait3A_37] : memref<40x125xi32, #tpu.memory_space<vmem>> -> memref<1x125xi32, #tpu.memory_space<vmem>>
      %dma_wait3A_39 = tpu.memref_squeeze %dma_wait3A_38 : memref<1x125xi32, #tpu.memory_space<vmem>> -> memref<125xi32, #tpu.memory_space<vmem>>
      %dma_wait3A_40 = arith.constant 0 : i32
      %dma_wait3A_41 = arith.constant 0 : i32
      %dma_wait3A_42 = tpu.memref_slice %arg11[%dma_wait3A_40, %dma_wait3A_41] : memref<10000x128xf32, #tpu.memory_space<vmem_shared>> -> memref<10000x128xf32, #tpu.memory_space<vmem_shared>>
      tpu.wait_indirect_dma semaphore(%arg13 : memref<!tpu.dma_semaphore, #tpu.memory_space<semaphore_mem>>) src(%dma_wait3A_36 : memref<125x128xf32, #tpu.memory_space<vmem>>) dst(%dma_wait3A_42 : memref<10000x128xf32, #tpu.memory_space<vmem_shared>>)
      %dma_wait3A_43 = arith.constant 1 : i32
      %dma_wait3A_44 = arith.constant 0 : i32
      %dma_wait3A_45 = arith.constant 0 : i32
      %dma_wait3A_46 = arith.constant 0 : i32
      %dma_wait3A_47 = tpu.memref_slice %arg10[%dma_wait3A_43, %dma_wait3A_45, %dma_wait3A_46] : memref<2x125x128xf32, #tpu.memory_space<vmem>> -> memref<1x125x128xf32, #tpu.memory_space<vmem>>
      %dma_wait3A_48 = tpu.memref_squeeze %dma_wait3A_47 : memref<1x125x128xf32, #tpu.memory_space<vmem>> -> memref<125x128xf32, #tpu.memory_space<vmem>>
      %dma_wait3A_49 = arith.constant 0 : i32
      %dma_wait3A_50 = tpu.memref_slice %arg9[%dma_wait3A_44, %dma_wait3A_49] : memref<40x125xi32, #tpu.memory_space<vmem>> -> memref<1x125xi32, #tpu.memory_space<vmem>>
      %dma_wait3A_51 = tpu.memref_squeeze %dma_wait3A_50 : memref<1x125xi32, #tpu.memory_space<vmem>> -> memref<125xi32, #tpu.memory_space<vmem>>
      %dma_wait3A_52 = arith.constant 0 : i32
      %dma_wait3A_53 = arith.constant 0 : i32
      %dma_wait3A_54 = tpu.memref_slice %arg11[%dma_wait3A_52, %dma_wait3A_53] : memref<10000x128xf32, #tpu.memory_space<vmem_shared>> -> memref<10000x128xf32, #tpu.memory_space<vmem_shared>>
      tpu.wait_indirect_dma semaphore(%arg13 : memref<!tpu.dma_semaphore, #tpu.memory_space<semaphore_mem>>) src(%dma_wait3A_48 : memref<125x128xf32, #tpu.memory_space<vmem>>) dst(%dma_wait3A_54 : memref<10000x128xf32, #tpu.memory_space<vmem_shared>>)
      %mul3A_55 = arith.constant 160 : i32
      %mul3A_56 = arith.muli %arg1, %mul3A_55 : i32
      %add3A_57 = arith.constant 40 : i32
      %add3A_58 = arith.addi %mul3A_56, %add3A_57 : i32
      "tpu.region"() ({
        %run_scoped3A = tpu.sem_alloc : memref<!tpu.dma_semaphore, #tpu.memory_space<semaphore_mem>>
        %dma_start3A_201 = arith.constant 0 : i32
        %dma_start3A_202 = tpu.memref_slice %arg4[%add3A_58, %dma_start3A_201] : memref<2560x125xi32, #tpu.memory_space<hbm>> -> memref<40x125xi32, #tpu.memory_space<hbm>>
        %dma_start3A_203 = arith.constant 0 : i32
        %dma_start3A_204 = tpu.memref_slice %arg4[%add3A_58, %dma_start3A_203] : memref<2560x125xi32, #tpu.memory_space<hbm>> -> memref<40x125xi32, #tpu.memory_space<hbm>>
        tpu.enqueue_dma source(%dma_start3A_204 : memref<40x125xi32, #tpu.memory_space<hbm>>) target(%arg8 : memref<40x125xi32, #tpu.memory_space<vmem>>) target_semaphore(%run_scoped3A : memref<!tpu.dma_semaphore, #tpu.memory_space<semaphore_mem>>)
        %dma_wait3A_205 = arith.constant 0 : i32
        %dma_wait3A_206 = tpu.memref_slice %arg4[%add3A_58, %dma_wait3A_205] : memref<2560x125xi32, #tpu.memory_space<hbm>> -> memref<40x125xi32, #tpu.memory_space<hbm>>
        %dma_wait3A_207 = arith.constant 0 : i32
        %dma_wait3A_208 = tpu.memref_slice %arg4[%add3A_58, %dma_wait3A_207] : memref<2560x125xi32, #tpu.memory_space<hbm>> -> memref<40x125xi32, #tpu.memory_space<hbm>>
        tpu.wait_dma2 semaphore(%run_scoped3A : memref<!tpu.dma_semaphore, #tpu.memory_space<semaphore_mem>>) src(%dma_wait3A_208 : memref<40x125xi32, #tpu.memory_space<hbm>>) dst(%arg8 : memref<40x125xi32, #tpu.memory_space<vmem>>)
        tpu.yield
      }) : () -> ()
      "tpu.region"() ({
        %run_scoped3A = tpu.sem_alloc : memref<!tpu.dma_semaphore, #tpu.memory_space<semaphore_mem>>
        %dma_start3A_201 = arith.constant 0 : i32
        %dma_start3A_202 = tpu.memref_slice %arg5[%add3A_58, %dma_start3A_201] : memref<2560x125xi32, #tpu.memory_space<hbm>> -> memref<40x125xi32, #tpu.memory_space<hbm>>
        %dma_start3A_203 = arith.constant 0 : i32
        %dma_start3A_204 = tpu.memref_slice %arg5[%add3A_58, %dma_start3A_203] : memref<2560x125xi32, #tpu.memory_space<hbm>> -> memref<40x125xi32, #tpu.memory_space<hbm>>
        tpu.enqueue_dma source(%dma_start3A_204 : memref<40x125xi32, #tpu.memory_space<hbm>>) target(%arg9 : memref<40x125xi32, #tpu.memory_space<vmem>>) target_semaphore(%run_scoped3A : memref<!tpu.dma_semaphore, #tpu.memory_space<semaphore_mem>>)
        %dma_wait3A_205 = arith.constant 0 : i32
        %dma_wait3A_206 = tpu.memref_slice %arg5[%add3A_58, %dma_wait3A_205] : memref<2560x125xi32, #tpu.memory_space<hbm>> -> memref<40x125xi32, #tpu.memory_space<hbm>>
        %dma_wait3A_207 = arith.constant 0 : i32
        %dma_wait3A_208 = tpu.memref_slice %arg5[%add3A_58, %dma_wait3A_207] : memref<2560x125xi32, #tpu.memory_space<hbm>> -> memref<40x125xi32, #tpu.memory_space<hbm>>
        tpu.wait_dma2 semaphore(%run_scoped3A : memref<!tpu.dma_semaphore, #tpu.memory_space<semaphore_mem>>) src(%dma_wait3A_208 : memref<40x125xi32, #tpu.memory_space<hbm>>) dst(%arg9 : memref<40x125xi32, #tpu.memory_space<vmem>>)
        tpu.yield
      }) : () -> ()
      %dma_start3A_59 = arith.constant 0 : i32
      %dma_start3A_60 = arith.constant 0 : i32
      %dma_start3A_61 = arith.constant 0 : i32
      %dma_start3A_62 = arith.constant 0 : i32
      %dma_start3A_63 = tpu.memref_slice %arg10[%dma_start3A_60, %dma_start3A_61, %dma_start3A_62] : memref<2x125x128xf32, #tpu.memory_space<vmem>> -> memref<1x125x128xf32, #tpu.memory_space<vmem>>
      %dma_start3A_64 = tpu.memref_squeeze %dma_start3A_63 : memref<1x125x128xf32, #tpu.memory_space<vmem>> -> memref<125x128xf32, #tpu.memory_space<vmem>>
      %dma_start3A_65 = arith.constant 0 : i32
      %dma_start3A_66 = tpu.memref_slice %arg8[%dma_start3A_59, %dma_start3A_65] : memref<40x125xi32, #tpu.memory_space<vmem>> -> memref<1x125xi32, #tpu.memory_space<vmem>>
      %dma_start3A_67 = tpu.memref_squeeze %dma_start3A_66 : memref<1x125xi32, #tpu.memory_space<vmem>> -> memref<125xi32, #tpu.memory_space<vmem>>
      %dma_start3A_68 = arith.constant 0 : i32
      %dma_start3A_69 = arith.constant 0 : i32
      %dma_start3A_70 = tpu.memref_slice %arg3[%dma_start3A_68, %dma_start3A_69] : memref<10000x128xf32, #tpu.memory_space<hbm>> -> memref<10000x128xf32, #tpu.memory_space<hbm>>
      tpu.enqueue_indirect_dma source(%dma_start3A_70 : memref<10000x128xf32, #tpu.memory_space<hbm>>) target(%dma_start3A_64 : memref<125x128xf32, #tpu.memory_space<vmem>>) offsets(%dma_start3A_67 : memref<125xi32, #tpu.memory_space<vmem>>) semaphore(%arg12 : memref<!tpu.dma_semaphore, #tpu.memory_space<semaphore_mem>>)
      %scan3A_71 = arith.constant 0 : i32
      %scan3A_72 = arith.constant 0 : i32
      %scan3A_73 = arith.constant 40 : i32
      %scan3A_74 = arith.addi %scan3A_72, %scan3A_73 : i32
      %scan3A_75 = arith.constant 1 : i32
      scf.for %scan3A_201 = %scan3A_72 to %scan3A_74 step %scan3A_75  : i32 {
        %jit3A = arith.constant 2 : i32
        %eq3A_202 = arith.constant 0 : i32
        %eq3A_203 = arith.cmpi eq, %jit3A, %eq3A_202 : i32
        %jit3A_204 = arith.constant 1 : i32
        %select_n3A = arith.select %eq3A_203, %jit3A_204, %jit3A : i32
        %rem3A = arith.remsi %scan3A_201, %select_n3A : i32
        %ne3A = arith.constant 0 : i32
        %ne3A_205 = arith.cmpi ne, %rem3A, %ne3A : i32
        %lt3A = arith.constant 0 : i32
        %lt3A_206 = arith.cmpi slt, %rem3A, %lt3A : i32
        %lt3A_207 = arith.constant 0 : i32
        %lt3A_208 = arith.cmpi slt, %select_n3A, %lt3A_207 : i32
        %ne3A_209 = arith.xori %lt3A_206, %lt3A_208 : i1
        %and3A = arith.andi %ne3A_209, %ne3A_205 : i1
        %add3A_210 = arith.addi %rem3A, %select_n3A : i32
        %select_n3A_211 = arith.select %and3A, %add3A_210, %rem3A : i32
        %dma_wait3A_212 = arith.constant 0 : i32
        %dma_wait3A_213 = arith.constant 0 : i32
        %dma_wait3A_214 = tpu.memref_slice %arg10[%select_n3A_211, %dma_wait3A_212, %dma_wait3A_213] : memref<2x125x128xf32, #tpu.memory_space<vmem>> -> memref<1x125x128xf32, #tpu.memory_space<vmem>>
        %dma_wait3A_215 = tpu.memref_squeeze %dma_wait3A_214 : memref<1x125x128xf32, #tpu.memory_space<vmem>> -> memref<125x128xf32, #tpu.memory_space<vmem>>
        %dma_wait3A_216 = arith.constant 0 : i32
        %dma_wait3A_217 = tpu.memref_slice %arg8[%scan3A_201, %dma_wait3A_216] : memref<40x125xi32, #tpu.memory_space<vmem>> -> memref<1x125xi32, #tpu.memory_space<vmem>>
        %dma_wait3A_218 = tpu.memref_squeeze %dma_wait3A_217 : memref<1x125xi32, #tpu.memory_space<vmem>> -> memref<125xi32, #tpu.memory_space<vmem>>
        %dma_wait3A_219 = arith.constant 0 : i32
        %dma_wait3A_220 = arith.constant 0 : i32
        %dma_wait3A_221 = tpu.memref_slice %arg3[%dma_wait3A_219, %dma_wait3A_220] : memref<10000x128xf32, #tpu.memory_space<hbm>> -> memref<10000x128xf32, #tpu.memory_space<hbm>>
        tpu.wait_indirect_dma semaphore(%arg12 : memref<!tpu.dma_semaphore, #tpu.memory_space<semaphore_mem>>) src(%dma_wait3A_221 : memref<10000x128xf32, #tpu.memory_space<hbm>>) dst(%dma_wait3A_215 : memref<125x128xf32, #tpu.memory_space<vmem>>)
        %jit3A_222 = arith.constant 2 : i32
        %eq3A_223 = arith.constant 0 : i32
        %eq3A_224 = arith.cmpi eq, %jit3A_222, %eq3A_223 : i32
        %jit3A_225 = arith.constant 1 : i32
        %select_n3A_226 = arith.select %eq3A_224, %jit3A_225, %jit3A_222 : i32
        %rem3A_227 = arith.remsi %scan3A_201, %select_n3A_226 : i32
        %ne3A_228 = arith.constant 0 : i32
        %ne3A_229 = arith.cmpi ne, %rem3A_227, %ne3A_228 : i32
        %lt3A_230 = arith.constant 0 : i32
        %lt3A_231 = arith.cmpi slt, %rem3A_227, %lt3A_230 : i32
        %lt3A_232 = arith.constant 0 : i32
        %lt3A_233 = arith.cmpi slt, %select_n3A_226, %lt3A_232 : i32
        %ne3A_234 = arith.xori %lt3A_231, %lt3A_233 : i1
        %and3A_235 = arith.andi %ne3A_234, %ne3A_229 : i1
        %add3A_236 = arith.addi %rem3A_227, %select_n3A_226 : i32
        %select_n3A_237 = arith.select %and3A_235, %add3A_236, %rem3A_227 : i32
        %dma_start3A_238 = arith.constant 0 : i32
        %dma_start3A_239 = arith.constant 0 : i32
        %dma_start3A_240 = tpu.memref_slice %arg10[%select_n3A_237, %dma_start3A_238, %dma_start3A_239] : memref<2x125x128xf32, #tpu.memory_space<vmem>> -> memref<1x125x128xf32, #tpu.memory_space<vmem>>
        %dma_start3A_241 = tpu.memref_squeeze %dma_start3A_240 : memref<1x125x128xf32, #tpu.memory_space<vmem>> -> memref<125x128xf32, #tpu.memory_space<vmem>>
        %dma_start3A_242 = arith.constant 0 : i32
        %dma_start3A_243 = tpu.memref_slice %arg9[%scan3A_201, %dma_start3A_242] : memref<40x125xi32, #tpu.memory_space<vmem>> -> memref<1x125xi32, #tpu.memory_space<vmem>>
        %dma_start3A_244 = tpu.memref_squeeze %dma_start3A_243 : memref<1x125xi32, #tpu.memory_space<vmem>> -> memref<125xi32, #tpu.memory_space<vmem>>
        %dma_start3A_245 = arith.constant 0 : i32
        %dma_start3A_246 = arith.constant 0 : i32
        %dma_start3A_247 = tpu.memref_slice %arg11[%dma_start3A_245, %dma_start3A_246] : memref<10000x128xf32, #tpu.memory_space<vmem_shared>> -> memref<10000x128xf32, #tpu.memory_space<vmem_shared>>
        tpu.enqueue_indirect_dma source(%dma_start3A_241 : memref<125x128xf32, #tpu.memory_space<vmem>>) target(%dma_start3A_247 : memref<10000x128xf32, #tpu.memory_space<vmem_shared>>) offsets(%dma_start3A_244 : memref<125xi32, #tpu.memory_space<vmem>>) semaphore(%arg13 : memref<!tpu.dma_semaphore, #tpu.memory_space<semaphore_mem>>) {add = true}
        %add3A_248 = arith.constant 1 : i32
        %add3A_249 = arith.addi %scan3A_201, %add3A_248 : i32
        %lt3A_250 = arith.constant 40 : i32
        %lt3A_251 = arith.cmpi slt, %add3A_249, %lt3A_250 : i32
        %convert_element_type3A_252 = arith.extui %lt3A_251 : i1 to i32
        %cond3A_253 = arith.constant 0 : i32
        %cond3A_254 = arith.cmpi ne, %convert_element_type3A_252, %cond3A_253 : i32
        scf.if %cond3A_254 {
          %gt3A = arith.constant 0 : i32
          %gt3A_255 = arith.cmpi sgt, %scan3A_201, %gt3A : i32
          %convert_element_type3A_256 = arith.extui %gt3A_255 : i1 to i32
          %cond3A_257 = arith.constant 0 : i32
          %cond3A_258 = arith.cmpi ne, %convert_element_type3A_256, %cond3A_257 : i32
          scf.if %cond3A_258 {
            %add3A_289 = arith.constant 1 : i32
            %add3A_290 = arith.addi %scan3A_201, %add3A_289 : i32
            %jit3A_291 = arith.constant 2 : i32
            %eq3A_292 = arith.constant 0 : i32
            %eq3A_293 = arith.cmpi eq, %jit3A_291, %eq3A_292 : i32
            %jit3A_294 = arith.constant 1 : i32
            %select_n3A_295 = arith.select %eq3A_293, %jit3A_294, %jit3A_291 : i32
            %rem3A_296 = arith.remsi %add3A_290, %select_n3A_295 : i32
            %ne3A_297 = arith.constant 0 : i32
            %ne3A_298 = arith.cmpi ne, %rem3A_296, %ne3A_297 : i32
            %lt3A_299 = arith.constant 0 : i32
            %lt3A_300 = arith.cmpi slt, %rem3A_296, %lt3A_299 : i32
            %lt3A_301 = arith.constant 0 : i32
            %lt3A_302 = arith.cmpi slt, %select_n3A_295, %lt3A_301 : i32
            %ne3A_303 = arith.xori %lt3A_300, %lt3A_302 : i1
            %and3A_304 = arith.andi %ne3A_303, %ne3A_298 : i1
            %add3A_305 = arith.addi %rem3A_296, %select_n3A_295 : i32
            %select_n3A_306 = arith.select %and3A_304, %add3A_305, %rem3A_296 : i32
            %dma_wait3A_307 = arith.constant 0 : i32
            %dma_wait3A_308 = arith.constant 0 : i32
            %dma_wait3A_309 = tpu.memref_slice %arg10[%select_n3A_306, %dma_wait3A_307, %dma_wait3A_308] : memref<2x125x128xf32, #tpu.memory_space<vmem>> -> memref<1x125x128xf32, #tpu.memory_space<vmem>>
            %dma_wait3A_310 = tpu.memref_squeeze %dma_wait3A_309 : memref<1x125x128xf32, #tpu.memory_space<vmem>> -> memref<125x128xf32, #tpu.memory_space<vmem>>
            %dma_wait3A_311 = arith.constant 0 : i32
            %dma_wait3A_312 = tpu.memref_slice %arg9[%scan3A_201, %dma_wait3A_311] : memref<40x125xi32, #tpu.memory_space<vmem>> -> memref<1x125xi32, #tpu.memory_space<vmem>>
            %dma_wait3A_313 = tpu.memref_squeeze %dma_wait3A_312 : memref<1x125xi32, #tpu.memory_space<vmem>> -> memref<125xi32, #tpu.memory_space<vmem>>
            %dma_wait3A_314 = arith.constant 0 : i32
            %dma_wait3A_315 = arith.constant 0 : i32
            %dma_wait3A_316 = tpu.memref_slice %arg11[%dma_wait3A_314, %dma_wait3A_315] : memref<10000x128xf32, #tpu.memory_space<vmem_shared>> -> memref<10000x128xf32, #tpu.memory_space<vmem_shared>>
            tpu.wait_indirect_dma semaphore(%arg13 : memref<!tpu.dma_semaphore, #tpu.memory_space<semaphore_mem>>) src(%dma_wait3A_310 : memref<125x128xf32, #tpu.memory_space<vmem>>) dst(%dma_wait3A_316 : memref<10000x128xf32, #tpu.memory_space<vmem_shared>>)
          } else {
          }
          %add3A_259 = arith.constant 1 : i32
          %add3A_260 = arith.addi %scan3A_201, %add3A_259 : i32
          %add3A_261 = arith.constant 1 : i32
          %add3A_262 = arith.addi %scan3A_201, %add3A_261 : i32
          %jit3A_263 = arith.constant 2 : i32
          %eq3A_264 = arith.constant 0 : i32
          %eq3A_265 = arith.cmpi eq, %jit3A_263, %eq3A_264 : i32
          %jit3A_266 = arith.constant 1 : i32
          %select_n3A_267 = arith.select %eq3A_265, %jit3A_266, %jit3A_263 : i32
          %rem3A_268 = arith.remsi %add3A_262, %select_n3A_267 : i32
          %ne3A_269 = arith.constant 0 : i32
          %ne3A_270 = arith.cmpi ne, %rem3A_268, %ne3A_269 : i32
          %lt3A_271 = arith.constant 0 : i32
          %lt3A_272 = arith.cmpi slt, %rem3A_268, %lt3A_271 : i32
          %lt3A_273 = arith.constant 0 : i32
          %lt3A_274 = arith.cmpi slt, %select_n3A_267, %lt3A_273 : i32
          %ne3A_275 = arith.xori %lt3A_272, %lt3A_274 : i1
          %and3A_276 = arith.andi %ne3A_275, %ne3A_270 : i1
          %add3A_277 = arith.addi %rem3A_268, %select_n3A_267 : i32
          %select_n3A_278 = arith.select %and3A_276, %add3A_277, %rem3A_268 : i32
          %dma_start3A_279 = arith.constant 0 : i32
          %dma_start3A_280 = arith.constant 0 : i32
          %dma_start3A_281 = tpu.memref_slice %arg10[%select_n3A_278, %dma_start3A_279, %dma_start3A_280] : memref<2x125x128xf32, #tpu.memory_space<vmem>> -> memref<1x125x128xf32, #tpu.memory_space<vmem>>
          %dma_start3A_282 = tpu.memref_squeeze %dma_start3A_281 : memref<1x125x128xf32, #tpu.memory_space<vmem>> -> memref<125x128xf32, #tpu.memory_space<vmem>>
          %dma_start3A_283 = arith.constant 0 : i32
          %dma_start3A_284 = tpu.memref_slice %arg8[%add3A_260, %dma_start3A_283] : memref<40x125xi32, #tpu.memory_space<vmem>> -> memref<1x125xi32, #tpu.memory_space<vmem>>
          %dma_start3A_285 = tpu.memref_squeeze %dma_start3A_284 : memref<1x125xi32, #tpu.memory_space<vmem>> -> memref<125xi32, #tpu.memory_space<vmem>>
          %dma_start3A_286 = arith.constant 0 : i32
          %dma_start3A_287 = arith.constant 0 : i32
          %dma_start3A_288 = tpu.memref_slice %arg3[%dma_start3A_286, %dma_start3A_287] : memref<10000x128xf32, #tpu.memory_space<hbm>> -> memref<10000x128xf32, #tpu.memory_space<hbm>>
          tpu.enqueue_indirect_dma source(%dma_start3A_288 : memref<10000x128xf32, #tpu.memory_space<hbm>>) target(%dma_start3A_282 : memref<125x128xf32, #tpu.memory_space<vmem>>) offsets(%dma_start3A_285 : memref<125xi32, #tpu.memory_space<vmem>>) semaphore(%arg12 : memref<!tpu.dma_semaphore, #tpu.memory_space<semaphore_mem>>)
        } else {
        }
      }
      %scan3A_76 = arith.constant 40 : i32
      %dma_wait3A_77 = arith.constant 0 : i32
      %dma_wait3A_78 = arith.constant 0 : i32
      %dma_wait3A_79 = arith.constant 0 : i32
      %dma_wait3A_80 = arith.constant 0 : i32
      %dma_wait3A_81 = tpu.memref_slice %arg10[%dma_wait3A_77, %dma_wait3A_79, %dma_wait3A_80] : memref<2x125x128xf32, #tpu.memory_space<vmem>> -> memref<1x125x128xf32, #tpu.memory_space<vmem>>
      %dma_wait3A_82 = tpu.memref_squeeze %dma_wait3A_81 : memref<1x125x128xf32, #tpu.memory_space<vmem>> -> memref<125x128xf32, #tpu.memory_space<vmem>>
      %dma_wait3A_83 = arith.constant 0 : i32
      %dma_wait3A_84 = tpu.memref_slice %arg9[%dma_wait3A_78, %dma_wait3A_83] : memref<40x125xi32, #tpu.memory_space<vmem>> -> memref<1x125xi32, #tpu.memory_space<vmem>>
      %dma_wait3A_85 = tpu.memref_squeeze %dma_wait3A_84 : memref<1x125xi32, #tpu.memory_space<vmem>> -> memref<125xi32, #tpu.memory_space<vmem>>
      %dma_wait3A_86 = arith.constant 0 : i32
      %dma_wait3A_87 = arith.constant 0 : i32
      %dma_wait3A_88 = tpu.memref_slice %arg11[%dma_wait3A_86, %dma_wait3A_87] : memref<10000x128xf32, #tpu.memory_space<vmem_shared>> -> memref<10000x128xf32, #tpu.memory_space<vmem_shared>>
      tpu.wait_indirect_dma semaphore(%arg13 : memref<!tpu.dma_semaphore, #tpu.memory_space<semaphore_mem>>) src(%dma_wait3A_82 : memref<125x128xf32, #tpu.memory_space<vmem>>) dst(%dma_wait3A_88 : memref<10000x128xf32, #tpu.memory_space<vmem_shared>>)
      %dma_wait3A_89 = arith.constant 1 : i32
      %dma_wait3A_90 = arith.constant 0 : i32
      %dma_wait3A_91 = arith.constant 0 : i32
      %dma_wait3A_92 = arith.constant 0 : i32
      %dma_wait3A_93 = tpu.memref_slice %arg10[%dma_wait3A_89, %dma_wait3A_91, %dma_wait3A_92] : memref<2x125x128xf32, #tpu.memory_space<vmem>> -> memref<1x125x128xf32, #tpu.memory_space<vmem>>
      %dma_wait3A_94 = tpu.memref_squeeze %dma_wait3A_93 : memref<1x125x128xf32, #tpu.memory_space<vmem>> -> memref<125x128xf32, #tpu.memory_space<vmem>>
      %dma_wait3A_95 = arith.constant 0 : i32
      %dma_wait3A_96 = tpu.memref_slice %arg9[%dma_wait3A_90, %dma_wait3A_95] : memref<40x125xi32, #tpu.memory_space<vmem>> -> memref<1x125xi32, #tpu.memory_space<vmem>>
      %dma_wait3A_97 = tpu.memref_squeeze %dma_wait3A_96 : memref<1x125xi32, #tpu.memory_space<vmem>> -> memref<125xi32, #tpu.memory_space<vmem>>
      %dma_wait3A_98 = arith.constant 0 : i32
      %dma_wait3A_99 = arith.constant 0 : i32
      %dma_wait3A_100 = tpu.memref_slice %arg11[%dma_wait3A_98, %dma_wait3A_99] : memref<10000x128xf32, #tpu.memory_space<vmem_shared>> -> memref<10000x128xf32, #tpu.memory_space<vmem_shared>>
      tpu.wait_indirect_dma semaphore(%arg13 : memref<!tpu.dma_semaphore, #tpu.memory_space<semaphore_mem>>) src(%dma_wait3A_94 : memref<125x128xf32, #tpu.memory_space<vmem>>) dst(%dma_wait3A_100 : memref<10000x128xf32, #tpu.memory_space<vmem_shared>>)
      %mul3A_101 = arith.constant 160 : i32
      %mul3A_102 = arith.muli %arg1, %mul3A_101 : i32
      %add3A_103 = arith.constant 80 : i32
      %add3A_104 = arith.addi %mul3A_102, %add3A_103 : i32
      "tpu.region"() ({
        %run_scoped3A = tpu.sem_alloc : memref<!tpu.dma_semaphore, #tpu.memory_space<semaphore_mem>>
        %dma_start3A_201 = arith.constant 0 : i32
        %dma_start3A_202 = tpu.memref_slice %arg4[%add3A_104, %dma_start3A_201] : memref<2560x125xi32, #tpu.memory_space<hbm>> -> memref<40x125xi32, #tpu.memory_space<hbm>>
        %dma_start3A_203 = arith.constant 0 : i32
        %dma_start3A_204 = tpu.memref_slice %arg4[%add3A_104, %dma_start3A_203] : memref<2560x125xi32, #tpu.memory_space<hbm>> -> memref<40x125xi32, #tpu.memory_space<hbm>>
        tpu.enqueue_dma source(%dma_start3A_204 : memref<40x125xi32, #tpu.memory_space<hbm>>) target(%arg8 : memref<40x125xi32, #tpu.memory_space<vmem>>) target_semaphore(%run_scoped3A : memref<!tpu.dma_semaphore, #tpu.memory_space<semaphore_mem>>)
        %dma_wait3A_205 = arith.constant 0 : i32
        %dma_wait3A_206 = tpu.memref_slice %arg4[%add3A_104, %dma_wait3A_205] : memref<2560x125xi32, #tpu.memory_space<hbm>> -> memref<40x125xi32, #tpu.memory_space<hbm>>
        %dma_wait3A_207 = arith.constant 0 : i32
        %dma_wait3A_208 = tpu.memref_slice %arg4[%add3A_104, %dma_wait3A_207] : memref<2560x125xi32, #tpu.memory_space<hbm>> -> memref<40x125xi32, #tpu.memory_space<hbm>>
        tpu.wait_dma2 semaphore(%run_scoped3A : memref<!tpu.dma_semaphore, #tpu.memory_space<semaphore_mem>>) src(%dma_wait3A_208 : memref<40x125xi32, #tpu.memory_space<hbm>>) dst(%arg8 : memref<40x125xi32, #tpu.memory_space<vmem>>)
        tpu.yield
      }) : () -> ()
      "tpu.region"() ({
        %run_scoped3A = tpu.sem_alloc : memref<!tpu.dma_semaphore, #tpu.memory_space<semaphore_mem>>
        %dma_start3A_201 = arith.constant 0 : i32
        %dma_start3A_202 = tpu.memref_slice %arg5[%add3A_104, %dma_start3A_201] : memref<2560x125xi32, #tpu.memory_space<hbm>> -> memref<40x125xi32, #tpu.memory_space<hbm>>
        %dma_start3A_203 = arith.constant 0 : i32
        %dma_start3A_204 = tpu.memref_slice %arg5[%add3A_104, %dma_start3A_203] : memref<2560x125xi32, #tpu.memory_space<hbm>> -> memref<40x125xi32, #tpu.memory_space<hbm>>
        tpu.enqueue_dma source(%dma_start3A_204 : memref<40x125xi32, #tpu.memory_space<hbm>>) target(%arg9 : memref<40x125xi32, #tpu.memory_space<vmem>>) target_semaphore(%run_scoped3A : memref<!tpu.dma_semaphore, #tpu.memory_space<semaphore_mem>>)
        %dma_wait3A_205 = arith.constant 0 : i32
        %dma_wait3A_206 = tpu.memref_slice %arg5[%add3A_104, %dma_wait3A_205] : memref<2560x125xi32, #tpu.memory_space<hbm>> -> memref<40x125xi32, #tpu.memory_space<hbm>>
        %dma_wait3A_207 = arith.constant 0 : i32
        %dma_wait3A_208 = tpu.memref_slice %arg5[%add3A_104, %dma_wait3A_207] : memref<2560x125xi32, #tpu.memory_space<hbm>> -> memref<40x125xi32, #tpu.memory_space<hbm>>
        tpu.wait_dma2 semaphore(%run_scoped3A : memref<!tpu.dma_semaphore, #tpu.memory_space<semaphore_mem>>) src(%dma_wait3A_208 : memref<40x125xi32, #tpu.memory_space<hbm>>) dst(%arg9 : memref<40x125xi32, #tpu.memory_space<vmem>>)
        tpu.yield
      }) : () -> ()
      %dma_start3A_105 = arith.constant 0 : i32
      %dma_start3A_106 = arith.constant 0 : i32
      %dma_start3A_107 = arith.constant 0 : i32
      %dma_start3A_108 = arith.constant 0 : i32
      %dma_start3A_109 = tpu.memref_slice %arg10[%dma_start3A_106, %dma_start3A_107, %dma_start3A_108] : memref<2x125x128xf32, #tpu.memory_space<vmem>> -> memref<1x125x128xf32, #tpu.memory_space<vmem>>
      %dma_start3A_110 = tpu.memref_squeeze %dma_start3A_109 : memref<1x125x128xf32, #tpu.memory_space<vmem>> -> memref<125x128xf32, #tpu.memory_space<vmem>>
      %dma_start3A_111 = arith.constant 0 : i32
      %dma_start3A_112 = tpu.memref_slice %arg8[%dma_start3A_105, %dma_start3A_111] : memref<40x125xi32, #tpu.memory_space<vmem>> -> memref<1x125xi32, #tpu.memory_space<vmem>>
      %dma_start3A_113 = tpu.memref_squeeze %dma_start3A_112 : memref<1x125xi32, #tpu.memory_space<vmem>> -> memref<125xi32, #tpu.memory_space<vmem>>
      %dma_start3A_114 = arith.constant 0 : i32
      %dma_start3A_115 = arith.constant 0 : i32
      %dma_start3A_116 = tpu.memref_slice %arg3[%dma_start3A_114, %dma_start3A_115] : memref<10000x128xf32, #tpu.memory_space<hbm>> -> memref<10000x128xf32, #tpu.memory_space<hbm>>
      tpu.enqueue_indirect_dma source(%dma_start3A_116 : memref<10000x128xf32, #tpu.memory_space<hbm>>) target(%dma_start3A_110 : memref<125x128xf32, #tpu.memory_space<vmem>>) offsets(%dma_start3A_113 : memref<125xi32, #tpu.memory_space<vmem>>) semaphore(%arg12 : memref<!tpu.dma_semaphore, #tpu.memory_space<semaphore_mem>>)
      %scan3A_117 = arith.constant 0 : i32
      %scan3A_118 = arith.constant 0 : i32
      %scan3A_119 = arith.constant 40 : i32
      %scan3A_120 = arith.addi %scan3A_118, %scan3A_119 : i32
      %scan3A_121 = arith.constant 1 : i32
      scf.for %scan3A_201 = %scan3A_118 to %scan3A_120 step %scan3A_121  : i32 {
        %jit3A = arith.constant 2 : i32
        %eq3A_202 = arith.constant 0 : i32
        %eq3A_203 = arith.cmpi eq, %jit3A, %eq3A_202 : i32
        %jit3A_204 = arith.constant 1 : i32
        %select_n3A = arith.select %eq3A_203, %jit3A_204, %jit3A : i32
        %rem3A = arith.remsi %scan3A_201, %select_n3A : i32
        %ne3A = arith.constant 0 : i32
        %ne3A_205 = arith.cmpi ne, %rem3A, %ne3A : i32
        %lt3A = arith.constant 0 : i32
        %lt3A_206 = arith.cmpi slt, %rem3A, %lt3A : i32
        %lt3A_207 = arith.constant 0 : i32
        %lt3A_208 = arith.cmpi slt, %select_n3A, %lt3A_207 : i32
        %ne3A_209 = arith.xori %lt3A_206, %lt3A_208 : i1
        %and3A = arith.andi %ne3A_209, %ne3A_205 : i1
        %add3A_210 = arith.addi %rem3A, %select_n3A : i32
        %select_n3A_211 = arith.select %and3A, %add3A_210, %rem3A : i32
        %dma_wait3A_212 = arith.constant 0 : i32
        %dma_wait3A_213 = arith.constant 0 : i32
        %dma_wait3A_214 = tpu.memref_slice %arg10[%select_n3A_211, %dma_wait3A_212, %dma_wait3A_213] : memref<2x125x128xf32, #tpu.memory_space<vmem>> -> memref<1x125x128xf32, #tpu.memory_space<vmem>>
        %dma_wait3A_215 = tpu.memref_squeeze %dma_wait3A_214 : memref<1x125x128xf32, #tpu.memory_space<vmem>> -> memref<125x128xf32, #tpu.memory_space<vmem>>
        %dma_wait3A_216 = arith.constant 0 : i32
        %dma_wait3A_217 = tpu.memref_slice %arg8[%scan3A_201, %dma_wait3A_216] : memref<40x125xi32, #tpu.memory_space<vmem>> -> memref<1x125xi32, #tpu.memory_space<vmem>>
        %dma_wait3A_218 = tpu.memref_squeeze %dma_wait3A_217 : memref<1x125xi32, #tpu.memory_space<vmem>> -> memref<125xi32, #tpu.memory_space<vmem>>
        %dma_wait3A_219 = arith.constant 0 : i32
        %dma_wait3A_220 = arith.constant 0 : i32
        %dma_wait3A_221 = tpu.memref_slice %arg3[%dma_wait3A_219, %dma_wait3A_220] : memref<10000x128xf32, #tpu.memory_space<hbm>> -> memref<10000x128xf32, #tpu.memory_space<hbm>>
        tpu.wait_indirect_dma semaphore(%arg12 : memref<!tpu.dma_semaphore, #tpu.memory_space<semaphore_mem>>) src(%dma_wait3A_221 : memref<10000x128xf32, #tpu.memory_space<hbm>>) dst(%dma_wait3A_215 : memref<125x128xf32, #tpu.memory_space<vmem>>)
        %jit3A_222 = arith.constant 2 : i32
        %eq3A_223 = arith.constant 0 : i32
        %eq3A_224 = arith.cmpi eq, %jit3A_222, %eq3A_223 : i32
        %jit3A_225 = arith.constant 1 : i32
        %select_n3A_226 = arith.select %eq3A_224, %jit3A_225, %jit3A_222 : i32
        %rem3A_227 = arith.remsi %scan3A_201, %select_n3A_226 : i32
        %ne3A_228 = arith.constant 0 : i32
        %ne3A_229 = arith.cmpi ne, %rem3A_227, %ne3A_228 : i32
        %lt3A_230 = arith.constant 0 : i32
        %lt3A_231 = arith.cmpi slt, %rem3A_227, %lt3A_230 : i32
        %lt3A_232 = arith.constant 0 : i32
        %lt3A_233 = arith.cmpi slt, %select_n3A_226, %lt3A_232 : i32
        %ne3A_234 = arith.xori %lt3A_231, %lt3A_233 : i1
        %and3A_235 = arith.andi %ne3A_234, %ne3A_229 : i1
        %add3A_236 = arith.addi %rem3A_227, %select_n3A_226 : i32
        %select_n3A_237 = arith.select %and3A_235, %add3A_236, %rem3A_227 : i32
        %dma_start3A_238 = arith.constant 0 : i32
        %dma_start3A_239 = arith.constant 0 : i32
        %dma_start3A_240 = tpu.memref_slice %arg10[%select_n3A_237, %dma_start3A_238, %dma_start3A_239] : memref<2x125x128xf32, #tpu.memory_space<vmem>> -> memref<1x125x128xf32, #tpu.memory_space<vmem>>
        %dma_start3A_241 = tpu.memref_squeeze %dma_start3A_240 : memref<1x125x128xf32, #tpu.memory_space<vmem>> -> memref<125x128xf32, #tpu.memory_space<vmem>>
        %dma_start3A_242 = arith.constant 0 : i32
        %dma_start3A_243 = tpu.memref_slice %arg9[%scan3A_201, %dma_start3A_242] : memref<40x125xi32, #tpu.memory_space<vmem>> -> memref<1x125xi32, #tpu.memory_space<vmem>>
        %dma_start3A_244 = tpu.memref_squeeze %dma_start3A_243 : memref<1x125xi32, #tpu.memory_space<vmem>> -> memref<125xi32, #tpu.memory_space<vmem>>
        %dma_start3A_245 = arith.constant 0 : i32
        %dma_start3A_246 = arith.constant 0 : i32
        %dma_start3A_247 = tpu.memref_slice %arg11[%dma_start3A_245, %dma_start3A_246] : memref<10000x128xf32, #tpu.memory_space<vmem_shared>> -> memref<10000x128xf32, #tpu.memory_space<vmem_shared>>
        tpu.enqueue_indirect_dma source(%dma_start3A_241 : memref<125x128xf32, #tpu.memory_space<vmem>>) target(%dma_start3A_247 : memref<10000x128xf32, #tpu.memory_space<vmem_shared>>) offsets(%dma_start3A_244 : memref<125xi32, #tpu.memory_space<vmem>>) semaphore(%arg13 : memref<!tpu.dma_semaphore, #tpu.memory_space<semaphore_mem>>) {add = true}
        %add3A_248 = arith.constant 1 : i32
        %add3A_249 = arith.addi %scan3A_201, %add3A_248 : i32
        %lt3A_250 = arith.constant 40 : i32
        %lt3A_251 = arith.cmpi slt, %add3A_249, %lt3A_250 : i32
        %convert_element_type3A_252 = arith.extui %lt3A_251 : i1 to i32
        %cond3A_253 = arith.constant 0 : i32
        %cond3A_254 = arith.cmpi ne, %convert_element_type3A_252, %cond3A_253 : i32
        scf.if %cond3A_254 {
          %gt3A = arith.constant 0 : i32
          %gt3A_255 = arith.cmpi sgt, %scan3A_201, %gt3A : i32
          %convert_element_type3A_256 = arith.extui %gt3A_255 : i1 to i32
          %cond3A_257 = arith.constant 0 : i32
          %cond3A_258 = arith.cmpi ne, %convert_element_type3A_256, %cond3A_257 : i32
          scf.if %cond3A_258 {
            %add3A_289 = arith.constant 1 : i32
            %add3A_290 = arith.addi %scan3A_201, %add3A_289 : i32
            %jit3A_291 = arith.constant 2 : i32
            %eq3A_292 = arith.constant 0 : i32
            %eq3A_293 = arith.cmpi eq, %jit3A_291, %eq3A_292 : i32
            %jit3A_294 = arith.constant 1 : i32
            %select_n3A_295 = arith.select %eq3A_293, %jit3A_294, %jit3A_291 : i32
            %rem3A_296 = arith.remsi %add3A_290, %select_n3A_295 : i32
            %ne3A_297 = arith.constant 0 : i32
            %ne3A_298 = arith.cmpi ne, %rem3A_296, %ne3A_297 : i32
            %lt3A_299 = arith.constant 0 : i32
            %lt3A_300 = arith.cmpi slt, %rem3A_296, %lt3A_299 : i32
            %lt3A_301 = arith.constant 0 : i32
            %lt3A_302 = arith.cmpi slt, %select_n3A_295, %lt3A_301 : i32
            %ne3A_303 = arith.xori %lt3A_300, %lt3A_302 : i1
            %and3A_304 = arith.andi %ne3A_303, %ne3A_298 : i1
            %add3A_305 = arith.addi %rem3A_296, %select_n3A_295 : i32
            %select_n3A_306 = arith.select %and3A_304, %add3A_305, %rem3A_296 : i32
            %dma_wait3A_307 = arith.constant 0 : i32
            %dma_wait3A_308 = arith.constant 0 : i32
            %dma_wait3A_309 = tpu.memref_slice %arg10[%select_n3A_306, %dma_wait3A_307, %dma_wait3A_308] : memref<2x125x128xf32, #tpu.memory_space<vmem>> -> memref<1x125x128xf32, #tpu.memory_space<vmem>>
            %dma_wait3A_310 = tpu.memref_squeeze %dma_wait3A_309 : memref<1x125x128xf32, #tpu.memory_space<vmem>> -> memref<125x128xf32, #tpu.memory_space<vmem>>
            %dma_wait3A_311 = arith.constant 0 : i32
            %dma_wait3A_312 = tpu.memref_slice %arg9[%scan3A_201, %dma_wait3A_311] : memref<40x125xi32, #tpu.memory_space<vmem>> -> memref<1x125xi32, #tpu.memory_space<vmem>>
            %dma_wait3A_313 = tpu.memref_squeeze %dma_wait3A_312 : memref<1x125xi32, #tpu.memory_space<vmem>> -> memref<125xi32, #tpu.memory_space<vmem>>
            %dma_wait3A_314 = arith.constant 0 : i32
            %dma_wait3A_315 = arith.constant 0 : i32
            %dma_wait3A_316 = tpu.memref_slice %arg11[%dma_wait3A_314, %dma_wait3A_315] : memref<10000x128xf32, #tpu.memory_space<vmem_shared>> -> memref<10000x128xf32, #tpu.memory_space<vmem_shared>>
            tpu.wait_indirect_dma semaphore(%arg13 : memref<!tpu.dma_semaphore, #tpu.memory_space<semaphore_mem>>) src(%dma_wait3A_310 : memref<125x128xf32, #tpu.memory_space<vmem>>) dst(%dma_wait3A_316 : memref<10000x128xf32, #tpu.memory_space<vmem_shared>>)
          } else {
          }
          %add3A_259 = arith.constant 1 : i32
          %add3A_260 = arith.addi %scan3A_201, %add3A_259 : i32
          %add3A_261 = arith.constant 1 : i32
          %add3A_262 = arith.addi %scan3A_201, %add3A_261 : i32
          %jit3A_263 = arith.constant 2 : i32
          %eq3A_264 = arith.constant 0 : i32
          %eq3A_265 = arith.cmpi eq, %jit3A_263, %eq3A_264 : i32
          %jit3A_266 = arith.constant 1 : i32
          %select_n3A_267 = arith.select %eq3A_265, %jit3A_266, %jit3A_263 : i32
          %rem3A_268 = arith.remsi %add3A_262, %select_n3A_267 : i32
          %ne3A_269 = arith.constant 0 : i32
          %ne3A_270 = arith.cmpi ne, %rem3A_268, %ne3A_269 : i32
          %lt3A_271 = arith.constant 0 : i32
          %lt3A_272 = arith.cmpi slt, %rem3A_268, %lt3A_271 : i32
          %lt3A_273 = arith.constant 0 : i32
          %lt3A_274 = arith.cmpi slt, %select_n3A_267, %lt3A_273 : i32
          %ne3A_275 = arith.xori %lt3A_272, %lt3A_274 : i1
          %and3A_276 = arith.andi %ne3A_275, %ne3A_270 : i1
          %add3A_277 = arith.addi %rem3A_268, %select_n3A_267 : i32
          %select_n3A_278 = arith.select %and3A_276, %add3A_277, %rem3A_268 : i32
          %dma_start3A_279 = arith.constant 0 : i32
          %dma_start3A_280 = arith.constant 0 : i32
          %dma_start3A_281 = tpu.memref_slice %arg10[%select_n3A_278, %dma_start3A_279, %dma_start3A_280] : memref<2x125x128xf32, #tpu.memory_space<vmem>> -> memref<1x125x128xf32, #tpu.memory_space<vmem>>
          %dma_start3A_282 = tpu.memref_squeeze %dma_start3A_281 : memref<1x125x128xf32, #tpu.memory_space<vmem>> -> memref<125x128xf32, #tpu.memory_space<vmem>>
          %dma_start3A_283 = arith.constant 0 : i32
          %dma_start3A_284 = tpu.memref_slice %arg8[%add3A_260, %dma_start3A_283] : memref<40x125xi32, #tpu.memory_space<vmem>> -> memref<1x125xi32, #tpu.memory_space<vmem>>
          %dma_start3A_285 = tpu.memref_squeeze %dma_start3A_284 : memref<1x125xi32, #tpu.memory_space<vmem>> -> memref<125xi32, #tpu.memory_space<vmem>>
          %dma_start3A_286 = arith.constant 0 : i32
          %dma_start3A_287 = arith.constant 0 : i32
          %dma_start3A_288 = tpu.memref_slice %arg3[%dma_start3A_286, %dma_start3A_287] : memref<10000x128xf32, #tpu.memory_space<hbm>> -> memref<10000x128xf32, #tpu.memory_space<hbm>>
          tpu.enqueue_indirect_dma source(%dma_start3A_288 : memref<10000x128xf32, #tpu.memory_space<hbm>>) target(%dma_start3A_282 : memref<125x128xf32, #tpu.memory_space<vmem>>) offsets(%dma_start3A_285 : memref<125xi32, #tpu.memory_space<vmem>>) semaphore(%arg12 : memref<!tpu.dma_semaphore, #tpu.memory_space<semaphore_mem>>)
        } else {
        }
      }
      %scan3A_122 = arith.constant 40 : i32
      %dma_wait3A_123 = arith.constant 0 : i32
      %dma_wait3A_124 = arith.constant 0 : i32
      %dma_wait3A_125 = arith.constant 0 : i32
      %dma_wait3A_126 = arith.constant 0 : i32
      %dma_wait3A_127 = tpu.memref_slice %arg10[%dma_wait3A_123, %dma_wait3A_125, %dma_wait3A_126] : memref<2x125x128xf32, #tpu.memory_space<vmem>> -> memref<1x125x128xf32, #tpu.memory_space<vmem>>
      %dma_wait3A_128 = tpu.memref_squeeze %dma_wait3A_127 : memref<1x125x128xf32, #tpu.memory_space<vmem>> -> memref<125x128xf32, #tpu.memory_space<vmem>>
      %dma_wait3A_129 = arith.constant 0 : i32
      %dma_wait3A_130 = tpu.memref_slice %arg9[%dma_wait3A_124, %dma_wait3A_129] : memref<40x125xi32, #tpu.memory_space<vmem>> -> memref<1x125xi32, #tpu.memory_space<vmem>>
      %dma_wait3A_131 = tpu.memref_squeeze %dma_wait3A_130 : memref<1x125xi32, #tpu.memory_space<vmem>> -> memref<125xi32, #tpu.memory_space<vmem>>
      %dma_wait3A_132 = arith.constant 0 : i32
      %dma_wait3A_133 = arith.constant 0 : i32
      %dma_wait3A_134 = tpu.memref_slice %arg11[%dma_wait3A_132, %dma_wait3A_133] : memref<10000x128xf32, #tpu.memory_space<vmem_shared>> -> memref<10000x128xf32, #tpu.memory_space<vmem_shared>>
      tpu.wait_indirect_dma semaphore(%arg13 : memref<!tpu.dma_semaphore, #tpu.memory_space<semaphore_mem>>) src(%dma_wait3A_128 : memref<125x128xf32, #tpu.memory_space<vmem>>) dst(%dma_wait3A_134 : memref<10000x128xf32, #tpu.memory_space<vmem_shared>>)
      %dma_wait3A_135 = arith.constant 1 : i32
      %dma_wait3A_136 = arith.constant 0 : i32
      %dma_wait3A_137 = arith.constant 0 : i32
      %dma_wait3A_138 = arith.constant 0 : i32
      %dma_wait3A_139 = tpu.memref_slice %arg10[%dma_wait3A_135, %dma_wait3A_137, %dma_wait3A_138] : memref<2x125x128xf32, #tpu.memory_space<vmem>> -> memref<1x125x128xf32, #tpu.memory_space<vmem>>
      %dma_wait3A_140 = tpu.memref_squeeze %dma_wait3A_139 : memref<1x125x128xf32, #tpu.memory_space<vmem>> -> memref<125x128xf32, #tpu.memory_space<vmem>>
      %dma_wait3A_141 = arith.constant 0 : i32
      %dma_wait3A_142 = tpu.memref_slice %arg9[%dma_wait3A_136, %dma_wait3A_141] : memref<40x125xi32, #tpu.memory_space<vmem>> -> memref<1x125xi32, #tpu.memory_space<vmem>>
      %dma_wait3A_143 = tpu.memref_squeeze %dma_wait3A_142 : memref<1x125xi32, #tpu.memory_space<vmem>> -> memref<125xi32, #tpu.memory_space<vmem>>
      %dma_wait3A_144 = arith.constant 0 : i32
      %dma_wait3A_145 = arith.constant 0 : i32
      %dma_wait3A_146 = tpu.memref_slice %arg11[%dma_wait3A_144, %dma_wait3A_145] : memref<10000x128xf32, #tpu.memory_space<vmem_shared>> -> memref<10000x128xf32, #tpu.memory_space<vmem_shared>>
      tpu.wait_indirect_dma semaphore(%arg13 : memref<!tpu.dma_semaphore, #tpu.memory_space<semaphore_mem>>) src(%dma_wait3A_140 : memref<125x128xf32, #tpu.memory_space<vmem>>) dst(%dma_wait3A_146 : memref<10000x128xf32, #tpu.memory_space<vmem_shared>>)
      %mul3A_147 = arith.constant 160 : i32
      %mul3A_148 = arith.muli %arg1, %mul3A_147 : i32
      %add3A_149 = arith.constant 120 : i32
      %add3A_150 = arith.addi %mul3A_148, %add3A_149 : i32
      "tpu.region"() ({
        %run_scoped3A = tpu.sem_alloc : memref<!tpu.dma_semaphore, #tpu.memory_space<semaphore_mem>>
        %dma_start3A_201 = arith.constant 0 : i32
        %dma_start3A_202 = tpu.memref_slice %arg4[%add3A_150, %dma_start3A_201] : memref<2560x125xi32, #tpu.memory_space<hbm>> -> memref<40x125xi32, #tpu.memory_space<hbm>>
        %dma_start3A_203 = arith.constant 0 : i32
        %dma_start3A_204 = tpu.memref_slice %arg4[%add3A_150, %dma_start3A_203] : memref<2560x125xi32, #tpu.memory_space<hbm>> -> memref<40x125xi32, #tpu.memory_space<hbm>>
        tpu.enqueue_dma source(%dma_start3A_204 : memref<40x125xi32, #tpu.memory_space<hbm>>) target(%arg8 : memref<40x125xi32, #tpu.memory_space<vmem>>) target_semaphore(%run_scoped3A : memref<!tpu.dma_semaphore, #tpu.memory_space<semaphore_mem>>)
        %dma_wait3A_205 = arith.constant 0 : i32
        %dma_wait3A_206 = tpu.memref_slice %arg4[%add3A_150, %dma_wait3A_205] : memref<2560x125xi32, #tpu.memory_space<hbm>> -> memref<40x125xi32, #tpu.memory_space<hbm>>
        %dma_wait3A_207 = arith.constant 0 : i32
        %dma_wait3A_208 = tpu.memref_slice %arg4[%add3A_150, %dma_wait3A_207] : memref<2560x125xi32, #tpu.memory_space<hbm>> -> memref<40x125xi32, #tpu.memory_space<hbm>>
        tpu.wait_dma2 semaphore(%run_scoped3A : memref<!tpu.dma_semaphore, #tpu.memory_space<semaphore_mem>>) src(%dma_wait3A_208 : memref<40x125xi32, #tpu.memory_space<hbm>>) dst(%arg8 : memref<40x125xi32, #tpu.memory_space<vmem>>)
        tpu.yield
      }) : () -> ()
      "tpu.region"() ({
        %run_scoped3A = tpu.sem_alloc : memref<!tpu.dma_semaphore, #tpu.memory_space<semaphore_mem>>
        %dma_start3A_201 = arith.constant 0 : i32
        %dma_start3A_202 = tpu.memref_slice %arg5[%add3A_150, %dma_start3A_201] : memref<2560x125xi32, #tpu.memory_space<hbm>> -> memref<40x125xi32, #tpu.memory_space<hbm>>
        %dma_start3A_203 = arith.constant 0 : i32
        %dma_start3A_204 = tpu.memref_slice %arg5[%add3A_150, %dma_start3A_203] : memref<2560x125xi32, #tpu.memory_space<hbm>> -> memref<40x125xi32, #tpu.memory_space<hbm>>
        tpu.enqueue_dma source(%dma_start3A_204 : memref<40x125xi32, #tpu.memory_space<hbm>>) target(%arg9 : memref<40x125xi32, #tpu.memory_space<vmem>>) target_semaphore(%run_scoped3A : memref<!tpu.dma_semaphore, #tpu.memory_space<semaphore_mem>>)
        %dma_wait3A_205 = arith.constant 0 : i32
        %dma_wait3A_206 = tpu.memref_slice %arg5[%add3A_150, %dma_wait3A_205] : memref<2560x125xi32, #tpu.memory_space<hbm>> -> memref<40x125xi32, #tpu.memory_space<hbm>>
        %dma_wait3A_207 = arith.constant 0 : i32
        %dma_wait3A_208 = tpu.memref_slice %arg5[%add3A_150, %dma_wait3A_207] : memref<2560x125xi32, #tpu.memory_space<hbm>> -> memref<40x125xi32, #tpu.memory_space<hbm>>
        tpu.wait_dma2 semaphore(%run_scoped3A : memref<!tpu.dma_semaphore, #tpu.memory_space<semaphore_mem>>) src(%dma_wait3A_208 : memref<40x125xi32, #tpu.memory_space<hbm>>) dst(%arg9 : memref<40x125xi32, #tpu.memory_space<vmem>>)
        tpu.yield
      }) : () -> ()
      %dma_start3A_151 = arith.constant 0 : i32
      %dma_start3A_152 = arith.constant 0 : i32
      %dma_start3A_153 = arith.constant 0 : i32
      %dma_start3A_154 = arith.constant 0 : i32
      %dma_start3A_155 = tpu.memref_slice %arg10[%dma_start3A_152, %dma_start3A_153, %dma_start3A_154] : memref<2x125x128xf32, #tpu.memory_space<vmem>> -> memref<1x125x128xf32, #tpu.memory_space<vmem>>
      %dma_start3A_156 = tpu.memref_squeeze %dma_start3A_155 : memref<1x125x128xf32, #tpu.memory_space<vmem>> -> memref<125x128xf32, #tpu.memory_space<vmem>>
      %dma_start3A_157 = arith.constant 0 : i32
      %dma_start3A_158 = tpu.memref_slice %arg8[%dma_start3A_151, %dma_start3A_157] : memref<40x125xi32, #tpu.memory_space<vmem>> -> memref<1x125xi32, #tpu.memory_space<vmem>>
      %dma_start3A_159 = tpu.memref_squeeze %dma_start3A_158 : memref<1x125xi32, #tpu.memory_space<vmem>> -> memref<125xi32, #tpu.memory_space<vmem>>
      %dma_start3A_160 = arith.constant 0 : i32
      %dma_start3A_161 = arith.constant 0 : i32
      %dma_start3A_162 = tpu.memref_slice %arg3[%dma_start3A_160, %dma_start3A_161] : memref<10000x128xf32, #tpu.memory_space<hbm>> -> memref<10000x128xf32, #tpu.memory_space<hbm>>
      tpu.enqueue_indirect_dma source(%dma_start3A_162 : memref<10000x128xf32, #tpu.memory_space<hbm>>) target(%dma_start3A_156 : memref<125x128xf32, #tpu.memory_space<vmem>>) offsets(%dma_start3A_159 : memref<125xi32, #tpu.memory_space<vmem>>) semaphore(%arg12 : memref<!tpu.dma_semaphore, #tpu.memory_space<semaphore_mem>>)
      %scan3A_163 = arith.constant 0 : i32
      %scan3A_164 = arith.constant 0 : i32
      %scan3A_165 = arith.constant 40 : i32
      %scan3A_166 = arith.addi %scan3A_164, %scan3A_165 : i32
      %scan3A_167 = arith.constant 1 : i32
      scf.for %scan3A_201 = %scan3A_164 to %scan3A_166 step %scan3A_167  : i32 {
        %jit3A = arith.constant 2 : i32
        %eq3A_202 = arith.constant 0 : i32
        %eq3A_203 = arith.cmpi eq, %jit3A, %eq3A_202 : i32
        %jit3A_204 = arith.constant 1 : i32
        %select_n3A = arith.select %eq3A_203, %jit3A_204, %jit3A : i32
        %rem3A = arith.remsi %scan3A_201, %select_n3A : i32
        %ne3A = arith.constant 0 : i32
        %ne3A_205 = arith.cmpi ne, %rem3A, %ne3A : i32
        %lt3A = arith.constant 0 : i32
        %lt3A_206 = arith.cmpi slt, %rem3A, %lt3A : i32
        %lt3A_207 = arith.constant 0 : i32
        %lt3A_208 = arith.cmpi slt, %select_n3A, %lt3A_207 : i32
        %ne3A_209 = arith.xori %lt3A_206, %lt3A_208 : i1
        %and3A = arith.andi %ne3A_209, %ne3A_205 : i1
        %add3A_210 = arith.addi %rem3A, %select_n3A : i32
        %select_n3A_211 = arith.select %and3A, %add3A_210, %rem3A : i32
        %dma_wait3A_212 = arith.constant 0 : i32
        %dma_wait3A_213 = arith.constant 0 : i32
        %dma_wait3A_214 = tpu.memref_slice %arg10[%select_n3A_211, %dma_wait3A_212, %dma_wait3A_213] : memref<2x125x128xf32, #tpu.memory_space<vmem>> -> memref<1x125x128xf32, #tpu.memory_space<vmem>>
        %dma_wait3A_215 = tpu.memref_squeeze %dma_wait3A_214 : memref<1x125x128xf32, #tpu.memory_space<vmem>> -> memref<125x128xf32, #tpu.memory_space<vmem>>
        %dma_wait3A_216 = arith.constant 0 : i32
        %dma_wait3A_217 = tpu.memref_slice %arg8[%scan3A_201, %dma_wait3A_216] : memref<40x125xi32, #tpu.memory_space<vmem>> -> memref<1x125xi32, #tpu.memory_space<vmem>>
        %dma_wait3A_218 = tpu.memref_squeeze %dma_wait3A_217 : memref<1x125xi32, #tpu.memory_space<vmem>> -> memref<125xi32, #tpu.memory_space<vmem>>
        %dma_wait3A_219 = arith.constant 0 : i32
        %dma_wait3A_220 = arith.constant 0 : i32
        %dma_wait3A_221 = tpu.memref_slice %arg3[%dma_wait3A_219, %dma_wait3A_220] : memref<10000x128xf32, #tpu.memory_space<hbm>> -> memref<10000x128xf32, #tpu.memory_space<hbm>>
        tpu.wait_indirect_dma semaphore(%arg12 : memref<!tpu.dma_semaphore, #tpu.memory_space<semaphore_mem>>) src(%dma_wait3A_221 : memref<10000x128xf32, #tpu.memory_space<hbm>>) dst(%dma_wait3A_215 : memref<125x128xf32, #tpu.memory_space<vmem>>)
        %jit3A_222 = arith.constant 2 : i32
        %eq3A_223 = arith.constant 0 : i32
        %eq3A_224 = arith.cmpi eq, %jit3A_222, %eq3A_223 : i32
        %jit3A_225 = arith.constant 1 : i32
        %select_n3A_226 = arith.select %eq3A_224, %jit3A_225, %jit3A_222 : i32
        %rem3A_227 = arith.remsi %scan3A_201, %select_n3A_226 : i32
        %ne3A_228 = arith.constant 0 : i32
        %ne3A_229 = arith.cmpi ne, %rem3A_227, %ne3A_228 : i32
        %lt3A_230 = arith.constant 0 : i32
        %lt3A_231 = arith.cmpi slt, %rem3A_227, %lt3A_230 : i32
        %lt3A_232 = arith.constant 0 : i32
        %lt3A_233 = arith.cmpi slt, %select_n3A_226, %lt3A_232 : i32
        %ne3A_234 = arith.xori %lt3A_231, %lt3A_233 : i1
        %and3A_235 = arith.andi %ne3A_234, %ne3A_229 : i1
        %add3A_236 = arith.addi %rem3A_227, %select_n3A_226 : i32
        %select_n3A_237 = arith.select %and3A_235, %add3A_236, %rem3A_227 : i32
        %dma_start3A_238 = arith.constant 0 : i32
        %dma_start3A_239 = arith.constant 0 : i32
        %dma_start3A_240 = tpu.memref_slice %arg10[%select_n3A_237, %dma_start3A_238, %dma_start3A_239] : memref<2x125x128xf32, #tpu.memory_space<vmem>> -> memref<1x125x128xf32, #tpu.memory_space<vmem>>
        %dma_start3A_241 = tpu.memref_squeeze %dma_start3A_240 : memref<1x125x128xf32, #tpu.memory_space<vmem>> -> memref<125x128xf32, #tpu.memory_space<vmem>>
        %dma_start3A_242 = arith.constant 0 : i32
        %dma_start3A_243 = tpu.memref_slice %arg9[%scan3A_201, %dma_start3A_242] : memref<40x125xi32, #tpu.memory_space<vmem>> -> memref<1x125xi32, #tpu.memory_space<vmem>>
        %dma_start3A_244 = tpu.memref_squeeze %dma_start3A_243 : memref<1x125xi32, #tpu.memory_space<vmem>> -> memref<125xi32, #tpu.memory_space<vmem>>
        %dma_start3A_245 = arith.constant 0 : i32
        %dma_start3A_246 = arith.constant 0 : i32
        %dma_start3A_247 = tpu.memref_slice %arg11[%dma_start3A_245, %dma_start3A_246] : memref<10000x128xf32, #tpu.memory_space<vmem_shared>> -> memref<10000x128xf32, #tpu.memory_space<vmem_shared>>
        tpu.enqueue_indirect_dma source(%dma_start3A_241 : memref<125x128xf32, #tpu.memory_space<vmem>>) target(%dma_start3A_247 : memref<10000x128xf32, #tpu.memory_space<vmem_shared>>) offsets(%dma_start3A_244 : memref<125xi32, #tpu.memory_space<vmem>>) semaphore(%arg13 : memref<!tpu.dma_semaphore, #tpu.memory_space<semaphore_mem>>) {add = true}
        %add3A_248 = arith.constant 1 : i32
        %add3A_249 = arith.addi %scan3A_201, %add3A_248 : i32
        %lt3A_250 = arith.constant 40 : i32
        %lt3A_251 = arith.cmpi slt, %add3A_249, %lt3A_250 : i32
        %convert_element_type3A_252 = arith.extui %lt3A_251 : i1 to i32
        %cond3A_253 = arith.constant 0 : i32
        %cond3A_254 = arith.cmpi ne, %convert_element_type3A_252, %cond3A_253 : i32
        scf.if %cond3A_254 {
          %gt3A = arith.constant 0 : i32
          %gt3A_255 = arith.cmpi sgt, %scan3A_201, %gt3A : i32
          %convert_element_type3A_256 = arith.extui %gt3A_255 : i1 to i32
          %cond3A_257 = arith.constant 0 : i32
          %cond3A_258 = arith.cmpi ne, %convert_element_type3A_256, %cond3A_257 : i32
          scf.if %cond3A_258 {
            %add3A_289 = arith.constant 1 : i32
            %add3A_290 = arith.addi %scan3A_201, %add3A_289 : i32
            %jit3A_291 = arith.constant 2 : i32
            %eq3A_292 = arith.constant 0 : i32
            %eq3A_293 = arith.cmpi eq, %jit3A_291, %eq3A_292 : i32
            %jit3A_294 = arith.constant 1 : i32
            %select_n3A_295 = arith.select %eq3A_293, %jit3A_294, %jit3A_291 : i32
            %rem3A_296 = arith.remsi %add3A_290, %select_n3A_295 : i32
            %ne3A_297 = arith.constant 0 : i32
            %ne3A_298 = arith.cmpi ne, %rem3A_296, %ne3A_297 : i32
            %lt3A_299 = arith.constant 0 : i32
            %lt3A_300 = arith.cmpi slt, %rem3A_296, %lt3A_299 : i32
            %lt3A_301 = arith.constant 0 : i32
            %lt3A_302 = arith.cmpi slt, %select_n3A_295, %lt3A_301 : i32
            %ne3A_303 = arith.xori %lt3A_300, %lt3A_302 : i1
            %and3A_304 = arith.andi %ne3A_303, %ne3A_298 : i1
            %add3A_305 = arith.addi %rem3A_296, %select_n3A_295 : i32
            %select_n3A_306 = arith.select %and3A_304, %add3A_305, %rem3A_296 : i32
            %dma_wait3A_307 = arith.constant 0 : i32
            %dma_wait3A_308 = arith.constant 0 : i32
            %dma_wait3A_309 = tpu.memref_slice %arg10[%select_n3A_306, %dma_wait3A_307, %dma_wait3A_308] : memref<2x125x128xf32, #tpu.memory_space<vmem>> -> memref<1x125x128xf32, #tpu.memory_space<vmem>>
            %dma_wait3A_310 = tpu.memref_squeeze %dma_wait3A_309 : memref<1x125x128xf32, #tpu.memory_space<vmem>> -> memref<125x128xf32, #tpu.memory_space<vmem>>
            %dma_wait3A_311 = arith.constant 0 : i32
            %dma_wait3A_312 = tpu.memref_slice %arg9[%scan3A_201, %dma_wait3A_311] : memref<40x125xi32, #tpu.memory_space<vmem>> -> memref<1x125xi32, #tpu.memory_space<vmem>>
            %dma_wait3A_313 = tpu.memref_squeeze %dma_wait3A_312 : memref<1x125xi32, #tpu.memory_space<vmem>> -> memref<125xi32, #tpu.memory_space<vmem>>
            %dma_wait3A_314 = arith.constant 0 : i32
            %dma_wait3A_315 = arith.constant 0 : i32
            %dma_wait3A_316 = tpu.memref_slice %arg11[%dma_wait3A_314, %dma_wait3A_315] : memref<10000x128xf32, #tpu.memory_space<vmem_shared>> -> memref<10000x128xf32, #tpu.memory_space<vmem_shared>>
            tpu.wait_indirect_dma semaphore(%arg13 : memref<!tpu.dma_semaphore, #tpu.memory_space<semaphore_mem>>) src(%dma_wait3A_310 : memref<125x128xf32, #tpu.memory_space<vmem>>) dst(%dma_wait3A_316 : memref<10000x128xf32, #tpu.memory_space<vmem_shared>>)
          } else {
          }
          %add3A_259 = arith.constant 1 : i32
          %add3A_260 = arith.addi %scan3A_201, %add3A_259 : i32
          %add3A_261 = arith.constant 1 : i32
          %add3A_262 = arith.addi %scan3A_201, %add3A_261 : i32
          %jit3A_263 = arith.constant 2 : i32
          %eq3A_264 = arith.constant 0 : i32
          %eq3A_265 = arith.cmpi eq, %jit3A_263, %eq3A_264 : i32
          %jit3A_266 = arith.constant 1 : i32
          %select_n3A_267 = arith.select %eq3A_265, %jit3A_266, %jit3A_263 : i32
          %rem3A_268 = arith.remsi %add3A_262, %select_n3A_267 : i32
          %ne3A_269 = arith.constant 0 : i32
          %ne3A_270 = arith.cmpi ne, %rem3A_268, %ne3A_269 : i32
          %lt3A_271 = arith.constant 0 : i32
          %lt3A_272 = arith.cmpi slt, %rem3A_268, %lt3A_271 : i32
          %lt3A_273 = arith.constant 0 : i32
          %lt3A_274 = arith.cmpi slt, %select_n3A_267, %lt3A_273 : i32
          %ne3A_275 = arith.xori %lt3A_272, %lt3A_274 : i1
          %and3A_276 = arith.andi %ne3A_275, %ne3A_270 : i1
          %add3A_277 = arith.addi %rem3A_268, %select_n3A_267 : i32
          %select_n3A_278 = arith.select %and3A_276, %add3A_277, %rem3A_268 : i32
          %dma_start3A_279 = arith.constant 0 : i32
          %dma_start3A_280 = arith.constant 0 : i32
          %dma_start3A_281 = tpu.memref_slice %arg10[%select_n3A_278, %dma_start3A_279, %dma_start3A_280] : memref<2x125x128xf32, #tpu.memory_space<vmem>> -> memref<1x125x128xf32, #tpu.memory_space<vmem>>
          %dma_start3A_282 = tpu.memref_squeeze %dma_start3A_281 : memref<1x125x128xf32, #tpu.memory_space<vmem>> -> memref<125x128xf32, #tpu.memory_space<vmem>>
          %dma_start3A_283 = arith.constant 0 : i32
          %dma_start3A_284 = tpu.memref_slice %arg8[%add3A_260, %dma_start3A_283] : memref<40x125xi32, #tpu.memory_space<vmem>> -> memref<1x125xi32, #tpu.memory_space<vmem>>
          %dma_start3A_285 = tpu.memref_squeeze %dma_start3A_284 : memref<1x125xi32, #tpu.memory_space<vmem>> -> memref<125xi32, #tpu.memory_space<vmem>>
          %dma_start3A_286 = arith.constant 0 : i32
          %dma_start3A_287 = arith.constant 0 : i32
          %dma_start3A_288 = tpu.memref_slice %arg3[%dma_start3A_286, %dma_start3A_287] : memref<10000x128xf32, #tpu.memory_space<hbm>> -> memref<10000x128xf32, #tpu.memory_space<hbm>>
          tpu.enqueue_indirect_dma source(%dma_start3A_288 : memref<10000x128xf32, #tpu.memory_space<hbm>>) target(%dma_start3A_282 : memref<125x128xf32, #tpu.memory_space<vmem>>) offsets(%dma_start3A_285 : memref<125xi32, #tpu.memory_space<vmem>>) semaphore(%arg12 : memref<!tpu.dma_semaphore, #tpu.memory_space<semaphore_mem>>)
        } else {
        }
      }
      %scan3A_168 = arith.constant 40 : i32
      %dma_wait3A_169 = arith.constant 0 : i32
      %dma_wait3A_170 = arith.constant 0 : i32
      %dma_wait3A_171 = arith.constant 0 : i32
      %dma_wait3A_172 = arith.constant 0 : i32
      %dma_wait3A_173 = tpu.memref_slice %arg10[%dma_wait3A_169, %dma_wait3A_171, %dma_wait3A_172] : memref<2x125x128xf32, #tpu.memory_space<vmem>> -> memref<1x125x128xf32, #tpu.memory_space<vmem>>
      %dma_wait3A_174 = tpu.memref_squeeze %dma_wait3A_173 : memref<1x125x128xf32, #tpu.memory_space<vmem>> -> memref<125x128xf32, #tpu.memory_space<vmem>>
      %dma_wait3A_175 = arith.constant 0 : i32
      %dma_wait3A_176 = tpu.memref_slice %arg9[%dma_wait3A_170, %dma_wait3A_175] : memref<40x125xi32, #tpu.memory_space<vmem>> -> memref<1x125xi32, #tpu.memory_space<vmem>>
      %dma_wait3A_177 = tpu.memref_squeeze %dma_wait3A_176 : memref<1x125xi32, #tpu.memory_space<vmem>> -> memref<125xi32, #tpu.memory_space<vmem>>
      %dma_wait3A_178 = arith.constant 0 : i32
      %dma_wait3A_179 = arith.constant 0 : i32
      %dma_wait3A_180 = tpu.memref_slice %arg11[%dma_wait3A_178, %dma_wait3A_179] : memref<10000x128xf32, #tpu.memory_space<vmem_shared>> -> memref<10000x128xf32, #tpu.memory_space<vmem_shared>>
      tpu.wait_indirect_dma semaphore(%arg13 : memref<!tpu.dma_semaphore, #tpu.memory_space<semaphore_mem>>) src(%dma_wait3A_174 : memref<125x128xf32, #tpu.memory_space<vmem>>) dst(%dma_wait3A_180 : memref<10000x128xf32, #tpu.memory_space<vmem_shared>>)
      %dma_wait3A_181 = arith.constant 1 : i32
      %dma_wait3A_182 = arith.constant 0 : i32
      %dma_wait3A_183 = arith.constant 0 : i32
      %dma_wait3A_184 = arith.constant 0 : i32
      %dma_wait3A_185 = tpu.memref_slice %arg10[%dma_wait3A_181, %dma_wait3A_183, %dma_wait3A_184] : memref<2x125x128xf32, #tpu.memory_space<vmem>> -> memref<1x125x128xf32, #tpu.memory_space<vmem>>
      %dma_wait3A_186 = tpu.memref_squeeze %dma_wait3A_185 : memref<1x125x128xf32, #tpu.memory_space<vmem>> -> memref<125x128xf32, #tpu.memory_space<vmem>>
      %dma_wait3A_187 = arith.constant 0 : i32
      %dma_wait3A_188 = tpu.memref_slice %arg9[%dma_wait3A_182, %dma_wait3A_187] : memref<40x125xi32, #tpu.memory_space<vmem>> -> memref<1x125xi32, #tpu.memory_space<vmem>>
      %dma_wait3A_189 = tpu.memref_squeeze %dma_wait3A_188 : memref<1x125xi32, #tpu.memory_space<vmem>> -> memref<125xi32, #tpu.memory_space<vmem>>
      %dma_wait3A_190 = arith.constant 0 : i32
      %dma_wait3A_191 = arith.constant 0 : i32
      %dma_wait3A_192 = tpu.memref_slice %arg11[%dma_wait3A_190, %dma_wait3A_191] : memref<10000x128xf32, #tpu.memory_space<vmem_shared>> -> memref<10000x128xf32, #tpu.memory_space<vmem_shared>>
      tpu.wait_indirect_dma semaphore(%arg13 : memref<!tpu.dma_semaphore, #tpu.memory_space<semaphore_mem>>) src(%dma_wait3A_186 : memref<125x128xf32, #tpu.memory_space<vmem>>) dst(%dma_wait3A_192 : memref<10000x128xf32, #tpu.memory_space<vmem_shared>>)
      %barrier3A_193 = arith.constant 0 : index
      tpu.barrier barrier_id(%barrier3A_193)
      %mul3A_194 = arith.constant 624 : i32
      %mul3A_195 = arith.muli %arg1, %mul3A_194 : i32
      "tpu.region"() ({
        %run_scoped3A = tpu.sem_alloc : memref<!tpu.dma_semaphore, #tpu.memory_space<semaphore_mem>>
        %dma_start3A_201 = arith.constant 0 : i32
        %dma_start3A_202 = tpu.memref_slice %arg7[%mul3A_195, %dma_start3A_201] : memref<10000x128xf32, #tpu.memory_space<hbm>> -> memref<624x128xf32, #tpu.memory_space<hbm>>
        %dma_start3A_203 = arith.constant 0 : i32
        %dma_start3A_204 = tpu.memref_slice %arg11[%mul3A_195, %dma_start3A_203] : memref<10000x128xf32, #tpu.memory_space<vmem_shared>> -> memref<624x128xf32, #tpu.memory_space<vmem_shared>>
        tpu.enqueue_dma source(%dma_start3A_204 : memref<624x128xf32, #tpu.memory_space<vmem_shared>>) target(%dma_start3A_202 : memref<624x128xf32, #tpu.memory_space<hbm>>) target_semaphore(%run_scoped3A : memref<!tpu.dma_semaphore, #tpu.memory_space<semaphore_mem>>)
        %dma_wait3A_205 = arith.constant 0 : i32
        %dma_wait3A_206 = tpu.memref_slice %arg7[%mul3A_195, %dma_wait3A_205] : memref<10000x128xf32, #tpu.memory_space<hbm>> -> memref<624x128xf32, #tpu.memory_space<hbm>>
        %dma_wait3A_207 = arith.constant 0 : i32
        %dma_wait3A_208 = tpu.memref_slice %arg11[%mul3A_195, %dma_wait3A_207] : memref<10000x128xf32, #tpu.memory_space<vmem_shared>> -> memref<624x128xf32, #tpu.memory_space<vmem_shared>>
        tpu.wait_dma2 semaphore(%run_scoped3A : memref<!tpu.dma_semaphore, #tpu.memory_space<semaphore_mem>>) src(%dma_wait3A_208 : memref<624x128xf32, #tpu.memory_space<vmem_shared>>) dst(%dma_wait3A_206 : memref<624x128xf32, #tpu.memory_space<hbm>>)
        tpu.yield
      }) : () -> ()
      %eq3A_196 = arith.constant 15 : i32
      %eq3A_197 = arith.cmpi eq, %arg1, %eq3A_196 : i32
      %convert_element_type3A_198 = arith.extui %eq3A_197 : i1 to i32
      %cond3A_199 = arith.constant 0 : i32
      %cond3A_200 = arith.cmpi ne, %convert_element_type3A_198, %cond3A_199 : i32
      scf.if %cond3A_200 {
        "tpu.region"() ({
          %run_scoped3A = tpu.sem_alloc : memref<!tpu.dma_semaphore, #tpu.memory_space<semaphore_mem>>
          %dma_start3A_201 = arith.constant 9984 : i32
          %dma_start3A_202 = arith.constant 0 : i32
          %dma_start3A_203 = tpu.memref_slice %arg7[%dma_start3A_201, %dma_start3A_202] : memref<10000x128xf32, #tpu.memory_space<hbm>> -> memref<16x128xf32, #tpu.memory_space<hbm>>
          %dma_start3A_204 = arith.constant 9984 : i32
          %dma_start3A_205 = arith.constant 0 : i32
          %dma_start3A_206 = tpu.memref_slice %arg11[%dma_start3A_204, %dma_start3A_205] : memref<10000x128xf32, #tpu.memory_space<vmem_shared>> -> memref<16x128xf32, #tpu.memory_space<vmem_shared>>
          tpu.enqueue_dma source(%dma_start3A_206 : memref<16x128xf32, #tpu.memory_space<vmem_shared>>) target(%dma_start3A_203 : memref<16x128xf32, #tpu.memory_space<hbm>>) target_semaphore(%run_scoped3A : memref<!tpu.dma_semaphore, #tpu.memory_space<semaphore_mem>>)
          %dma_wait3A_207 = arith.constant 9984 : i32
          %dma_wait3A_208 = arith.constant 0 : i32
          %dma_wait3A_209 = tpu.memref_slice %arg7[%dma_wait3A_207, %dma_wait3A_208] : memref<10000x128xf32, #tpu.memory_space<hbm>> -> memref<16x128xf32, #tpu.memory_space<hbm>>
          %dma_wait3A_210 = arith.constant 9984 : i32
          %dma_wait3A_211 = arith.constant 0 : i32
          %dma_wait3A_212 = tpu.memref_slice %arg11[%dma_wait3A_210, %dma_wait3A_211] : memref<10000x128xf32, #tpu.memory_space<vmem_shared>> -> memref<16x128xf32, #tpu.memory_space<vmem_shared>>
          tpu.wait_dma2 semaphore(%run_scoped3A : memref<!tpu.dma_semaphore, #tpu.memory_space<semaphore_mem>>) src(%dma_wait3A_212 : memref<16x128xf32, #tpu.memory_space<vmem_shared>>) dst(%dma_wait3A_209 : memref<16x128xf32, #tpu.memory_space<hbm>>)
          tpu.yield
        }) : () -> ()
      } else {
      }
    } else {
    }
    return
  }
}

#map = affine_map<(d0, d1) -> (0, 0)>
#map1 = affine_map<(d0, d1) -> (0)>
module attributes {stable_mosaic.version = 14 : i64} {
  func.func @_sc_degrees(%arg0: i32, %arg1: i32, %arg2: memref<2560x125xi32, #tpu.memory_space<hbm>>, %arg3: memref<2560x125xi32, #tpu.memory_space<hbm>>, %arg4: memref<10240xf32, #tpu.memory_space<hbm>>, %arg5: memref<10240xf32, #tpu.memory_space<hbm>>, %arg6: memref<160x125xi32, #tpu.memory_space<vmem>>, %arg7: memref<128xf32, #tpu.memory_space<vmem>>, %arg8: memref<640xf32, #tpu.memory_space<vmem>>, %arg9: memref<10240xf32, #tpu.memory_space<vmem_shared>>) attributes {dimension_semantics = [#tpu.dimension_semantics<core_parallel>, #tpu.dimension_semantics<subcore_parallel>], iteration_bounds = array<i64: 2, 16>, scalar_prefetch = 0 : i64, scratch_operands = 4 : i64, tpu.core_type = #tpu.core_type<sc_vector_subcore>, window_params = [{transform_indices = #map}, {transform_indices = #map}, {transform_indices = #map1}, {transform_indices = #map1}]} {
    %broadcast_in_dim3A = arith.constant 1.000000e+00 : f32
    %broadcast_in_dim3A_0 = vector.broadcast %broadcast_in_dim3A : f32 to vector<16xf32>
    %swap3A = arith.constant 0 : index
    %swap3A_1 = tpu.vector_load %arg7[%swap3A] {strides = array<i32>} : memref<128xf32, #tpu.memory_space<vmem>>, vector<16xf32>,
    %swap3A_2 = vector.shape_cast %swap3A_1 : vector<16xf32> to vector<16xf32>
    %swap3A_3 = vector.shape_cast %broadcast_in_dim3A_0 : vector<16xf32> to vector<16xf32>
    tpu.vector_store %arg7[%swap3A], %swap3A_3 {strides = array<i32>} : memref<128xf32, #tpu.memory_space<vmem>>, vector<16xf32>,
    %broadcast_in_dim3A_4 = arith.constant 1.000000e+00 : f32
    %broadcast_in_dim3A_5 = vector.broadcast %broadcast_in_dim3A_4 : f32 to vector<16xf32>
    %swap3A_6 = arith.constant 16 : index
    %swap3A_7 = tpu.vector_load %arg7[%swap3A_6] {strides = array<i32>} : memref<128xf32, #tpu.memory_space<vmem>>, vector<16xf32>,
    %swap3A_8 = vector.shape_cast %swap3A_7 : vector<16xf32> to vector<16xf32>
    %swap3A_9 = vector.shape_cast %broadcast_in_dim3A_5 : vector<16xf32> to vector<16xf32>
    tpu.vector_store %arg7[%swap3A_6], %swap3A_9 {strides = array<i32>} : memref<128xf32, #tpu.memory_space<vmem>>, vector<16xf32>,
    %broadcast_in_dim3A_10 = arith.constant 1.000000e+00 : f32
    %broadcast_in_dim3A_11 = vector.broadcast %broadcast_in_dim3A_10 : f32 to vector<16xf32>
    %swap3A_12 = arith.constant 32 : index
    %swap3A_13 = tpu.vector_load %arg7[%swap3A_12] {strides = array<i32>} : memref<128xf32, #tpu.memory_space<vmem>>, vector<16xf32>,
    %swap3A_14 = vector.shape_cast %swap3A_13 : vector<16xf32> to vector<16xf32>
    %swap3A_15 = vector.shape_cast %broadcast_in_dim3A_11 : vector<16xf32> to vector<16xf32>
    tpu.vector_store %arg7[%swap3A_12], %swap3A_15 {strides = array<i32>} : memref<128xf32, #tpu.memory_space<vmem>>, vector<16xf32>,
    %broadcast_in_dim3A_16 = arith.constant 1.000000e+00 : f32
    %broadcast_in_dim3A_17 = vector.broadcast %broadcast_in_dim3A_16 : f32 to vector<16xf32>
    %swap3A_18 = arith.constant 48 : index
    %swap3A_19 = tpu.vector_load %arg7[%swap3A_18] {strides = array<i32>} : memref<128xf32, #tpu.memory_space<vmem>>, vector<16xf32>,
    %swap3A_20 = vector.shape_cast %swap3A_19 : vector<16xf32> to vector<16xf32>
    %swap3A_21 = vector.shape_cast %broadcast_in_dim3A_17 : vector<16xf32> to vector<16xf32>
    tpu.vector_store %arg7[%swap3A_18], %swap3A_21 {strides = array<i32>} : memref<128xf32, #tpu.memory_space<vmem>>, vector<16xf32>,
    %broadcast_in_dim3A_22 = arith.constant 1.000000e+00 : f32
    %broadcast_in_dim3A_23 = vector.broadcast %broadcast_in_dim3A_22 : f32 to vector<16xf32>
    %swap3A_24 = arith.constant 64 : index
    %swap3A_25 = tpu.vector_load %arg7[%swap3A_24] {strides = array<i32>} : memref<128xf32, #tpu.memory_space<vmem>>, vector<16xf32>,
    %swap3A_26 = vector.shape_cast %swap3A_25 : vector<16xf32> to vector<16xf32>
    %swap3A_27 = vector.shape_cast %broadcast_in_dim3A_23 : vector<16xf32> to vector<16xf32>
    tpu.vector_store %arg7[%swap3A_24], %swap3A_27 {strides = array<i32>} : memref<128xf32, #tpu.memory_space<vmem>>, vector<16xf32>,
    %broadcast_in_dim3A_28 = arith.constant 1.000000e+00 : f32
    %broadcast_in_dim3A_29 = vector.broadcast %broadcast_in_dim3A_28 : f32 to vector<16xf32>
    %swap3A_30 = arith.constant 80 : index
    %swap3A_31 = tpu.vector_load %arg7[%swap3A_30] {strides = array<i32>} : memref<128xf32, #tpu.memory_space<vmem>>, vector<16xf32>,
    %swap3A_32 = vector.shape_cast %swap3A_31 : vector<16xf32> to vector<16xf32>
    %swap3A_33 = vector.shape_cast %broadcast_in_dim3A_29 : vector<16xf32> to vector<16xf32>
    tpu.vector_store %arg7[%swap3A_30], %swap3A_33 {strides = array<i32>} : memref<128xf32, #tpu.memory_space<vmem>>, vector<16xf32>,
    %broadcast_in_dim3A_34 = arith.constant 1.000000e+00 : f32
    %broadcast_in_dim3A_35 = vector.broadcast %broadcast_in_dim3A_34 : f32 to vector<16xf32>
    %swap3A_36 = arith.constant 96 : index
    %swap3A_37 = tpu.vector_load %arg7[%swap3A_36] {strides = array<i32>} : memref<128xf32, #tpu.memory_space<vmem>>, vector<16xf32>,
    %swap3A_38 = vector.shape_cast %swap3A_37 : vector<16xf32> to vector<16xf32>
    %swap3A_39 = vector.shape_cast %broadcast_in_dim3A_35 : vector<16xf32> to vector<16xf32>
    tpu.vector_store %arg7[%swap3A_36], %swap3A_39 {strides = array<i32>} : memref<128xf32, #tpu.memory_space<vmem>>, vector<16xf32>,
    %broadcast_in_dim3A_40 = arith.constant 1.000000e+00 : f32
    %broadcast_in_dim3A_41 = vector.broadcast %broadcast_in_dim3A_40 : f32 to vector<16xf32>
    %swap3A_42 = arith.constant 112 : index
    %swap3A_43 = tpu.vector_load %arg7[%swap3A_42] {strides = array<i32>} : memref<128xf32, #tpu.memory_space<vmem>>, vector<16xf32>,
    %swap3A_44 = vector.shape_cast %swap3A_43 : vector<16xf32> to vector<16xf32>
    %swap3A_45 = vector.shape_cast %broadcast_in_dim3A_41 : vector<16xf32> to vector<16xf32>
    tpu.vector_store %arg7[%swap3A_42], %swap3A_45 {strides = array<i32>} : memref<128xf32, #tpu.memory_space<vmem>>, vector<16xf32>,
    %scan3A = arith.constant 0 : i32
    %scan3A_46 = arith.constant 0 : i32
    %scan3A_47 = arith.constant 40 : i32
    %scan3A_48 = arith.addi %scan3A_46, %scan3A_47 : i32
    %scan3A_49 = arith.constant 1 : i32
    scf.for %scan3A_72 = %scan3A_46 to %scan3A_48 step %scan3A_49  : i32 {
      %broadcast_in_dim3A_73 = arith.constant 0.000000e+00 : f32
      %broadcast_in_dim3A_74 = vector.broadcast %broadcast_in_dim3A_73 : f32 to vector<16xf32>
      %mul3A_75 = arith.constant 16 : i32
      %mul3A_76 = arith.muli %scan3A_72, %mul3A_75 : i32
      %swap3A_77 = arith.index_cast %mul3A_76 : i32 to index
      %swap3A_78 = tpu.vector_load %arg8[%swap3A_77] {strides = array<i32>} : memref<640xf32, #tpu.memory_space<vmem>>, vector<16xf32>,
      %swap3A_79 = vector.shape_cast %swap3A_78 : vector<16xf32> to vector<16xf32>
      %swap3A_80 = vector.shape_cast %broadcast_in_dim3A_74 : vector<16xf32> to vector<16xf32>
      tpu.vector_store %arg8[%swap3A_77], %swap3A_80 {strides = array<i32>} : memref<640xf32, #tpu.memory_space<vmem>>, vector<16xf32>,
    }
    %scan3A_50 = arith.constant 40 : i32
    %mul3A = arith.constant 640 : i32
    %mul3A_51 = arith.muli %arg1, %mul3A : i32
    "tpu.region"() ({
      %run_scoped3A = tpu.sem_alloc : memref<!tpu.dma_semaphore, #tpu.memory_space<semaphore_mem>>
      %dma_start3A = tpu.memref_slice %arg9[%mul3A_51] : memref<10240xf32, #tpu.memory_space<vmem_shared>> -> memref<640xf32, #tpu.memory_space<vmem_shared>>
      %dma_start3A_72 = tpu.memref_slice %arg9[%mul3A_51] : memref<10240xf32, #tpu.memory_space<vmem_shared>> -> memref<640xf32, #tpu.memory_space<vmem_shared>>
      tpu.enqueue_dma source(%arg8 : memref<640xf32, #tpu.memory_space<vmem>>) target(%dma_start3A_72 : memref<640xf32, #tpu.memory_space<vmem_shared>>) target_semaphore(%run_scoped3A : memref<!tpu.dma_semaphore, #tpu.memory_space<semaphore_mem>>)
      %dma_wait3A = tpu.memref_slice %arg9[%mul3A_51] : memref<10240xf32, #tpu.memory_space<vmem_shared>> -> memref<640xf32, #tpu.memory_space<vmem_shared>>
      %dma_wait3A_73 = tpu.memref_slice %arg9[%mul3A_51] : memref<10240xf32, #tpu.memory_space<vmem_shared>> -> memref<640xf32, #tpu.memory_space<vmem_shared>>
      tpu.wait_dma2 semaphore(%run_scoped3A : memref<!tpu.dma_semaphore, #tpu.memory_space<semaphore_mem>>) src(%arg8 : memref<640xf32, #tpu.memory_space<vmem>>) dst(%dma_wait3A_73 : memref<640xf32, #tpu.memory_space<vmem_shared>>)
      tpu.yield
    }) : () -> ()
    %barrier3A = arith.constant 0 : index
    tpu.barrier barrier_id(%barrier3A)
    %eq3A = arith.constant 0 : i32
    %eq3A_52 = arith.cmpi eq, %arg0, %eq3A : i32
    %convert_element_type3A = arith.extui %eq3A_52 : i1 to i32
    %cond3A = arith.constant 0 : i32
    %cond3A_53 = arith.cmpi ne, %convert_element_type3A, %cond3A : i32
    scf.if %cond3A_53 {
      %mul3A_72 = arith.constant 160 : i32
      %mul3A_73 = arith.muli %arg1, %mul3A_72 : i32
      "tpu.region"() ({
        %run_scoped3A = tpu.sem_alloc : memref<!tpu.dma_semaphore, #tpu.memory_space<semaphore_mem>>
        %dma_start3A = arith.constant 0 : i32
        %dma_start3A_80 = tpu.memref_slice %arg2[%mul3A_73, %dma_start3A] : memref<2560x125xi32, #tpu.memory_space<hbm>> -> memref<160x125xi32, #tpu.memory_space<hbm>>
        %dma_start3A_81 = arith.constant 0 : i32
        %dma_start3A_82 = tpu.memref_slice %arg2[%mul3A_73, %dma_start3A_81] : memref<2560x125xi32, #tpu.memory_space<hbm>> -> memref<160x125xi32, #tpu.memory_space<hbm>>
        tpu.enqueue_dma source(%dma_start3A_82 : memref<160x125xi32, #tpu.memory_space<hbm>>) target(%arg6 : memref<160x125xi32, #tpu.memory_space<vmem>>) target_semaphore(%run_scoped3A : memref<!tpu.dma_semaphore, #tpu.memory_space<semaphore_mem>>)
        %dma_wait3A = arith.constant 0 : i32
        %dma_wait3A_83 = tpu.memref_slice %arg2[%mul3A_73, %dma_wait3A] : memref<2560x125xi32, #tpu.memory_space<hbm>> -> memref<160x125xi32, #tpu.memory_space<hbm>>
        %dma_wait3A_84 = arith.constant 0 : i32
        %dma_wait3A_85 = tpu.memref_slice %arg2[%mul3A_73, %dma_wait3A_84] : memref<2560x125xi32, #tpu.memory_space<hbm>> -> memref<160x125xi32, #tpu.memory_space<hbm>>
        tpu.wait_dma2 semaphore(%run_scoped3A : memref<!tpu.dma_semaphore, #tpu.memory_space<semaphore_mem>>) src(%dma_wait3A_85 : memref<160x125xi32, #tpu.memory_space<hbm>>) dst(%arg6 : memref<160x125xi32, #tpu.memory_space<vmem>>)
        tpu.yield
      }) : () -> ()
      %scan3A_74 = arith.constant 0 : i32
      %scan3A_75 = arith.constant 0 : i32
      %scan3A_76 = arith.constant 160 : i32
      %scan3A_77 = arith.addi %scan3A_75, %scan3A_76 : i32
      %scan3A_78 = arith.constant 1 : i32
      scf.for %scan3A_80 = %scan3A_75 to %scan3A_77 step %scan3A_78  : i32 {
        "tpu.region"() ({
          %run_scoped3A = tpu.sem_alloc : memref<!tpu.dma_semaphore, #tpu.memory_space<semaphore_mem>>
          %dma_start3A = arith.constant 0 : i32
          %dma_start3A_81 = tpu.memref_slice %arg7[%dma_start3A] : memref<128xf32, #tpu.memory_space<vmem>> -> memref<125xf32, #tpu.memory_space<vmem>>
          %dma_start3A_82 = arith.constant 0 : i32
          %dma_start3A_83 = tpu.memref_slice %arg6[%scan3A_80, %dma_start3A_82] : memref<160x125xi32, #tpu.memory_space<vmem>> -> memref<1x125xi32, #tpu.memory_space<vmem>>
          %dma_start3A_84 = tpu.memref_squeeze %dma_start3A_83 : memref<1x125xi32, #tpu.memory_space<vmem>> -> memref<125xi32, #tpu.memory_space<vmem>>
          %dma_start3A_85 = arith.constant 0 : i32
          %dma_start3A_86 = tpu.memref_slice %arg9[%dma_start3A_85] : memref<10240xf32, #tpu.memory_space<vmem_shared>> -> memref<10240xf32, #tpu.memory_space<vmem_shared>>
          tpu.enqueue_indirect_dma source(%dma_start3A_81 : memref<125xf32, #tpu.memory_space<vmem>>) target(%dma_start3A_86 : memref<10240xf32, #tpu.memory_space<vmem_shared>>) offsets(%dma_start3A_84 : memref<125xi32, #tpu.memory_space<vmem>>) semaphore(%run_scoped3A : memref<!tpu.dma_semaphore, #tpu.memory_space<semaphore_mem>>) {add = true}
          %dma_wait3A = arith.constant 0 : i32
          %dma_wait3A_87 = tpu.memref_slice %arg7[%dma_wait3A] : memref<128xf32, #tpu.memory_space<vmem>> -> memref<125xf32, #tpu.memory_space<vmem>>
          %dma_wait3A_88 = arith.constant 0 : i32
          %dma_wait3A_89 = tpu.memref_slice %arg6[%scan3A_80, %dma_wait3A_88] : memref<160x125xi32, #tpu.memory_space<vmem>> -> memref<1x125xi32, #tpu.memory_space<vmem>>
          %dma_wait3A_90 = tpu.memref_squeeze %dma_wait3A_89 : memref<1x125xi32, #tpu.memory_space<vmem>> -> memref<125xi32, #tpu.memory_space<vmem>>
          %dma_wait3A_91 = arith.constant 0 : i32
          %dma_wait3A_92 = tpu.memref_slice %arg9[%dma_wait3A_91] : memref<10240xf32, #tpu.memory_space<vmem_shared>> -> memref<10240xf32, #tpu.memory_space<vmem_shared>>
          tpu.wait_indirect_dma semaphore(%run_scoped3A : memref<!tpu.dma_semaphore, #tpu.memory_space<semaphore_mem>>) src(%dma_wait3A_87 : memref<125xf32, #tpu.memory_space<vmem>>) dst(%dma_wait3A_92 : memref<10240xf32, #tpu.memory_space<vmem_shared>>)
          tpu.yield
        }) : () -> ()
      }
      %scan3A_79 = arith.constant 160 : i32
    } else {
    }
    %eq3A_54 = arith.constant 1 : i32
    %eq3A_55 = arith.cmpi eq, %arg0, %eq3A_54 : i32
    %convert_element_type3A_56 = arith.extui %eq3A_55 : i1 to i32
    %cond3A_57 = arith.constant 0 : i32
    %cond3A_58 = arith.cmpi ne, %convert_element_type3A_56, %cond3A_57 : i32
    scf.if %cond3A_58 {
      %mul3A_72 = arith.constant 160 : i32
      %mul3A_73 = arith.muli %arg1, %mul3A_72 : i32
      "tpu.region"() ({
        %run_scoped3A = tpu.sem_alloc : memref<!tpu.dma_semaphore, #tpu.memory_space<semaphore_mem>>
        %dma_start3A = arith.constant 0 : i32
        %dma_start3A_80 = tpu.memref_slice %arg3[%mul3A_73, %dma_start3A] : memref<2560x125xi32, #tpu.memory_space<hbm>> -> memref<160x125xi32, #tpu.memory_space<hbm>>
        %dma_start3A_81 = arith.constant 0 : i32
        %dma_start3A_82 = tpu.memref_slice %arg3[%mul3A_73, %dma_start3A_81] : memref<2560x125xi32, #tpu.memory_space<hbm>> -> memref<160x125xi32, #tpu.memory_space<hbm>>
        tpu.enqueue_dma source(%dma_start3A_82 : memref<160x125xi32, #tpu.memory_space<hbm>>) target(%arg6 : memref<160x125xi32, #tpu.memory_space<vmem>>) target_semaphore(%run_scoped3A : memref<!tpu.dma_semaphore, #tpu.memory_space<semaphore_mem>>)
        %dma_wait3A = arith.constant 0 : i32
        %dma_wait3A_83 = tpu.memref_slice %arg3[%mul3A_73, %dma_wait3A] : memref<2560x125xi32, #tpu.memory_space<hbm>> -> memref<160x125xi32, #tpu.memory_space<hbm>>
        %dma_wait3A_84 = arith.constant 0 : i32
        %dma_wait3A_85 = tpu.memref_slice %arg3[%mul3A_73, %dma_wait3A_84] : memref<2560x125xi32, #tpu.memory_space<hbm>> -> memref<160x125xi32, #tpu.memory_space<hbm>>
        tpu.wait_dma2 semaphore(%run_scoped3A : memref<!tpu.dma_semaphore, #tpu.memory_space<semaphore_mem>>) src(%dma_wait3A_85 : memref<160x125xi32, #tpu.memory_space<hbm>>) dst(%arg6 : memref<160x125xi32, #tpu.memory_space<vmem>>)
        tpu.yield
      }) : () -> ()
      %scan3A_74 = arith.constant 0 : i32
      %scan3A_75 = arith.constant 0 : i32
      %scan3A_76 = arith.constant 160 : i32
      %scan3A_77 = arith.addi %scan3A_75, %scan3A_76 : i32
      %scan3A_78 = arith.constant 1 : i32
      scf.for %scan3A_80 = %scan3A_75 to %scan3A_77 step %scan3A_78  : i32 {
        "tpu.region"() ({
          %run_scoped3A = tpu.sem_alloc : memref<!tpu.dma_semaphore, #tpu.memory_space<semaphore_mem>>
          %dma_start3A = arith.constant 0 : i32
          %dma_start3A_81 = tpu.memref_slice %arg7[%dma_start3A] : memref<128xf32, #tpu.memory_space<vmem>> -> memref<125xf32, #tpu.memory_space<vmem>>
          %dma_start3A_82 = arith.constant 0 : i32
          %dma_start3A_83 = tpu.memref_slice %arg6[%scan3A_80, %dma_start3A_82] : memref<160x125xi32, #tpu.memory_space<vmem>> -> memref<1x125xi32, #tpu.memory_space<vmem>>
          %dma_start3A_84 = tpu.memref_squeeze %dma_start3A_83 : memref<1x125xi32, #tpu.memory_space<vmem>> -> memref<125xi32, #tpu.memory_space<vmem>>
          %dma_start3A_85 = arith.constant 0 : i32
          %dma_start3A_86 = tpu.memref_slice %arg9[%dma_start3A_85] : memref<10240xf32, #tpu.memory_space<vmem_shared>> -> memref<10240xf32, #tpu.memory_space<vmem_shared>>
          tpu.enqueue_indirect_dma source(%dma_start3A_81 : memref<125xf32, #tpu.memory_space<vmem>>) target(%dma_start3A_86 : memref<10240xf32, #tpu.memory_space<vmem_shared>>) offsets(%dma_start3A_84 : memref<125xi32, #tpu.memory_space<vmem>>) semaphore(%run_scoped3A : memref<!tpu.dma_semaphore, #tpu.memory_space<semaphore_mem>>) {add = true}
          %dma_wait3A = arith.constant 0 : i32
          %dma_wait3A_87 = tpu.memref_slice %arg7[%dma_wait3A] : memref<128xf32, #tpu.memory_space<vmem>> -> memref<125xf32, #tpu.memory_space<vmem>>
          %dma_wait3A_88 = arith.constant 0 : i32
          %dma_wait3A_89 = tpu.memref_slice %arg6[%scan3A_80, %dma_wait3A_88] : memref<160x125xi32, #tpu.memory_space<vmem>> -> memref<1x125xi32, #tpu.memory_space<vmem>>
          %dma_wait3A_90 = tpu.memref_squeeze %dma_wait3A_89 : memref<1x125xi32, #tpu.memory_space<vmem>> -> memref<125xi32, #tpu.memory_space<vmem>>
          %dma_wait3A_91 = arith.constant 0 : i32
          %dma_wait3A_92 = tpu.memref_slice %arg9[%dma_wait3A_91] : memref<10240xf32, #tpu.memory_space<vmem_shared>> -> memref<10240xf32, #tpu.memory_space<vmem_shared>>
          tpu.wait_indirect_dma semaphore(%run_scoped3A : memref<!tpu.dma_semaphore, #tpu.memory_space<semaphore_mem>>) src(%dma_wait3A_87 : memref<125xf32, #tpu.memory_space<vmem>>) dst(%dma_wait3A_92 : memref<10240xf32, #tpu.memory_space<vmem_shared>>)
          tpu.yield
        }) : () -> ()
      }
      %scan3A_79 = arith.constant 160 : i32
    } else {
    }
    %barrier3A_59 = arith.constant 0 : index
    tpu.barrier barrier_id(%barrier3A_59)
    %mul3A_60 = arith.constant 640 : i32
    %mul3A_61 = arith.muli %arg1, %mul3A_60 : i32
    %eq3A_62 = arith.constant 0 : i32
    %eq3A_63 = arith.cmpi eq, %arg0, %eq3A_62 : i32
    %convert_element_type3A_64 = arith.extui %eq3A_63 : i1 to i32
    %cond3A_65 = arith.constant 0 : i32
    %cond3A_66 = arith.cmpi ne, %convert_element_type3A_64, %cond3A_65 : i32
    scf.if %cond3A_66 {
      "tpu.region"() ({
        %run_scoped3A = tpu.sem_alloc : memref<!tpu.dma_semaphore, #tpu.memory_space<semaphore_mem>>
        %dma_start3A = tpu.memref_slice %arg4[%mul3A_61] : memref<10240xf32, #tpu.memory_space<hbm>> -> memref<640xf32, #tpu.memory_space<hbm>>
        %dma_start3A_72 = tpu.memref_slice %arg9[%mul3A_61] : memref<10240xf32, #tpu.memory_space<vmem_shared>> -> memref<640xf32, #tpu.memory_space<vmem_shared>>
        tpu.enqueue_dma source(%dma_start3A_72 : memref<640xf32, #tpu.memory_space<vmem_shared>>) target(%dma_start3A : memref<640xf32, #tpu.memory_space<hbm>>) target_semaphore(%run_scoped3A : memref<!tpu.dma_semaphore, #tpu.memory_space<semaphore_mem>>)
        %dma_wait3A = tpu.memref_slice %arg4[%mul3A_61] : memref<10240xf32, #tpu.memory_space<hbm>> -> memref<640xf32, #tpu.memory_space<hbm>>
        %dma_wait3A_73 = tpu.memref_slice %arg9[%mul3A_61] : memref<10240xf32, #tpu.memory_space<vmem_shared>> -> memref<640xf32, #tpu.memory_space<vmem_shared>>
        tpu.wait_dma2 semaphore(%run_scoped3A : memref<!tpu.dma_semaphore, #tpu.memory_space<semaphore_mem>>) src(%dma_wait3A_73 : memref<640xf32, #tpu.memory_space<vmem_shared>>) dst(%dma_wait3A : memref<640xf32, #tpu.memory_space<hbm>>)
        tpu.yield
      }) : () -> ()
    } else {
    }
    %eq3A_67 = arith.constant 1 : i32
    %eq3A_68 = arith.cmpi eq, %arg0, %eq3A_67 : i32
    %convert_element_type3A_69 = arith.extui %eq3A_68 : i1 to i32
    %cond3A_70 = arith.constant 0 : i32
    %cond3A_71 = arith.cmpi ne, %convert_element_type3A_69, %cond3A_70 : i32
    scf.if %cond3A_71 {
      "tpu.region"() ({
        %run_scoped3A = tpu.sem_alloc : memref<!tpu.dma_semaphore, #tpu.memory_space<semaphore_mem>>
        %dma_start3A = tpu.memref_slice %arg5[%mul3A_61] : memref<10240xf32, #tpu.memory_space<hbm>> -> memref<640xf32, #tpu.memory_space<hbm>>
        %dma_start3A_72 = tpu.memref_slice %arg9[%mul3A_61] : memref<10240xf32, #tpu.memory_space<vmem_shared>> -> memref<640xf32, #tpu.memory_space<vmem_shared>>
        tpu.enqueue_dma source(%dma_start3A_72 : memref<640xf32, #tpu.memory_space<vmem_shared>>) target(%dma_start3A : memref<640xf32, #tpu.memory_space<hbm>>) target_semaphore(%run_scoped3A : memref<!tpu.dma_semaphore, #tpu.memory_space<semaphore_mem>>)
        %dma_wait3A = tpu.memref_slice %arg5[%mul3A_61] : memref<10240xf32, #tpu.memory_space<hbm>> -> memref<640xf32, #tpu.memory_space<hbm>>
        %dma_wait3A_73 = tpu.memref_slice %arg9[%mul3A_61] : memref<10240xf32, #tpu.memory_space<vmem_shared>> -> memref<640xf32, #tpu.memory_space<vmem_shared>>
        tpu.wait_dma2 semaphore(%run_scoped3A : memref<!tpu.dma_semaphore, #tpu.memory_space<semaphore_mem>>) src(%dma_wait3A_73 : memref<640xf32, #tpu.memory_space<vmem_shared>>) dst(%dma_wait3A : memref<640xf32, #tpu.memory_space<hbm>>)
        tpu.yield
      }) : () -> ()
    } else {
    }
    return
  }
}

#map = affine_map<(d0, d1) -> (0, 0)>
module attributes {stable_mosaic.version = 14 : i64} {
  func.func @_sc_spmm(%arg0: i32, %arg1: i32, %arg2: memref<10000x128xf32, #tpu.memory_space<hbm>>, %arg3: memref<10000x128xf32, #tpu.memory_space<hbm>>, %arg4: memref<2560x125xi32, #tpu.memory_space<hbm>>, %arg5: memref<2560x125xi32, #tpu.memory_space<hbm>>, %arg6: memref<10000x128xf32, #tpu.memory_space<hbm>>, %arg7: memref<10000x128xf32, #tpu.memory_space<hbm>>, %arg8: memref<40x125xi32, #tpu.memory_space<vmem>>, %arg9: memref<40x125xi32, #tpu.memory_space<vmem>>, %arg10: memref<2x125x128xf32, #tpu.memory_space<vmem>>, %arg11: memref<10000x128xf32, #tpu.memory_space<vmem_shared>>, %arg12: memref<!tpu.dma_semaphore, #tpu.memory_space<semaphore_mem>>, %arg13: memref<!tpu.dma_semaphore, #tpu.memory_space<semaphore_mem>>) attributes {dimension_semantics = [#tpu.dimension_semantics<core_parallel>, #tpu.dimension_semantics<subcore_parallel>], iteration_bounds = array<i64: 2, 16>, scalar_prefetch = 0 : i64, scratch_operands = 6 : i64, tpu.core_type = #tpu.core_type<sc_vector_subcore>, window_params = [{transform_indices = #map}, {transform_indices = #map}, {transform_indices = #map}, {transform_indices = #map}, {transform_indices = #map}, {transform_indices = #map}]} {
    %eq3A = arith.constant 0 : i32
    %eq3A_0 = arith.cmpi eq, %arg0, %eq3A : i32
    %convert_element_type3A = arith.extui %eq3A_0 : i1 to i32
    %cond3A = arith.constant 0 : i32
    %cond3A_1 = arith.cmpi ne, %convert_element_type3A, %cond3A : i32
    scf.if %cond3A_1 {
      %mul3A = arith.constant 624 : i32
      %mul3A_7 = arith.muli %arg1, %mul3A : i32
      "tpu.region"() ({
        %run_scoped3A = tpu.sem_alloc : memref<!tpu.dma_semaphore, #tpu.memory_space<semaphore_mem>>
        %dma_start3A_201 = arith.constant 0 : i32
        %dma_start3A_202 = tpu.memref_slice %arg11[%mul3A_7, %dma_start3A_201] : memref<10000x128xf32, #tpu.memory_space<vmem_shared>> -> memref<624x128xf32, #tpu.memory_space<vmem_shared>>
        %dma_start3A_203 = arith.constant 0 : i32
        %dma_start3A_204 = tpu.memref_slice %arg2[%mul3A_7, %dma_start3A_203] : memref<10000x128xf32, #tpu.memory_space<hbm>> -> memref<624x128xf32, #tpu.memory_space<hbm>>
        tpu.enqueue_dma source(%dma_start3A_204 : memref<624x128xf32, #tpu.memory_space<hbm>>) target(%dma_start3A_202 : memref<624x128xf32, #tpu.memory_space<vmem_shared>>) target_semaphore(%run_scoped3A : memref<!tpu.dma_semaphore, #tpu.memory_space<semaphore_mem>>)
        %dma_wait3A_205 = arith.constant 0 : i32
        %dma_wait3A_206 = tpu.memref_slice %arg11[%mul3A_7, %dma_wait3A_205] : memref<10000x128xf32, #tpu.memory_space<vmem_shared>> -> memref<624x128xf32, #tpu.memory_space<vmem_shared>>
        %dma_wait3A_207 = arith.constant 0 : i32
        %dma_wait3A_208 = tpu.memref_slice %arg2[%mul3A_7, %dma_wait3A_207] : memref<10000x128xf32, #tpu.memory_space<hbm>> -> memref<624x128xf32, #tpu.memory_space<hbm>>
        tpu.wait_dma2 semaphore(%run_scoped3A : memref<!tpu.dma_semaphore, #tpu.memory_space<semaphore_mem>>) src(%dma_wait3A_208 : memref<624x128xf32, #tpu.memory_space<hbm>>) dst(%dma_wait3A_206 : memref<624x128xf32, #tpu.memory_space<vmem_shared>>)
        tpu.yield
      }) : () -> ()
      %eq3A_8 = arith.constant 15 : i32
      %eq3A_9 = arith.cmpi eq, %arg1, %eq3A_8 : i32
      %convert_element_type3A_10 = arith.extui %eq3A_9 : i1 to i32
      %cond3A_11 = arith.constant 0 : i32
      %cond3A_12 = arith.cmpi ne, %convert_element_type3A_10, %cond3A_11 : i32
      scf.if %cond3A_12 {
        "tpu.region"() ({
          %run_scoped3A = tpu.sem_alloc : memref<!tpu.dma_semaphore, #tpu.memory_space<semaphore_mem>>
          %dma_start3A_201 = arith.constant 9984 : i32
          %dma_start3A_202 = arith.constant 0 : i32
          %dma_start3A_203 = tpu.memref_slice %arg11[%dma_start3A_201, %dma_start3A_202] : memref<10000x128xf32, #tpu.memory_space<vmem_shared>> -> memref<16x128xf32, #tpu.memory_space<vmem_shared>>
          %dma_start3A_204 = arith.constant 9984 : i32
          %dma_start3A_205 = arith.constant 0 : i32
          %dma_start3A_206 = tpu.memref_slice %arg2[%dma_start3A_204, %dma_start3A_205] : memref<10000x128xf32, #tpu.memory_space<hbm>> -> memref<16x128xf32, #tpu.memory_space<hbm>>
          tpu.enqueue_dma source(%dma_start3A_206 : memref<16x128xf32, #tpu.memory_space<hbm>>) target(%dma_start3A_203 : memref<16x128xf32, #tpu.memory_space<vmem_shared>>) target_semaphore(%run_scoped3A : memref<!tpu.dma_semaphore, #tpu.memory_space<semaphore_mem>>)
          %dma_wait3A_207 = arith.constant 9984 : i32
          %dma_wait3A_208 = arith.constant 0 : i32
          %dma_wait3A_209 = tpu.memref_slice %arg11[%dma_wait3A_207, %dma_wait3A_208] : memref<10000x128xf32, #tpu.memory_space<vmem_shared>> -> memref<16x128xf32, #tpu.memory_space<vmem_shared>>
          %dma_wait3A_210 = arith.constant 9984 : i32
          %dma_wait3A_211 = arith.constant 0 : i32
          %dma_wait3A_212 = tpu.memref_slice %arg2[%dma_wait3A_210, %dma_wait3A_211] : memref<10000x128xf32, #tpu.memory_space<hbm>> -> memref<16x128xf32, #tpu.memory_space<hbm>>
          tpu.wait_dma2 semaphore(%run_scoped3A : memref<!tpu.dma_semaphore, #tpu.memory_space<semaphore_mem>>) src(%dma_wait3A_212 : memref<16x128xf32, #tpu.memory_space<hbm>>) dst(%dma_wait3A_209 : memref<16x128xf32, #tpu.memory_space<vmem_shared>>)
          tpu.yield
        }) : () -> ()
      } else {
      }
      %barrier3A = arith.constant 0 : index
      tpu.barrier barrier_id(%barrier3A)
      %mul3A_13 = arith.constant 160 : i32
      %mul3A_14 = arith.muli %arg1, %mul3A_13 : i32
      %add3A = arith.constant 0 : i32
      %add3A_15 = arith.addi %mul3A_14, %add3A : i32
      "tpu.region"() ({
        %run_scoped3A = tpu.sem_alloc : memref<!tpu.dma_semaphore, #tpu.memory_space<semaphore_mem>>
        %dma_start3A_201 = arith.constant 0 : i32
        %dma_start3A_202 = tpu.memref_slice %arg5[%add3A_15, %dma_start3A_201] : memref<2560x125xi32, #tpu.memory_space<hbm>> -> memref<40x125xi32, #tpu.memory_space<hbm>>
        %dma_start3A_203 = arith.constant 0 : i32
        %dma_start3A_204 = tpu.memref_slice %arg5[%add3A_15, %dma_start3A_203] : memref<2560x125xi32, #tpu.memory_space<hbm>> -> memref<40x125xi32, #tpu.memory_space<hbm>>
        tpu.enqueue_dma source(%dma_start3A_204 : memref<40x125xi32, #tpu.memory_space<hbm>>) target(%arg8 : memref<40x125xi32, #tpu.memory_space<vmem>>) target_semaphore(%run_scoped3A : memref<!tpu.dma_semaphore, #tpu.memory_space<semaphore_mem>>)
        %dma_wait3A_205 = arith.constant 0 : i32
        %dma_wait3A_206 = tpu.memref_slice %arg5[%add3A_15, %dma_wait3A_205] : memref<2560x125xi32, #tpu.memory_space<hbm>> -> memref<40x125xi32, #tpu.memory_space<hbm>>
        %dma_wait3A_207 = arith.constant 0 : i32
        %dma_wait3A_208 = tpu.memref_slice %arg5[%add3A_15, %dma_wait3A_207] : memref<2560x125xi32, #tpu.memory_space<hbm>> -> memref<40x125xi32, #tpu.memory_space<hbm>>
        tpu.wait_dma2 semaphore(%run_scoped3A : memref<!tpu.dma_semaphore, #tpu.memory_space<semaphore_mem>>) src(%dma_wait3A_208 : memref<40x125xi32, #tpu.memory_space<hbm>>) dst(%arg8 : memref<40x125xi32, #tpu.memory_space<vmem>>)
        tpu.yield
      }) : () -> ()
      "tpu.region"() ({
        %run_scoped3A = tpu.sem_alloc : memref<!tpu.dma_semaphore, #tpu.memory_space<semaphore_mem>>
        %dma_start3A_201 = arith.constant 0 : i32
        %dma_start3A_202 = tpu.memref_slice %arg4[%add3A_15, %dma_start3A_201] : memref<2560x125xi32, #tpu.memory_space<hbm>> -> memref<40x125xi32, #tpu.memory_space<hbm>>
        %dma_start3A_203 = arith.constant 0 : i32
        %dma_start3A_204 = tpu.memref_slice %arg4[%add3A_15, %dma_start3A_203] : memref<2560x125xi32, #tpu.memory_space<hbm>> -> memref<40x125xi32, #tpu.memory_space<hbm>>
        tpu.enqueue_dma source(%dma_start3A_204 : memref<40x125xi32, #tpu.memory_space<hbm>>) target(%arg9 : memref<40x125xi32, #tpu.memory_space<vmem>>) target_semaphore(%run_scoped3A : memref<!tpu.dma_semaphore, #tpu.memory_space<semaphore_mem>>)
        %dma_wait3A_205 = arith.constant 0 : i32
        %dma_wait3A_206 = tpu.memref_slice %arg4[%add3A_15, %dma_wait3A_205] : memref<2560x125xi32, #tpu.memory_space<hbm>> -> memref<40x125xi32, #tpu.memory_space<hbm>>
        %dma_wait3A_207 = arith.constant 0 : i32
        %dma_wait3A_208 = tpu.memref_slice %arg4[%add3A_15, %dma_wait3A_207] : memref<2560x125xi32, #tpu.memory_space<hbm>> -> memref<40x125xi32, #tpu.memory_space<hbm>>
        tpu.wait_dma2 semaphore(%run_scoped3A : memref<!tpu.dma_semaphore, #tpu.memory_space<semaphore_mem>>) src(%dma_wait3A_208 : memref<40x125xi32, #tpu.memory_space<hbm>>) dst(%arg9 : memref<40x125xi32, #tpu.memory_space<vmem>>)
        tpu.yield
      }) : () -> ()
      %dma_start3A = arith.constant 0 : i32
      %dma_start3A_16 = arith.constant 0 : i32
      %dma_start3A_17 = arith.constant 0 : i32
      %dma_start3A_18 = arith.constant 0 : i32
      %dma_start3A_19 = tpu.memref_slice %arg10[%dma_start3A_16, %dma_start3A_17, %dma_start3A_18] : memref<2x125x128xf32, #tpu.memory_space<vmem>> -> memref<1x125x128xf32, #tpu.memory_space<vmem>>
      %dma_start3A_20 = tpu.memref_squeeze %dma_start3A_19 : memref<1x125x128xf32, #tpu.memory_space<vmem>> -> memref<125x128xf32, #tpu.memory_space<vmem>>
      %dma_start3A_21 = arith.constant 0 : i32
      %dma_start3A_22 = tpu.memref_slice %arg8[%dma_start3A, %dma_start3A_21] : memref<40x125xi32, #tpu.memory_space<vmem>> -> memref<1x125xi32, #tpu.memory_space<vmem>>
      %dma_start3A_23 = tpu.memref_squeeze %dma_start3A_22 : memref<1x125xi32, #tpu.memory_space<vmem>> -> memref<125xi32, #tpu.memory_space<vmem>>
      %dma_start3A_24 = arith.constant 0 : i32
      %dma_start3A_25 = arith.constant 0 : i32
      %dma_start3A_26 = tpu.memref_slice %arg2[%dma_start3A_24, %dma_start3A_25] : memref<10000x128xf32, #tpu.memory_space<hbm>> -> memref<10000x128xf32, #tpu.memory_space<hbm>>
      tpu.enqueue_indirect_dma source(%dma_start3A_26 : memref<10000x128xf32, #tpu.memory_space<hbm>>) target(%dma_start3A_20 : memref<125x128xf32, #tpu.memory_space<vmem>>) offsets(%dma_start3A_23 : memref<125xi32, #tpu.memory_space<vmem>>) semaphore(%arg12 : memref<!tpu.dma_semaphore, #tpu.memory_space<semaphore_mem>>)
      %scan3A = arith.constant 0 : i32
      %scan3A_27 = arith.constant 0 : i32
      %scan3A_28 = arith.constant 40 : i32
      %scan3A_29 = arith.addi %scan3A_27, %scan3A_28 : i32
      %scan3A_30 = arith.constant 1 : i32
      scf.for %scan3A_201 = %scan3A_27 to %scan3A_29 step %scan3A_30  : i32 {
        %jit3A = arith.constant 2 : i32
        %eq3A_202 = arith.constant 0 : i32
        %eq3A_203 = arith.cmpi eq, %jit3A, %eq3A_202 : i32
        %jit3A_204 = arith.constant 1 : i32
        %select_n3A = arith.select %eq3A_203, %jit3A_204, %jit3A : i32
        %rem3A = arith.remsi %scan3A_201, %select_n3A : i32
        %ne3A = arith.constant 0 : i32
        %ne3A_205 = arith.cmpi ne, %rem3A, %ne3A : i32
        %lt3A = arith.constant 0 : i32
        %lt3A_206 = arith.cmpi slt, %rem3A, %lt3A : i32
        %lt3A_207 = arith.constant 0 : i32
        %lt3A_208 = arith.cmpi slt, %select_n3A, %lt3A_207 : i32
        %ne3A_209 = arith.xori %lt3A_206, %lt3A_208 : i1
        %and3A = arith.andi %ne3A_209, %ne3A_205 : i1
        %add3A_210 = arith.addi %rem3A, %select_n3A : i32
        %select_n3A_211 = arith.select %and3A, %add3A_210, %rem3A : i32
        %dma_wait3A_212 = arith.constant 0 : i32
        %dma_wait3A_213 = arith.constant 0 : i32
        %dma_wait3A_214 = tpu.memref_slice %arg10[%select_n3A_211, %dma_wait3A_212, %dma_wait3A_213] : memref<2x125x128xf32, #tpu.memory_space<vmem>> -> memref<1x125x128xf32, #tpu.memory_space<vmem>>
        %dma_wait3A_215 = tpu.memref_squeeze %dma_wait3A_214 : memref<1x125x128xf32, #tpu.memory_space<vmem>> -> memref<125x128xf32, #tpu.memory_space<vmem>>
        %dma_wait3A_216 = arith.constant 0 : i32
        %dma_wait3A_217 = tpu.memref_slice %arg8[%scan3A_201, %dma_wait3A_216] : memref<40x125xi32, #tpu.memory_space<vmem>> -> memref<1x125xi32, #tpu.memory_space<vmem>>
        %dma_wait3A_218 = tpu.memref_squeeze %dma_wait3A_217 : memref<1x125xi32, #tpu.memory_space<vmem>> -> memref<125xi32, #tpu.memory_space<vmem>>
        %dma_wait3A_219 = arith.constant 0 : i32
        %dma_wait3A_220 = arith.constant 0 : i32
        %dma_wait3A_221 = tpu.memref_slice %arg2[%dma_wait3A_219, %dma_wait3A_220] : memref<10000x128xf32, #tpu.memory_space<hbm>> -> memref<10000x128xf32, #tpu.memory_space<hbm>>
        tpu.wait_indirect_dma semaphore(%arg12 : memref<!tpu.dma_semaphore, #tpu.memory_space<semaphore_mem>>) src(%dma_wait3A_221 : memref<10000x128xf32, #tpu.memory_space<hbm>>) dst(%dma_wait3A_215 : memref<125x128xf32, #tpu.memory_space<vmem>>)
        %jit3A_222 = arith.constant 2 : i32
        %eq3A_223 = arith.constant 0 : i32
        %eq3A_224 = arith.cmpi eq, %jit3A_222, %eq3A_223 : i32
        %jit3A_225 = arith.constant 1 : i32
        %select_n3A_226 = arith.select %eq3A_224, %jit3A_225, %jit3A_222 : i32
        %rem3A_227 = arith.remsi %scan3A_201, %select_n3A_226 : i32
        %ne3A_228 = arith.constant 0 : i32
        %ne3A_229 = arith.cmpi ne, %rem3A_227, %ne3A_228 : i32
        %lt3A_230 = arith.constant 0 : i32
        %lt3A_231 = arith.cmpi slt, %rem3A_227, %lt3A_230 : i32
        %lt3A_232 = arith.constant 0 : i32
        %lt3A_233 = arith.cmpi slt, %select_n3A_226, %lt3A_232 : i32
        %ne3A_234 = arith.xori %lt3A_231, %lt3A_233 : i1
        %and3A_235 = arith.andi %ne3A_234, %ne3A_229 : i1
        %add3A_236 = arith.addi %rem3A_227, %select_n3A_226 : i32
        %select_n3A_237 = arith.select %and3A_235, %add3A_236, %rem3A_227 : i32
        %dma_start3A_238 = arith.constant 0 : i32
        %dma_start3A_239 = arith.constant 0 : i32
        %dma_start3A_240 = tpu.memref_slice %arg10[%select_n3A_237, %dma_start3A_238, %dma_start3A_239] : memref<2x125x128xf32, #tpu.memory_space<vmem>> -> memref<1x125x128xf32, #tpu.memory_space<vmem>>
        %dma_start3A_241 = tpu.memref_squeeze %dma_start3A_240 : memref<1x125x128xf32, #tpu.memory_space<vmem>> -> memref<125x128xf32, #tpu.memory_space<vmem>>
        %dma_start3A_242 = arith.constant 0 : i32
        %dma_start3A_243 = tpu.memref_slice %arg9[%scan3A_201, %dma_start3A_242] : memref<40x125xi32, #tpu.memory_space<vmem>> -> memref<1x125xi32, #tpu.memory_space<vmem>>
        %dma_start3A_244 = tpu.memref_squeeze %dma_start3A_243 : memref<1x125xi32, #tpu.memory_space<vmem>> -> memref<125xi32, #tpu.memory_space<vmem>>
        %dma_start3A_245 = arith.constant 0 : i32
        %dma_start3A_246 = arith.constant 0 : i32
        %dma_start3A_247 = tpu.memref_slice %arg11[%dma_start3A_245, %dma_start3A_246] : memref<10000x128xf32, #tpu.memory_space<vmem_shared>> -> memref<10000x128xf32, #tpu.memory_space<vmem_shared>>
        tpu.enqueue_indirect_dma source(%dma_start3A_241 : memref<125x128xf32, #tpu.memory_space<vmem>>) target(%dma_start3A_247 : memref<10000x128xf32, #tpu.memory_space<vmem_shared>>) offsets(%dma_start3A_244 : memref<125xi32, #tpu.memory_space<vmem>>) semaphore(%arg13 : memref<!tpu.dma_semaphore, #tpu.memory_space<semaphore_mem>>) {add = true}
        %add3A_248 = arith.constant 1 : i32
        %add3A_249 = arith.addi %scan3A_201, %add3A_248 : i32
        %lt3A_250 = arith.constant 40 : i32
        %lt3A_251 = arith.cmpi slt, %add3A_249, %lt3A_250 : i32
        %convert_element_type3A_252 = arith.extui %lt3A_251 : i1 to i32
        %cond3A_253 = arith.constant 0 : i32
        %cond3A_254 = arith.cmpi ne, %convert_element_type3A_252, %cond3A_253 : i32
        scf.if %cond3A_254 {
          %gt3A = arith.constant 0 : i32
          %gt3A_255 = arith.cmpi sgt, %scan3A_201, %gt3A : i32
          %convert_element_type3A_256 = arith.extui %gt3A_255 : i1 to i32
          %cond3A_257 = arith.constant 0 : i32
          %cond3A_258 = arith.cmpi ne, %convert_element_type3A_256, %cond3A_257 : i32
          scf.if %cond3A_258 {
            %add3A_289 = arith.constant 1 : i32
            %add3A_290 = arith.addi %scan3A_201, %add3A_289 : i32
            %jit3A_291 = arith.constant 2 : i32
            %eq3A_292 = arith.constant 0 : i32
            %eq3A_293 = arith.cmpi eq, %jit3A_291, %eq3A_292 : i32
            %jit3A_294 = arith.constant 1 : i32
            %select_n3A_295 = arith.select %eq3A_293, %jit3A_294, %jit3A_291 : i32
            %rem3A_296 = arith.remsi %add3A_290, %select_n3A_295 : i32
            %ne3A_297 = arith.constant 0 : i32
            %ne3A_298 = arith.cmpi ne, %rem3A_296, %ne3A_297 : i32
            %lt3A_299 = arith.constant 0 : i32
            %lt3A_300 = arith.cmpi slt, %rem3A_296, %lt3A_299 : i32
            %lt3A_301 = arith.constant 0 : i32
            %lt3A_302 = arith.cmpi slt, %select_n3A_295, %lt3A_301 : i32
            %ne3A_303 = arith.xori %lt3A_300, %lt3A_302 : i1
            %and3A_304 = arith.andi %ne3A_303, %ne3A_298 : i1
            %add3A_305 = arith.addi %rem3A_296, %select_n3A_295 : i32
            %select_n3A_306 = arith.select %and3A_304, %add3A_305, %rem3A_296 : i32
            %dma_wait3A_307 = arith.constant 0 : i32
            %dma_wait3A_308 = arith.constant 0 : i32
            %dma_wait3A_309 = tpu.memref_slice %arg10[%select_n3A_306, %dma_wait3A_307, %dma_wait3A_308] : memref<2x125x128xf32, #tpu.memory_space<vmem>> -> memref<1x125x128xf32, #tpu.memory_space<vmem>>
            %dma_wait3A_310 = tpu.memref_squeeze %dma_wait3A_309 : memref<1x125x128xf32, #tpu.memory_space<vmem>> -> memref<125x128xf32, #tpu.memory_space<vmem>>
            %dma_wait3A_311 = arith.constant 0 : i32
            %dma_wait3A_312 = tpu.memref_slice %arg9[%scan3A_201, %dma_wait3A_311] : memref<40x125xi32, #tpu.memory_space<vmem>> -> memref<1x125xi32, #tpu.memory_space<vmem>>
            %dma_wait3A_313 = tpu.memref_squeeze %dma_wait3A_312 : memref<1x125xi32, #tpu.memory_space<vmem>> -> memref<125xi32, #tpu.memory_space<vmem>>
            %dma_wait3A_314 = arith.constant 0 : i32
            %dma_wait3A_315 = arith.constant 0 : i32
            %dma_wait3A_316 = tpu.memref_slice %arg11[%dma_wait3A_314, %dma_wait3A_315] : memref<10000x128xf32, #tpu.memory_space<vmem_shared>> -> memref<10000x128xf32, #tpu.memory_space<vmem_shared>>
            tpu.wait_indirect_dma semaphore(%arg13 : memref<!tpu.dma_semaphore, #tpu.memory_space<semaphore_mem>>) src(%dma_wait3A_310 : memref<125x128xf32, #tpu.memory_space<vmem>>) dst(%dma_wait3A_316 : memref<10000x128xf32, #tpu.memory_space<vmem_shared>>)
          } else {
          }
          %add3A_259 = arith.constant 1 : i32
          %add3A_260 = arith.addi %scan3A_201, %add3A_259 : i32
          %add3A_261 = arith.constant 1 : i32
          %add3A_262 = arith.addi %scan3A_201, %add3A_261 : i32
          %jit3A_263 = arith.constant 2 : i32
          %eq3A_264 = arith.constant 0 : i32
          %eq3A_265 = arith.cmpi eq, %jit3A_263, %eq3A_264 : i32
          %jit3A_266 = arith.constant 1 : i32
          %select_n3A_267 = arith.select %eq3A_265, %jit3A_266, %jit3A_263 : i32
          %rem3A_268 = arith.remsi %add3A_262, %select_n3A_267 : i32
          %ne3A_269 = arith.constant 0 : i32
          %ne3A_270 = arith.cmpi ne, %rem3A_268, %ne3A_269 : i32
          %lt3A_271 = arith.constant 0 : i32
          %lt3A_272 = arith.cmpi slt, %rem3A_268, %lt3A_271 : i32
          %lt3A_273 = arith.constant 0 : i32
          %lt3A_274 = arith.cmpi slt, %select_n3A_267, %lt3A_273 : i32
          %ne3A_275 = arith.xori %lt3A_272, %lt3A_274 : i1
          %and3A_276 = arith.andi %ne3A_275, %ne3A_270 : i1
          %add3A_277 = arith.addi %rem3A_268, %select_n3A_267 : i32
          %select_n3A_278 = arith.select %and3A_276, %add3A_277, %rem3A_268 : i32
          %dma_start3A_279 = arith.constant 0 : i32
          %dma_start3A_280 = arith.constant 0 : i32
          %dma_start3A_281 = tpu.memref_slice %arg10[%select_n3A_278, %dma_start3A_279, %dma_start3A_280] : memref<2x125x128xf32, #tpu.memory_space<vmem>> -> memref<1x125x128xf32, #tpu.memory_space<vmem>>
          %dma_start3A_282 = tpu.memref_squeeze %dma_start3A_281 : memref<1x125x128xf32, #tpu.memory_space<vmem>> -> memref<125x128xf32, #tpu.memory_space<vmem>>
          %dma_start3A_283 = arith.constant 0 : i32
          %dma_start3A_284 = tpu.memref_slice %arg8[%add3A_260, %dma_start3A_283] : memref<40x125xi32, #tpu.memory_space<vmem>> -> memref<1x125xi32, #tpu.memory_space<vmem>>
          %dma_start3A_285 = tpu.memref_squeeze %dma_start3A_284 : memref<1x125xi32, #tpu.memory_space<vmem>> -> memref<125xi32, #tpu.memory_space<vmem>>
          %dma_start3A_286 = arith.constant 0 : i32
          %dma_start3A_287 = arith.constant 0 : i32
          %dma_start3A_288 = tpu.memref_slice %arg2[%dma_start3A_286, %dma_start3A_287] : memref<10000x128xf32, #tpu.memory_space<hbm>> -> memref<10000x128xf32, #tpu.memory_space<hbm>>
          tpu.enqueue_indirect_dma source(%dma_start3A_288 : memref<10000x128xf32, #tpu.memory_space<hbm>>) target(%dma_start3A_282 : memref<125x128xf32, #tpu.memory_space<vmem>>) offsets(%dma_start3A_285 : memref<125xi32, #tpu.memory_space<vmem>>) semaphore(%arg12 : memref<!tpu.dma_semaphore, #tpu.memory_space<semaphore_mem>>)
        } else {
        }
      }
      %scan3A_31 = arith.constant 40 : i32
      %dma_wait3A = arith.constant 0 : i32
      %dma_wait3A_32 = arith.constant 0 : i32
      %dma_wait3A_33 = arith.constant 0 : i32
      %dma_wait3A_34 = arith.constant 0 : i32
      %dma_wait3A_35 = tpu.memref_slice %arg10[%dma_wait3A, %dma_wait3A_33, %dma_wait3A_34] : memref<2x125x128xf32, #tpu.memory_space<vmem>> -> memref<1x125x128xf32, #tpu.memory_space<vmem>>
      %dma_wait3A_36 = tpu.memref_squeeze %dma_wait3A_35 : memref<1x125x128xf32, #tpu.memory_space<vmem>> -> memref<125x128xf32, #tpu.memory_space<vmem>>
      %dma_wait3A_37 = arith.constant 0 : i32
      %dma_wait3A_38 = tpu.memref_slice %arg9[%dma_wait3A_32, %dma_wait3A_37] : memref<40x125xi32, #tpu.memory_space<vmem>> -> memref<1x125xi32, #tpu.memory_space<vmem>>
      %dma_wait3A_39 = tpu.memref_squeeze %dma_wait3A_38 : memref<1x125xi32, #tpu.memory_space<vmem>> -> memref<125xi32, #tpu.memory_space<vmem>>
      %dma_wait3A_40 = arith.constant 0 : i32
      %dma_wait3A_41 = arith.constant 0 : i32
      %dma_wait3A_42 = tpu.memref_slice %arg11[%dma_wait3A_40, %dma_wait3A_41] : memref<10000x128xf32, #tpu.memory_space<vmem_shared>> -> memref<10000x128xf32, #tpu.memory_space<vmem_shared>>
      tpu.wait_indirect_dma semaphore(%arg13 : memref<!tpu.dma_semaphore, #tpu.memory_space<semaphore_mem>>) src(%dma_wait3A_36 : memref<125x128xf32, #tpu.memory_space<vmem>>) dst(%dma_wait3A_42 : memref<10000x128xf32, #tpu.memory_space<vmem_shared>>)
      %dma_wait3A_43 = arith.constant 1 : i32
      %dma_wait3A_44 = arith.constant 0 : i32
      %dma_wait3A_45 = arith.constant 0 : i32
      %dma_wait3A_46 = arith.constant 0 : i32
      %dma_wait3A_47 = tpu.memref_slice %arg10[%dma_wait3A_43, %dma_wait3A_45, %dma_wait3A_46] : memref<2x125x128xf32, #tpu.memory_space<vmem>> -> memref<1x125x128xf32, #tpu.memory_space<vmem>>
      %dma_wait3A_48 = tpu.memref_squeeze %dma_wait3A_47 : memref<1x125x128xf32, #tpu.memory_space<vmem>> -> memref<125x128xf32, #tpu.memory_space<vmem>>
      %dma_wait3A_49 = arith.constant 0 : i32
      %dma_wait3A_50 = tpu.memref_slice %arg9[%dma_wait3A_44, %dma_wait3A_49] : memref<40x125xi32, #tpu.memory_space<vmem>> -> memref<1x125xi32, #tpu.memory_space<vmem>>
      %dma_wait3A_51 = tpu.memref_squeeze %dma_wait3A_50 : memref<1x125xi32, #tpu.memory_space<vmem>> -> memref<125xi32, #tpu.memory_space<vmem>>
      %dma_wait3A_52 = arith.constant 0 : i32
      %dma_wait3A_53 = arith.constant 0 : i32
      %dma_wait3A_54 = tpu.memref_slice %arg11[%dma_wait3A_52, %dma_wait3A_53] : memref<10000x128xf32, #tpu.memory_space<vmem_shared>> -> memref<10000x128xf32, #tpu.memory_space<vmem_shared>>
      tpu.wait_indirect_dma semaphore(%arg13 : memref<!tpu.dma_semaphore, #tpu.memory_space<semaphore_mem>>) src(%dma_wait3A_48 : memref<125x128xf32, #tpu.memory_space<vmem>>) dst(%dma_wait3A_54 : memref<10000x128xf32, #tpu.memory_space<vmem_shared>>)
      %mul3A_55 = arith.constant 160 : i32
      %mul3A_56 = arith.muli %arg1, %mul3A_55 : i32
      %add3A_57 = arith.constant 40 : i32
      %add3A_58 = arith.addi %mul3A_56, %add3A_57 : i32
      "tpu.region"() ({
        %run_scoped3A = tpu.sem_alloc : memref<!tpu.dma_semaphore, #tpu.memory_space<semaphore_mem>>
        %dma_start3A_201 = arith.constant 0 : i32
        %dma_start3A_202 = tpu.memref_slice %arg5[%add3A_58, %dma_start3A_201] : memref<2560x125xi32, #tpu.memory_space<hbm>> -> memref<40x125xi32, #tpu.memory_space<hbm>>
        %dma_start3A_203 = arith.constant 0 : i32
        %dma_start3A_204 = tpu.memref_slice %arg5[%add3A_58, %dma_start3A_203] : memref<2560x125xi32, #tpu.memory_space<hbm>> -> memref<40x125xi32, #tpu.memory_space<hbm>>
        tpu.enqueue_dma source(%dma_start3A_204 : memref<40x125xi32, #tpu.memory_space<hbm>>) target(%arg8 : memref<40x125xi32, #tpu.memory_space<vmem>>) target_semaphore(%run_scoped3A : memref<!tpu.dma_semaphore, #tpu.memory_space<semaphore_mem>>)
        %dma_wait3A_205 = arith.constant 0 : i32
        %dma_wait3A_206 = tpu.memref_slice %arg5[%add3A_58, %dma_wait3A_205] : memref<2560x125xi32, #tpu.memory_space<hbm>> -> memref<40x125xi32, #tpu.memory_space<hbm>>
        %dma_wait3A_207 = arith.constant 0 : i32
        %dma_wait3A_208 = tpu.memref_slice %arg5[%add3A_58, %dma_wait3A_207] : memref<2560x125xi32, #tpu.memory_space<hbm>> -> memref<40x125xi32, #tpu.memory_space<hbm>>
        tpu.wait_dma2 semaphore(%run_scoped3A : memref<!tpu.dma_semaphore, #tpu.memory_space<semaphore_mem>>) src(%dma_wait3A_208 : memref<40x125xi32, #tpu.memory_space<hbm>>) dst(%arg8 : memref<40x125xi32, #tpu.memory_space<vmem>>)
        tpu.yield
      }) : () -> ()
      "tpu.region"() ({
        %run_scoped3A = tpu.sem_alloc : memref<!tpu.dma_semaphore, #tpu.memory_space<semaphore_mem>>
        %dma_start3A_201 = arith.constant 0 : i32
        %dma_start3A_202 = tpu.memref_slice %arg4[%add3A_58, %dma_start3A_201] : memref<2560x125xi32, #tpu.memory_space<hbm>> -> memref<40x125xi32, #tpu.memory_space<hbm>>
        %dma_start3A_203 = arith.constant 0 : i32
        %dma_start3A_204 = tpu.memref_slice %arg4[%add3A_58, %dma_start3A_203] : memref<2560x125xi32, #tpu.memory_space<hbm>> -> memref<40x125xi32, #tpu.memory_space<hbm>>
        tpu.enqueue_dma source(%dma_start3A_204 : memref<40x125xi32, #tpu.memory_space<hbm>>) target(%arg9 : memref<40x125xi32, #tpu.memory_space<vmem>>) target_semaphore(%run_scoped3A : memref<!tpu.dma_semaphore, #tpu.memory_space<semaphore_mem>>)
        %dma_wait3A_205 = arith.constant 0 : i32
        %dma_wait3A_206 = tpu.memref_slice %arg4[%add3A_58, %dma_wait3A_205] : memref<2560x125xi32, #tpu.memory_space<hbm>> -> memref<40x125xi32, #tpu.memory_space<hbm>>
        %dma_wait3A_207 = arith.constant 0 : i32
        %dma_wait3A_208 = tpu.memref_slice %arg4[%add3A_58, %dma_wait3A_207] : memref<2560x125xi32, #tpu.memory_space<hbm>> -> memref<40x125xi32, #tpu.memory_space<hbm>>
        tpu.wait_dma2 semaphore(%run_scoped3A : memref<!tpu.dma_semaphore, #tpu.memory_space<semaphore_mem>>) src(%dma_wait3A_208 : memref<40x125xi32, #tpu.memory_space<hbm>>) dst(%arg9 : memref<40x125xi32, #tpu.memory_space<vmem>>)
        tpu.yield
      }) : () -> ()
      %dma_start3A_59 = arith.constant 0 : i32
      %dma_start3A_60 = arith.constant 0 : i32
      %dma_start3A_61 = arith.constant 0 : i32
      %dma_start3A_62 = arith.constant 0 : i32
      %dma_start3A_63 = tpu.memref_slice %arg10[%dma_start3A_60, %dma_start3A_61, %dma_start3A_62] : memref<2x125x128xf32, #tpu.memory_space<vmem>> -> memref<1x125x128xf32, #tpu.memory_space<vmem>>
      %dma_start3A_64 = tpu.memref_squeeze %dma_start3A_63 : memref<1x125x128xf32, #tpu.memory_space<vmem>> -> memref<125x128xf32, #tpu.memory_space<vmem>>
      %dma_start3A_65 = arith.constant 0 : i32
      %dma_start3A_66 = tpu.memref_slice %arg8[%dma_start3A_59, %dma_start3A_65] : memref<40x125xi32, #tpu.memory_space<vmem>> -> memref<1x125xi32, #tpu.memory_space<vmem>>
      %dma_start3A_67 = tpu.memref_squeeze %dma_start3A_66 : memref<1x125xi32, #tpu.memory_space<vmem>> -> memref<125xi32, #tpu.memory_space<vmem>>
      %dma_start3A_68 = arith.constant 0 : i32
      %dma_start3A_69 = arith.constant 0 : i32
      %dma_start3A_70 = tpu.memref_slice %arg2[%dma_start3A_68, %dma_start3A_69] : memref<10000x128xf32, #tpu.memory_space<hbm>> -> memref<10000x128xf32, #tpu.memory_space<hbm>>
      tpu.enqueue_indirect_dma source(%dma_start3A_70 : memref<10000x128xf32, #tpu.memory_space<hbm>>) target(%dma_start3A_64 : memref<125x128xf32, #tpu.memory_space<vmem>>) offsets(%dma_start3A_67 : memref<125xi32, #tpu.memory_space<vmem>>) semaphore(%arg12 : memref<!tpu.dma_semaphore, #tpu.memory_space<semaphore_mem>>)
      %scan3A_71 = arith.constant 0 : i32
      %scan3A_72 = arith.constant 0 : i32
      %scan3A_73 = arith.constant 40 : i32
      %scan3A_74 = arith.addi %scan3A_72, %scan3A_73 : i32
      %scan3A_75 = arith.constant 1 : i32
      scf.for %scan3A_201 = %scan3A_72 to %scan3A_74 step %scan3A_75  : i32 {
        %jit3A = arith.constant 2 : i32
        %eq3A_202 = arith.constant 0 : i32
        %eq3A_203 = arith.cmpi eq, %jit3A, %eq3A_202 : i32
        %jit3A_204 = arith.constant 1 : i32
        %select_n3A = arith.select %eq3A_203, %jit3A_204, %jit3A : i32
        %rem3A = arith.remsi %scan3A_201, %select_n3A : i32
        %ne3A = arith.constant 0 : i32
        %ne3A_205 = arith.cmpi ne, %rem3A, %ne3A : i32
        %lt3A = arith.constant 0 : i32
        %lt3A_206 = arith.cmpi slt, %rem3A, %lt3A : i32
        %lt3A_207 = arith.constant 0 : i32
        %lt3A_208 = arith.cmpi slt, %select_n3A, %lt3A_207 : i32
        %ne3A_209 = arith.xori %lt3A_206, %lt3A_208 : i1
        %and3A = arith.andi %ne3A_209, %ne3A_205 : i1
        %add3A_210 = arith.addi %rem3A, %select_n3A : i32
        %select_n3A_211 = arith.select %and3A, %add3A_210, %rem3A : i32
        %dma_wait3A_212 = arith.constant 0 : i32
        %dma_wait3A_213 = arith.constant 0 : i32
        %dma_wait3A_214 = tpu.memref_slice %arg10[%select_n3A_211, %dma_wait3A_212, %dma_wait3A_213] : memref<2x125x128xf32, #tpu.memory_space<vmem>> -> memref<1x125x128xf32, #tpu.memory_space<vmem>>
        %dma_wait3A_215 = tpu.memref_squeeze %dma_wait3A_214 : memref<1x125x128xf32, #tpu.memory_space<vmem>> -> memref<125x128xf32, #tpu.memory_space<vmem>>
        %dma_wait3A_216 = arith.constant 0 : i32
        %dma_wait3A_217 = tpu.memref_slice %arg8[%scan3A_201, %dma_wait3A_216] : memref<40x125xi32, #tpu.memory_space<vmem>> -> memref<1x125xi32, #tpu.memory_space<vmem>>
        %dma_wait3A_218 = tpu.memref_squeeze %dma_wait3A_217 : memref<1x125xi32, #tpu.memory_space<vmem>> -> memref<125xi32, #tpu.memory_space<vmem>>
        %dma_wait3A_219 = arith.constant 0 : i32
        %dma_wait3A_220 = arith.constant 0 : i32
        %dma_wait3A_221 = tpu.memref_slice %arg2[%dma_wait3A_219, %dma_wait3A_220] : memref<10000x128xf32, #tpu.memory_space<hbm>> -> memref<10000x128xf32, #tpu.memory_space<hbm>>
        tpu.wait_indirect_dma semaphore(%arg12 : memref<!tpu.dma_semaphore, #tpu.memory_space<semaphore_mem>>) src(%dma_wait3A_221 : memref<10000x128xf32, #tpu.memory_space<hbm>>) dst(%dma_wait3A_215 : memref<125x128xf32, #tpu.memory_space<vmem>>)
        %jit3A_222 = arith.constant 2 : i32
        %eq3A_223 = arith.constant 0 : i32
        %eq3A_224 = arith.cmpi eq, %jit3A_222, %eq3A_223 : i32
        %jit3A_225 = arith.constant 1 : i32
        %select_n3A_226 = arith.select %eq3A_224, %jit3A_225, %jit3A_222 : i32
        %rem3A_227 = arith.remsi %scan3A_201, %select_n3A_226 : i32
        %ne3A_228 = arith.constant 0 : i32
        %ne3A_229 = arith.cmpi ne, %rem3A_227, %ne3A_228 : i32
        %lt3A_230 = arith.constant 0 : i32
        %lt3A_231 = arith.cmpi slt, %rem3A_227, %lt3A_230 : i32
        %lt3A_232 = arith.constant 0 : i32
        %lt3A_233 = arith.cmpi slt, %select_n3A_226, %lt3A_232 : i32
        %ne3A_234 = arith.xori %lt3A_231, %lt3A_233 : i1
        %and3A_235 = arith.andi %ne3A_234, %ne3A_229 : i1
        %add3A_236 = arith.addi %rem3A_227, %select_n3A_226 : i32
        %select_n3A_237 = arith.select %and3A_235, %add3A_236, %rem3A_227 : i32
        %dma_start3A_238 = arith.constant 0 : i32
        %dma_start3A_239 = arith.constant 0 : i32
        %dma_start3A_240 = tpu.memref_slice %arg10[%select_n3A_237, %dma_start3A_238, %dma_start3A_239] : memref<2x125x128xf32, #tpu.memory_space<vmem>> -> memref<1x125x128xf32, #tpu.memory_space<vmem>>
        %dma_start3A_241 = tpu.memref_squeeze %dma_start3A_240 : memref<1x125x128xf32, #tpu.memory_space<vmem>> -> memref<125x128xf32, #tpu.memory_space<vmem>>
        %dma_start3A_242 = arith.constant 0 : i32
        %dma_start3A_243 = tpu.memref_slice %arg9[%scan3A_201, %dma_start3A_242] : memref<40x125xi32, #tpu.memory_space<vmem>> -> memref<1x125xi32, #tpu.memory_space<vmem>>
        %dma_start3A_244 = tpu.memref_squeeze %dma_start3A_243 : memref<1x125xi32, #tpu.memory_space<vmem>> -> memref<125xi32, #tpu.memory_space<vmem>>
        %dma_start3A_245 = arith.constant 0 : i32
        %dma_start3A_246 = arith.constant 0 : i32
        %dma_start3A_247 = tpu.memref_slice %arg11[%dma_start3A_245, %dma_start3A_246] : memref<10000x128xf32, #tpu.memory_space<vmem_shared>> -> memref<10000x128xf32, #tpu.memory_space<vmem_shared>>
        tpu.enqueue_indirect_dma source(%dma_start3A_241 : memref<125x128xf32, #tpu.memory_space<vmem>>) target(%dma_start3A_247 : memref<10000x128xf32, #tpu.memory_space<vmem_shared>>) offsets(%dma_start3A_244 : memref<125xi32, #tpu.memory_space<vmem>>) semaphore(%arg13 : memref<!tpu.dma_semaphore, #tpu.memory_space<semaphore_mem>>) {add = true}
        %add3A_248 = arith.constant 1 : i32
        %add3A_249 = arith.addi %scan3A_201, %add3A_248 : i32
        %lt3A_250 = arith.constant 40 : i32
        %lt3A_251 = arith.cmpi slt, %add3A_249, %lt3A_250 : i32
        %convert_element_type3A_252 = arith.extui %lt3A_251 : i1 to i32
        %cond3A_253 = arith.constant 0 : i32
        %cond3A_254 = arith.cmpi ne, %convert_element_type3A_252, %cond3A_253 : i32
        scf.if %cond3A_254 {
          %gt3A = arith.constant 0 : i32
          %gt3A_255 = arith.cmpi sgt, %scan3A_201, %gt3A : i32
          %convert_element_type3A_256 = arith.extui %gt3A_255 : i1 to i32
          %cond3A_257 = arith.constant 0 : i32
          %cond3A_258 = arith.cmpi ne, %convert_element_type3A_256, %cond3A_257 : i32
          scf.if %cond3A_258 {
            %add3A_289 = arith.constant 1 : i32
            %add3A_290 = arith.addi %scan3A_201, %add3A_289 : i32
            %jit3A_291 = arith.constant 2 : i32
            %eq3A_292 = arith.constant 0 : i32
            %eq3A_293 = arith.cmpi eq, %jit3A_291, %eq3A_292 : i32
            %jit3A_294 = arith.constant 1 : i32
            %select_n3A_295 = arith.select %eq3A_293, %jit3A_294, %jit3A_291 : i32
            %rem3A_296 = arith.remsi %add3A_290, %select_n3A_295 : i32
            %ne3A_297 = arith.constant 0 : i32
            %ne3A_298 = arith.cmpi ne, %rem3A_296, %ne3A_297 : i32
            %lt3A_299 = arith.constant 0 : i32
            %lt3A_300 = arith.cmpi slt, %rem3A_296, %lt3A_299 : i32
            %lt3A_301 = arith.constant 0 : i32
            %lt3A_302 = arith.cmpi slt, %select_n3A_295, %lt3A_301 : i32
            %ne3A_303 = arith.xori %lt3A_300, %lt3A_302 : i1
            %and3A_304 = arith.andi %ne3A_303, %ne3A_298 : i1
            %add3A_305 = arith.addi %rem3A_296, %select_n3A_295 : i32
            %select_n3A_306 = arith.select %and3A_304, %add3A_305, %rem3A_296 : i32
            %dma_wait3A_307 = arith.constant 0 : i32
            %dma_wait3A_308 = arith.constant 0 : i32
            %dma_wait3A_309 = tpu.memref_slice %arg10[%select_n3A_306, %dma_wait3A_307, %dma_wait3A_308] : memref<2x125x128xf32, #tpu.memory_space<vmem>> -> memref<1x125x128xf32, #tpu.memory_space<vmem>>
            %dma_wait3A_310 = tpu.memref_squeeze %dma_wait3A_309 : memref<1x125x128xf32, #tpu.memory_space<vmem>> -> memref<125x128xf32, #tpu.memory_space<vmem>>
            %dma_wait3A_311 = arith.constant 0 : i32
            %dma_wait3A_312 = tpu.memref_slice %arg9[%scan3A_201, %dma_wait3A_311] : memref<40x125xi32, #tpu.memory_space<vmem>> -> memref<1x125xi32, #tpu.memory_space<vmem>>
            %dma_wait3A_313 = tpu.memref_squeeze %dma_wait3A_312 : memref<1x125xi32, #tpu.memory_space<vmem>> -> memref<125xi32, #tpu.memory_space<vmem>>
            %dma_wait3A_314 = arith.constant 0 : i32
            %dma_wait3A_315 = arith.constant 0 : i32
            %dma_wait3A_316 = tpu.memref_slice %arg11[%dma_wait3A_314, %dma_wait3A_315] : memref<10000x128xf32, #tpu.memory_space<vmem_shared>> -> memref<10000x128xf32, #tpu.memory_space<vmem_shared>>
            tpu.wait_indirect_dma semaphore(%arg13 : memref<!tpu.dma_semaphore, #tpu.memory_space<semaphore_mem>>) src(%dma_wait3A_310 : memref<125x128xf32, #tpu.memory_space<vmem>>) dst(%dma_wait3A_316 : memref<10000x128xf32, #tpu.memory_space<vmem_shared>>)
          } else {
          }
          %add3A_259 = arith.constant 1 : i32
          %add3A_260 = arith.addi %scan3A_201, %add3A_259 : i32
          %add3A_261 = arith.constant 1 : i32
          %add3A_262 = arith.addi %scan3A_201, %add3A_261 : i32
          %jit3A_263 = arith.constant 2 : i32
          %eq3A_264 = arith.constant 0 : i32
          %eq3A_265 = arith.cmpi eq, %jit3A_263, %eq3A_264 : i32
          %jit3A_266 = arith.constant 1 : i32
          %select_n3A_267 = arith.select %eq3A_265, %jit3A_266, %jit3A_263 : i32
          %rem3A_268 = arith.remsi %add3A_262, %select_n3A_267 : i32
          %ne3A_269 = arith.constant 0 : i32
          %ne3A_270 = arith.cmpi ne, %rem3A_268, %ne3A_269 : i32
          %lt3A_271 = arith.constant 0 : i32
          %lt3A_272 = arith.cmpi slt, %rem3A_268, %lt3A_271 : i32
          %lt3A_273 = arith.constant 0 : i32
          %lt3A_274 = arith.cmpi slt, %select_n3A_267, %lt3A_273 : i32
          %ne3A_275 = arith.xori %lt3A_272, %lt3A_274 : i1
          %and3A_276 = arith.andi %ne3A_275, %ne3A_270 : i1
          %add3A_277 = arith.addi %rem3A_268, %select_n3A_267 : i32
          %select_n3A_278 = arith.select %and3A_276, %add3A_277, %rem3A_268 : i32
          %dma_start3A_279 = arith.constant 0 : i32
          %dma_start3A_280 = arith.constant 0 : i32
          %dma_start3A_281 = tpu.memref_slice %arg10[%select_n3A_278, %dma_start3A_279, %dma_start3A_280] : memref<2x125x128xf32, #tpu.memory_space<vmem>> -> memref<1x125x128xf32, #tpu.memory_space<vmem>>
          %dma_start3A_282 = tpu.memref_squeeze %dma_start3A_281 : memref<1x125x128xf32, #tpu.memory_space<vmem>> -> memref<125x128xf32, #tpu.memory_space<vmem>>
          %dma_start3A_283 = arith.constant 0 : i32
          %dma_start3A_284 = tpu.memref_slice %arg8[%add3A_260, %dma_start3A_283] : memref<40x125xi32, #tpu.memory_space<vmem>> -> memref<1x125xi32, #tpu.memory_space<vmem>>
          %dma_start3A_285 = tpu.memref_squeeze %dma_start3A_284 : memref<1x125xi32, #tpu.memory_space<vmem>> -> memref<125xi32, #tpu.memory_space<vmem>>
          %dma_start3A_286 = arith.constant 0 : i32
          %dma_start3A_287 = arith.constant 0 : i32
          %dma_start3A_288 = tpu.memref_slice %arg2[%dma_start3A_286, %dma_start3A_287] : memref<10000x128xf32, #tpu.memory_space<hbm>> -> memref<10000x128xf32, #tpu.memory_space<hbm>>
          tpu.enqueue_indirect_dma source(%dma_start3A_288 : memref<10000x128xf32, #tpu.memory_space<hbm>>) target(%dma_start3A_282 : memref<125x128xf32, #tpu.memory_space<vmem>>) offsets(%dma_start3A_285 : memref<125xi32, #tpu.memory_space<vmem>>) semaphore(%arg12 : memref<!tpu.dma_semaphore, #tpu.memory_space<semaphore_mem>>)
        } else {
        }
      }
      %scan3A_76 = arith.constant 40 : i32
      %dma_wait3A_77 = arith.constant 0 : i32
      %dma_wait3A_78 = arith.constant 0 : i32
      %dma_wait3A_79 = arith.constant 0 : i32
      %dma_wait3A_80 = arith.constant 0 : i32
      %dma_wait3A_81 = tpu.memref_slice %arg10[%dma_wait3A_77, %dma_wait3A_79, %dma_wait3A_80] : memref<2x125x128xf32, #tpu.memory_space<vmem>> -> memref<1x125x128xf32, #tpu.memory_space<vmem>>
      %dma_wait3A_82 = tpu.memref_squeeze %dma_wait3A_81 : memref<1x125x128xf32, #tpu.memory_space<vmem>> -> memref<125x128xf32, #tpu.memory_space<vmem>>
      %dma_wait3A_83 = arith.constant 0 : i32
      %dma_wait3A_84 = tpu.memref_slice %arg9[%dma_wait3A_78, %dma_wait3A_83] : memref<40x125xi32, #tpu.memory_space<vmem>> -> memref<1x125xi32, #tpu.memory_space<vmem>>
      %dma_wait3A_85 = tpu.memref_squeeze %dma_wait3A_84 : memref<1x125xi32, #tpu.memory_space<vmem>> -> memref<125xi32, #tpu.memory_space<vmem>>
      %dma_wait3A_86 = arith.constant 0 : i32
      %dma_wait3A_87 = arith.constant 0 : i32
      %dma_wait3A_88 = tpu.memref_slice %arg11[%dma_wait3A_86, %dma_wait3A_87] : memref<10000x128xf32, #tpu.memory_space<vmem_shared>> -> memref<10000x128xf32, #tpu.memory_space<vmem_shared>>
      tpu.wait_indirect_dma semaphore(%arg13 : memref<!tpu.dma_semaphore, #tpu.memory_space<semaphore_mem>>) src(%dma_wait3A_82 : memref<125x128xf32, #tpu.memory_space<vmem>>) dst(%dma_wait3A_88 : memref<10000x128xf32, #tpu.memory_space<vmem_shared>>)
      %dma_wait3A_89 = arith.constant 1 : i32
      %dma_wait3A_90 = arith.constant 0 : i32
      %dma_wait3A_91 = arith.constant 0 : i32
      %dma_wait3A_92 = arith.constant 0 : i32
      %dma_wait3A_93 = tpu.memref_slice %arg10[%dma_wait3A_89, %dma_wait3A_91, %dma_wait3A_92] : memref<2x125x128xf32, #tpu.memory_space<vmem>> -> memref<1x125x128xf32, #tpu.memory_space<vmem>>
      %dma_wait3A_94 = tpu.memref_squeeze %dma_wait3A_93 : memref<1x125x128xf32, #tpu.memory_space<vmem>> -> memref<125x128xf32, #tpu.memory_space<vmem>>
      %dma_wait3A_95 = arith.constant 0 : i32
      %dma_wait3A_96 = tpu.memref_slice %arg9[%dma_wait3A_90, %dma_wait3A_95] : memref<40x125xi32, #tpu.memory_space<vmem>> -> memref<1x125xi32, #tpu.memory_space<vmem>>
      %dma_wait3A_97 = tpu.memref_squeeze %dma_wait3A_96 : memref<1x125xi32, #tpu.memory_space<vmem>> -> memref<125xi32, #tpu.memory_space<vmem>>
      %dma_wait3A_98 = arith.constant 0 : i32
      %dma_wait3A_99 = arith.constant 0 : i32
      %dma_wait3A_100 = tpu.memref_slice %arg11[%dma_wait3A_98, %dma_wait3A_99] : memref<10000x128xf32, #tpu.memory_space<vmem_shared>> -> memref<10000x128xf32, #tpu.memory_space<vmem_shared>>
      tpu.wait_indirect_dma semaphore(%arg13 : memref<!tpu.dma_semaphore, #tpu.memory_space<semaphore_mem>>) src(%dma_wait3A_94 : memref<125x128xf32, #tpu.memory_space<vmem>>) dst(%dma_wait3A_100 : memref<10000x128xf32, #tpu.memory_space<vmem_shared>>)
      %mul3A_101 = arith.constant 160 : i32
      %mul3A_102 = arith.muli %arg1, %mul3A_101 : i32
      %add3A_103 = arith.constant 80 : i32
      %add3A_104 = arith.addi %mul3A_102, %add3A_103 : i32
      "tpu.region"() ({
        %run_scoped3A = tpu.sem_alloc : memref<!tpu.dma_semaphore, #tpu.memory_space<semaphore_mem>>
        %dma_start3A_201 = arith.constant 0 : i32
        %dma_start3A_202 = tpu.memref_slice %arg5[%add3A_104, %dma_start3A_201] : memref<2560x125xi32, #tpu.memory_space<hbm>> -> memref<40x125xi32, #tpu.memory_space<hbm>>
        %dma_start3A_203 = arith.constant 0 : i32
        %dma_start3A_204 = tpu.memref_slice %arg5[%add3A_104, %dma_start3A_203] : memref<2560x125xi32, #tpu.memory_space<hbm>> -> memref<40x125xi32, #tpu.memory_space<hbm>>
        tpu.enqueue_dma source(%dma_start3A_204 : memref<40x125xi32, #tpu.memory_space<hbm>>) target(%arg8 : memref<40x125xi32, #tpu.memory_space<vmem>>) target_semaphore(%run_scoped3A : memref<!tpu.dma_semaphore, #tpu.memory_space<semaphore_mem>>)
        %dma_wait3A_205 = arith.constant 0 : i32
        %dma_wait3A_206 = tpu.memref_slice %arg5[%add3A_104, %dma_wait3A_205] : memref<2560x125xi32, #tpu.memory_space<hbm>> -> memref<40x125xi32, #tpu.memory_space<hbm>>
        %dma_wait3A_207 = arith.constant 0 : i32
        %dma_wait3A_208 = tpu.memref_slice %arg5[%add3A_104, %dma_wait3A_207] : memref<2560x125xi32, #tpu.memory_space<hbm>> -> memref<40x125xi32, #tpu.memory_space<hbm>>
        tpu.wait_dma2 semaphore(%run_scoped3A : memref<!tpu.dma_semaphore, #tpu.memory_space<semaphore_mem>>) src(%dma_wait3A_208 : memref<40x125xi32, #tpu.memory_space<hbm>>) dst(%arg8 : memref<40x125xi32, #tpu.memory_space<vmem>>)
        tpu.yield
      }) : () -> ()
      "tpu.region"() ({
        %run_scoped3A = tpu.sem_alloc : memref<!tpu.dma_semaphore, #tpu.memory_space<semaphore_mem>>
        %dma_start3A_201 = arith.constant 0 : i32
        %dma_start3A_202 = tpu.memref_slice %arg4[%add3A_104, %dma_start3A_201] : memref<2560x125xi32, #tpu.memory_space<hbm>> -> memref<40x125xi32, #tpu.memory_space<hbm>>
        %dma_start3A_203 = arith.constant 0 : i32
        %dma_start3A_204 = tpu.memref_slice %arg4[%add3A_104, %dma_start3A_203] : memref<2560x125xi32, #tpu.memory_space<hbm>> -> memref<40x125xi32, #tpu.memory_space<hbm>>
        tpu.enqueue_dma source(%dma_start3A_204 : memref<40x125xi32, #tpu.memory_space<hbm>>) target(%arg9 : memref<40x125xi32, #tpu.memory_space<vmem>>) target_semaphore(%run_scoped3A : memref<!tpu.dma_semaphore, #tpu.memory_space<semaphore_mem>>)
        %dma_wait3A_205 = arith.constant 0 : i32
        %dma_wait3A_206 = tpu.memref_slice %arg4[%add3A_104, %dma_wait3A_205] : memref<2560x125xi32, #tpu.memory_space<hbm>> -> memref<40x125xi32, #tpu.memory_space<hbm>>
        %dma_wait3A_207 = arith.constant 0 : i32
        %dma_wait3A_208 = tpu.memref_slice %arg4[%add3A_104, %dma_wait3A_207] : memref<2560x125xi32, #tpu.memory_space<hbm>> -> memref<40x125xi32, #tpu.memory_space<hbm>>
        tpu.wait_dma2 semaphore(%run_scoped3A : memref<!tpu.dma_semaphore, #tpu.memory_space<semaphore_mem>>) src(%dma_wait3A_208 : memref<40x125xi32, #tpu.memory_space<hbm>>) dst(%arg9 : memref<40x125xi32, #tpu.memory_space<vmem>>)
        tpu.yield
      }) : () -> ()
      %dma_start3A_105 = arith.constant 0 : i32
      %dma_start3A_106 = arith.constant 0 : i32
      %dma_start3A_107 = arith.constant 0 : i32
      %dma_start3A_108 = arith.constant 0 : i32
      %dma_start3A_109 = tpu.memref_slice %arg10[%dma_start3A_106, %dma_start3A_107, %dma_start3A_108] : memref<2x125x128xf32, #tpu.memory_space<vmem>> -> memref<1x125x128xf32, #tpu.memory_space<vmem>>
      %dma_start3A_110 = tpu.memref_squeeze %dma_start3A_109 : memref<1x125x128xf32, #tpu.memory_space<vmem>> -> memref<125x128xf32, #tpu.memory_space<vmem>>
      %dma_start3A_111 = arith.constant 0 : i32
      %dma_start3A_112 = tpu.memref_slice %arg8[%dma_start3A_105, %dma_start3A_111] : memref<40x125xi32, #tpu.memory_space<vmem>> -> memref<1x125xi32, #tpu.memory_space<vmem>>
      %dma_start3A_113 = tpu.memref_squeeze %dma_start3A_112 : memref<1x125xi32, #tpu.memory_space<vmem>> -> memref<125xi32, #tpu.memory_space<vmem>>
      %dma_start3A_114 = arith.constant 0 : i32
      %dma_start3A_115 = arith.constant 0 : i32
      %dma_start3A_116 = tpu.memref_slice %arg2[%dma_start3A_114, %dma_start3A_115] : memref<10000x128xf32, #tpu.memory_space<hbm>> -> memref<10000x128xf32, #tpu.memory_space<hbm>>
      tpu.enqueue_indirect_dma source(%dma_start3A_116 : memref<10000x128xf32, #tpu.memory_space<hbm>>) target(%dma_start3A_110 : memref<125x128xf32, #tpu.memory_space<vmem>>) offsets(%dma_start3A_113 : memref<125xi32, #tpu.memory_space<vmem>>) semaphore(%arg12 : memref<!tpu.dma_semaphore, #tpu.memory_space<semaphore_mem>>)
      %scan3A_117 = arith.constant 0 : i32
      %scan3A_118 = arith.constant 0 : i32
      %scan3A_119 = arith.constant 40 : i32
      %scan3A_120 = arith.addi %scan3A_118, %scan3A_119 : i32
      %scan3A_121 = arith.constant 1 : i32
      scf.for %scan3A_201 = %scan3A_118 to %scan3A_120 step %scan3A_121  : i32 {
        %jit3A = arith.constant 2 : i32
        %eq3A_202 = arith.constant 0 : i32
        %eq3A_203 = arith.cmpi eq, %jit3A, %eq3A_202 : i32
        %jit3A_204 = arith.constant 1 : i32
        %select_n3A = arith.select %eq3A_203, %jit3A_204, %jit3A : i32
        %rem3A = arith.remsi %scan3A_201, %select_n3A : i32
        %ne3A = arith.constant 0 : i32
        %ne3A_205 = arith.cmpi ne, %rem3A, %ne3A : i32
        %lt3A = arith.constant 0 : i32
        %lt3A_206 = arith.cmpi slt, %rem3A, %lt3A : i32
        %lt3A_207 = arith.constant 0 : i32
        %lt3A_208 = arith.cmpi slt, %select_n3A, %lt3A_207 : i32
        %ne3A_209 = arith.xori %lt3A_206, %lt3A_208 : i1
        %and3A = arith.andi %ne3A_209, %ne3A_205 : i1
        %add3A_210 = arith.addi %rem3A, %select_n3A : i32
        %select_n3A_211 = arith.select %and3A, %add3A_210, %rem3A : i32
        %dma_wait3A_212 = arith.constant 0 : i32
        %dma_wait3A_213 = arith.constant 0 : i32
        %dma_wait3A_214 = tpu.memref_slice %arg10[%select_n3A_211, %dma_wait3A_212, %dma_wait3A_213] : memref<2x125x128xf32, #tpu.memory_space<vmem>> -> memref<1x125x128xf32, #tpu.memory_space<vmem>>
        %dma_wait3A_215 = tpu.memref_squeeze %dma_wait3A_214 : memref<1x125x128xf32, #tpu.memory_space<vmem>> -> memref<125x128xf32, #tpu.memory_space<vmem>>
        %dma_wait3A_216 = arith.constant 0 : i32
        %dma_wait3A_217 = tpu.memref_slice %arg8[%scan3A_201, %dma_wait3A_216] : memref<40x125xi32, #tpu.memory_space<vmem>> -> memref<1x125xi32, #tpu.memory_space<vmem>>
        %dma_wait3A_218 = tpu.memref_squeeze %dma_wait3A_217 : memref<1x125xi32, #tpu.memory_space<vmem>> -> memref<125xi32, #tpu.memory_space<vmem>>
        %dma_wait3A_219 = arith.constant 0 : i32
        %dma_wait3A_220 = arith.constant 0 : i32
        %dma_wait3A_221 = tpu.memref_slice %arg2[%dma_wait3A_219, %dma_wait3A_220] : memref<10000x128xf32, #tpu.memory_space<hbm>> -> memref<10000x128xf32, #tpu.memory_space<hbm>>
        tpu.wait_indirect_dma semaphore(%arg12 : memref<!tpu.dma_semaphore, #tpu.memory_space<semaphore_mem>>) src(%dma_wait3A_221 : memref<10000x128xf32, #tpu.memory_space<hbm>>) dst(%dma_wait3A_215 : memref<125x128xf32, #tpu.memory_space<vmem>>)
        %jit3A_222 = arith.constant 2 : i32
        %eq3A_223 = arith.constant 0 : i32
        %eq3A_224 = arith.cmpi eq, %jit3A_222, %eq3A_223 : i32
        %jit3A_225 = arith.constant 1 : i32
        %select_n3A_226 = arith.select %eq3A_224, %jit3A_225, %jit3A_222 : i32
        %rem3A_227 = arith.remsi %scan3A_201, %select_n3A_226 : i32
        %ne3A_228 = arith.constant 0 : i32
        %ne3A_229 = arith.cmpi ne, %rem3A_227, %ne3A_228 : i32
        %lt3A_230 = arith.constant 0 : i32
        %lt3A_231 = arith.cmpi slt, %rem3A_227, %lt3A_230 : i32
        %lt3A_232 = arith.constant 0 : i32
        %lt3A_233 = arith.cmpi slt, %select_n3A_226, %lt3A_232 : i32
        %ne3A_234 = arith.xori %lt3A_231, %lt3A_233 : i1
        %and3A_235 = arith.andi %ne3A_234, %ne3A_229 : i1
        %add3A_236 = arith.addi %rem3A_227, %select_n3A_226 : i32
        %select_n3A_237 = arith.select %and3A_235, %add3A_236, %rem3A_227 : i32
        %dma_start3A_238 = arith.constant 0 : i32
        %dma_start3A_239 = arith.constant 0 : i32
        %dma_start3A_240 = tpu.memref_slice %arg10[%select_n3A_237, %dma_start3A_238, %dma_start3A_239] : memref<2x125x128xf32, #tpu.memory_space<vmem>> -> memref<1x125x128xf32, #tpu.memory_space<vmem>>
        %dma_start3A_241 = tpu.memref_squeeze %dma_start3A_240 : memref<1x125x128xf32, #tpu.memory_space<vmem>> -> memref<125x128xf32, #tpu.memory_space<vmem>>
        %dma_start3A_242 = arith.constant 0 : i32
        %dma_start3A_243 = tpu.memref_slice %arg9[%scan3A_201, %dma_start3A_242] : memref<40x125xi32, #tpu.memory_space<vmem>> -> memref<1x125xi32, #tpu.memory_space<vmem>>
        %dma_start3A_244 = tpu.memref_squeeze %dma_start3A_243 : memref<1x125xi32, #tpu.memory_space<vmem>> -> memref<125xi32, #tpu.memory_space<vmem>>
        %dma_start3A_245 = arith.constant 0 : i32
        %dma_start3A_246 = arith.constant 0 : i32
        %dma_start3A_247 = tpu.memref_slice %arg11[%dma_start3A_245, %dma_start3A_246] : memref<10000x128xf32, #tpu.memory_space<vmem_shared>> -> memref<10000x128xf32, #tpu.memory_space<vmem_shared>>
        tpu.enqueue_indirect_dma source(%dma_start3A_241 : memref<125x128xf32, #tpu.memory_space<vmem>>) target(%dma_start3A_247 : memref<10000x128xf32, #tpu.memory_space<vmem_shared>>) offsets(%dma_start3A_244 : memref<125xi32, #tpu.memory_space<vmem>>) semaphore(%arg13 : memref<!tpu.dma_semaphore, #tpu.memory_space<semaphore_mem>>) {add = true}
        %add3A_248 = arith.constant 1 : i32
        %add3A_249 = arith.addi %scan3A_201, %add3A_248 : i32
        %lt3A_250 = arith.constant 40 : i32
        %lt3A_251 = arith.cmpi slt, %add3A_249, %lt3A_250 : i32
        %convert_element_type3A_252 = arith.extui %lt3A_251 : i1 to i32
        %cond3A_253 = arith.constant 0 : i32
        %cond3A_254 = arith.cmpi ne, %convert_element_type3A_252, %cond3A_253 : i32
        scf.if %cond3A_254 {
          %gt3A = arith.constant 0 : i32
          %gt3A_255 = arith.cmpi sgt, %scan3A_201, %gt3A : i32
          %convert_element_type3A_256 = arith.extui %gt3A_255 : i1 to i32
          %cond3A_257 = arith.constant 0 : i32
          %cond3A_258 = arith.cmpi ne, %convert_element_type3A_256, %cond3A_257 : i32
          scf.if %cond3A_258 {
            %add3A_289 = arith.constant 1 : i32
            %add3A_290 = arith.addi %scan3A_201, %add3A_289 : i32
            %jit3A_291 = arith.constant 2 : i32
            %eq3A_292 = arith.constant 0 : i32
            %eq3A_293 = arith.cmpi eq, %jit3A_291, %eq3A_292 : i32
            %jit3A_294 = arith.constant 1 : i32
            %select_n3A_295 = arith.select %eq3A_293, %jit3A_294, %jit3A_291 : i32
            %rem3A_296 = arith.remsi %add3A_290, %select_n3A_295 : i32
            %ne3A_297 = arith.constant 0 : i32
            %ne3A_298 = arith.cmpi ne, %rem3A_296, %ne3A_297 : i32
            %lt3A_299 = arith.constant 0 : i32
            %lt3A_300 = arith.cmpi slt, %rem3A_296, %lt3A_299 : i32
            %lt3A_301 = arith.constant 0 : i32
            %lt3A_302 = arith.cmpi slt, %select_n3A_295, %lt3A_301 : i32
            %ne3A_303 = arith.xori %lt3A_300, %lt3A_302 : i1
            %and3A_304 = arith.andi %ne3A_303, %ne3A_298 : i1
            %add3A_305 = arith.addi %rem3A_296, %select_n3A_295 : i32
            %select_n3A_306 = arith.select %and3A_304, %add3A_305, %rem3A_296 : i32
            %dma_wait3A_307 = arith.constant 0 : i32
            %dma_wait3A_308 = arith.constant 0 : i32
            %dma_wait3A_309 = tpu.memref_slice %arg10[%select_n3A_306, %dma_wait3A_307, %dma_wait3A_308] : memref<2x125x128xf32, #tpu.memory_space<vmem>> -> memref<1x125x128xf32, #tpu.memory_space<vmem>>
            %dma_wait3A_310 = tpu.memref_squeeze %dma_wait3A_309 : memref<1x125x128xf32, #tpu.memory_space<vmem>> -> memref<125x128xf32, #tpu.memory_space<vmem>>
            %dma_wait3A_311 = arith.constant 0 : i32
            %dma_wait3A_312 = tpu.memref_slice %arg9[%scan3A_201, %dma_wait3A_311] : memref<40x125xi32, #tpu.memory_space<vmem>> -> memref<1x125xi32, #tpu.memory_space<vmem>>
            %dma_wait3A_313 = tpu.memref_squeeze %dma_wait3A_312 : memref<1x125xi32, #tpu.memory_space<vmem>> -> memref<125xi32, #tpu.memory_space<vmem>>
            %dma_wait3A_314 = arith.constant 0 : i32
            %dma_wait3A_315 = arith.constant 0 : i32
            %dma_wait3A_316 = tpu.memref_slice %arg11[%dma_wait3A_314, %dma_wait3A_315] : memref<10000x128xf32, #tpu.memory_space<vmem_shared>> -> memref<10000x128xf32, #tpu.memory_space<vmem_shared>>
            tpu.wait_indirect_dma semaphore(%arg13 : memref<!tpu.dma_semaphore, #tpu.memory_space<semaphore_mem>>) src(%dma_wait3A_310 : memref<125x128xf32, #tpu.memory_space<vmem>>) dst(%dma_wait3A_316 : memref<10000x128xf32, #tpu.memory_space<vmem_shared>>)
          } else {
          }
          %add3A_259 = arith.constant 1 : i32
          %add3A_260 = arith.addi %scan3A_201, %add3A_259 : i32
          %add3A_261 = arith.constant 1 : i32
          %add3A_262 = arith.addi %scan3A_201, %add3A_261 : i32
          %jit3A_263 = arith.constant 2 : i32
          %eq3A_264 = arith.constant 0 : i32
          %eq3A_265 = arith.cmpi eq, %jit3A_263, %eq3A_264 : i32
          %jit3A_266 = arith.constant 1 : i32
          %select_n3A_267 = arith.select %eq3A_265, %jit3A_266, %jit3A_263 : i32
          %rem3A_268 = arith.remsi %add3A_262, %select_n3A_267 : i32
          %ne3A_269 = arith.constant 0 : i32
          %ne3A_270 = arith.cmpi ne, %rem3A_268, %ne3A_269 : i32
          %lt3A_271 = arith.constant 0 : i32
          %lt3A_272 = arith.cmpi slt, %rem3A_268, %lt3A_271 : i32
          %lt3A_273 = arith.constant 0 : i32
          %lt3A_274 = arith.cmpi slt, %select_n3A_267, %lt3A_273 : i32
          %ne3A_275 = arith.xori %lt3A_272, %lt3A_274 : i1
          %and3A_276 = arith.andi %ne3A_275, %ne3A_270 : i1
          %add3A_277 = arith.addi %rem3A_268, %select_n3A_267 : i32
          %select_n3A_278 = arith.select %and3A_276, %add3A_277, %rem3A_268 : i32
          %dma_start3A_279 = arith.constant 0 : i32
          %dma_start3A_280 = arith.constant 0 : i32
          %dma_start3A_281 = tpu.memref_slice %arg10[%select_n3A_278, %dma_start3A_279, %dma_start3A_280] : memref<2x125x128xf32, #tpu.memory_space<vmem>> -> memref<1x125x128xf32, #tpu.memory_space<vmem>>
          %dma_start3A_282 = tpu.memref_squeeze %dma_start3A_281 : memref<1x125x128xf32, #tpu.memory_space<vmem>> -> memref<125x128xf32, #tpu.memory_space<vmem>>
          %dma_start3A_283 = arith.constant 0 : i32
          %dma_start3A_284 = tpu.memref_slice %arg8[%add3A_260, %dma_start3A_283] : memref<40x125xi32, #tpu.memory_space<vmem>> -> memref<1x125xi32, #tpu.memory_space<vmem>>
          %dma_start3A_285 = tpu.memref_squeeze %dma_start3A_284 : memref<1x125xi32, #tpu.memory_space<vmem>> -> memref<125xi32, #tpu.memory_space<vmem>>
          %dma_start3A_286 = arith.constant 0 : i32
          %dma_start3A_287 = arith.constant 0 : i32
          %dma_start3A_288 = tpu.memref_slice %arg2[%dma_start3A_286, %dma_start3A_287] : memref<10000x128xf32, #tpu.memory_space<hbm>> -> memref<10000x128xf32, #tpu.memory_space<hbm>>
          tpu.enqueue_indirect_dma source(%dma_start3A_288 : memref<10000x128xf32, #tpu.memory_space<hbm>>) target(%dma_start3A_282 : memref<125x128xf32, #tpu.memory_space<vmem>>) offsets(%dma_start3A_285 : memref<125xi32, #tpu.memory_space<vmem>>) semaphore(%arg12 : memref<!tpu.dma_semaphore, #tpu.memory_space<semaphore_mem>>)
        } else {
        }
      }
      %scan3A_122 = arith.constant 40 : i32
      %dma_wait3A_123 = arith.constant 0 : i32
      %dma_wait3A_124 = arith.constant 0 : i32
      %dma_wait3A_125 = arith.constant 0 : i32
      %dma_wait3A_126 = arith.constant 0 : i32
      %dma_wait3A_127 = tpu.memref_slice %arg10[%dma_wait3A_123, %dma_wait3A_125, %dma_wait3A_126] : memref<2x125x128xf32, #tpu.memory_space<vmem>> -> memref<1x125x128xf32, #tpu.memory_space<vmem>>
      %dma_wait3A_128 = tpu.memref_squeeze %dma_wait3A_127 : memref<1x125x128xf32, #tpu.memory_space<vmem>> -> memref<125x128xf32, #tpu.memory_space<vmem>>
      %dma_wait3A_129 = arith.constant 0 : i32
      %dma_wait3A_130 = tpu.memref_slice %arg9[%dma_wait3A_124, %dma_wait3A_129] : memref<40x125xi32, #tpu.memory_space<vmem>> -> memref<1x125xi32, #tpu.memory_space<vmem>>
      %dma_wait3A_131 = tpu.memref_squeeze %dma_wait3A_130 : memref<1x125xi32, #tpu.memory_space<vmem>> -> memref<125xi32, #tpu.memory_space<vmem>>
      %dma_wait3A_132 = arith.constant 0 : i32
      %dma_wait3A_133 = arith.constant 0 : i32
      %dma_wait3A_134 = tpu.memref_slice %arg11[%dma_wait3A_132, %dma_wait3A_133] : memref<10000x128xf32, #tpu.memory_space<vmem_shared>> -> memref<10000x128xf32, #tpu.memory_space<vmem_shared>>
      tpu.wait_indirect_dma semaphore(%arg13 : memref<!tpu.dma_semaphore, #tpu.memory_space<semaphore_mem>>) src(%dma_wait3A_128 : memref<125x128xf32, #tpu.memory_space<vmem>>) dst(%dma_wait3A_134 : memref<10000x128xf32, #tpu.memory_space<vmem_shared>>)
      %dma_wait3A_135 = arith.constant 1 : i32
      %dma_wait3A_136 = arith.constant 0 : i32
      %dma_wait3A_137 = arith.constant 0 : i32
      %dma_wait3A_138 = arith.constant 0 : i32
      %dma_wait3A_139 = tpu.memref_slice %arg10[%dma_wait3A_135, %dma_wait3A_137, %dma_wait3A_138] : memref<2x125x128xf32, #tpu.memory_space<vmem>> -> memref<1x125x128xf32, #tpu.memory_space<vmem>>
      %dma_wait3A_140 = tpu.memref_squeeze %dma_wait3A_139 : memref<1x125x128xf32, #tpu.memory_space<vmem>> -> memref<125x128xf32, #tpu.memory_space<vmem>>
      %dma_wait3A_141 = arith.constant 0 : i32
      %dma_wait3A_142 = tpu.memref_slice %arg9[%dma_wait3A_136, %dma_wait3A_141] : memref<40x125xi32, #tpu.memory_space<vmem>> -> memref<1x125xi32, #tpu.memory_space<vmem>>
      %dma_wait3A_143 = tpu.memref_squeeze %dma_wait3A_142 : memref<1x125xi32, #tpu.memory_space<vmem>> -> memref<125xi32, #tpu.memory_space<vmem>>
      %dma_wait3A_144 = arith.constant 0 : i32
      %dma_wait3A_145 = arith.constant 0 : i32
      %dma_wait3A_146 = tpu.memref_slice %arg11[%dma_wait3A_144, %dma_wait3A_145] : memref<10000x128xf32, #tpu.memory_space<vmem_shared>> -> memref<10000x128xf32, #tpu.memory_space<vmem_shared>>
      tpu.wait_indirect_dma semaphore(%arg13 : memref<!tpu.dma_semaphore, #tpu.memory_space<semaphore_mem>>) src(%dma_wait3A_140 : memref<125x128xf32, #tpu.memory_space<vmem>>) dst(%dma_wait3A_146 : memref<10000x128xf32, #tpu.memory_space<vmem_shared>>)
      %mul3A_147 = arith.constant 160 : i32
      %mul3A_148 = arith.muli %arg1, %mul3A_147 : i32
      %add3A_149 = arith.constant 120 : i32
      %add3A_150 = arith.addi %mul3A_148, %add3A_149 : i32
      "tpu.region"() ({
        %run_scoped3A = tpu.sem_alloc : memref<!tpu.dma_semaphore, #tpu.memory_space<semaphore_mem>>
        %dma_start3A_201 = arith.constant 0 : i32
        %dma_start3A_202 = tpu.memref_slice %arg5[%add3A_150, %dma_start3A_201] : memref<2560x125xi32, #tpu.memory_space<hbm>> -> memref<40x125xi32, #tpu.memory_space<hbm>>
        %dma_start3A_203 = arith.constant 0 : i32
        %dma_start3A_204 = tpu.memref_slice %arg5[%add3A_150, %dma_start3A_203] : memref<2560x125xi32, #tpu.memory_space<hbm>> -> memref<40x125xi32, #tpu.memory_space<hbm>>
        tpu.enqueue_dma source(%dma_start3A_204 : memref<40x125xi32, #tpu.memory_space<hbm>>) target(%arg8 : memref<40x125xi32, #tpu.memory_space<vmem>>) target_semaphore(%run_scoped3A : memref<!tpu.dma_semaphore, #tpu.memory_space<semaphore_mem>>)
        %dma_wait3A_205 = arith.constant 0 : i32
        %dma_wait3A_206 = tpu.memref_slice %arg5[%add3A_150, %dma_wait3A_205] : memref<2560x125xi32, #tpu.memory_space<hbm>> -> memref<40x125xi32, #tpu.memory_space<hbm>>
        %dma_wait3A_207 = arith.constant 0 : i32
        %dma_wait3A_208 = tpu.memref_slice %arg5[%add3A_150, %dma_wait3A_207] : memref<2560x125xi32, #tpu.memory_space<hbm>> -> memref<40x125xi32, #tpu.memory_space<hbm>>
        tpu.wait_dma2 semaphore(%run_scoped3A : memref<!tpu.dma_semaphore, #tpu.memory_space<semaphore_mem>>) src(%dma_wait3A_208 : memref<40x125xi32, #tpu.memory_space<hbm>>) dst(%arg8 : memref<40x125xi32, #tpu.memory_space<vmem>>)
        tpu.yield
      }) : () -> ()
      "tpu.region"() ({
        %run_scoped3A = tpu.sem_alloc : memref<!tpu.dma_semaphore, #tpu.memory_space<semaphore_mem>>
        %dma_start3A_201 = arith.constant 0 : i32
        %dma_start3A_202 = tpu.memref_slice %arg4[%add3A_150, %dma_start3A_201] : memref<2560x125xi32, #tpu.memory_space<hbm>> -> memref<40x125xi32, #tpu.memory_space<hbm>>
        %dma_start3A_203 = arith.constant 0 : i32
        %dma_start3A_204 = tpu.memref_slice %arg4[%add3A_150, %dma_start3A_203] : memref<2560x125xi32, #tpu.memory_space<hbm>> -> memref<40x125xi32, #tpu.memory_space<hbm>>
        tpu.enqueue_dma source(%dma_start3A_204 : memref<40x125xi32, #tpu.memory_space<hbm>>) target(%arg9 : memref<40x125xi32, #tpu.memory_space<vmem>>) target_semaphore(%run_scoped3A : memref<!tpu.dma_semaphore, #tpu.memory_space<semaphore_mem>>)
        %dma_wait3A_205 = arith.constant 0 : i32
        %dma_wait3A_206 = tpu.memref_slice %arg4[%add3A_150, %dma_wait3A_205] : memref<2560x125xi32, #tpu.memory_space<hbm>> -> memref<40x125xi32, #tpu.memory_space<hbm>>
        %dma_wait3A_207 = arith.constant 0 : i32
        %dma_wait3A_208 = tpu.memref_slice %arg4[%add3A_150, %dma_wait3A_207] : memref<2560x125xi32, #tpu.memory_space<hbm>> -> memref<40x125xi32, #tpu.memory_space<hbm>>
        tpu.wait_dma2 semaphore(%run_scoped3A : memref<!tpu.dma_semaphore, #tpu.memory_space<semaphore_mem>>) src(%dma_wait3A_208 : memref<40x125xi32, #tpu.memory_space<hbm>>) dst(%arg9 : memref<40x125xi32, #tpu.memory_space<vmem>>)
        tpu.yield
      }) : () -> ()
      %dma_start3A_151 = arith.constant 0 : i32
      %dma_start3A_152 = arith.constant 0 : i32
      %dma_start3A_153 = arith.constant 0 : i32
      %dma_start3A_154 = arith.constant 0 : i32
      %dma_start3A_155 = tpu.memref_slice %arg10[%dma_start3A_152, %dma_start3A_153, %dma_start3A_154] : memref<2x125x128xf32, #tpu.memory_space<vmem>> -> memref<1x125x128xf32, #tpu.memory_space<vmem>>
      %dma_start3A_156 = tpu.memref_squeeze %dma_start3A_155 : memref<1x125x128xf32, #tpu.memory_space<vmem>> -> memref<125x128xf32, #tpu.memory_space<vmem>>
      %dma_start3A_157 = arith.constant 0 : i32
      %dma_start3A_158 = tpu.memref_slice %arg8[%dma_start3A_151, %dma_start3A_157] : memref<40x125xi32, #tpu.memory_space<vmem>> -> memref<1x125xi32, #tpu.memory_space<vmem>>
      %dma_start3A_159 = tpu.memref_squeeze %dma_start3A_158 : memref<1x125xi32, #tpu.memory_space<vmem>> -> memref<125xi32, #tpu.memory_space<vmem>>
      %dma_start3A_160 = arith.constant 0 : i32
      %dma_start3A_161 = arith.constant 0 : i32
      %dma_start3A_162 = tpu.memref_slice %arg2[%dma_start3A_160, %dma_start3A_161] : memref<10000x128xf32, #tpu.memory_space<hbm>> -> memref<10000x128xf32, #tpu.memory_space<hbm>>
      tpu.enqueue_indirect_dma source(%dma_start3A_162 : memref<10000x128xf32, #tpu.memory_space<hbm>>) target(%dma_start3A_156 : memref<125x128xf32, #tpu.memory_space<vmem>>) offsets(%dma_start3A_159 : memref<125xi32, #tpu.memory_space<vmem>>) semaphore(%arg12 : memref<!tpu.dma_semaphore, #tpu.memory_space<semaphore_mem>>)
      %scan3A_163 = arith.constant 0 : i32
      %scan3A_164 = arith.constant 0 : i32
      %scan3A_165 = arith.constant 40 : i32
      %scan3A_166 = arith.addi %scan3A_164, %scan3A_165 : i32
      %scan3A_167 = arith.constant 1 : i32
      scf.for %scan3A_201 = %scan3A_164 to %scan3A_166 step %scan3A_167  : i32 {
        %jit3A = arith.constant 2 : i32
        %eq3A_202 = arith.constant 0 : i32
        %eq3A_203 = arith.cmpi eq, %jit3A, %eq3A_202 : i32
        %jit3A_204 = arith.constant 1 : i32
        %select_n3A = arith.select %eq3A_203, %jit3A_204, %jit3A : i32
        %rem3A = arith.remsi %scan3A_201, %select_n3A : i32
        %ne3A = arith.constant 0 : i32
        %ne3A_205 = arith.cmpi ne, %rem3A, %ne3A : i32
        %lt3A = arith.constant 0 : i32
        %lt3A_206 = arith.cmpi slt, %rem3A, %lt3A : i32
        %lt3A_207 = arith.constant 0 : i32
        %lt3A_208 = arith.cmpi slt, %select_n3A, %lt3A_207 : i32
        %ne3A_209 = arith.xori %lt3A_206, %lt3A_208 : i1
        %and3A = arith.andi %ne3A_209, %ne3A_205 : i1
        %add3A_210 = arith.addi %rem3A, %select_n3A : i32
        %select_n3A_211 = arith.select %and3A, %add3A_210, %rem3A : i32
        %dma_wait3A_212 = arith.constant 0 : i32
        %dma_wait3A_213 = arith.constant 0 : i32
        %dma_wait3A_214 = tpu.memref_slice %arg10[%select_n3A_211, %dma_wait3A_212, %dma_wait3A_213] : memref<2x125x128xf32, #tpu.memory_space<vmem>> -> memref<1x125x128xf32, #tpu.memory_space<vmem>>
        %dma_wait3A_215 = tpu.memref_squeeze %dma_wait3A_214 : memref<1x125x128xf32, #tpu.memory_space<vmem>> -> memref<125x128xf32, #tpu.memory_space<vmem>>
        %dma_wait3A_216 = arith.constant 0 : i32
        %dma_wait3A_217 = tpu.memref_slice %arg8[%scan3A_201, %dma_wait3A_216] : memref<40x125xi32, #tpu.memory_space<vmem>> -> memref<1x125xi32, #tpu.memory_space<vmem>>
        %dma_wait3A_218 = tpu.memref_squeeze %dma_wait3A_217 : memref<1x125xi32, #tpu.memory_space<vmem>> -> memref<125xi32, #tpu.memory_space<vmem>>
        %dma_wait3A_219 = arith.constant 0 : i32
        %dma_wait3A_220 = arith.constant 0 : i32
        %dma_wait3A_221 = tpu.memref_slice %arg2[%dma_wait3A_219, %dma_wait3A_220] : memref<10000x128xf32, #tpu.memory_space<hbm>> -> memref<10000x128xf32, #tpu.memory_space<hbm>>
        tpu.wait_indirect_dma semaphore(%arg12 : memref<!tpu.dma_semaphore, #tpu.memory_space<semaphore_mem>>) src(%dma_wait3A_221 : memref<10000x128xf32, #tpu.memory_space<hbm>>) dst(%dma_wait3A_215 : memref<125x128xf32, #tpu.memory_space<vmem>>)
        %jit3A_222 = arith.constant 2 : i32
        %eq3A_223 = arith.constant 0 : i32
        %eq3A_224 = arith.cmpi eq, %jit3A_222, %eq3A_223 : i32
        %jit3A_225 = arith.constant 1 : i32
        %select_n3A_226 = arith.select %eq3A_224, %jit3A_225, %jit3A_222 : i32
        %rem3A_227 = arith.remsi %scan3A_201, %select_n3A_226 : i32
        %ne3A_228 = arith.constant 0 : i32
        %ne3A_229 = arith.cmpi ne, %rem3A_227, %ne3A_228 : i32
        %lt3A_230 = arith.constant 0 : i32
        %lt3A_231 = arith.cmpi slt, %rem3A_227, %lt3A_230 : i32
        %lt3A_232 = arith.constant 0 : i32
        %lt3A_233 = arith.cmpi slt, %select_n3A_226, %lt3A_232 : i32
        %ne3A_234 = arith.xori %lt3A_231, %lt3A_233 : i1
        %and3A_235 = arith.andi %ne3A_234, %ne3A_229 : i1
        %add3A_236 = arith.addi %rem3A_227, %select_n3A_226 : i32
        %select_n3A_237 = arith.select %and3A_235, %add3A_236, %rem3A_227 : i32
        %dma_start3A_238 = arith.constant 0 : i32
        %dma_start3A_239 = arith.constant 0 : i32
        %dma_start3A_240 = tpu.memref_slice %arg10[%select_n3A_237, %dma_start3A_238, %dma_start3A_239] : memref<2x125x128xf32, #tpu.memory_space<vmem>> -> memref<1x125x128xf32, #tpu.memory_space<vmem>>
        %dma_start3A_241 = tpu.memref_squeeze %dma_start3A_240 : memref<1x125x128xf32, #tpu.memory_space<vmem>> -> memref<125x128xf32, #tpu.memory_space<vmem>>
        %dma_start3A_242 = arith.constant 0 : i32
        %dma_start3A_243 = tpu.memref_slice %arg9[%scan3A_201, %dma_start3A_242] : memref<40x125xi32, #tpu.memory_space<vmem>> -> memref<1x125xi32, #tpu.memory_space<vmem>>
        %dma_start3A_244 = tpu.memref_squeeze %dma_start3A_243 : memref<1x125xi32, #tpu.memory_space<vmem>> -> memref<125xi32, #tpu.memory_space<vmem>>
        %dma_start3A_245 = arith.constant 0 : i32
        %dma_start3A_246 = arith.constant 0 : i32
        %dma_start3A_247 = tpu.memref_slice %arg11[%dma_start3A_245, %dma_start3A_246] : memref<10000x128xf32, #tpu.memory_space<vmem_shared>> -> memref<10000x128xf32, #tpu.memory_space<vmem_shared>>
        tpu.enqueue_indirect_dma source(%dma_start3A_241 : memref<125x128xf32, #tpu.memory_space<vmem>>) target(%dma_start3A_247 : memref<10000x128xf32, #tpu.memory_space<vmem_shared>>) offsets(%dma_start3A_244 : memref<125xi32, #tpu.memory_space<vmem>>) semaphore(%arg13 : memref<!tpu.dma_semaphore, #tpu.memory_space<semaphore_mem>>) {add = true}
        %add3A_248 = arith.constant 1 : i32
        %add3A_249 = arith.addi %scan3A_201, %add3A_248 : i32
        %lt3A_250 = arith.constant 40 : i32
        %lt3A_251 = arith.cmpi slt, %add3A_249, %lt3A_250 : i32
        %convert_element_type3A_252 = arith.extui %lt3A_251 : i1 to i32
        %cond3A_253 = arith.constant 0 : i32
        %cond3A_254 = arith.cmpi ne, %convert_element_type3A_252, %cond3A_253 : i32
        scf.if %cond3A_254 {
          %gt3A = arith.constant 0 : i32
          %gt3A_255 = arith.cmpi sgt, %scan3A_201, %gt3A : i32
          %convert_element_type3A_256 = arith.extui %gt3A_255 : i1 to i32
          %cond3A_257 = arith.constant 0 : i32
          %cond3A_258 = arith.cmpi ne, %convert_element_type3A_256, %cond3A_257 : i32
          scf.if %cond3A_258 {
            %add3A_289 = arith.constant 1 : i32
            %add3A_290 = arith.addi %scan3A_201, %add3A_289 : i32
            %jit3A_291 = arith.constant 2 : i32
            %eq3A_292 = arith.constant 0 : i32
            %eq3A_293 = arith.cmpi eq, %jit3A_291, %eq3A_292 : i32
            %jit3A_294 = arith.constant 1 : i32
            %select_n3A_295 = arith.select %eq3A_293, %jit3A_294, %jit3A_291 : i32
            %rem3A_296 = arith.remsi %add3A_290, %select_n3A_295 : i32
            %ne3A_297 = arith.constant 0 : i32
            %ne3A_298 = arith.cmpi ne, %rem3A_296, %ne3A_297 : i32
            %lt3A_299 = arith.constant 0 : i32
            %lt3A_300 = arith.cmpi slt, %rem3A_296, %lt3A_299 : i32
            %lt3A_301 = arith.constant 0 : i32
            %lt3A_302 = arith.cmpi slt, %select_n3A_295, %lt3A_301 : i32
            %ne3A_303 = arith.xori %lt3A_300, %lt3A_302 : i1
            %and3A_304 = arith.andi %ne3A_303, %ne3A_298 : i1
            %add3A_305 = arith.addi %rem3A_296, %select_n3A_295 : i32
            %select_n3A_306 = arith.select %and3A_304, %add3A_305, %rem3A_296 : i32
            %dma_wait3A_307 = arith.constant 0 : i32
            %dma_wait3A_308 = arith.constant 0 : i32
            %dma_wait3A_309 = tpu.memref_slice %arg10[%select_n3A_306, %dma_wait3A_307, %dma_wait3A_308] : memref<2x125x128xf32, #tpu.memory_space<vmem>> -> memref<1x125x128xf32, #tpu.memory_space<vmem>>
            %dma_wait3A_310 = tpu.memref_squeeze %dma_wait3A_309 : memref<1x125x128xf32, #tpu.memory_space<vmem>> -> memref<125x128xf32, #tpu.memory_space<vmem>>
            %dma_wait3A_311 = arith.constant 0 : i32
            %dma_wait3A_312 = tpu.memref_slice %arg9[%scan3A_201, %dma_wait3A_311] : memref<40x125xi32, #tpu.memory_space<vmem>> -> memref<1x125xi32, #tpu.memory_space<vmem>>
            %dma_wait3A_313 = tpu.memref_squeeze %dma_wait3A_312 : memref<1x125xi32, #tpu.memory_space<vmem>> -> memref<125xi32, #tpu.memory_space<vmem>>
            %dma_wait3A_314 = arith.constant 0 : i32
            %dma_wait3A_315 = arith.constant 0 : i32
            %dma_wait3A_316 = tpu.memref_slice %arg11[%dma_wait3A_314, %dma_wait3A_315] : memref<10000x128xf32, #tpu.memory_space<vmem_shared>> -> memref<10000x128xf32, #tpu.memory_space<vmem_shared>>
            tpu.wait_indirect_dma semaphore(%arg13 : memref<!tpu.dma_semaphore, #tpu.memory_space<semaphore_mem>>) src(%dma_wait3A_310 : memref<125x128xf32, #tpu.memory_space<vmem>>) dst(%dma_wait3A_316 : memref<10000x128xf32, #tpu.memory_space<vmem_shared>>)
          } else {
          }
          %add3A_259 = arith.constant 1 : i32
          %add3A_260 = arith.addi %scan3A_201, %add3A_259 : i32
          %add3A_261 = arith.constant 1 : i32
          %add3A_262 = arith.addi %scan3A_201, %add3A_261 : i32
          %jit3A_263 = arith.constant 2 : i32
          %eq3A_264 = arith.constant 0 : i32
          %eq3A_265 = arith.cmpi eq, %jit3A_263, %eq3A_264 : i32
          %jit3A_266 = arith.constant 1 : i32
          %select_n3A_267 = arith.select %eq3A_265, %jit3A_266, %jit3A_263 : i32
          %rem3A_268 = arith.remsi %add3A_262, %select_n3A_267 : i32
          %ne3A_269 = arith.constant 0 : i32
          %ne3A_270 = arith.cmpi ne, %rem3A_268, %ne3A_269 : i32
          %lt3A_271 = arith.constant 0 : i32
          %lt3A_272 = arith.cmpi slt, %rem3A_268, %lt3A_271 : i32
          %lt3A_273 = arith.constant 0 : i32
          %lt3A_274 = arith.cmpi slt, %select_n3A_267, %lt3A_273 : i32
          %ne3A_275 = arith.xori %lt3A_272, %lt3A_274 : i1
          %and3A_276 = arith.andi %ne3A_275, %ne3A_270 : i1
          %add3A_277 = arith.addi %rem3A_268, %select_n3A_267 : i32
          %select_n3A_278 = arith.select %and3A_276, %add3A_277, %rem3A_268 : i32
          %dma_start3A_279 = arith.constant 0 : i32
          %dma_start3A_280 = arith.constant 0 : i32
          %dma_start3A_281 = tpu.memref_slice %arg10[%select_n3A_278, %dma_start3A_279, %dma_start3A_280] : memref<2x125x128xf32, #tpu.memory_space<vmem>> -> memref<1x125x128xf32, #tpu.memory_space<vmem>>
          %dma_start3A_282 = tpu.memref_squeeze %dma_start3A_281 : memref<1x125x128xf32, #tpu.memory_space<vmem>> -> memref<125x128xf32, #tpu.memory_space<vmem>>
          %dma_start3A_283 = arith.constant 0 : i32
          %dma_start3A_284 = tpu.memref_slice %arg8[%add3A_260, %dma_start3A_283] : memref<40x125xi32, #tpu.memory_space<vmem>> -> memref<1x125xi32, #tpu.memory_space<vmem>>
          %dma_start3A_285 = tpu.memref_squeeze %dma_start3A_284 : memref<1x125xi32, #tpu.memory_space<vmem>> -> memref<125xi32, #tpu.memory_space<vmem>>
          %dma_start3A_286 = arith.constant 0 : i32
          %dma_start3A_287 = arith.constant 0 : i32
          %dma_start3A_288 = tpu.memref_slice %arg2[%dma_start3A_286, %dma_start3A_287] : memref<10000x128xf32, #tpu.memory_space<hbm>> -> memref<10000x128xf32, #tpu.memory_space<hbm>>
          tpu.enqueue_indirect_dma source(%dma_start3A_288 : memref<10000x128xf32, #tpu.memory_space<hbm>>) target(%dma_start3A_282 : memref<125x128xf32, #tpu.memory_space<vmem>>) offsets(%dma_start3A_285 : memref<125xi32, #tpu.memory_space<vmem>>) semaphore(%arg12 : memref<!tpu.dma_semaphore, #tpu.memory_space<semaphore_mem>>)
        } else {
        }
      }
      %scan3A_168 = arith.constant 40 : i32
      %dma_wait3A_169 = arith.constant 0 : i32
      %dma_wait3A_170 = arith.constant 0 : i32
      %dma_wait3A_171 = arith.constant 0 : i32
      %dma_wait3A_172 = arith.constant 0 : i32
      %dma_wait3A_173 = tpu.memref_slice %arg10[%dma_wait3A_169, %dma_wait3A_171, %dma_wait3A_172] : memref<2x125x128xf32, #tpu.memory_space<vmem>> -> memref<1x125x128xf32, #tpu.memory_space<vmem>>
      %dma_wait3A_174 = tpu.memref_squeeze %dma_wait3A_173 : memref<1x125x128xf32, #tpu.memory_space<vmem>> -> memref<125x128xf32, #tpu.memory_space<vmem>>
      %dma_wait3A_175 = arith.constant 0 : i32
      %dma_wait3A_176 = tpu.memref_slice %arg9[%dma_wait3A_170, %dma_wait3A_175] : memref<40x125xi32, #tpu.memory_space<vmem>> -> memref<1x125xi32, #tpu.memory_space<vmem>>
      %dma_wait3A_177 = tpu.memref_squeeze %dma_wait3A_176 : memref<1x125xi32, #tpu.memory_space<vmem>> -> memref<125xi32, #tpu.memory_space<vmem>>
      %dma_wait3A_178 = arith.constant 0 : i32
      %dma_wait3A_179 = arith.constant 0 : i32
      %dma_wait3A_180 = tpu.memref_slice %arg11[%dma_wait3A_178, %dma_wait3A_179] : memref<10000x128xf32, #tpu.memory_space<vmem_shared>> -> memref<10000x128xf32, #tpu.memory_space<vmem_shared>>
      tpu.wait_indirect_dma semaphore(%arg13 : memref<!tpu.dma_semaphore, #tpu.memory_space<semaphore_mem>>) src(%dma_wait3A_174 : memref<125x128xf32, #tpu.memory_space<vmem>>) dst(%dma_wait3A_180 : memref<10000x128xf32, #tpu.memory_space<vmem_shared>>)
      %dma_wait3A_181 = arith.constant 1 : i32
      %dma_wait3A_182 = arith.constant 0 : i32
      %dma_wait3A_183 = arith.constant 0 : i32
      %dma_wait3A_184 = arith.constant 0 : i32
      %dma_wait3A_185 = tpu.memref_slice %arg10[%dma_wait3A_181, %dma_wait3A_183, %dma_wait3A_184] : memref<2x125x128xf32, #tpu.memory_space<vmem>> -> memref<1x125x128xf32, #tpu.memory_space<vmem>>
      %dma_wait3A_186 = tpu.memref_squeeze %dma_wait3A_185 : memref<1x125x128xf32, #tpu.memory_space<vmem>> -> memref<125x128xf32, #tpu.memory_space<vmem>>
      %dma_wait3A_187 = arith.constant 0 : i32
      %dma_wait3A_188 = tpu.memref_slice %arg9[%dma_wait3A_182, %dma_wait3A_187] : memref<40x125xi32, #tpu.memory_space<vmem>> -> memref<1x125xi32, #tpu.memory_space<vmem>>
      %dma_wait3A_189 = tpu.memref_squeeze %dma_wait3A_188 : memref<1x125xi32, #tpu.memory_space<vmem>> -> memref<125xi32, #tpu.memory_space<vmem>>
      %dma_wait3A_190 = arith.constant 0 : i32
      %dma_wait3A_191 = arith.constant 0 : i32
      %dma_wait3A_192 = tpu.memref_slice %arg11[%dma_wait3A_190, %dma_wait3A_191] : memref<10000x128xf32, #tpu.memory_space<vmem_shared>> -> memref<10000x128xf32, #tpu.memory_space<vmem_shared>>
      tpu.wait_indirect_dma semaphore(%arg13 : memref<!tpu.dma_semaphore, #tpu.memory_space<semaphore_mem>>) src(%dma_wait3A_186 : memref<125x128xf32, #tpu.memory_space<vmem>>) dst(%dma_wait3A_192 : memref<10000x128xf32, #tpu.memory_space<vmem_shared>>)
      %barrier3A_193 = arith.constant 0 : index
      tpu.barrier barrier_id(%barrier3A_193)
      %mul3A_194 = arith.constant 624 : i32
      %mul3A_195 = arith.muli %arg1, %mul3A_194 : i32
      "tpu.region"() ({
        %run_scoped3A = tpu.sem_alloc : memref<!tpu.dma_semaphore, #tpu.memory_space<semaphore_mem>>
        %dma_start3A_201 = arith.constant 0 : i32
        %dma_start3A_202 = tpu.memref_slice %arg6[%mul3A_195, %dma_start3A_201] : memref<10000x128xf32, #tpu.memory_space<hbm>> -> memref<624x128xf32, #tpu.memory_space<hbm>>
        %dma_start3A_203 = arith.constant 0 : i32
        %dma_start3A_204 = tpu.memref_slice %arg11[%mul3A_195, %dma_start3A_203] : memref<10000x128xf32, #tpu.memory_space<vmem_shared>> -> memref<624x128xf32, #tpu.memory_space<vmem_shared>>
        tpu.enqueue_dma source(%dma_start3A_204 : memref<624x128xf32, #tpu.memory_space<vmem_shared>>) target(%dma_start3A_202 : memref<624x128xf32, #tpu.memory_space<hbm>>) target_semaphore(%run_scoped3A : memref<!tpu.dma_semaphore, #tpu.memory_space<semaphore_mem>>)
        %dma_wait3A_205 = arith.constant 0 : i32
        %dma_wait3A_206 = tpu.memref_slice %arg6[%mul3A_195, %dma_wait3A_205] : memref<10000x128xf32, #tpu.memory_space<hbm>> -> memref<624x128xf32, #tpu.memory_space<hbm>>
        %dma_wait3A_207 = arith.constant 0 : i32
        %dma_wait3A_208 = tpu.memref_slice %arg11[%mul3A_195, %dma_wait3A_207] : memref<10000x128xf32, #tpu.memory_space<vmem_shared>> -> memref<624x128xf32, #tpu.memory_space<vmem_shared>>
        tpu.wait_dma2 semaphore(%run_scoped3A : memref<!tpu.dma_semaphore, #tpu.memory_space<semaphore_mem>>) src(%dma_wait3A_208 : memref<624x128xf32, #tpu.memory_space<vmem_shared>>) dst(%dma_wait3A_206 : memref<624x128xf32, #tpu.memory_space<hbm>>)
        tpu.yield
      }) : () -> ()
      %eq3A_196 = arith.constant 15 : i32
      %eq3A_197 = arith.cmpi eq, %arg1, %eq3A_196 : i32
      %convert_element_type3A_198 = arith.extui %eq3A_197 : i1 to i32
      %cond3A_199 = arith.constant 0 : i32
      %cond3A_200 = arith.cmpi ne, %convert_element_type3A_198, %cond3A_199 : i32
      scf.if %cond3A_200 {
        "tpu.region"() ({
          %run_scoped3A = tpu.sem_alloc : memref<!tpu.dma_semaphore, #tpu.memory_space<semaphore_mem>>
          %dma_start3A_201 = arith.constant 9984 : i32
          %dma_start3A_202 = arith.constant 0 : i32
          %dma_start3A_203 = tpu.memref_slice %arg6[%dma_start3A_201, %dma_start3A_202] : memref<10000x128xf32, #tpu.memory_space<hbm>> -> memref<16x128xf32, #tpu.memory_space<hbm>>
          %dma_start3A_204 = arith.constant 9984 : i32
          %dma_start3A_205 = arith.constant 0 : i32
          %dma_start3A_206 = tpu.memref_slice %arg11[%dma_start3A_204, %dma_start3A_205] : memref<10000x128xf32, #tpu.memory_space<vmem_shared>> -> memref<16x128xf32, #tpu.memory_space<vmem_shared>>
          tpu.enqueue_dma source(%dma_start3A_206 : memref<16x128xf32, #tpu.memory_space<vmem_shared>>) target(%dma_start3A_203 : memref<16x128xf32, #tpu.memory_space<hbm>>) target_semaphore(%run_scoped3A : memref<!tpu.dma_semaphore, #tpu.memory_space<semaphore_mem>>)
          %dma_wait3A_207 = arith.constant 9984 : i32
          %dma_wait3A_208 = arith.constant 0 : i32
          %dma_wait3A_209 = tpu.memref_slice %arg6[%dma_wait3A_207, %dma_wait3A_208] : memref<10000x128xf32, #tpu.memory_space<hbm>> -> memref<16x128xf32, #tpu.memory_space<hbm>>
          %dma_wait3A_210 = arith.constant 9984 : i32
          %dma_wait3A_211 = arith.constant 0 : i32
          %dma_wait3A_212 = tpu.memref_slice %arg11[%dma_wait3A_210, %dma_wait3A_211] : memref<10000x128xf32, #tpu.memory_space<vmem_shared>> -> memref<16x128xf32, #tpu.memory_space<vmem_shared>>
          tpu.wait_dma2 semaphore(%run_scoped3A : memref<!tpu.dma_semaphore, #tpu.memory_space<semaphore_mem>>) src(%dma_wait3A_212 : memref<16x128xf32, #tpu.memory_space<vmem_shared>>) dst(%dma_wait3A_209 : memref<16x128xf32, #tpu.memory_space<hbm>>)
          tpu.yield
        }) : () -> ()
      } else {
      }
    } else {
    }
    %eq3A_2 = arith.constant 1 : i32
    %eq3A_3 = arith.cmpi eq, %arg0, %eq3A_2 : i32
    %convert_element_type3A_4 = arith.extui %eq3A_3 : i1 to i32
    %cond3A_5 = arith.constant 0 : i32
    %cond3A_6 = arith.cmpi ne, %convert_element_type3A_4, %cond3A_5 : i32
    scf.if %cond3A_6 {
      %mul3A = arith.constant 624 : i32
      %mul3A_7 = arith.muli %arg1, %mul3A : i32
      "tpu.region"() ({
        %run_scoped3A = tpu.sem_alloc : memref<!tpu.dma_semaphore, #tpu.memory_space<semaphore_mem>>
        %dma_start3A_201 = arith.constant 0 : i32
        %dma_start3A_202 = tpu.memref_slice %arg11[%mul3A_7, %dma_start3A_201] : memref<10000x128xf32, #tpu.memory_space<vmem_shared>> -> memref<624x128xf32, #tpu.memory_space<vmem_shared>>
        %dma_start3A_203 = arith.constant 0 : i32
        %dma_start3A_204 = tpu.memref_slice %arg3[%mul3A_7, %dma_start3A_203] : memref<10000x128xf32, #tpu.memory_space<hbm>> -> memref<624x128xf32, #tpu.memory_space<hbm>>
        tpu.enqueue_dma source(%dma_start3A_204 : memref<624x128xf32, #tpu.memory_space<hbm>>) target(%dma_start3A_202 : memref<624x128xf32, #tpu.memory_space<vmem_shared>>) target_semaphore(%run_scoped3A : memref<!tpu.dma_semaphore, #tpu.memory_space<semaphore_mem>>)
        %dma_wait3A_205 = arith.constant 0 : i32
        %dma_wait3A_206 = tpu.memref_slice %arg11[%mul3A_7, %dma_wait3A_205] : memref<10000x128xf32, #tpu.memory_space<vmem_shared>> -> memref<624x128xf32, #tpu.memory_space<vmem_shared>>
        %dma_wait3A_207 = arith.constant 0 : i32
        %dma_wait3A_208 = tpu.memref_slice %arg3[%mul3A_7, %dma_wait3A_207] : memref<10000x128xf32, #tpu.memory_space<hbm>> -> memref<624x128xf32, #tpu.memory_space<hbm>>
        tpu.wait_dma2 semaphore(%run_scoped3A : memref<!tpu.dma_semaphore, #tpu.memory_space<semaphore_mem>>) src(%dma_wait3A_208 : memref<624x128xf32, #tpu.memory_space<hbm>>) dst(%dma_wait3A_206 : memref<624x128xf32, #tpu.memory_space<vmem_shared>>)
        tpu.yield
      }) : () -> ()
      %eq3A_8 = arith.constant 15 : i32
      %eq3A_9 = arith.cmpi eq, %arg1, %eq3A_8 : i32
      %convert_element_type3A_10 = arith.extui %eq3A_9 : i1 to i32
      %cond3A_11 = arith.constant 0 : i32
      %cond3A_12 = arith.cmpi ne, %convert_element_type3A_10, %cond3A_11 : i32
      scf.if %cond3A_12 {
        "tpu.region"() ({
          %run_scoped3A = tpu.sem_alloc : memref<!tpu.dma_semaphore, #tpu.memory_space<semaphore_mem>>
          %dma_start3A_201 = arith.constant 9984 : i32
          %dma_start3A_202 = arith.constant 0 : i32
          %dma_start3A_203 = tpu.memref_slice %arg11[%dma_start3A_201, %dma_start3A_202] : memref<10000x128xf32, #tpu.memory_space<vmem_shared>> -> memref<16x128xf32, #tpu.memory_space<vmem_shared>>
          %dma_start3A_204 = arith.constant 9984 : i32
          %dma_start3A_205 = arith.constant 0 : i32
          %dma_start3A_206 = tpu.memref_slice %arg3[%dma_start3A_204, %dma_start3A_205] : memref<10000x128xf32, #tpu.memory_space<hbm>> -> memref<16x128xf32, #tpu.memory_space<hbm>>
          tpu.enqueue_dma source(%dma_start3A_206 : memref<16x128xf32, #tpu.memory_space<hbm>>) target(%dma_start3A_203 : memref<16x128xf32, #tpu.memory_space<vmem_shared>>) target_semaphore(%run_scoped3A : memref<!tpu.dma_semaphore, #tpu.memory_space<semaphore_mem>>)
          %dma_wait3A_207 = arith.constant 9984 : i32
          %dma_wait3A_208 = arith.constant 0 : i32
          %dma_wait3A_209 = tpu.memref_slice %arg11[%dma_wait3A_207, %dma_wait3A_208] : memref<10000x128xf32, #tpu.memory_space<vmem_shared>> -> memref<16x128xf32, #tpu.memory_space<vmem_shared>>
          %dma_wait3A_210 = arith.constant 9984 : i32
          %dma_wait3A_211 = arith.constant 0 : i32
          %dma_wait3A_212 = tpu.memref_slice %arg3[%dma_wait3A_210, %dma_wait3A_211] : memref<10000x128xf32, #tpu.memory_space<hbm>> -> memref<16x128xf32, #tpu.memory_space<hbm>>
          tpu.wait_dma2 semaphore(%run_scoped3A : memref<!tpu.dma_semaphore, #tpu.memory_space<semaphore_mem>>) src(%dma_wait3A_212 : memref<16x128xf32, #tpu.memory_space<hbm>>) dst(%dma_wait3A_209 : memref<16x128xf32, #tpu.memory_space<vmem_shared>>)
          tpu.yield
        }) : () -> ()
      } else {
      }
      %barrier3A = arith.constant 0 : index
      tpu.barrier barrier_id(%barrier3A)
      %mul3A_13 = arith.constant 160 : i32
      %mul3A_14 = arith.muli %arg1, %mul3A_13 : i32
      %add3A = arith.constant 0 : i32
      %add3A_15 = arith.addi %mul3A_14, %add3A : i32
      "tpu.region"() ({
        %run_scoped3A = tpu.sem_alloc : memref<!tpu.dma_semaphore, #tpu.memory_space<semaphore_mem>>
        %dma_start3A_201 = arith.constant 0 : i32
        %dma_start3A_202 = tpu.memref_slice %arg4[%add3A_15, %dma_start3A_201] : memref<2560x125xi32, #tpu.memory_space<hbm>> -> memref<40x125xi32, #tpu.memory_space<hbm>>
        %dma_start3A_203 = arith.constant 0 : i32
        %dma_start3A_204 = tpu.memref_slice %arg4[%add3A_15, %dma_start3A_203] : memref<2560x125xi32, #tpu.memory_space<hbm>> -> memref<40x125xi32, #tpu.memory_space<hbm>>
        tpu.enqueue_dma source(%dma_start3A_204 : memref<40x125xi32, #tpu.memory_space<hbm>>) target(%arg8 : memref<40x125xi32, #tpu.memory_space<vmem>>) target_semaphore(%run_scoped3A : memref<!tpu.dma_semaphore, #tpu.memory_space<semaphore_mem>>)
        %dma_wait3A_205 = arith.constant 0 : i32
        %dma_wait3A_206 = tpu.memref_slice %arg4[%add3A_15, %dma_wait3A_205] : memref<2560x125xi32, #tpu.memory_space<hbm>> -> memref<40x125xi32, #tpu.memory_space<hbm>>
        %dma_wait3A_207 = arith.constant 0 : i32
        %dma_wait3A_208 = tpu.memref_slice %arg4[%add3A_15, %dma_wait3A_207] : memref<2560x125xi32, #tpu.memory_space<hbm>> -> memref<40x125xi32, #tpu.memory_space<hbm>>
        tpu.wait_dma2 semaphore(%run_scoped3A : memref<!tpu.dma_semaphore, #tpu.memory_space<semaphore_mem>>) src(%dma_wait3A_208 : memref<40x125xi32, #tpu.memory_space<hbm>>) dst(%arg8 : memref<40x125xi32, #tpu.memory_space<vmem>>)
        tpu.yield
      }) : () -> ()
      "tpu.region"() ({
        %run_scoped3A = tpu.sem_alloc : memref<!tpu.dma_semaphore, #tpu.memory_space<semaphore_mem>>
        %dma_start3A_201 = arith.constant 0 : i32
        %dma_start3A_202 = tpu.memref_slice %arg5[%add3A_15, %dma_start3A_201] : memref<2560x125xi32, #tpu.memory_space<hbm>> -> memref<40x125xi32, #tpu.memory_space<hbm>>
        %dma_start3A_203 = arith.constant 0 : i32
        %dma_start3A_204 = tpu.memref_slice %arg5[%add3A_15, %dma_start3A_203] : memref<2560x125xi32, #tpu.memory_space<hbm>> -> memref<40x125xi32, #tpu.memory_space<hbm>>
        tpu.enqueue_dma source(%dma_start3A_204 : memref<40x125xi32, #tpu.memory_space<hbm>>) target(%arg9 : memref<40x125xi32, #tpu.memory_space<vmem>>) target_semaphore(%run_scoped3A : memref<!tpu.dma_semaphore, #tpu.memory_space<semaphore_mem>>)
        %dma_wait3A_205 = arith.constant 0 : i32
        %dma_wait3A_206 = tpu.memref_slice %arg5[%add3A_15, %dma_wait3A_205] : memref<2560x125xi32, #tpu.memory_space<hbm>> -> memref<40x125xi32, #tpu.memory_space<hbm>>
        %dma_wait3A_207 = arith.constant 0 : i32
        %dma_wait3A_208 = tpu.memref_slice %arg5[%add3A_15, %dma_wait3A_207] : memref<2560x125xi32, #tpu.memory_space<hbm>> -> memref<40x125xi32, #tpu.memory_space<hbm>>
        tpu.wait_dma2 semaphore(%run_scoped3A : memref<!tpu.dma_semaphore, #tpu.memory_space<semaphore_mem>>) src(%dma_wait3A_208 : memref<40x125xi32, #tpu.memory_space<hbm>>) dst(%arg9 : memref<40x125xi32, #tpu.memory_space<vmem>>)
        tpu.yield
      }) : () -> ()
      %dma_start3A = arith.constant 0 : i32
      %dma_start3A_16 = arith.constant 0 : i32
      %dma_start3A_17 = arith.constant 0 : i32
      %dma_start3A_18 = arith.constant 0 : i32
      %dma_start3A_19 = tpu.memref_slice %arg10[%dma_start3A_16, %dma_start3A_17, %dma_start3A_18] : memref<2x125x128xf32, #tpu.memory_space<vmem>> -> memref<1x125x128xf32, #tpu.memory_space<vmem>>
      %dma_start3A_20 = tpu.memref_squeeze %dma_start3A_19 : memref<1x125x128xf32, #tpu.memory_space<vmem>> -> memref<125x128xf32, #tpu.memory_space<vmem>>
      %dma_start3A_21 = arith.constant 0 : i32
      %dma_start3A_22 = tpu.memref_slice %arg8[%dma_start3A, %dma_start3A_21] : memref<40x125xi32, #tpu.memory_space<vmem>> -> memref<1x125xi32, #tpu.memory_space<vmem>>
      %dma_start3A_23 = tpu.memref_squeeze %dma_start3A_22 : memref<1x125xi32, #tpu.memory_space<vmem>> -> memref<125xi32, #tpu.memory_space<vmem>>
      %dma_start3A_24 = arith.constant 0 : i32
      %dma_start3A_25 = arith.constant 0 : i32
      %dma_start3A_26 = tpu.memref_slice %arg3[%dma_start3A_24, %dma_start3A_25] : memref<10000x128xf32, #tpu.memory_space<hbm>> -> memref<10000x128xf32, #tpu.memory_space<hbm>>
      tpu.enqueue_indirect_dma source(%dma_start3A_26 : memref<10000x128xf32, #tpu.memory_space<hbm>>) target(%dma_start3A_20 : memref<125x128xf32, #tpu.memory_space<vmem>>) offsets(%dma_start3A_23 : memref<125xi32, #tpu.memory_space<vmem>>) semaphore(%arg12 : memref<!tpu.dma_semaphore, #tpu.memory_space<semaphore_mem>>)
      %scan3A = arith.constant 0 : i32
      %scan3A_27 = arith.constant 0 : i32
      %scan3A_28 = arith.constant 40 : i32
      %scan3A_29 = arith.addi %scan3A_27, %scan3A_28 : i32
      %scan3A_30 = arith.constant 1 : i32
      scf.for %scan3A_201 = %scan3A_27 to %scan3A_29 step %scan3A_30  : i32 {
        %jit3A = arith.constant 2 : i32
        %eq3A_202 = arith.constant 0 : i32
        %eq3A_203 = arith.cmpi eq, %jit3A, %eq3A_202 : i32
        %jit3A_204 = arith.constant 1 : i32
        %select_n3A = arith.select %eq3A_203, %jit3A_204, %jit3A : i32
        %rem3A = arith.remsi %scan3A_201, %select_n3A : i32
        %ne3A = arith.constant 0 : i32
        %ne3A_205 = arith.cmpi ne, %rem3A, %ne3A : i32
        %lt3A = arith.constant 0 : i32
        %lt3A_206 = arith.cmpi slt, %rem3A, %lt3A : i32
        %lt3A_207 = arith.constant 0 : i32
        %lt3A_208 = arith.cmpi slt, %select_n3A, %lt3A_207 : i32
        %ne3A_209 = arith.xori %lt3A_206, %lt3A_208 : i1
        %and3A = arith.andi %ne3A_209, %ne3A_205 : i1
        %add3A_210 = arith.addi %rem3A, %select_n3A : i32
        %select_n3A_211 = arith.select %and3A, %add3A_210, %rem3A : i32
        %dma_wait3A_212 = arith.constant 0 : i32
        %dma_wait3A_213 = arith.constant 0 : i32
        %dma_wait3A_214 = tpu.memref_slice %arg10[%select_n3A_211, %dma_wait3A_212, %dma_wait3A_213] : memref<2x125x128xf32, #tpu.memory_space<vmem>> -> memref<1x125x128xf32, #tpu.memory_space<vmem>>
        %dma_wait3A_215 = tpu.memref_squeeze %dma_wait3A_214 : memref<1x125x128xf32, #tpu.memory_space<vmem>> -> memref<125x128xf32, #tpu.memory_space<vmem>>
        %dma_wait3A_216 = arith.constant 0 : i32
        %dma_wait3A_217 = tpu.memref_slice %arg8[%scan3A_201, %dma_wait3A_216] : memref<40x125xi32, #tpu.memory_space<vmem>> -> memref<1x125xi32, #tpu.memory_space<vmem>>
        %dma_wait3A_218 = tpu.memref_squeeze %dma_wait3A_217 : memref<1x125xi32, #tpu.memory_space<vmem>> -> memref<125xi32, #tpu.memory_space<vmem>>
        %dma_wait3A_219 = arith.constant 0 : i32
        %dma_wait3A_220 = arith.constant 0 : i32
        %dma_wait3A_221 = tpu.memref_slice %arg3[%dma_wait3A_219, %dma_wait3A_220] : memref<10000x128xf32, #tpu.memory_space<hbm>> -> memref<10000x128xf32, #tpu.memory_space<hbm>>
        tpu.wait_indirect_dma semaphore(%arg12 : memref<!tpu.dma_semaphore, #tpu.memory_space<semaphore_mem>>) src(%dma_wait3A_221 : memref<10000x128xf32, #tpu.memory_space<hbm>>) dst(%dma_wait3A_215 : memref<125x128xf32, #tpu.memory_space<vmem>>)
        %jit3A_222 = arith.constant 2 : i32
        %eq3A_223 = arith.constant 0 : i32
        %eq3A_224 = arith.cmpi eq, %jit3A_222, %eq3A_223 : i32
        %jit3A_225 = arith.constant 1 : i32
        %select_n3A_226 = arith.select %eq3A_224, %jit3A_225, %jit3A_222 : i32
        %rem3A_227 = arith.remsi %scan3A_201, %select_n3A_226 : i32
        %ne3A_228 = arith.constant 0 : i32
        %ne3A_229 = arith.cmpi ne, %rem3A_227, %ne3A_228 : i32
        %lt3A_230 = arith.constant 0 : i32
        %lt3A_231 = arith.cmpi slt, %rem3A_227, %lt3A_230 : i32
        %lt3A_232 = arith.constant 0 : i32
        %lt3A_233 = arith.cmpi slt, %select_n3A_226, %lt3A_232 : i32
        %ne3A_234 = arith.xori %lt3A_231, %lt3A_233 : i1
        %and3A_235 = arith.andi %ne3A_234, %ne3A_229 : i1
        %add3A_236 = arith.addi %rem3A_227, %select_n3A_226 : i32
        %select_n3A_237 = arith.select %and3A_235, %add3A_236, %rem3A_227 : i32
        %dma_start3A_238 = arith.constant 0 : i32
        %dma_start3A_239 = arith.constant 0 : i32
        %dma_start3A_240 = tpu.memref_slice %arg10[%select_n3A_237, %dma_start3A_238, %dma_start3A_239] : memref<2x125x128xf32, #tpu.memory_space<vmem>> -> memref<1x125x128xf32, #tpu.memory_space<vmem>>
        %dma_start3A_241 = tpu.memref_squeeze %dma_start3A_240 : memref<1x125x128xf32, #tpu.memory_space<vmem>> -> memref<125x128xf32, #tpu.memory_space<vmem>>
        %dma_start3A_242 = arith.constant 0 : i32
        %dma_start3A_243 = tpu.memref_slice %arg9[%scan3A_201, %dma_start3A_242] : memref<40x125xi32, #tpu.memory_space<vmem>> -> memref<1x125xi32, #tpu.memory_space<vmem>>
        %dma_start3A_244 = tpu.memref_squeeze %dma_start3A_243 : memref<1x125xi32, #tpu.memory_space<vmem>> -> memref<125xi32, #tpu.memory_space<vmem>>
        %dma_start3A_245 = arith.constant 0 : i32
        %dma_start3A_246 = arith.constant 0 : i32
        %dma_start3A_247 = tpu.memref_slice %arg11[%dma_start3A_245, %dma_start3A_246] : memref<10000x128xf32, #tpu.memory_space<vmem_shared>> -> memref<10000x128xf32, #tpu.memory_space<vmem_shared>>
        tpu.enqueue_indirect_dma source(%dma_start3A_241 : memref<125x128xf32, #tpu.memory_space<vmem>>) target(%dma_start3A_247 : memref<10000x128xf32, #tpu.memory_space<vmem_shared>>) offsets(%dma_start3A_244 : memref<125xi32, #tpu.memory_space<vmem>>) semaphore(%arg13 : memref<!tpu.dma_semaphore, #tpu.memory_space<semaphore_mem>>) {add = true}
        %add3A_248 = arith.constant 1 : i32
        %add3A_249 = arith.addi %scan3A_201, %add3A_248 : i32
        %lt3A_250 = arith.constant 40 : i32
        %lt3A_251 = arith.cmpi slt, %add3A_249, %lt3A_250 : i32
        %convert_element_type3A_252 = arith.extui %lt3A_251 : i1 to i32
        %cond3A_253 = arith.constant 0 : i32
        %cond3A_254 = arith.cmpi ne, %convert_element_type3A_252, %cond3A_253 : i32
        scf.if %cond3A_254 {
          %gt3A = arith.constant 0 : i32
          %gt3A_255 = arith.cmpi sgt, %scan3A_201, %gt3A : i32
          %convert_element_type3A_256 = arith.extui %gt3A_255 : i1 to i32
          %cond3A_257 = arith.constant 0 : i32
          %cond3A_258 = arith.cmpi ne, %convert_element_type3A_256, %cond3A_257 : i32
          scf.if %cond3A_258 {
            %add3A_289 = arith.constant 1 : i32
            %add3A_290 = arith.addi %scan3A_201, %add3A_289 : i32
            %jit3A_291 = arith.constant 2 : i32
            %eq3A_292 = arith.constant 0 : i32
            %eq3A_293 = arith.cmpi eq, %jit3A_291, %eq3A_292 : i32
            %jit3A_294 = arith.constant 1 : i32
            %select_n3A_295 = arith.select %eq3A_293, %jit3A_294, %jit3A_291 : i32
            %rem3A_296 = arith.remsi %add3A_290, %select_n3A_295 : i32
            %ne3A_297 = arith.constant 0 : i32
            %ne3A_298 = arith.cmpi ne, %rem3A_296, %ne3A_297 : i32
            %lt3A_299 = arith.constant 0 : i32
            %lt3A_300 = arith.cmpi slt, %rem3A_296, %lt3A_299 : i32
            %lt3A_301 = arith.constant 0 : i32
            %lt3A_302 = arith.cmpi slt, %select_n3A_295, %lt3A_301 : i32
            %ne3A_303 = arith.xori %lt3A_300, %lt3A_302 : i1
            %and3A_304 = arith.andi %ne3A_303, %ne3A_298 : i1
            %add3A_305 = arith.addi %rem3A_296, %select_n3A_295 : i32
            %select_n3A_306 = arith.select %and3A_304, %add3A_305, %rem3A_296 : i32
            %dma_wait3A_307 = arith.constant 0 : i32
            %dma_wait3A_308 = arith.constant 0 : i32
            %dma_wait3A_309 = tpu.memref_slice %arg10[%select_n3A_306, %dma_wait3A_307, %dma_wait3A_308] : memref<2x125x128xf32, #tpu.memory_space<vmem>> -> memref<1x125x128xf32, #tpu.memory_space<vmem>>
            %dma_wait3A_310 = tpu.memref_squeeze %dma_wait3A_309 : memref<1x125x128xf32, #tpu.memory_space<vmem>> -> memref<125x128xf32, #tpu.memory_space<vmem>>
            %dma_wait3A_311 = arith.constant 0 : i32
            %dma_wait3A_312 = tpu.memref_slice %arg9[%scan3A_201, %dma_wait3A_311] : memref<40x125xi32, #tpu.memory_space<vmem>> -> memref<1x125xi32, #tpu.memory_space<vmem>>
            %dma_wait3A_313 = tpu.memref_squeeze %dma_wait3A_312 : memref<1x125xi32, #tpu.memory_space<vmem>> -> memref<125xi32, #tpu.memory_space<vmem>>
            %dma_wait3A_314 = arith.constant 0 : i32
            %dma_wait3A_315 = arith.constant 0 : i32
            %dma_wait3A_316 = tpu.memref_slice %arg11[%dma_wait3A_314, %dma_wait3A_315] : memref<10000x128xf32, #tpu.memory_space<vmem_shared>> -> memref<10000x128xf32, #tpu.memory_space<vmem_shared>>
            tpu.wait_indirect_dma semaphore(%arg13 : memref<!tpu.dma_semaphore, #tpu.memory_space<semaphore_mem>>) src(%dma_wait3A_310 : memref<125x128xf32, #tpu.memory_space<vmem>>) dst(%dma_wait3A_316 : memref<10000x128xf32, #tpu.memory_space<vmem_shared>>)
          } else {
          }
          %add3A_259 = arith.constant 1 : i32
          %add3A_260 = arith.addi %scan3A_201, %add3A_259 : i32
          %add3A_261 = arith.constant 1 : i32
          %add3A_262 = arith.addi %scan3A_201, %add3A_261 : i32
          %jit3A_263 = arith.constant 2 : i32
          %eq3A_264 = arith.constant 0 : i32
          %eq3A_265 = arith.cmpi eq, %jit3A_263, %eq3A_264 : i32
          %jit3A_266 = arith.constant 1 : i32
          %select_n3A_267 = arith.select %eq3A_265, %jit3A_266, %jit3A_263 : i32
          %rem3A_268 = arith.remsi %add3A_262, %select_n3A_267 : i32
          %ne3A_269 = arith.constant 0 : i32
          %ne3A_270 = arith.cmpi ne, %rem3A_268, %ne3A_269 : i32
          %lt3A_271 = arith.constant 0 : i32
          %lt3A_272 = arith.cmpi slt, %rem3A_268, %lt3A_271 : i32
          %lt3A_273 = arith.constant 0 : i32
          %lt3A_274 = arith.cmpi slt, %select_n3A_267, %lt3A_273 : i32
          %ne3A_275 = arith.xori %lt3A_272, %lt3A_274 : i1
          %and3A_276 = arith.andi %ne3A_275, %ne3A_270 : i1
          %add3A_277 = arith.addi %rem3A_268, %select_n3A_267 : i32
          %select_n3A_278 = arith.select %and3A_276, %add3A_277, %rem3A_268 : i32
          %dma_start3A_279 = arith.constant 0 : i32
          %dma_start3A_280 = arith.constant 0 : i32
          %dma_start3A_281 = tpu.memref_slice %arg10[%select_n3A_278, %dma_start3A_279, %dma_start3A_280] : memref<2x125x128xf32, #tpu.memory_space<vmem>> -> memref<1x125x128xf32, #tpu.memory_space<vmem>>
          %dma_start3A_282 = tpu.memref_squeeze %dma_start3A_281 : memref<1x125x128xf32, #tpu.memory_space<vmem>> -> memref<125x128xf32, #tpu.memory_space<vmem>>
          %dma_start3A_283 = arith.constant 0 : i32
          %dma_start3A_284 = tpu.memref_slice %arg8[%add3A_260, %dma_start3A_283] : memref<40x125xi32, #tpu.memory_space<vmem>> -> memref<1x125xi32, #tpu.memory_space<vmem>>
          %dma_start3A_285 = tpu.memref_squeeze %dma_start3A_284 : memref<1x125xi32, #tpu.memory_space<vmem>> -> memref<125xi32, #tpu.memory_space<vmem>>
          %dma_start3A_286 = arith.constant 0 : i32
          %dma_start3A_287 = arith.constant 0 : i32
          %dma_start3A_288 = tpu.memref_slice %arg3[%dma_start3A_286, %dma_start3A_287] : memref<10000x128xf32, #tpu.memory_space<hbm>> -> memref<10000x128xf32, #tpu.memory_space<hbm>>
          tpu.enqueue_indirect_dma source(%dma_start3A_288 : memref<10000x128xf32, #tpu.memory_space<hbm>>) target(%dma_start3A_282 : memref<125x128xf32, #tpu.memory_space<vmem>>) offsets(%dma_start3A_285 : memref<125xi32, #tpu.memory_space<vmem>>) semaphore(%arg12 : memref<!tpu.dma_semaphore, #tpu.memory_space<semaphore_mem>>)
        } else {
        }
      }
      %scan3A_31 = arith.constant 40 : i32
      %dma_wait3A = arith.constant 0 : i32
      %dma_wait3A_32 = arith.constant 0 : i32
      %dma_wait3A_33 = arith.constant 0 : i32
      %dma_wait3A_34 = arith.constant 0 : i32
      %dma_wait3A_35 = tpu.memref_slice %arg10[%dma_wait3A, %dma_wait3A_33, %dma_wait3A_34] : memref<2x125x128xf32, #tpu.memory_space<vmem>> -> memref<1x125x128xf32, #tpu.memory_space<vmem>>
      %dma_wait3A_36 = tpu.memref_squeeze %dma_wait3A_35 : memref<1x125x128xf32, #tpu.memory_space<vmem>> -> memref<125x128xf32, #tpu.memory_space<vmem>>
      %dma_wait3A_37 = arith.constant 0 : i32
      %dma_wait3A_38 = tpu.memref_slice %arg9[%dma_wait3A_32, %dma_wait3A_37] : memref<40x125xi32, #tpu.memory_space<vmem>> -> memref<1x125xi32, #tpu.memory_space<vmem>>
      %dma_wait3A_39 = tpu.memref_squeeze %dma_wait3A_38 : memref<1x125xi32, #tpu.memory_space<vmem>> -> memref<125xi32, #tpu.memory_space<vmem>>
      %dma_wait3A_40 = arith.constant 0 : i32
      %dma_wait3A_41 = arith.constant 0 : i32
      %dma_wait3A_42 = tpu.memref_slice %arg11[%dma_wait3A_40, %dma_wait3A_41] : memref<10000x128xf32, #tpu.memory_space<vmem_shared>> -> memref<10000x128xf32, #tpu.memory_space<vmem_shared>>
      tpu.wait_indirect_dma semaphore(%arg13 : memref<!tpu.dma_semaphore, #tpu.memory_space<semaphore_mem>>) src(%dma_wait3A_36 : memref<125x128xf32, #tpu.memory_space<vmem>>) dst(%dma_wait3A_42 : memref<10000x128xf32, #tpu.memory_space<vmem_shared>>)
      %dma_wait3A_43 = arith.constant 1 : i32
      %dma_wait3A_44 = arith.constant 0 : i32
      %dma_wait3A_45 = arith.constant 0 : i32
      %dma_wait3A_46 = arith.constant 0 : i32
      %dma_wait3A_47 = tpu.memref_slice %arg10[%dma_wait3A_43, %dma_wait3A_45, %dma_wait3A_46] : memref<2x125x128xf32, #tpu.memory_space<vmem>> -> memref<1x125x128xf32, #tpu.memory_space<vmem>>
      %dma_wait3A_48 = tpu.memref_squeeze %dma_wait3A_47 : memref<1x125x128xf32, #tpu.memory_space<vmem>> -> memref<125x128xf32, #tpu.memory_space<vmem>>
      %dma_wait3A_49 = arith.constant 0 : i32
      %dma_wait3A_50 = tpu.memref_slice %arg9[%dma_wait3A_44, %dma_wait3A_49] : memref<40x125xi32, #tpu.memory_space<vmem>> -> memref<1x125xi32, #tpu.memory_space<vmem>>
      %dma_wait3A_51 = tpu.memref_squeeze %dma_wait3A_50 : memref<1x125xi32, #tpu.memory_space<vmem>> -> memref<125xi32, #tpu.memory_space<vmem>>
      %dma_wait3A_52 = arith.constant 0 : i32
      %dma_wait3A_53 = arith.constant 0 : i32
      %dma_wait3A_54 = tpu.memref_slice %arg11[%dma_wait3A_52, %dma_wait3A_53] : memref<10000x128xf32, #tpu.memory_space<vmem_shared>> -> memref<10000x128xf32, #tpu.memory_space<vmem_shared>>
      tpu.wait_indirect_dma semaphore(%arg13 : memref<!tpu.dma_semaphore, #tpu.memory_space<semaphore_mem>>) src(%dma_wait3A_48 : memref<125x128xf32, #tpu.memory_space<vmem>>) dst(%dma_wait3A_54 : memref<10000x128xf32, #tpu.memory_space<vmem_shared>>)
      %mul3A_55 = arith.constant 160 : i32
      %mul3A_56 = arith.muli %arg1, %mul3A_55 : i32
      %add3A_57 = arith.constant 40 : i32
      %add3A_58 = arith.addi %mul3A_56, %add3A_57 : i32
      "tpu.region"() ({
        %run_scoped3A = tpu.sem_alloc : memref<!tpu.dma_semaphore, #tpu.memory_space<semaphore_mem>>
        %dma_start3A_201 = arith.constant 0 : i32
        %dma_start3A_202 = tpu.memref_slice %arg4[%add3A_58, %dma_start3A_201] : memref<2560x125xi32, #tpu.memory_space<hbm>> -> memref<40x125xi32, #tpu.memory_space<hbm>>
        %dma_start3A_203 = arith.constant 0 : i32
        %dma_start3A_204 = tpu.memref_slice %arg4[%add3A_58, %dma_start3A_203] : memref<2560x125xi32, #tpu.memory_space<hbm>> -> memref<40x125xi32, #tpu.memory_space<hbm>>
        tpu.enqueue_dma source(%dma_start3A_204 : memref<40x125xi32, #tpu.memory_space<hbm>>) target(%arg8 : memref<40x125xi32, #tpu.memory_space<vmem>>) target_semaphore(%run_scoped3A : memref<!tpu.dma_semaphore, #tpu.memory_space<semaphore_mem>>)
        %dma_wait3A_205 = arith.constant 0 : i32
        %dma_wait3A_206 = tpu.memref_slice %arg4[%add3A_58, %dma_wait3A_205] : memref<2560x125xi32, #tpu.memory_space<hbm>> -> memref<40x125xi32, #tpu.memory_space<hbm>>
        %dma_wait3A_207 = arith.constant 0 : i32
        %dma_wait3A_208 = tpu.memref_slice %arg4[%add3A_58, %dma_wait3A_207] : memref<2560x125xi32, #tpu.memory_space<hbm>> -> memref<40x125xi32, #tpu.memory_space<hbm>>
        tpu.wait_dma2 semaphore(%run_scoped3A : memref<!tpu.dma_semaphore, #tpu.memory_space<semaphore_mem>>) src(%dma_wait3A_208 : memref<40x125xi32, #tpu.memory_space<hbm>>) dst(%arg8 : memref<40x125xi32, #tpu.memory_space<vmem>>)
        tpu.yield
      }) : () -> ()
      "tpu.region"() ({
        %run_scoped3A = tpu.sem_alloc : memref<!tpu.dma_semaphore, #tpu.memory_space<semaphore_mem>>
        %dma_start3A_201 = arith.constant 0 : i32
        %dma_start3A_202 = tpu.memref_slice %arg5[%add3A_58, %dma_start3A_201] : memref<2560x125xi32, #tpu.memory_space<hbm>> -> memref<40x125xi32, #tpu.memory_space<hbm>>
        %dma_start3A_203 = arith.constant 0 : i32
        %dma_start3A_204 = tpu.memref_slice %arg5[%add3A_58, %dma_start3A_203] : memref<2560x125xi32, #tpu.memory_space<hbm>> -> memref<40x125xi32, #tpu.memory_space<hbm>>
        tpu.enqueue_dma source(%dma_start3A_204 : memref<40x125xi32, #tpu.memory_space<hbm>>) target(%arg9 : memref<40x125xi32, #tpu.memory_space<vmem>>) target_semaphore(%run_scoped3A : memref<!tpu.dma_semaphore, #tpu.memory_space<semaphore_mem>>)
        %dma_wait3A_205 = arith.constant 0 : i32
        %dma_wait3A_206 = tpu.memref_slice %arg5[%add3A_58, %dma_wait3A_205] : memref<2560x125xi32, #tpu.memory_space<hbm>> -> memref<40x125xi32, #tpu.memory_space<hbm>>
        %dma_wait3A_207 = arith.constant 0 : i32
        %dma_wait3A_208 = tpu.memref_slice %arg5[%add3A_58, %dma_wait3A_207] : memref<2560x125xi32, #tpu.memory_space<hbm>> -> memref<40x125xi32, #tpu.memory_space<hbm>>
        tpu.wait_dma2 semaphore(%run_scoped3A : memref<!tpu.dma_semaphore, #tpu.memory_space<semaphore_mem>>) src(%dma_wait3A_208 : memref<40x125xi32, #tpu.memory_space<hbm>>) dst(%arg9 : memref<40x125xi32, #tpu.memory_space<vmem>>)
        tpu.yield
      }) : () -> ()
      %dma_start3A_59 = arith.constant 0 : i32
      %dma_start3A_60 = arith.constant 0 : i32
      %dma_start3A_61 = arith.constant 0 : i32
      %dma_start3A_62 = arith.constant 0 : i32
      %dma_start3A_63 = tpu.memref_slice %arg10[%dma_start3A_60, %dma_start3A_61, %dma_start3A_62] : memref<2x125x128xf32, #tpu.memory_space<vmem>> -> memref<1x125x128xf32, #tpu.memory_space<vmem>>
      %dma_start3A_64 = tpu.memref_squeeze %dma_start3A_63 : memref<1x125x128xf32, #tpu.memory_space<vmem>> -> memref<125x128xf32, #tpu.memory_space<vmem>>
      %dma_start3A_65 = arith.constant 0 : i32
      %dma_start3A_66 = tpu.memref_slice %arg8[%dma_start3A_59, %dma_start3A_65] : memref<40x125xi32, #tpu.memory_space<vmem>> -> memref<1x125xi32, #tpu.memory_space<vmem>>
      %dma_start3A_67 = tpu.memref_squeeze %dma_start3A_66 : memref<1x125xi32, #tpu.memory_space<vmem>> -> memref<125xi32, #tpu.memory_space<vmem>>
      %dma_start3A_68 = arith.constant 0 : i32
      %dma_start3A_69 = arith.constant 0 : i32
      %dma_start3A_70 = tpu.memref_slice %arg3[%dma_start3A_68, %dma_start3A_69] : memref<10000x128xf32, #tpu.memory_space<hbm>> -> memref<10000x128xf32, #tpu.memory_space<hbm>>
      tpu.enqueue_indirect_dma source(%dma_start3A_70 : memref<10000x128xf32, #tpu.memory_space<hbm>>) target(%dma_start3A_64 : memref<125x128xf32, #tpu.memory_space<vmem>>) offsets(%dma_start3A_67 : memref<125xi32, #tpu.memory_space<vmem>>) semaphore(%arg12 : memref<!tpu.dma_semaphore, #tpu.memory_space<semaphore_mem>>)
      %scan3A_71 = arith.constant 0 : i32
      %scan3A_72 = arith.constant 0 : i32
      %scan3A_73 = arith.constant 40 : i32
      %scan3A_74 = arith.addi %scan3A_72, %scan3A_73 : i32
      %scan3A_75 = arith.constant 1 : i32
      scf.for %scan3A_201 = %scan3A_72 to %scan3A_74 step %scan3A_75  : i32 {
        %jit3A = arith.constant 2 : i32
        %eq3A_202 = arith.constant 0 : i32
        %eq3A_203 = arith.cmpi eq, %jit3A, %eq3A_202 : i32
        %jit3A_204 = arith.constant 1 : i32
        %select_n3A = arith.select %eq3A_203, %jit3A_204, %jit3A : i32
        %rem3A = arith.remsi %scan3A_201, %select_n3A : i32
        %ne3A = arith.constant 0 : i32
        %ne3A_205 = arith.cmpi ne, %rem3A, %ne3A : i32
        %lt3A = arith.constant 0 : i32
        %lt3A_206 = arith.cmpi slt, %rem3A, %lt3A : i32
        %lt3A_207 = arith.constant 0 : i32
        %lt3A_208 = arith.cmpi slt, %select_n3A, %lt3A_207 : i32
        %ne3A_209 = arith.xori %lt3A_206, %lt3A_208 : i1
        %and3A = arith.andi %ne3A_209, %ne3A_205 : i1
        %add3A_210 = arith.addi %rem3A, %select_n3A : i32
        %select_n3A_211 = arith.select %and3A, %add3A_210, %rem3A : i32
        %dma_wait3A_212 = arith.constant 0 : i32
        %dma_wait3A_213 = arith.constant 0 : i32
        %dma_wait3A_214 = tpu.memref_slice %arg10[%select_n3A_211, %dma_wait3A_212, %dma_wait3A_213] : memref<2x125x128xf32, #tpu.memory_space<vmem>> -> memref<1x125x128xf32, #tpu.memory_space<vmem>>
        %dma_wait3A_215 = tpu.memref_squeeze %dma_wait3A_214 : memref<1x125x128xf32, #tpu.memory_space<vmem>> -> memref<125x128xf32, #tpu.memory_space<vmem>>
        %dma_wait3A_216 = arith.constant 0 : i32
        %dma_wait3A_217 = tpu.memref_slice %arg8[%scan3A_201, %dma_wait3A_216] : memref<40x125xi32, #tpu.memory_space<vmem>> -> memref<1x125xi32, #tpu.memory_space<vmem>>
        %dma_wait3A_218 = tpu.memref_squeeze %dma_wait3A_217 : memref<1x125xi32, #tpu.memory_space<vmem>> -> memref<125xi32, #tpu.memory_space<vmem>>
        %dma_wait3A_219 = arith.constant 0 : i32
        %dma_wait3A_220 = arith.constant 0 : i32
        %dma_wait3A_221 = tpu.memref_slice %arg3[%dma_wait3A_219, %dma_wait3A_220] : memref<10000x128xf32, #tpu.memory_space<hbm>> -> memref<10000x128xf32, #tpu.memory_space<hbm>>
        tpu.wait_indirect_dma semaphore(%arg12 : memref<!tpu.dma_semaphore, #tpu.memory_space<semaphore_mem>>) src(%dma_wait3A_221 : memref<10000x128xf32, #tpu.memory_space<hbm>>) dst(%dma_wait3A_215 : memref<125x128xf32, #tpu.memory_space<vmem>>)
        %jit3A_222 = arith.constant 2 : i32
        %eq3A_223 = arith.constant 0 : i32
        %eq3A_224 = arith.cmpi eq, %jit3A_222, %eq3A_223 : i32
        %jit3A_225 = arith.constant 1 : i32
        %select_n3A_226 = arith.select %eq3A_224, %jit3A_225, %jit3A_222 : i32
        %rem3A_227 = arith.remsi %scan3A_201, %select_n3A_226 : i32
        %ne3A_228 = arith.constant 0 : i32
        %ne3A_229 = arith.cmpi ne, %rem3A_227, %ne3A_228 : i32
        %lt3A_230 = arith.constant 0 : i32
        %lt3A_231 = arith.cmpi slt, %rem3A_227, %lt3A_230 : i32
        %lt3A_232 = arith.constant 0 : i32
        %lt3A_233 = arith.cmpi slt, %select_n3A_226, %lt3A_232 : i32
        %ne3A_234 = arith.xori %lt3A_231, %lt3A_233 : i1
        %and3A_235 = arith.andi %ne3A_234, %ne3A_229 : i1
        %add3A_236 = arith.addi %rem3A_227, %select_n3A_226 : i32
        %select_n3A_237 = arith.select %and3A_235, %add3A_236, %rem3A_227 : i32
        %dma_start3A_238 = arith.constant 0 : i32
        %dma_start3A_239 = arith.constant 0 : i32
        %dma_start3A_240 = tpu.memref_slice %arg10[%select_n3A_237, %dma_start3A_238, %dma_start3A_239] : memref<2x125x128xf32, #tpu.memory_space<vmem>> -> memref<1x125x128xf32, #tpu.memory_space<vmem>>
        %dma_start3A_241 = tpu.memref_squeeze %dma_start3A_240 : memref<1x125x128xf32, #tpu.memory_space<vmem>> -> memref<125x128xf32, #tpu.memory_space<vmem>>
        %dma_start3A_242 = arith.constant 0 : i32
        %dma_start3A_243 = tpu.memref_slice %arg9[%scan3A_201, %dma_start3A_242] : memref<40x125xi32, #tpu.memory_space<vmem>> -> memref<1x125xi32, #tpu.memory_space<vmem>>
        %dma_start3A_244 = tpu.memref_squeeze %dma_start3A_243 : memref<1x125xi32, #tpu.memory_space<vmem>> -> memref<125xi32, #tpu.memory_space<vmem>>
        %dma_start3A_245 = arith.constant 0 : i32
        %dma_start3A_246 = arith.constant 0 : i32
        %dma_start3A_247 = tpu.memref_slice %arg11[%dma_start3A_245, %dma_start3A_246] : memref<10000x128xf32, #tpu.memory_space<vmem_shared>> -> memref<10000x128xf32, #tpu.memory_space<vmem_shared>>
        tpu.enqueue_indirect_dma source(%dma_start3A_241 : memref<125x128xf32, #tpu.memory_space<vmem>>) target(%dma_start3A_247 : memref<10000x128xf32, #tpu.memory_space<vmem_shared>>) offsets(%dma_start3A_244 : memref<125xi32, #tpu.memory_space<vmem>>) semaphore(%arg13 : memref<!tpu.dma_semaphore, #tpu.memory_space<semaphore_mem>>) {add = true}
        %add3A_248 = arith.constant 1 : i32
        %add3A_249 = arith.addi %scan3A_201, %add3A_248 : i32
        %lt3A_250 = arith.constant 40 : i32
        %lt3A_251 = arith.cmpi slt, %add3A_249, %lt3A_250 : i32
        %convert_element_type3A_252 = arith.extui %lt3A_251 : i1 to i32
        %cond3A_253 = arith.constant 0 : i32
        %cond3A_254 = arith.cmpi ne, %convert_element_type3A_252, %cond3A_253 : i32
        scf.if %cond3A_254 {
          %gt3A = arith.constant 0 : i32
          %gt3A_255 = arith.cmpi sgt, %scan3A_201, %gt3A : i32
          %convert_element_type3A_256 = arith.extui %gt3A_255 : i1 to i32
          %cond3A_257 = arith.constant 0 : i32
          %cond3A_258 = arith.cmpi ne, %convert_element_type3A_256, %cond3A_257 : i32
          scf.if %cond3A_258 {
            %add3A_289 = arith.constant 1 : i32
            %add3A_290 = arith.addi %scan3A_201, %add3A_289 : i32
            %jit3A_291 = arith.constant 2 : i32
            %eq3A_292 = arith.constant 0 : i32
            %eq3A_293 = arith.cmpi eq, %jit3A_291, %eq3A_292 : i32
            %jit3A_294 = arith.constant 1 : i32
            %select_n3A_295 = arith.select %eq3A_293, %jit3A_294, %jit3A_291 : i32
            %rem3A_296 = arith.remsi %add3A_290, %select_n3A_295 : i32
            %ne3A_297 = arith.constant 0 : i32
            %ne3A_298 = arith.cmpi ne, %rem3A_296, %ne3A_297 : i32
            %lt3A_299 = arith.constant 0 : i32
            %lt3A_300 = arith.cmpi slt, %rem3A_296, %lt3A_299 : i32
            %lt3A_301 = arith.constant 0 : i32
            %lt3A_302 = arith.cmpi slt, %select_n3A_295, %lt3A_301 : i32
            %ne3A_303 = arith.xori %lt3A_300, %lt3A_302 : i1
            %and3A_304 = arith.andi %ne3A_303, %ne3A_298 : i1
            %add3A_305 = arith.addi %rem3A_296, %select_n3A_295 : i32
            %select_n3A_306 = arith.select %and3A_304, %add3A_305, %rem3A_296 : i32
            %dma_wait3A_307 = arith.constant 0 : i32
            %dma_wait3A_308 = arith.constant 0 : i32
            %dma_wait3A_309 = tpu.memref_slice %arg10[%select_n3A_306, %dma_wait3A_307, %dma_wait3A_308] : memref<2x125x128xf32, #tpu.memory_space<vmem>> -> memref<1x125x128xf32, #tpu.memory_space<vmem>>
            %dma_wait3A_310 = tpu.memref_squeeze %dma_wait3A_309 : memref<1x125x128xf32, #tpu.memory_space<vmem>> -> memref<125x128xf32, #tpu.memory_space<vmem>>
            %dma_wait3A_311 = arith.constant 0 : i32
            %dma_wait3A_312 = tpu.memref_slice %arg9[%scan3A_201, %dma_wait3A_311] : memref<40x125xi32, #tpu.memory_space<vmem>> -> memref<1x125xi32, #tpu.memory_space<vmem>>
            %dma_wait3A_313 = tpu.memref_squeeze %dma_wait3A_312 : memref<1x125xi32, #tpu.memory_space<vmem>> -> memref<125xi32, #tpu.memory_space<vmem>>
            %dma_wait3A_314 = arith.constant 0 : i32
            %dma_wait3A_315 = arith.constant 0 : i32
            %dma_wait3A_316 = tpu.memref_slice %arg11[%dma_wait3A_314, %dma_wait3A_315] : memref<10000x128xf32, #tpu.memory_space<vmem_shared>> -> memref<10000x128xf32, #tpu.memory_space<vmem_shared>>
            tpu.wait_indirect_dma semaphore(%arg13 : memref<!tpu.dma_semaphore, #tpu.memory_space<semaphore_mem>>) src(%dma_wait3A_310 : memref<125x128xf32, #tpu.memory_space<vmem>>) dst(%dma_wait3A_316 : memref<10000x128xf32, #tpu.memory_space<vmem_shared>>)
          } else {
          }
          %add3A_259 = arith.constant 1 : i32
          %add3A_260 = arith.addi %scan3A_201, %add3A_259 : i32
          %add3A_261 = arith.constant 1 : i32
          %add3A_262 = arith.addi %scan3A_201, %add3A_261 : i32
          %jit3A_263 = arith.constant 2 : i32
          %eq3A_264 = arith.constant 0 : i32
          %eq3A_265 = arith.cmpi eq, %jit3A_263, %eq3A_264 : i32
          %jit3A_266 = arith.constant 1 : i32
          %select_n3A_267 = arith.select %eq3A_265, %jit3A_266, %jit3A_263 : i32
          %rem3A_268 = arith.remsi %add3A_262, %select_n3A_267 : i32
          %ne3A_269 = arith.constant 0 : i32
          %ne3A_270 = arith.cmpi ne, %rem3A_268, %ne3A_269 : i32
          %lt3A_271 = arith.constant 0 : i32
          %lt3A_272 = arith.cmpi slt, %rem3A_268, %lt3A_271 : i32
          %lt3A_273 = arith.constant 0 : i32
          %lt3A_274 = arith.cmpi slt, %select_n3A_267, %lt3A_273 : i32
          %ne3A_275 = arith.xori %lt3A_272, %lt3A_274 : i1
          %and3A_276 = arith.andi %ne3A_275, %ne3A_270 : i1
          %add3A_277 = arith.addi %rem3A_268, %select_n3A_267 : i32
          %select_n3A_278 = arith.select %and3A_276, %add3A_277, %rem3A_268 : i32
          %dma_start3A_279 = arith.constant 0 : i32
          %dma_start3A_280 = arith.constant 0 : i32
          %dma_start3A_281 = tpu.memref_slice %arg10[%select_n3A_278, %dma_start3A_279, %dma_start3A_280] : memref<2x125x128xf32, #tpu.memory_space<vmem>> -> memref<1x125x128xf32, #tpu.memory_space<vmem>>
          %dma_start3A_282 = tpu.memref_squeeze %dma_start3A_281 : memref<1x125x128xf32, #tpu.memory_space<vmem>> -> memref<125x128xf32, #tpu.memory_space<vmem>>
          %dma_start3A_283 = arith.constant 0 : i32
          %dma_start3A_284 = tpu.memref_slice %arg8[%add3A_260, %dma_start3A_283] : memref<40x125xi32, #tpu.memory_space<vmem>> -> memref<1x125xi32, #tpu.memory_space<vmem>>
          %dma_start3A_285 = tpu.memref_squeeze %dma_start3A_284 : memref<1x125xi32, #tpu.memory_space<vmem>> -> memref<125xi32, #tpu.memory_space<vmem>>
          %dma_start3A_286 = arith.constant 0 : i32
          %dma_start3A_287 = arith.constant 0 : i32
          %dma_start3A_288 = tpu.memref_slice %arg3[%dma_start3A_286, %dma_start3A_287] : memref<10000x128xf32, #tpu.memory_space<hbm>> -> memref<10000x128xf32, #tpu.memory_space<hbm>>
          tpu.enqueue_indirect_dma source(%dma_start3A_288 : memref<10000x128xf32, #tpu.memory_space<hbm>>) target(%dma_start3A_282 : memref<125x128xf32, #tpu.memory_space<vmem>>) offsets(%dma_start3A_285 : memref<125xi32, #tpu.memory_space<vmem>>) semaphore(%arg12 : memref<!tpu.dma_semaphore, #tpu.memory_space<semaphore_mem>>)
        } else {
        }
      }
      %scan3A_76 = arith.constant 40 : i32
      %dma_wait3A_77 = arith.constant 0 : i32
      %dma_wait3A_78 = arith.constant 0 : i32
      %dma_wait3A_79 = arith.constant 0 : i32
      %dma_wait3A_80 = arith.constant 0 : i32
      %dma_wait3A_81 = tpu.memref_slice %arg10[%dma_wait3A_77, %dma_wait3A_79, %dma_wait3A_80] : memref<2x125x128xf32, #tpu.memory_space<vmem>> -> memref<1x125x128xf32, #tpu.memory_space<vmem>>
      %dma_wait3A_82 = tpu.memref_squeeze %dma_wait3A_81 : memref<1x125x128xf32, #tpu.memory_space<vmem>> -> memref<125x128xf32, #tpu.memory_space<vmem>>
      %dma_wait3A_83 = arith.constant 0 : i32
      %dma_wait3A_84 = tpu.memref_slice %arg9[%dma_wait3A_78, %dma_wait3A_83] : memref<40x125xi32, #tpu.memory_space<vmem>> -> memref<1x125xi32, #tpu.memory_space<vmem>>
      %dma_wait3A_85 = tpu.memref_squeeze %dma_wait3A_84 : memref<1x125xi32, #tpu.memory_space<vmem>> -> memref<125xi32, #tpu.memory_space<vmem>>
      %dma_wait3A_86 = arith.constant 0 : i32
      %dma_wait3A_87 = arith.constant 0 : i32
      %dma_wait3A_88 = tpu.memref_slice %arg11[%dma_wait3A_86, %dma_wait3A_87] : memref<10000x128xf32, #tpu.memory_space<vmem_shared>> -> memref<10000x128xf32, #tpu.memory_space<vmem_shared>>
      tpu.wait_indirect_dma semaphore(%arg13 : memref<!tpu.dma_semaphore, #tpu.memory_space<semaphore_mem>>) src(%dma_wait3A_82 : memref<125x128xf32, #tpu.memory_space<vmem>>) dst(%dma_wait3A_88 : memref<10000x128xf32, #tpu.memory_space<vmem_shared>>)
      %dma_wait3A_89 = arith.constant 1 : i32
      %dma_wait3A_90 = arith.constant 0 : i32
      %dma_wait3A_91 = arith.constant 0 : i32
      %dma_wait3A_92 = arith.constant 0 : i32
      %dma_wait3A_93 = tpu.memref_slice %arg10[%dma_wait3A_89, %dma_wait3A_91, %dma_wait3A_92] : memref<2x125x128xf32, #tpu.memory_space<vmem>> -> memref<1x125x128xf32, #tpu.memory_space<vmem>>
      %dma_wait3A_94 = tpu.memref_squeeze %dma_wait3A_93 : memref<1x125x128xf32, #tpu.memory_space<vmem>> -> memref<125x128xf32, #tpu.memory_space<vmem>>
      %dma_wait3A_95 = arith.constant 0 : i32
      %dma_wait3A_96 = tpu.memref_slice %arg9[%dma_wait3A_90, %dma_wait3A_95] : memref<40x125xi32, #tpu.memory_space<vmem>> -> memref<1x125xi32, #tpu.memory_space<vmem>>
      %dma_wait3A_97 = tpu.memref_squeeze %dma_wait3A_96 : memref<1x125xi32, #tpu.memory_space<vmem>> -> memref<125xi32, #tpu.memory_space<vmem>>
      %dma_wait3A_98 = arith.constant 0 : i32
      %dma_wait3A_99 = arith.constant 0 : i32
      %dma_wait3A_100 = tpu.memref_slice %arg11[%dma_wait3A_98, %dma_wait3A_99] : memref<10000x128xf32, #tpu.memory_space<vmem_shared>> -> memref<10000x128xf32, #tpu.memory_space<vmem_shared>>
      tpu.wait_indirect_dma semaphore(%arg13 : memref<!tpu.dma_semaphore, #tpu.memory_space<semaphore_mem>>) src(%dma_wait3A_94 : memref<125x128xf32, #tpu.memory_space<vmem>>) dst(%dma_wait3A_100 : memref<10000x128xf32, #tpu.memory_space<vmem_shared>>)
      %mul3A_101 = arith.constant 160 : i32
      %mul3A_102 = arith.muli %arg1, %mul3A_101 : i32
      %add3A_103 = arith.constant 80 : i32
      %add3A_104 = arith.addi %mul3A_102, %add3A_103 : i32
      "tpu.region"() ({
        %run_scoped3A = tpu.sem_alloc : memref<!tpu.dma_semaphore, #tpu.memory_space<semaphore_mem>>
        %dma_start3A_201 = arith.constant 0 : i32
        %dma_start3A_202 = tpu.memref_slice %arg4[%add3A_104, %dma_start3A_201] : memref<2560x125xi32, #tpu.memory_space<hbm>> -> memref<40x125xi32, #tpu.memory_space<hbm>>
        %dma_start3A_203 = arith.constant 0 : i32
        %dma_start3A_204 = tpu.memref_slice %arg4[%add3A_104, %dma_start3A_203] : memref<2560x125xi32, #tpu.memory_space<hbm>> -> memref<40x125xi32, #tpu.memory_space<hbm>>
        tpu.enqueue_dma source(%dma_start3A_204 : memref<40x125xi32, #tpu.memory_space<hbm>>) target(%arg8 : memref<40x125xi32, #tpu.memory_space<vmem>>) target_semaphore(%run_scoped3A : memref<!tpu.dma_semaphore, #tpu.memory_space<semaphore_mem>>)
        %dma_wait3A_205 = arith.constant 0 : i32
        %dma_wait3A_206 = tpu.memref_slice %arg4[%add3A_104, %dma_wait3A_205] : memref<2560x125xi32, #tpu.memory_space<hbm>> -> memref<40x125xi32, #tpu.memory_space<hbm>>
        %dma_wait3A_207 = arith.constant 0 : i32
        %dma_wait3A_208 = tpu.memref_slice %arg4[%add3A_104, %dma_wait3A_207] : memref<2560x125xi32, #tpu.memory_space<hbm>> -> memref<40x125xi32, #tpu.memory_space<hbm>>
        tpu.wait_dma2 semaphore(%run_scoped3A : memref<!tpu.dma_semaphore, #tpu.memory_space<semaphore_mem>>) src(%dma_wait3A_208 : memref<40x125xi32, #tpu.memory_space<hbm>>) dst(%arg8 : memref<40x125xi32, #tpu.memory_space<vmem>>)
        tpu.yield
      }) : () -> ()
      "tpu.region"() ({
        %run_scoped3A = tpu.sem_alloc : memref<!tpu.dma_semaphore, #tpu.memory_space<semaphore_mem>>
        %dma_start3A_201 = arith.constant 0 : i32
        %dma_start3A_202 = tpu.memref_slice %arg5[%add3A_104, %dma_start3A_201] : memref<2560x125xi32, #tpu.memory_space<hbm>> -> memref<40x125xi32, #tpu.memory_space<hbm>>
        %dma_start3A_203 = arith.constant 0 : i32
        %dma_start3A_204 = tpu.memref_slice %arg5[%add3A_104, %dma_start3A_203] : memref<2560x125xi32, #tpu.memory_space<hbm>> -> memref<40x125xi32, #tpu.memory_space<hbm>>
        tpu.enqueue_dma source(%dma_start3A_204 : memref<40x125xi32, #tpu.memory_space<hbm>>) target(%arg9 : memref<40x125xi32, #tpu.memory_space<vmem>>) target_semaphore(%run_scoped3A : memref<!tpu.dma_semaphore, #tpu.memory_space<semaphore_mem>>)
        %dma_wait3A_205 = arith.constant 0 : i32
        %dma_wait3A_206 = tpu.memref_slice %arg5[%add3A_104, %dma_wait3A_205] : memref<2560x125xi32, #tpu.memory_space<hbm>> -> memref<40x125xi32, #tpu.memory_space<hbm>>
        %dma_wait3A_207 = arith.constant 0 : i32
        %dma_wait3A_208 = tpu.memref_slice %arg5[%add3A_104, %dma_wait3A_207] : memref<2560x125xi32, #tpu.memory_space<hbm>> -> memref<40x125xi32, #tpu.memory_space<hbm>>
        tpu.wait_dma2 semaphore(%run_scoped3A : memref<!tpu.dma_semaphore, #tpu.memory_space<semaphore_mem>>) src(%dma_wait3A_208 : memref<40x125xi32, #tpu.memory_space<hbm>>) dst(%arg9 : memref<40x125xi32, #tpu.memory_space<vmem>>)
        tpu.yield
      }) : () -> ()
      %dma_start3A_105 = arith.constant 0 : i32
      %dma_start3A_106 = arith.constant 0 : i32
      %dma_start3A_107 = arith.constant 0 : i32
      %dma_start3A_108 = arith.constant 0 : i32
      %dma_start3A_109 = tpu.memref_slice %arg10[%dma_start3A_106, %dma_start3A_107, %dma_start3A_108] : memref<2x125x128xf32, #tpu.memory_space<vmem>> -> memref<1x125x128xf32, #tpu.memory_space<vmem>>
      %dma_start3A_110 = tpu.memref_squeeze %dma_start3A_109 : memref<1x125x128xf32, #tpu.memory_space<vmem>> -> memref<125x128xf32, #tpu.memory_space<vmem>>
      %dma_start3A_111 = arith.constant 0 : i32
      %dma_start3A_112 = tpu.memref_slice %arg8[%dma_start3A_105, %dma_start3A_111] : memref<40x125xi32, #tpu.memory_space<vmem>> -> memref<1x125xi32, #tpu.memory_space<vmem>>
      %dma_start3A_113 = tpu.memref_squeeze %dma_start3A_112 : memref<1x125xi32, #tpu.memory_space<vmem>> -> memref<125xi32, #tpu.memory_space<vmem>>
      %dma_start3A_114 = arith.constant 0 : i32
      %dma_start3A_115 = arith.constant 0 : i32
      %dma_start3A_116 = tpu.memref_slice %arg3[%dma_start3A_114, %dma_start3A_115] : memref<10000x128xf32, #tpu.memory_space<hbm>> -> memref<10000x128xf32, #tpu.memory_space<hbm>>
      tpu.enqueue_indirect_dma source(%dma_start3A_116 : memref<10000x128xf32, #tpu.memory_space<hbm>>) target(%dma_start3A_110 : memref<125x128xf32, #tpu.memory_space<vmem>>) offsets(%dma_start3A_113 : memref<125xi32, #tpu.memory_space<vmem>>) semaphore(%arg12 : memref<!tpu.dma_semaphore, #tpu.memory_space<semaphore_mem>>)
      %scan3A_117 = arith.constant 0 : i32
      %scan3A_118 = arith.constant 0 : i32
      %scan3A_119 = arith.constant 40 : i32
      %scan3A_120 = arith.addi %scan3A_118, %scan3A_119 : i32
      %scan3A_121 = arith.constant 1 : i32
      scf.for %scan3A_201 = %scan3A_118 to %scan3A_120 step %scan3A_121  : i32 {
        %jit3A = arith.constant 2 : i32
        %eq3A_202 = arith.constant 0 : i32
        %eq3A_203 = arith.cmpi eq, %jit3A, %eq3A_202 : i32
        %jit3A_204 = arith.constant 1 : i32
        %select_n3A = arith.select %eq3A_203, %jit3A_204, %jit3A : i32
        %rem3A = arith.remsi %scan3A_201, %select_n3A : i32
        %ne3A = arith.constant 0 : i32
        %ne3A_205 = arith.cmpi ne, %rem3A, %ne3A : i32
        %lt3A = arith.constant 0 : i32
        %lt3A_206 = arith.cmpi slt, %rem3A, %lt3A : i32
        %lt3A_207 = arith.constant 0 : i32
        %lt3A_208 = arith.cmpi slt, %select_n3A, %lt3A_207 : i32
        %ne3A_209 = arith.xori %lt3A_206, %lt3A_208 : i1
        %and3A = arith.andi %ne3A_209, %ne3A_205 : i1
        %add3A_210 = arith.addi %rem3A, %select_n3A : i32
        %select_n3A_211 = arith.select %and3A, %add3A_210, %rem3A : i32
        %dma_wait3A_212 = arith.constant 0 : i32
        %dma_wait3A_213 = arith.constant 0 : i32
        %dma_wait3A_214 = tpu.memref_slice %arg10[%select_n3A_211, %dma_wait3A_212, %dma_wait3A_213] : memref<2x125x128xf32, #tpu.memory_space<vmem>> -> memref<1x125x128xf32, #tpu.memory_space<vmem>>
        %dma_wait3A_215 = tpu.memref_squeeze %dma_wait3A_214 : memref<1x125x128xf32, #tpu.memory_space<vmem>> -> memref<125x128xf32, #tpu.memory_space<vmem>>
        %dma_wait3A_216 = arith.constant 0 : i32
        %dma_wait3A_217 = tpu.memref_slice %arg8[%scan3A_201, %dma_wait3A_216] : memref<40x125xi32, #tpu.memory_space<vmem>> -> memref<1x125xi32, #tpu.memory_space<vmem>>
        %dma_wait3A_218 = tpu.memref_squeeze %dma_wait3A_217 : memref<1x125xi32, #tpu.memory_space<vmem>> -> memref<125xi32, #tpu.memory_space<vmem>>
        %dma_wait3A_219 = arith.constant 0 : i32
        %dma_wait3A_220 = arith.constant 0 : i32
        %dma_wait3A_221 = tpu.memref_slice %arg3[%dma_wait3A_219, %dma_wait3A_220] : memref<10000x128xf32, #tpu.memory_space<hbm>> -> memref<10000x128xf32, #tpu.memory_space<hbm>>
        tpu.wait_indirect_dma semaphore(%arg12 : memref<!tpu.dma_semaphore, #tpu.memory_space<semaphore_mem>>) src(%dma_wait3A_221 : memref<10000x128xf32, #tpu.memory_space<hbm>>) dst(%dma_wait3A_215 : memref<125x128xf32, #tpu.memory_space<vmem>>)
        %jit3A_222 = arith.constant 2 : i32
        %eq3A_223 = arith.constant 0 : i32
        %eq3A_224 = arith.cmpi eq, %jit3A_222, %eq3A_223 : i32
        %jit3A_225 = arith.constant 1 : i32
        %select_n3A_226 = arith.select %eq3A_224, %jit3A_225, %jit3A_222 : i32
        %rem3A_227 = arith.remsi %scan3A_201, %select_n3A_226 : i32
        %ne3A_228 = arith.constant 0 : i32
        %ne3A_229 = arith.cmpi ne, %rem3A_227, %ne3A_228 : i32
        %lt3A_230 = arith.constant 0 : i32
        %lt3A_231 = arith.cmpi slt, %rem3A_227, %lt3A_230 : i32
        %lt3A_232 = arith.constant 0 : i32
        %lt3A_233 = arith.cmpi slt, %select_n3A_226, %lt3A_232 : i32
        %ne3A_234 = arith.xori %lt3A_231, %lt3A_233 : i1
        %and3A_235 = arith.andi %ne3A_234, %ne3A_229 : i1
        %add3A_236 = arith.addi %rem3A_227, %select_n3A_226 : i32
        %select_n3A_237 = arith.select %and3A_235, %add3A_236, %rem3A_227 : i32
        %dma_start3A_238 = arith.constant 0 : i32
        %dma_start3A_239 = arith.constant 0 : i32
        %dma_start3A_240 = tpu.memref_slice %arg10[%select_n3A_237, %dma_start3A_238, %dma_start3A_239] : memref<2x125x128xf32, #tpu.memory_space<vmem>> -> memref<1x125x128xf32, #tpu.memory_space<vmem>>
        %dma_start3A_241 = tpu.memref_squeeze %dma_start3A_240 : memref<1x125x128xf32, #tpu.memory_space<vmem>> -> memref<125x128xf32, #tpu.memory_space<vmem>>
        %dma_start3A_242 = arith.constant 0 : i32
        %dma_start3A_243 = tpu.memref_slice %arg9[%scan3A_201, %dma_start3A_242] : memref<40x125xi32, #tpu.memory_space<vmem>> -> memref<1x125xi32, #tpu.memory_space<vmem>>
        %dma_start3A_244 = tpu.memref_squeeze %dma_start3A_243 : memref<1x125xi32, #tpu.memory_space<vmem>> -> memref<125xi32, #tpu.memory_space<vmem>>
        %dma_start3A_245 = arith.constant 0 : i32
        %dma_start3A_246 = arith.constant 0 : i32
        %dma_start3A_247 = tpu.memref_slice %arg11[%dma_start3A_245, %dma_start3A_246] : memref<10000x128xf32, #tpu.memory_space<vmem_shared>> -> memref<10000x128xf32, #tpu.memory_space<vmem_shared>>
        tpu.enqueue_indirect_dma source(%dma_start3A_241 : memref<125x128xf32, #tpu.memory_space<vmem>>) target(%dma_start3A_247 : memref<10000x128xf32, #tpu.memory_space<vmem_shared>>) offsets(%dma_start3A_244 : memref<125xi32, #tpu.memory_space<vmem>>) semaphore(%arg13 : memref<!tpu.dma_semaphore, #tpu.memory_space<semaphore_mem>>) {add = true}
        %add3A_248 = arith.constant 1 : i32
        %add3A_249 = arith.addi %scan3A_201, %add3A_248 : i32
        %lt3A_250 = arith.constant 40 : i32
        %lt3A_251 = arith.cmpi slt, %add3A_249, %lt3A_250 : i32
        %convert_element_type3A_252 = arith.extui %lt3A_251 : i1 to i32
        %cond3A_253 = arith.constant 0 : i32
        %cond3A_254 = arith.cmpi ne, %convert_element_type3A_252, %cond3A_253 : i32
        scf.if %cond3A_254 {
          %gt3A = arith.constant 0 : i32
          %gt3A_255 = arith.cmpi sgt, %scan3A_201, %gt3A : i32
          %convert_element_type3A_256 = arith.extui %gt3A_255 : i1 to i32
          %cond3A_257 = arith.constant 0 : i32
          %cond3A_258 = arith.cmpi ne, %convert_element_type3A_256, %cond3A_257 : i32
          scf.if %cond3A_258 {
            %add3A_289 = arith.constant 1 : i32
            %add3A_290 = arith.addi %scan3A_201, %add3A_289 : i32
            %jit3A_291 = arith.constant 2 : i32
            %eq3A_292 = arith.constant 0 : i32
            %eq3A_293 = arith.cmpi eq, %jit3A_291, %eq3A_292 : i32
            %jit3A_294 = arith.constant 1 : i32
            %select_n3A_295 = arith.select %eq3A_293, %jit3A_294, %jit3A_291 : i32
            %rem3A_296 = arith.remsi %add3A_290, %select_n3A_295 : i32
            %ne3A_297 = arith.constant 0 : i32
            %ne3A_298 = arith.cmpi ne, %rem3A_296, %ne3A_297 : i32
            %lt3A_299 = arith.constant 0 : i32
            %lt3A_300 = arith.cmpi slt, %rem3A_296, %lt3A_299 : i32
            %lt3A_301 = arith.constant 0 : i32
            %lt3A_302 = arith.cmpi slt, %select_n3A_295, %lt3A_301 : i32
            %ne3A_303 = arith.xori %lt3A_300, %lt3A_302 : i1
            %and3A_304 = arith.andi %ne3A_303, %ne3A_298 : i1
            %add3A_305 = arith.addi %rem3A_296, %select_n3A_295 : i32
            %select_n3A_306 = arith.select %and3A_304, %add3A_305, %rem3A_296 : i32
            %dma_wait3A_307 = arith.constant 0 : i32
            %dma_wait3A_308 = arith.constant 0 : i32
            %dma_wait3A_309 = tpu.memref_slice %arg10[%select_n3A_306, %dma_wait3A_307, %dma_wait3A_308] : memref<2x125x128xf32, #tpu.memory_space<vmem>> -> memref<1x125x128xf32, #tpu.memory_space<vmem>>
            %dma_wait3A_310 = tpu.memref_squeeze %dma_wait3A_309 : memref<1x125x128xf32, #tpu.memory_space<vmem>> -> memref<125x128xf32, #tpu.memory_space<vmem>>
            %dma_wait3A_311 = arith.constant 0 : i32
            %dma_wait3A_312 = tpu.memref_slice %arg9[%scan3A_201, %dma_wait3A_311] : memref<40x125xi32, #tpu.memory_space<vmem>> -> memref<1x125xi32, #tpu.memory_space<vmem>>
            %dma_wait3A_313 = tpu.memref_squeeze %dma_wait3A_312 : memref<1x125xi32, #tpu.memory_space<vmem>> -> memref<125xi32, #tpu.memory_space<vmem>>
            %dma_wait3A_314 = arith.constant 0 : i32
            %dma_wait3A_315 = arith.constant 0 : i32
            %dma_wait3A_316 = tpu.memref_slice %arg11[%dma_wait3A_314, %dma_wait3A_315] : memref<10000x128xf32, #tpu.memory_space<vmem_shared>> -> memref<10000x128xf32, #tpu.memory_space<vmem_shared>>
            tpu.wait_indirect_dma semaphore(%arg13 : memref<!tpu.dma_semaphore, #tpu.memory_space<semaphore_mem>>) src(%dma_wait3A_310 : memref<125x128xf32, #tpu.memory_space<vmem>>) dst(%dma_wait3A_316 : memref<10000x128xf32, #tpu.memory_space<vmem_shared>>)
          } else {
          }
          %add3A_259 = arith.constant 1 : i32
          %add3A_260 = arith.addi %scan3A_201, %add3A_259 : i32
          %add3A_261 = arith.constant 1 : i32
          %add3A_262 = arith.addi %scan3A_201, %add3A_261 : i32
          %jit3A_263 = arith.constant 2 : i32
          %eq3A_264 = arith.constant 0 : i32
          %eq3A_265 = arith.cmpi eq, %jit3A_263, %eq3A_264 : i32
          %jit3A_266 = arith.constant 1 : i32
          %select_n3A_267 = arith.select %eq3A_265, %jit3A_266, %jit3A_263 : i32
          %rem3A_268 = arith.remsi %add3A_262, %select_n3A_267 : i32
          %ne3A_269 = arith.constant 0 : i32
          %ne3A_270 = arith.cmpi ne, %rem3A_268, %ne3A_269 : i32
          %lt3A_271 = arith.constant 0 : i32
          %lt3A_272 = arith.cmpi slt, %rem3A_268, %lt3A_271 : i32
          %lt3A_273 = arith.constant 0 : i32
          %lt3A_274 = arith.cmpi slt, %select_n3A_267, %lt3A_273 : i32
          %ne3A_275 = arith.xori %lt3A_272, %lt3A_274 : i1
          %and3A_276 = arith.andi %ne3A_275, %ne3A_270 : i1
          %add3A_277 = arith.addi %rem3A_268, %select_n3A_267 : i32
          %select_n3A_278 = arith.select %and3A_276, %add3A_277, %rem3A_268 : i32
          %dma_start3A_279 = arith.constant 0 : i32
          %dma_start3A_280 = arith.constant 0 : i32
          %dma_start3A_281 = tpu.memref_slice %arg10[%select_n3A_278, %dma_start3A_279, %dma_start3A_280] : memref<2x125x128xf32, #tpu.memory_space<vmem>> -> memref<1x125x128xf32, #tpu.memory_space<vmem>>
          %dma_start3A_282 = tpu.memref_squeeze %dma_start3A_281 : memref<1x125x128xf32, #tpu.memory_space<vmem>> -> memref<125x128xf32, #tpu.memory_space<vmem>>
          %dma_start3A_283 = arith.constant 0 : i32
          %dma_start3A_284 = tpu.memref_slice %arg8[%add3A_260, %dma_start3A_283] : memref<40x125xi32, #tpu.memory_space<vmem>> -> memref<1x125xi32, #tpu.memory_space<vmem>>
          %dma_start3A_285 = tpu.memref_squeeze %dma_start3A_284 : memref<1x125xi32, #tpu.memory_space<vmem>> -> memref<125xi32, #tpu.memory_space<vmem>>
          %dma_start3A_286 = arith.constant 0 : i32
          %dma_start3A_287 = arith.constant 0 : i32
          %dma_start3A_288 = tpu.memref_slice %arg3[%dma_start3A_286, %dma_start3A_287] : memref<10000x128xf32, #tpu.memory_space<hbm>> -> memref<10000x128xf32, #tpu.memory_space<hbm>>
          tpu.enqueue_indirect_dma source(%dma_start3A_288 : memref<10000x128xf32, #tpu.memory_space<hbm>>) target(%dma_start3A_282 : memref<125x128xf32, #tpu.memory_space<vmem>>) offsets(%dma_start3A_285 : memref<125xi32, #tpu.memory_space<vmem>>) semaphore(%arg12 : memref<!tpu.dma_semaphore, #tpu.memory_space<semaphore_mem>>)
        } else {
        }
      }
      %scan3A_122 = arith.constant 40 : i32
      %dma_wait3A_123 = arith.constant 0 : i32
      %dma_wait3A_124 = arith.constant 0 : i32
      %dma_wait3A_125 = arith.constant 0 : i32
      %dma_wait3A_126 = arith.constant 0 : i32
      %dma_wait3A_127 = tpu.memref_slice %arg10[%dma_wait3A_123, %dma_wait3A_125, %dma_wait3A_126] : memref<2x125x128xf32, #tpu.memory_space<vmem>> -> memref<1x125x128xf32, #tpu.memory_space<vmem>>
      %dma_wait3A_128 = tpu.memref_squeeze %dma_wait3A_127 : memref<1x125x128xf32, #tpu.memory_space<vmem>> -> memref<125x128xf32, #tpu.memory_space<vmem>>
      %dma_wait3A_129 = arith.constant 0 : i32
      %dma_wait3A_130 = tpu.memref_slice %arg9[%dma_wait3A_124, %dma_wait3A_129] : memref<40x125xi32, #tpu.memory_space<vmem>> -> memref<1x125xi32, #tpu.memory_space<vmem>>
      %dma_wait3A_131 = tpu.memref_squeeze %dma_wait3A_130 : memref<1x125xi32, #tpu.memory_space<vmem>> -> memref<125xi32, #tpu.memory_space<vmem>>
      %dma_wait3A_132 = arith.constant 0 : i32
      %dma_wait3A_133 = arith.constant 0 : i32
      %dma_wait3A_134 = tpu.memref_slice %arg11[%dma_wait3A_132, %dma_wait3A_133] : memref<10000x128xf32, #tpu.memory_space<vmem_shared>> -> memref<10000x128xf32, #tpu.memory_space<vmem_shared>>
      tpu.wait_indirect_dma semaphore(%arg13 : memref<!tpu.dma_semaphore, #tpu.memory_space<semaphore_mem>>) src(%dma_wait3A_128 : memref<125x128xf32, #tpu.memory_space<vmem>>) dst(%dma_wait3A_134 : memref<10000x128xf32, #tpu.memory_space<vmem_shared>>)
      %dma_wait3A_135 = arith.constant 1 : i32
      %dma_wait3A_136 = arith.constant 0 : i32
      %dma_wait3A_137 = arith.constant 0 : i32
      %dma_wait3A_138 = arith.constant 0 : i32
      %dma_wait3A_139 = tpu.memref_slice %arg10[%dma_wait3A_135, %dma_wait3A_137, %dma_wait3A_138] : memref<2x125x128xf32, #tpu.memory_space<vmem>> -> memref<1x125x128xf32, #tpu.memory_space<vmem>>
      %dma_wait3A_140 = tpu.memref_squeeze %dma_wait3A_139 : memref<1x125x128xf32, #tpu.memory_space<vmem>> -> memref<125x128xf32, #tpu.memory_space<vmem>>
      %dma_wait3A_141 = arith.constant 0 : i32
      %dma_wait3A_142 = tpu.memref_slice %arg9[%dma_wait3A_136, %dma_wait3A_141] : memref<40x125xi32, #tpu.memory_space<vmem>> -> memref<1x125xi32, #tpu.memory_space<vmem>>
      %dma_wait3A_143 = tpu.memref_squeeze %dma_wait3A_142 : memref<1x125xi32, #tpu.memory_space<vmem>> -> memref<125xi32, #tpu.memory_space<vmem>>
      %dma_wait3A_144 = arith.constant 0 : i32
      %dma_wait3A_145 = arith.constant 0 : i32
      %dma_wait3A_146 = tpu.memref_slice %arg11[%dma_wait3A_144, %dma_wait3A_145] : memref<10000x128xf32, #tpu.memory_space<vmem_shared>> -> memref<10000x128xf32, #tpu.memory_space<vmem_shared>>
      tpu.wait_indirect_dma semaphore(%arg13 : memref<!tpu.dma_semaphore, #tpu.memory_space<semaphore_mem>>) src(%dma_wait3A_140 : memref<125x128xf32, #tpu.memory_space<vmem>>) dst(%dma_wait3A_146 : memref<10000x128xf32, #tpu.memory_space<vmem_shared>>)
      %mul3A_147 = arith.constant 160 : i32
      %mul3A_148 = arith.muli %arg1, %mul3A_147 : i32
      %add3A_149 = arith.constant 120 : i32
      %add3A_150 = arith.addi %mul3A_148, %add3A_149 : i32
      "tpu.region"() ({
        %run_scoped3A = tpu.sem_alloc : memref<!tpu.dma_semaphore, #tpu.memory_space<semaphore_mem>>
        %dma_start3A_201 = arith.constant 0 : i32
        %dma_start3A_202 = tpu.memref_slice %arg4[%add3A_150, %dma_start3A_201] : memref<2560x125xi32, #tpu.memory_space<hbm>> -> memref<40x125xi32, #tpu.memory_space<hbm>>
        %dma_start3A_203 = arith.constant 0 : i32
        %dma_start3A_204 = tpu.memref_slice %arg4[%add3A_150, %dma_start3A_203] : memref<2560x125xi32, #tpu.memory_space<hbm>> -> memref<40x125xi32, #tpu.memory_space<hbm>>
        tpu.enqueue_dma source(%dma_start3A_204 : memref<40x125xi32, #tpu.memory_space<hbm>>) target(%arg8 : memref<40x125xi32, #tpu.memory_space<vmem>>) target_semaphore(%run_scoped3A : memref<!tpu.dma_semaphore, #tpu.memory_space<semaphore_mem>>)
        %dma_wait3A_205 = arith.constant 0 : i32
        %dma_wait3A_206 = tpu.memref_slice %arg4[%add3A_150, %dma_wait3A_205] : memref<2560x125xi32, #tpu.memory_space<hbm>> -> memref<40x125xi32, #tpu.memory_space<hbm>>
        %dma_wait3A_207 = arith.constant 0 : i32
        %dma_wait3A_208 = tpu.memref_slice %arg4[%add3A_150, %dma_wait3A_207] : memref<2560x125xi32, #tpu.memory_space<hbm>> -> memref<40x125xi32, #tpu.memory_space<hbm>>
        tpu.wait_dma2 semaphore(%run_scoped3A : memref<!tpu.dma_semaphore, #tpu.memory_space<semaphore_mem>>) src(%dma_wait3A_208 : memref<40x125xi32, #tpu.memory_space<hbm>>) dst(%arg8 : memref<40x125xi32, #tpu.memory_space<vmem>>)
        tpu.yield
      }) : () -> ()
      "tpu.region"() ({
        %run_scoped3A = tpu.sem_alloc : memref<!tpu.dma_semaphore, #tpu.memory_space<semaphore_mem>>
        %dma_start3A_201 = arith.constant 0 : i32
        %dma_start3A_202 = tpu.memref_slice %arg5[%add3A_150, %dma_start3A_201] : memref<2560x125xi32, #tpu.memory_space<hbm>> -> memref<40x125xi32, #tpu.memory_space<hbm>>
        %dma_start3A_203 = arith.constant 0 : i32
        %dma_start3A_204 = tpu.memref_slice %arg5[%add3A_150, %dma_start3A_203] : memref<2560x125xi32, #tpu.memory_space<hbm>> -> memref<40x125xi32, #tpu.memory_space<hbm>>
        tpu.enqueue_dma source(%dma_start3A_204 : memref<40x125xi32, #tpu.memory_space<hbm>>) target(%arg9 : memref<40x125xi32, #tpu.memory_space<vmem>>) target_semaphore(%run_scoped3A : memref<!tpu.dma_semaphore, #tpu.memory_space<semaphore_mem>>)
        %dma_wait3A_205 = arith.constant 0 : i32
        %dma_wait3A_206 = tpu.memref_slice %arg5[%add3A_150, %dma_wait3A_205] : memref<2560x125xi32, #tpu.memory_space<hbm>> -> memref<40x125xi32, #tpu.memory_space<hbm>>
        %dma_wait3A_207 = arith.constant 0 : i32
        %dma_wait3A_208 = tpu.memref_slice %arg5[%add3A_150, %dma_wait3A_207] : memref<2560x125xi32, #tpu.memory_space<hbm>> -> memref<40x125xi32, #tpu.memory_space<hbm>>
        tpu.wait_dma2 semaphore(%run_scoped3A : memref<!tpu.dma_semaphore, #tpu.memory_space<semaphore_mem>>) src(%dma_wait3A_208 : memref<40x125xi32, #tpu.memory_space<hbm>>) dst(%arg9 : memref<40x125xi32, #tpu.memory_space<vmem>>)
        tpu.yield
      }) : () -> ()
      %dma_start3A_151 = arith.constant 0 : i32
      %dma_start3A_152 = arith.constant 0 : i32
      %dma_start3A_153 = arith.constant 0 : i32
      %dma_start3A_154 = arith.constant 0 : i32
      %dma_start3A_155 = tpu.memref_slice %arg10[%dma_start3A_152, %dma_start3A_153, %dma_start3A_154] : memref<2x125x128xf32, #tpu.memory_space<vmem>> -> memref<1x125x128xf32, #tpu.memory_space<vmem>>
      %dma_start3A_156 = tpu.memref_squeeze %dma_start3A_155 : memref<1x125x128xf32, #tpu.memory_space<vmem>> -> memref<125x128xf32, #tpu.memory_space<vmem>>
      %dma_start3A_157 = arith.constant 0 : i32
      %dma_start3A_158 = tpu.memref_slice %arg8[%dma_start3A_151, %dma_start3A_157] : memref<40x125xi32, #tpu.memory_space<vmem>> -> memref<1x125xi32, #tpu.memory_space<vmem>>
      %dma_start3A_159 = tpu.memref_squeeze %dma_start3A_158 : memref<1x125xi32, #tpu.memory_space<vmem>> -> memref<125xi32, #tpu.memory_space<vmem>>
      %dma_start3A_160 = arith.constant 0 : i32
      %dma_start3A_161 = arith.constant 0 : i32
      %dma_start3A_162 = tpu.memref_slice %arg3[%dma_start3A_160, %dma_start3A_161] : memref<10000x128xf32, #tpu.memory_space<hbm>> -> memref<10000x128xf32, #tpu.memory_space<hbm>>
      tpu.enqueue_indirect_dma source(%dma_start3A_162 : memref<10000x128xf32, #tpu.memory_space<hbm>>) target(%dma_start3A_156 : memref<125x128xf32, #tpu.memory_space<vmem>>) offsets(%dma_start3A_159 : memref<125xi32, #tpu.memory_space<vmem>>) semaphore(%arg12 : memref<!tpu.dma_semaphore, #tpu.memory_space<semaphore_mem>>)
      %scan3A_163 = arith.constant 0 : i32
      %scan3A_164 = arith.constant 0 : i32
      %scan3A_165 = arith.constant 40 : i32
      %scan3A_166 = arith.addi %scan3A_164, %scan3A_165 : i32
      %scan3A_167 = arith.constant 1 : i32
      scf.for %scan3A_201 = %scan3A_164 to %scan3A_166 step %scan3A_167  : i32 {
        %jit3A = arith.constant 2 : i32
        %eq3A_202 = arith.constant 0 : i32
        %eq3A_203 = arith.cmpi eq, %jit3A, %eq3A_202 : i32
        %jit3A_204 = arith.constant 1 : i32
        %select_n3A = arith.select %eq3A_203, %jit3A_204, %jit3A : i32
        %rem3A = arith.remsi %scan3A_201, %select_n3A : i32
        %ne3A = arith.constant 0 : i32
        %ne3A_205 = arith.cmpi ne, %rem3A, %ne3A : i32
        %lt3A = arith.constant 0 : i32
        %lt3A_206 = arith.cmpi slt, %rem3A, %lt3A : i32
        %lt3A_207 = arith.constant 0 : i32
        %lt3A_208 = arith.cmpi slt, %select_n3A, %lt3A_207 : i32
        %ne3A_209 = arith.xori %lt3A_206, %lt3A_208 : i1
        %and3A = arith.andi %ne3A_209, %ne3A_205 : i1
        %add3A_210 = arith.addi %rem3A, %select_n3A : i32
        %select_n3A_211 = arith.select %and3A, %add3A_210, %rem3A : i32
        %dma_wait3A_212 = arith.constant 0 : i32
        %dma_wait3A_213 = arith.constant 0 : i32
        %dma_wait3A_214 = tpu.memref_slice %arg10[%select_n3A_211, %dma_wait3A_212, %dma_wait3A_213] : memref<2x125x128xf32, #tpu.memory_space<vmem>> -> memref<1x125x128xf32, #tpu.memory_space<vmem>>
        %dma_wait3A_215 = tpu.memref_squeeze %dma_wait3A_214 : memref<1x125x128xf32, #tpu.memory_space<vmem>> -> memref<125x128xf32, #tpu.memory_space<vmem>>
        %dma_wait3A_216 = arith.constant 0 : i32
        %dma_wait3A_217 = tpu.memref_slice %arg8[%scan3A_201, %dma_wait3A_216] : memref<40x125xi32, #tpu.memory_space<vmem>> -> memref<1x125xi32, #tpu.memory_space<vmem>>
        %dma_wait3A_218 = tpu.memref_squeeze %dma_wait3A_217 : memref<1x125xi32, #tpu.memory_space<vmem>> -> memref<125xi32, #tpu.memory_space<vmem>>
        %dma_wait3A_219 = arith.constant 0 : i32
        %dma_wait3A_220 = arith.constant 0 : i32
        %dma_wait3A_221 = tpu.memref_slice %arg3[%dma_wait3A_219, %dma_wait3A_220] : memref<10000x128xf32, #tpu.memory_space<hbm>> -> memref<10000x128xf32, #tpu.memory_space<hbm>>
        tpu.wait_indirect_dma semaphore(%arg12 : memref<!tpu.dma_semaphore, #tpu.memory_space<semaphore_mem>>) src(%dma_wait3A_221 : memref<10000x128xf32, #tpu.memory_space<hbm>>) dst(%dma_wait3A_215 : memref<125x128xf32, #tpu.memory_space<vmem>>)
        %jit3A_222 = arith.constant 2 : i32
        %eq3A_223 = arith.constant 0 : i32
        %eq3A_224 = arith.cmpi eq, %jit3A_222, %eq3A_223 : i32
        %jit3A_225 = arith.constant 1 : i32
        %select_n3A_226 = arith.select %eq3A_224, %jit3A_225, %jit3A_222 : i32
        %rem3A_227 = arith.remsi %scan3A_201, %select_n3A_226 : i32
        %ne3A_228 = arith.constant 0 : i32
        %ne3A_229 = arith.cmpi ne, %rem3A_227, %ne3A_228 : i32
        %lt3A_230 = arith.constant 0 : i32
        %lt3A_231 = arith.cmpi slt, %rem3A_227, %lt3A_230 : i32
        %lt3A_232 = arith.constant 0 : i32
        %lt3A_233 = arith.cmpi slt, %select_n3A_226, %lt3A_232 : i32
        %ne3A_234 = arith.xori %lt3A_231, %lt3A_233 : i1
        %and3A_235 = arith.andi %ne3A_234, %ne3A_229 : i1
        %add3A_236 = arith.addi %rem3A_227, %select_n3A_226 : i32
        %select_n3A_237 = arith.select %and3A_235, %add3A_236, %rem3A_227 : i32
        %dma_start3A_238 = arith.constant 0 : i32
        %dma_start3A_239 = arith.constant 0 : i32
        %dma_start3A_240 = tpu.memref_slice %arg10[%select_n3A_237, %dma_start3A_238, %dma_start3A_239] : memref<2x125x128xf32, #tpu.memory_space<vmem>> -> memref<1x125x128xf32, #tpu.memory_space<vmem>>
        %dma_start3A_241 = tpu.memref_squeeze %dma_start3A_240 : memref<1x125x128xf32, #tpu.memory_space<vmem>> -> memref<125x128xf32, #tpu.memory_space<vmem>>
        %dma_start3A_242 = arith.constant 0 : i32
        %dma_start3A_243 = tpu.memref_slice %arg9[%scan3A_201, %dma_start3A_242] : memref<40x125xi32, #tpu.memory_space<vmem>> -> memref<1x125xi32, #tpu.memory_space<vmem>>
        %dma_start3A_244 = tpu.memref_squeeze %dma_start3A_243 : memref<1x125xi32, #tpu.memory_space<vmem>> -> memref<125xi32, #tpu.memory_space<vmem>>
        %dma_start3A_245 = arith.constant 0 : i32
        %dma_start3A_246 = arith.constant 0 : i32
        %dma_start3A_247 = tpu.memref_slice %arg11[%dma_start3A_245, %dma_start3A_246] : memref<10000x128xf32, #tpu.memory_space<vmem_shared>> -> memref<10000x128xf32, #tpu.memory_space<vmem_shared>>
        tpu.enqueue_indirect_dma source(%dma_start3A_241 : memref<125x128xf32, #tpu.memory_space<vmem>>) target(%dma_start3A_247 : memref<10000x128xf32, #tpu.memory_space<vmem_shared>>) offsets(%dma_start3A_244 : memref<125xi32, #tpu.memory_space<vmem>>) semaphore(%arg13 : memref<!tpu.dma_semaphore, #tpu.memory_space<semaphore_mem>>) {add = true}
        %add3A_248 = arith.constant 1 : i32
        %add3A_249 = arith.addi %scan3A_201, %add3A_248 : i32
        %lt3A_250 = arith.constant 40 : i32
        %lt3A_251 = arith.cmpi slt, %add3A_249, %lt3A_250 : i32
        %convert_element_type3A_252 = arith.extui %lt3A_251 : i1 to i32
        %cond3A_253 = arith.constant 0 : i32
        %cond3A_254 = arith.cmpi ne, %convert_element_type3A_252, %cond3A_253 : i32
        scf.if %cond3A_254 {
          %gt3A = arith.constant 0 : i32
          %gt3A_255 = arith.cmpi sgt, %scan3A_201, %gt3A : i32
          %convert_element_type3A_256 = arith.extui %gt3A_255 : i1 to i32
          %cond3A_257 = arith.constant 0 : i32
          %cond3A_258 = arith.cmpi ne, %convert_element_type3A_256, %cond3A_257 : i32
          scf.if %cond3A_258 {
            %add3A_289 = arith.constant 1 : i32
            %add3A_290 = arith.addi %scan3A_201, %add3A_289 : i32
            %jit3A_291 = arith.constant 2 : i32
            %eq3A_292 = arith.constant 0 : i32
            %eq3A_293 = arith.cmpi eq, %jit3A_291, %eq3A_292 : i32
            %jit3A_294 = arith.constant 1 : i32
            %select_n3A_295 = arith.select %eq3A_293, %jit3A_294, %jit3A_291 : i32
            %rem3A_296 = arith.remsi %add3A_290, %select_n3A_295 : i32
            %ne3A_297 = arith.constant 0 : i32
            %ne3A_298 = arith.cmpi ne, %rem3A_296, %ne3A_297 : i32
            %lt3A_299 = arith.constant 0 : i32
            %lt3A_300 = arith.cmpi slt, %rem3A_296, %lt3A_299 : i32
            %lt3A_301 = arith.constant 0 : i32
            %lt3A_302 = arith.cmpi slt, %select_n3A_295, %lt3A_301 : i32
            %ne3A_303 = arith.xori %lt3A_300, %lt3A_302 : i1
            %and3A_304 = arith.andi %ne3A_303, %ne3A_298 : i1
            %add3A_305 = arith.addi %rem3A_296, %select_n3A_295 : i32
            %select_n3A_306 = arith.select %and3A_304, %add3A_305, %rem3A_296 : i32
            %dma_wait3A_307 = arith.constant 0 : i32
            %dma_wait3A_308 = arith.constant 0 : i32
            %dma_wait3A_309 = tpu.memref_slice %arg10[%select_n3A_306, %dma_wait3A_307, %dma_wait3A_308] : memref<2x125x128xf32, #tpu.memory_space<vmem>> -> memref<1x125x128xf32, #tpu.memory_space<vmem>>
            %dma_wait3A_310 = tpu.memref_squeeze %dma_wait3A_309 : memref<1x125x128xf32, #tpu.memory_space<vmem>> -> memref<125x128xf32, #tpu.memory_space<vmem>>
            %dma_wait3A_311 = arith.constant 0 : i32
            %dma_wait3A_312 = tpu.memref_slice %arg9[%scan3A_201, %dma_wait3A_311] : memref<40x125xi32, #tpu.memory_space<vmem>> -> memref<1x125xi32, #tpu.memory_space<vmem>>
            %dma_wait3A_313 = tpu.memref_squeeze %dma_wait3A_312 : memref<1x125xi32, #tpu.memory_space<vmem>> -> memref<125xi32, #tpu.memory_space<vmem>>
            %dma_wait3A_314 = arith.constant 0 : i32
            %dma_wait3A_315 = arith.constant 0 : i32
            %dma_wait3A_316 = tpu.memref_slice %arg11[%dma_wait3A_314, %dma_wait3A_315] : memref<10000x128xf32, #tpu.memory_space<vmem_shared>> -> memref<10000x128xf32, #tpu.memory_space<vmem_shared>>
            tpu.wait_indirect_dma semaphore(%arg13 : memref<!tpu.dma_semaphore, #tpu.memory_space<semaphore_mem>>) src(%dma_wait3A_310 : memref<125x128xf32, #tpu.memory_space<vmem>>) dst(%dma_wait3A_316 : memref<10000x128xf32, #tpu.memory_space<vmem_shared>>)
          } else {
          }
          %add3A_259 = arith.constant 1 : i32
          %add3A_260 = arith.addi %scan3A_201, %add3A_259 : i32
          %add3A_261 = arith.constant 1 : i32
          %add3A_262 = arith.addi %scan3A_201, %add3A_261 : i32
          %jit3A_263 = arith.constant 2 : i32
          %eq3A_264 = arith.constant 0 : i32
          %eq3A_265 = arith.cmpi eq, %jit3A_263, %eq3A_264 : i32
          %jit3A_266 = arith.constant 1 : i32
          %select_n3A_267 = arith.select %eq3A_265, %jit3A_266, %jit3A_263 : i32
          %rem3A_268 = arith.remsi %add3A_262, %select_n3A_267 : i32
          %ne3A_269 = arith.constant 0 : i32
          %ne3A_270 = arith.cmpi ne, %rem3A_268, %ne3A_269 : i32
          %lt3A_271 = arith.constant 0 : i32
          %lt3A_272 = arith.cmpi slt, %rem3A_268, %lt3A_271 : i32
          %lt3A_273 = arith.constant 0 : i32
          %lt3A_274 = arith.cmpi slt, %select_n3A_267, %lt3A_273 : i32
          %ne3A_275 = arith.xori %lt3A_272, %lt3A_274 : i1
          %and3A_276 = arith.andi %ne3A_275, %ne3A_270 : i1
          %add3A_277 = arith.addi %rem3A_268, %select_n3A_267 : i32
          %select_n3A_278 = arith.select %and3A_276, %add3A_277, %rem3A_268 : i32
          %dma_start3A_279 = arith.constant 0 : i32
          %dma_start3A_280 = arith.constant 0 : i32
          %dma_start3A_281 = tpu.memref_slice %arg10[%select_n3A_278, %dma_start3A_279, %dma_start3A_280] : memref<2x125x128xf32, #tpu.memory_space<vmem>> -> memref<1x125x128xf32, #tpu.memory_space<vmem>>
          %dma_start3A_282 = tpu.memref_squeeze %dma_start3A_281 : memref<1x125x128xf32, #tpu.memory_space<vmem>> -> memref<125x128xf32, #tpu.memory_space<vmem>>
          %dma_start3A_283 = arith.constant 0 : i32
          %dma_start3A_284 = tpu.memref_slice %arg8[%add3A_260, %dma_start3A_283] : memref<40x125xi32, #tpu.memory_space<vmem>> -> memref<1x125xi32, #tpu.memory_space<vmem>>
          %dma_start3A_285 = tpu.memref_squeeze %dma_start3A_284 : memref<1x125xi32, #tpu.memory_space<vmem>> -> memref<125xi32, #tpu.memory_space<vmem>>
          %dma_start3A_286 = arith.constant 0 : i32
          %dma_start3A_287 = arith.constant 0 : i32
          %dma_start3A_288 = tpu.memref_slice %arg3[%dma_start3A_286, %dma_start3A_287] : memref<10000x128xf32, #tpu.memory_space<hbm>> -> memref<10000x128xf32, #tpu.memory_space<hbm>>
          tpu.enqueue_indirect_dma source(%dma_start3A_288 : memref<10000x128xf32, #tpu.memory_space<hbm>>) target(%dma_start3A_282 : memref<125x128xf32, #tpu.memory_space<vmem>>) offsets(%dma_start3A_285 : memref<125xi32, #tpu.memory_space<vmem>>) semaphore(%arg12 : memref<!tpu.dma_semaphore, #tpu.memory_space<semaphore_mem>>)
        } else {
        }
      }
      %scan3A_168 = arith.constant 40 : i32
      %dma_wait3A_169 = arith.constant 0 : i32
      %dma_wait3A_170 = arith.constant 0 : i32
      %dma_wait3A_171 = arith.constant 0 : i32
      %dma_wait3A_172 = arith.constant 0 : i32
      %dma_wait3A_173 = tpu.memref_slice %arg10[%dma_wait3A_169, %dma_wait3A_171, %dma_wait3A_172] : memref<2x125x128xf32, #tpu.memory_space<vmem>> -> memref<1x125x128xf32, #tpu.memory_space<vmem>>
      %dma_wait3A_174 = tpu.memref_squeeze %dma_wait3A_173 : memref<1x125x128xf32, #tpu.memory_space<vmem>> -> memref<125x128xf32, #tpu.memory_space<vmem>>
      %dma_wait3A_175 = arith.constant 0 : i32
      %dma_wait3A_176 = tpu.memref_slice %arg9[%dma_wait3A_170, %dma_wait3A_175] : memref<40x125xi32, #tpu.memory_space<vmem>> -> memref<1x125xi32, #tpu.memory_space<vmem>>
      %dma_wait3A_177 = tpu.memref_squeeze %dma_wait3A_176 : memref<1x125xi32, #tpu.memory_space<vmem>> -> memref<125xi32, #tpu.memory_space<vmem>>
      %dma_wait3A_178 = arith.constant 0 : i32
      %dma_wait3A_179 = arith.constant 0 : i32
      %dma_wait3A_180 = tpu.memref_slice %arg11[%dma_wait3A_178, %dma_wait3A_179] : memref<10000x128xf32, #tpu.memory_space<vmem_shared>> -> memref<10000x128xf32, #tpu.memory_space<vmem_shared>>
      tpu.wait_indirect_dma semaphore(%arg13 : memref<!tpu.dma_semaphore, #tpu.memory_space<semaphore_mem>>) src(%dma_wait3A_174 : memref<125x128xf32, #tpu.memory_space<vmem>>) dst(%dma_wait3A_180 : memref<10000x128xf32, #tpu.memory_space<vmem_shared>>)
      %dma_wait3A_181 = arith.constant 1 : i32
      %dma_wait3A_182 = arith.constant 0 : i32
      %dma_wait3A_183 = arith.constant 0 : i32
      %dma_wait3A_184 = arith.constant 0 : i32
      %dma_wait3A_185 = tpu.memref_slice %arg10[%dma_wait3A_181, %dma_wait3A_183, %dma_wait3A_184] : memref<2x125x128xf32, #tpu.memory_space<vmem>> -> memref<1x125x128xf32, #tpu.memory_space<vmem>>
      %dma_wait3A_186 = tpu.memref_squeeze %dma_wait3A_185 : memref<1x125x128xf32, #tpu.memory_space<vmem>> -> memref<125x128xf32, #tpu.memory_space<vmem>>
      %dma_wait3A_187 = arith.constant 0 : i32
      %dma_wait3A_188 = tpu.memref_slice %arg9[%dma_wait3A_182, %dma_wait3A_187] : memref<40x125xi32, #tpu.memory_space<vmem>> -> memref<1x125xi32, #tpu.memory_space<vmem>>
      %dma_wait3A_189 = tpu.memref_squeeze %dma_wait3A_188 : memref<1x125xi32, #tpu.memory_space<vmem>> -> memref<125xi32, #tpu.memory_space<vmem>>
      %dma_wait3A_190 = arith.constant 0 : i32
      %dma_wait3A_191 = arith.constant 0 : i32
      %dma_wait3A_192 = tpu.memref_slice %arg11[%dma_wait3A_190, %dma_wait3A_191] : memref<10000x128xf32, #tpu.memory_space<vmem_shared>> -> memref<10000x128xf32, #tpu.memory_space<vmem_shared>>
      tpu.wait_indirect_dma semaphore(%arg13 : memref<!tpu.dma_semaphore, #tpu.memory_space<semaphore_mem>>) src(%dma_wait3A_186 : memref<125x128xf32, #tpu.memory_space<vmem>>) dst(%dma_wait3A_192 : memref<10000x128xf32, #tpu.memory_space<vmem_shared>>)
      %barrier3A_193 = arith.constant 0 : index
      tpu.barrier barrier_id(%barrier3A_193)
      %mul3A_194 = arith.constant 624 : i32
      %mul3A_195 = arith.muli %arg1, %mul3A_194 : i32
      "tpu.region"() ({
        %run_scoped3A = tpu.sem_alloc : memref<!tpu.dma_semaphore, #tpu.memory_space<semaphore_mem>>
        %dma_start3A_201 = arith.constant 0 : i32
        %dma_start3A_202 = tpu.memref_slice %arg7[%mul3A_195, %dma_start3A_201] : memref<10000x128xf32, #tpu.memory_space<hbm>> -> memref<624x128xf32, #tpu.memory_space<hbm>>
        %dma_start3A_203 = arith.constant 0 : i32
        %dma_start3A_204 = tpu.memref_slice %arg11[%mul3A_195, %dma_start3A_203] : memref<10000x128xf32, #tpu.memory_space<vmem_shared>> -> memref<624x128xf32, #tpu.memory_space<vmem_shared>>
        tpu.enqueue_dma source(%dma_start3A_204 : memref<624x128xf32, #tpu.memory_space<vmem_shared>>) target(%dma_start3A_202 : memref<624x128xf32, #tpu.memory_space<hbm>>) target_semaphore(%run_scoped3A : memref<!tpu.dma_semaphore, #tpu.memory_space<semaphore_mem>>)
        %dma_wait3A_205 = arith.constant 0 : i32
        %dma_wait3A_206 = tpu.memref_slice %arg7[%mul3A_195, %dma_wait3A_205] : memref<10000x128xf32, #tpu.memory_space<hbm>> -> memref<624x128xf32, #tpu.memory_space<hbm>>
        %dma_wait3A_207 = arith.constant 0 : i32
        %dma_wait3A_208 = tpu.memref_slice %arg11[%mul3A_195, %dma_wait3A_207] : memref<10000x128xf32, #tpu.memory_space<vmem_shared>> -> memref<624x128xf32, #tpu.memory_space<vmem_shared>>
        tpu.wait_dma2 semaphore(%run_scoped3A : memref<!tpu.dma_semaphore, #tpu.memory_space<semaphore_mem>>) src(%dma_wait3A_208 : memref<624x128xf32, #tpu.memory_space<vmem_shared>>) dst(%dma_wait3A_206 : memref<624x128xf32, #tpu.memory_space<hbm>>)
        tpu.yield
      }) : () -> ()
      %eq3A_196 = arith.constant 15 : i32
      %eq3A_197 = arith.cmpi eq, %arg1, %eq3A_196 : i32
      %convert_element_type3A_198 = arith.extui %eq3A_197 : i1 to i32
      %cond3A_199 = arith.constant 0 : i32
      %cond3A_200 = arith.cmpi ne, %convert_element_type3A_198, %cond3A_199 : i32
      scf.if %cond3A_200 {
        "tpu.region"() ({
          %run_scoped3A = tpu.sem_alloc : memref<!tpu.dma_semaphore, #tpu.memory_space<semaphore_mem>>
          %dma_start3A_201 = arith.constant 9984 : i32
          %dma_start3A_202 = arith.constant 0 : i32
          %dma_start3A_203 = tpu.memref_slice %arg7[%dma_start3A_201, %dma_start3A_202] : memref<10000x128xf32, #tpu.memory_space<hbm>> -> memref<16x128xf32, #tpu.memory_space<hbm>>
          %dma_start3A_204 = arith.constant 9984 : i32
          %dma_start3A_205 = arith.constant 0 : i32
          %dma_start3A_206 = tpu.memref_slice %arg11[%dma_start3A_204, %dma_start3A_205] : memref<10000x128xf32, #tpu.memory_space<vmem_shared>> -> memref<16x128xf32, #tpu.memory_space<vmem_shared>>
          tpu.enqueue_dma source(%dma_start3A_206 : memref<16x128xf32, #tpu.memory_space<vmem_shared>>) target(%dma_start3A_203 : memref<16x128xf32, #tpu.memory_space<hbm>>) target_semaphore(%run_scoped3A : memref<!tpu.dma_semaphore, #tpu.memory_space<semaphore_mem>>)
          %dma_wait3A_207 = arith.constant 9984 : i32
          %dma_wait3A_208 = arith.constant 0 : i32
          %dma_wait3A_209 = tpu.memref_slice %arg7[%dma_wait3A_207, %dma_wait3A_208] : memref<10000x128xf32, #tpu.memory_space<hbm>> -> memref<16x128xf32, #tpu.memory_space<hbm>>
          %dma_wait3A_210 = arith.constant 9984 : i32
          %dma_wait3A_211 = arith.constant 0 : i32
          %dma_wait3A_212 = tpu.memref_slice %arg11[%dma_wait3A_210, %dma_wait3A_211] : memref<10000x128xf32, #tpu.memory_space<vmem_shared>> -> memref<16x128xf32, #tpu.memory_space<vmem_shared>>
          tpu.wait_dma2 semaphore(%run_scoped3A : memref<!tpu.dma_semaphore, #tpu.memory_space<semaphore_mem>>) src(%dma_wait3A_212 : memref<16x128xf32, #tpu.memory_space<vmem_shared>>) dst(%dma_wait3A_209 : memref<16x128xf32, #tpu.memory_space<hbm>>)
          tpu.yield
        }) : () -> ()
      } else {
      }
    } else {
    }
    return
  }
}

module attributes {stable_mosaic.version = 14 : i64} {
  func.func @_mlp_scale_body(%arg0: i32, %arg1: memref<2000x128xf32, #tpu.memory_space<vmem>>, %arg2: memref<2000x128xf32, #tpu.memory_space<vmem>>, %arg3: memref<128x128xf32, #tpu.memory_space<vmem>>, %arg4: memref<1x128xf32, #tpu.memory_space<vmem>>, %arg5: memref<128x128xf32, #tpu.memory_space<vmem>>, %arg6: memref<1x128xf32, #tpu.memory_space<vmem>>, %arg7: memref<128x128xf32, #tpu.memory_space<vmem>>, %arg8: memref<1x128xf32, #tpu.memory_space<vmem>>, %arg9: memref<128x128xf32, #tpu.memory_space<vmem>>, %arg10: memref<1x128xf32, #tpu.memory_space<vmem>>, %arg11: memref<2000x1xf32, #tpu.memory_space<vmem>>, %arg12: memref<2000x1xf32, #tpu.memory_space<vmem>>, %arg13: memref<2000x128xf32, #tpu.memory_space<vmem>>, %arg14: memref<2000x128xf32, #tpu.memory_space<vmem>>, %arg15: memref<2000x128xf32, #tpu.memory_space<vmem>>, %arg16: memref<2000x128xf32, #tpu.memory_space<vmem>>, %arg17: memref<2000x1xf32, #tpu.memory_space<vmem>>, %arg18: memref<2000x1xf32, #tpu.memory_space<vmem>>) attributes {dimension_semantics = [#tpu.dimension_semantics<arbitrary>], iteration_bounds = array<i64: 5>, scalar_prefetch = 0 : i64, scratch_operands = 0 : i64, tpu.core_type = #tpu.core_type<tc>, window_params = [{transform_indices = @transform_0, window_bounds = array<i64: 2000, 128>}, {transform_indices = @transform_1, window_bounds = array<i64: 2000, 128>}, {pipeline_mode = #tpu.pipeline_mode<synchronous>, transform_indices = @transform_2, window_bounds = array<i64: 128, 128>}, {pipeline_mode = #tpu.pipeline_mode<synchronous>, transform_indices = @transform_3, window_bounds = array<i64: 1, 128>}, {pipeline_mode = #tpu.pipeline_mode<synchronous>, transform_indices = @transform_4, window_bounds = array<i64: 128, 128>}, {pipeline_mode = #tpu.pipeline_mode<synchronous>, transform_indices = @transform_5, window_bounds = array<i64: 1, 128>}, {pipeline_mode = #tpu.pipeline_mode<synchronous>, transform_indices = @transform_6, window_bounds = array<i64: 128, 128>}, {pipeline_mode = #tpu.pipeline_mode<synchronous>, transform_indices = @transform_7, window_bounds = array<i64: 1, 128>}, {pipeline_mode = #tpu.pipeline_mode<synchronous>, transform_indices = @transform_8, window_bounds = array<i64: 128, 128>}, {pipeline_mode = #tpu.pipeline_mode<synchronous>, transform_indices = @transform_9, window_bounds = array<i64: 1, 128>}, {transform_indices = @transform_10, window_bounds = array<i64: 2000, 1>}, {transform_indices = @transform_11, window_bounds = array<i64: 2000, 1>}, {transform_indices = @transform_12, window_bounds = array<i64: 2000, 128>}, {transform_indices = @transform_13, window_bounds = array<i64: 2000, 128>}, {transform_indices = @transform_14, window_bounds = array<i64: 2000, 128>}, {transform_indices = @transform_15, window_bounds = array<i64: 2000, 128>}, {transform_indices = @transform_16, window_bounds = array<i64: 2000, 1>}, {transform_indices = @transform_17, window_bounds = array<i64: 2000, 1>}]} {
    %get3A = arith.constant 0 : index
    %get3A_0 = arith.constant 0 : index
    %get3A_1 = vector.load %arg1[%get3A, %get3A_0] : memref<2000x128xf32, #tpu.memory_space<vmem>>, vector<2000x128xf32>
    %get3A_2 = arith.constant 0 : index
    %get3A_3 = arith.constant 0 : index
    %get3A_4 = vector.load %arg3[%get3A_2, %get3A_3] : memref<128x128xf32, #tpu.memory_space<vmem>>, vector<128x128xf32>
    %dot_general3A = arith.constant dense<0.000000e+00> : vector<2000x128xf32>
    %dot_general3A_5 = tpu.matmul %get3A_1, %get3A_4, %dot_general3A {dimension_numbers = #tpu.dot_dimension_numbers<[1], [0], [0], [1], [0, 0, 1, 1], [], []>, transpose_lhs_hint = false} : vector<2000x128xf32>, vector<128x128xf32>, vector<2000x128xf32> -> vector<2000x128xf32>
    %get3A_6 = arith.constant 0 : index
    %get3A_7 = arith.constant 0 : index
    %get3A_8 = vector.load %arg4[%get3A_6, %get3A_7] : memref<1x128xf32, #tpu.memory_space<vmem>>, vector<1x128xf32>
    %add3A = vector.broadcast %get3A_8 : vector<1x128xf32> to vector<2000x128xf32>
    %add3A_9 = arith.addf %dot_general3A_5, %add3A : vector<2000x128xf32>
    %max3A = arith.constant 0.000000e+00 : f32
    %max3A_10 = vector.broadcast %max3A : f32 to vector<2000x128xf32>
    %max3A_11 = arith.maximumf %add3A_9, %max3A_10 : vector<2000x128xf32>
    %get3A_12 = arith.constant 0 : index
    %get3A_13 = arith.constant 0 : index
    %get3A_14 = vector.load %arg5[%get3A_12, %get3A_13] : memref<128x128xf32, #tpu.memory_space<vmem>>, vector<128x128xf32>
    %dot_general3A_15 = arith.constant dense<0.000000e+00> : vector<2000x128xf32>
    %dot_general3A_16 = tpu.matmul %max3A_11, %get3A_14, %dot_general3A_15 {dimension_numbers = #tpu.dot_dimension_numbers<[1], [0], [0], [1], [0, 0, 1, 1], [], []>, transpose_lhs_hint = false} : vector<2000x128xf32>, vector<128x128xf32>, vector<2000x128xf32> -> vector<2000x128xf32>
    %get3A_17 = arith.constant 0 : index
    %get3A_18 = arith.constant 0 : index
    %get3A_19 = vector.load %arg6[%get3A_17, %get3A_18] : memref<1x128xf32, #tpu.memory_space<vmem>>, vector<1x128xf32>
    %add3A_20 = vector.broadcast %get3A_19 : vector<1x128xf32> to vector<2000x128xf32>
    %add3A_21 = arith.addf %dot_general3A_16, %add3A_20 : vector<2000x128xf32>
    %get3A_22 = arith.constant 0 : index
    %get3A_23 = arith.constant 0 : index
    %get3A_24 = vector.load %arg2[%get3A_22, %get3A_23] : memref<2000x128xf32, #tpu.memory_space<vmem>>, vector<2000x128xf32>
    %get3A_25 = arith.constant 0 : index
    %get3A_26 = arith.constant 0 : index
    %get3A_27 = vector.load %arg7[%get3A_25, %get3A_26] : memref<128x128xf32, #tpu.memory_space<vmem>>, vector<128x128xf32>
    %dot_general3A_28 = arith.constant dense<0.000000e+00> : vector<2000x128xf32>
    %dot_general3A_29 = tpu.matmul %get3A_24, %get3A_27, %dot_general3A_28 {dimension_numbers = #tpu.dot_dimension_numbers<[1], [0], [0], [1], [0, 0, 1, 1], [], []>, transpose_lhs_hint = false} : vector<2000x128xf32>, vector<128x128xf32>, vector<2000x128xf32> -> vector<2000x128xf32>
    %get3A_30 = arith.constant 0 : index
    %get3A_31 = arith.constant 0 : index
    %get3A_32 = vector.load %arg8[%get3A_30, %get3A_31] : memref<1x128xf32, #tpu.memory_space<vmem>>, vector<1x128xf32>
    %add3A_33 = vector.broadcast %get3A_32 : vector<1x128xf32> to vector<2000x128xf32>
    %add3A_34 = arith.addf %dot_general3A_29, %add3A_33 : vector<2000x128xf32>
    %max3A_35 = arith.constant 0.000000e+00 : f32
    %max3A_36 = vector.broadcast %max3A_35 : f32 to vector<2000x128xf32>
    %max3A_37 = arith.maximumf %add3A_34, %max3A_36 : vector<2000x128xf32>
    %get3A_38 = arith.constant 0 : index
    %get3A_39 = arith.constant 0 : index
    %get3A_40 = vector.load %arg9[%get3A_38, %get3A_39] : memref<128x128xf32, #tpu.memory_space<vmem>>, vector<128x128xf32>
    %dot_general3A_41 = arith.constant dense<0.000000e+00> : vector<2000x128xf32>
    %dot_general3A_42 = tpu.matmul %max3A_37, %get3A_40, %dot_general3A_41 {dimension_numbers = #tpu.dot_dimension_numbers<[1], [0], [0], [1], [0, 0, 1, 1], [], []>, transpose_lhs_hint = false} : vector<2000x128xf32>, vector<128x128xf32>, vector<2000x128xf32> -> vector<2000x128xf32>
    %get3A_43 = arith.constant 0 : index
    %get3A_44 = arith.constant 0 : index
    %get3A_45 = vector.load %arg10[%get3A_43, %get3A_44] : memref<1x128xf32, #tpu.memory_space<vmem>>, vector<1x128xf32>
    %add3A_46 = vector.broadcast %get3A_45 : vector<1x128xf32> to vector<2000x128xf32>
    %add3A_47 = arith.addf %dot_general3A_42, %add3A_46 : vector<2000x128xf32>
    %get3A_48 = arith.constant 0 : index
    %get3A_49 = arith.constant 0 : index
    %get3A_50 = vector.load %arg11[%get3A_48, %get3A_49] : memref<2000x1xf32, #tpu.memory_space<vmem>>, vector<2000x1xf32>
    %add3A_51 = arith.constant 1.000000e+00 : f32
    %add3A_52 = vector.broadcast %add3A_51 : f32 to vector<2000x1xf32>
    %add3A_53 = arith.addf %get3A_50, %add3A_52 : vector<2000x1xf32>
    %rsqrt3A = math.rsqrt %add3A_53 : vector<2000x1xf32>
    %get3A_54 = arith.constant 0 : index
    %get3A_55 = arith.constant 0 : index
    %get3A_56 = vector.load %arg12[%get3A_54, %get3A_55] : memref<2000x1xf32, #tpu.memory_space<vmem>>, vector<2000x1xf32>
    %add3A_57 = arith.constant 1.000000e+00 : f32
    %add3A_58 = vector.broadcast %add3A_57 : f32 to vector<2000x1xf32>
    %add3A_59 = arith.addf %get3A_56, %add3A_58 : vector<2000x1xf32>
    %rsqrt3A_60 = math.rsqrt %add3A_59 : vector<2000x1xf32>
    %swap3A = arith.constant 0 : index
    %swap3A_61 = arith.constant 0 : index
    %swap3A_62 = vector.load %arg13[%swap3A, %swap3A_61] : memref<2000x128xf32, #tpu.memory_space<vmem>>, vector<2000x128xf32>
    tpu.vector_store %arg13[%swap3A, %swap3A_61], %add3A_21 {strides = array<i32>} : memref<2000x128xf32, #tpu.memory_space<vmem>>, vector<2000x128xf32>,
    %swap3A_63 = arith.constant 0 : index
    %swap3A_64 = arith.constant 0 : index
    %swap3A_65 = vector.load %arg14[%swap3A_63, %swap3A_64] : memref<2000x128xf32, #tpu.memory_space<vmem>>, vector<2000x128xf32>
    tpu.vector_store %arg14[%swap3A_63, %swap3A_64], %add3A_47 {strides = array<i32>} : memref<2000x128xf32, #tpu.memory_space<vmem>>, vector<2000x128xf32>,
    %mul3A = vector.broadcast %rsqrt3A : vector<2000x1xf32> to vector<2000x128xf32>
    %mul3A_66 = arith.mulf %add3A_21, %mul3A : vector<2000x128xf32>
    %swap3A_67 = arith.constant 0 : index
    %swap3A_68 = arith.constant 0 : index
    %swap3A_69 = vector.load %arg15[%swap3A_67, %swap3A_68] : memref<2000x128xf32, #tpu.memory_space<vmem>>, vector<2000x128xf32>
    tpu.vector_store %arg15[%swap3A_67, %swap3A_68], %mul3A_66 {strides = array<i32>} : memref<2000x128xf32, #tpu.memory_space<vmem>>, vector<2000x128xf32>,
    %mul3A_70 = vector.broadcast %rsqrt3A_60 : vector<2000x1xf32> to vector<2000x128xf32>
    %mul3A_71 = arith.mulf %add3A_47, %mul3A_70 : vector<2000x128xf32>
    %swap3A_72 = arith.constant 0 : index
    %swap3A_73 = arith.constant 0 : index
    %swap3A_74 = vector.load %arg16[%swap3A_72, %swap3A_73] : memref<2000x128xf32, #tpu.memory_space<vmem>>, vector<2000x128xf32>
    tpu.vector_store %arg16[%swap3A_72, %swap3A_73], %mul3A_71 {strides = array<i32>} : memref<2000x128xf32, #tpu.memory_space<vmem>>, vector<2000x128xf32>,
    %swap3A_75 = arith.constant 0 : index
    %swap3A_76 = arith.constant 0 : index
    %swap3A_77 = vector.load %arg17[%swap3A_75, %swap3A_76] : memref<2000x1xf32, #tpu.memory_space<vmem>>, vector<2000x1xf32>
    tpu.vector_store %arg17[%swap3A_75, %swap3A_76], %rsqrt3A {strides = array<i32>} : memref<2000x1xf32, #tpu.memory_space<vmem>>, vector<2000x1xf32>,
    %swap3A_78 = arith.constant 0 : index
    %swap3A_79 = arith.constant 0 : index
    %swap3A_80 = vector.load %arg18[%swap3A_78, %swap3A_79] : memref<2000x1xf32, #tpu.memory_space<vmem>>, vector<2000x1xf32>
    tpu.vector_store %arg18[%swap3A_78, %swap3A_79], %rsqrt3A_60 {strides = array<i32>} : memref<2000x1xf32, #tpu.memory_space<vmem>>, vector<2000x1xf32>,
    return
  }
  func.func @transform_0(%arg0: i32) -> (i32, i32) {
    %c0_i32 = arith.constant 0 : i32
    %c0_i32_0 = arith.constant 0 : i32
    return %arg0, %c0_i32 : i32, i32
  }
  func.func @transform_1(%arg0: i32) -> (i32, i32) {
    %c0_i32 = arith.constant 0 : i32
    %c0_i32_0 = arith.constant 0 : i32
    return %arg0, %c0_i32 : i32, i32
  }
  func.func @transform_2(%arg0: i32) -> (i32, i32) {
    %c0_i32 = arith.constant 0 : i32
    %c0_i32_0 = arith.constant 0 : i32
    %c0_i32_1 = arith.constant 0 : i32
    return %c0_i32, %c0_i32_0 : i32, i32
  }
  func.func @transform_3(%arg0: i32) -> (i32, i32) {
    %c0_i32 = arith.constant 0 : i32
    %c0_i32_0 = arith.constant 0 : i32
    %c0_i32_1 = arith.constant 0 : i32
    return %c0_i32, %c0_i32_0 : i32, i32
  }
  func.func @transform_4(%arg0: i32) -> (i32, i32) {
    %c0_i32 = arith.constant 0 : i32
    %c0_i32_0 = arith.constant 0 : i32
    %c0_i32_1 = arith.constant 0 : i32
    return %c0_i32, %c0_i32_0 : i32, i32
  }
  func.func @transform_5(%arg0: i32) -> (i32, i32) {
    %c0_i32 = arith.constant 0 : i32
    %c0_i32_0 = arith.constant 0 : i32
    %c0_i32_1 = arith.constant 0 : i32
    return %c0_i32, %c0_i32_0 : i32, i32
  }
  func.func @transform_6(%arg0: i32) -> (i32, i32) {
    %c0_i32 = arith.constant 0 : i32
    %c0_i32_0 = arith.constant 0 : i32
    %c0_i32_1 = arith.constant 0 : i32
    return %c0_i32, %c0_i32_0 : i32, i32
  }
  func.func @transform_7(%arg0: i32) -> (i32, i32) {
    %c0_i32 = arith.constant 0 : i32
    %c0_i32_0 = arith.constant 0 : i32
    %c0_i32_1 = arith.constant 0 : i32
    return %c0_i32, %c0_i32_0 : i32, i32
  }
  func.func @transform_8(%arg0: i32) -> (i32, i32) {
    %c0_i32 = arith.constant 0 : i32
    %c0_i32_0 = arith.constant 0 : i32
    %c0_i32_1 = arith.constant 0 : i32
    return %c0_i32, %c0_i32_0 : i32, i32
  }
  func.func @transform_9(%arg0: i32) -> (i32, i32) {
    %c0_i32 = arith.constant 0 : i32
    %c0_i32_0 = arith.constant 0 : i32
    %c0_i32_1 = arith.constant 0 : i32
    return %c0_i32, %c0_i32_0 : i32, i32
  }
  func.func @transform_10(%arg0: i32) -> (i32, i32) {
    %c0_i32 = arith.constant 0 : i32
    %c0_i32_0 = arith.constant 0 : i32
    return %arg0, %c0_i32 : i32, i32
  }
  func.func @transform_11(%arg0: i32) -> (i32, i32) {
    %c0_i32 = arith.constant 0 : i32
    %c0_i32_0 = arith.constant 0 : i32
    return %arg0, %c0_i32 : i32, i32
  }
  func.func @transform_12(%arg0: i32) -> (i32, i32) {
    %c0_i32 = arith.constant 0 : i32
    %c0_i32_0 = arith.constant 0 : i32
    return %arg0, %c0_i32 : i32, i32
  }
  func.func @transform_13(%arg0: i32) -> (i32, i32) {
    %c0_i32 = arith.constant 0 : i32
    %c0_i32_0 = arith.constant 0 : i32
    return %arg0, %c0_i32 : i32, i32
  }
  func.func @transform_14(%arg0: i32) -> (i32, i32) {
    %c0_i32 = arith.constant 0 : i32
    %c0_i32_0 = arith.constant 0 : i32
    return %arg0, %c0_i32 : i32, i32
  }
  func.func @transform_15(%arg0: i32) -> (i32, i32) {
    %c0_i32 = arith.constant 0 : i32
    %c0_i32_0 = arith.constant 0 : i32
    return %arg0, %c0_i32 : i32, i32
  }
  func.func @transform_16(%arg0: i32) -> (i32, i32) {
    %c0_i32 = arith.constant 0 : i32
    %c0_i32_0 = arith.constant 0 : i32
    return %arg0, %c0_i32 : i32, i32
  }
  func.func @transform_17(%arg0: i32) -> (i32, i32) {
    %c0_i32 = arith.constant 0 : i32
    %c0_i32_0 = arith.constant 0 : i32
    return %arg0, %c0_i32 : i32, i32
  }
}

module attributes {stable_mosaic.version = 14 : i64} {
  func.func @_combine_body(%arg0: i32, %arg1: memref<2000x128xf32, #tpu.memory_space<vmem>>, %arg2: memref<2000x128xf32, #tpu.memory_space<vmem>>, %arg3: memref<2000x128xf32, #tpu.memory_space<vmem>>, %arg4: memref<2000x128xf32, #tpu.memory_space<vmem>>, %arg5: memref<2000x1xf32, #tpu.memory_space<vmem>>, %arg6: memref<2000x1xf32, #tpu.memory_space<vmem>>, %arg7: memref<1x2xf32, #tpu.memory_space<vmem>>, %arg8: memref<2000x128xf32, #tpu.memory_space<vmem>>, %arg9: memref<2000x128xf32, #tpu.memory_space<vmem>>, %arg10: memref<2000x128xf32, #tpu.memory_space<vmem>>, %arg11: memref<2000x128xf32, #tpu.memory_space<vmem>>) attributes {dimension_semantics = [#tpu.dimension_semantics<arbitrary>], iteration_bounds = array<i64: 5>, scalar_prefetch = 0 : i64, scratch_operands = 0 : i64, tpu.core_type = #tpu.core_type<tc>, window_params = [{transform_indices = @transform_0, window_bounds = array<i64: 2000, 128>}, {transform_indices = @transform_1, window_bounds = array<i64: 2000, 128>}, {transform_indices = @transform_2, window_bounds = array<i64: 2000, 128>}, {transform_indices = @transform_3, window_bounds = array<i64: 2000, 128>}, {transform_indices = @transform_4, window_bounds = array<i64: 2000, 1>}, {transform_indices = @transform_5, window_bounds = array<i64: 2000, 1>}, {pipeline_mode = #tpu.pipeline_mode<synchronous>, transform_indices = @transform_6, window_bounds = array<i64: 1, 2>}, {transform_indices = @transform_7, window_bounds = array<i64: 2000, 128>}, {transform_indices = @transform_8, window_bounds = array<i64: 2000, 128>}, {transform_indices = @transform_9, window_bounds = array<i64: 2000, 128>}, {transform_indices = @transform_10, window_bounds = array<i64: 2000, 128>}]} {
    %get3A = arith.constant 0 : index
    %get3A_0 = arith.constant 0 : index
    %get3A_1 = vector.load %arg5[%get3A, %get3A_0] : memref<2000x1xf32, #tpu.memory_space<vmem>>, vector<2000x1xf32>
    %get3A_2 = arith.constant 0 : index
    %get3A_3 = arith.constant 0 : index
    %get3A_4 = vector.load %arg6[%get3A_2, %get3A_3] : memref<2000x1xf32, #tpu.memory_space<vmem>>, vector<2000x1xf32>
    %get3A_5 = arith.constant 0 : index
    %get3A_6 = arith.constant 0 : index
    %get3A_7 = vector.load %arg1[%get3A_5, %get3A_6] : memref<2000x128xf32, #tpu.memory_space<vmem>>, vector<2000x128xf32>
    %get3A_8 = arith.constant 0 : index
    %get3A_9 = arith.constant 0 : index
    %get3A_10 = vector.load %arg7[%get3A_8, %get3A_9] : memref<1x2xf32, #tpu.memory_space<vmem>>, vector<1x1xf32>
    %get3A_11 = vector.extract %get3A_10[0, 0] : f32 from vector<1x1xf32>
    %get3A_12 = arith.constant 0 : index
    %get3A_13 = arith.constant 0 : index
    %get3A_14 = vector.load %arg3[%get3A_12, %get3A_13] : memref<2000x128xf32, #tpu.memory_space<vmem>>, vector<2000x128xf32>
    %mul3A = vector.broadcast %get3A_1 : vector<2000x1xf32> to vector<2000x128xf32>
    %mul3A_15 = arith.mulf %mul3A, %get3A_14 : vector<2000x128xf32>
    %mul3A_16 = vector.broadcast %get3A_11 : f32 to vector<2000x128xf32>
    %mul3A_17 = arith.mulf %mul3A_16, %mul3A_15 : vector<2000x128xf32>
    %add3A = arith.addf %get3A_7, %mul3A_17 : vector<2000x128xf32>
    %get3A_18 = arith.constant 0 : index
    %get3A_19 = arith.constant 0 : index
    %get3A_20 = vector.load %arg2[%get3A_18, %get3A_19] : memref<2000x128xf32, #tpu.memory_space<vmem>>, vector<2000x128xf32>
    %get3A_21 = arith.constant 0 : index
    %get3A_22 = arith.constant 1 : index
    %get3A_23 = vector.load %arg7[%get3A_21, %get3A_22] : memref<1x2xf32, #tpu.memory_space<vmem>>, vector<1x1xf32>
    %get3A_24 = vector.extract %get3A_23[0, 0] : f32 from vector<1x1xf32>
    %get3A_25 = arith.constant 0 : index
    %get3A_26 = arith.constant 0 : index
    %get3A_27 = vector.load %arg4[%get3A_25, %get3A_26] : memref<2000x128xf32, #tpu.memory_space<vmem>>, vector<2000x128xf32>
    %mul3A_28 = vector.broadcast %get3A_4 : vector<2000x1xf32> to vector<2000x128xf32>
    %mul3A_29 = arith.mulf %mul3A_28, %get3A_27 : vector<2000x128xf32>
    %mul3A_30 = vector.broadcast %get3A_24 : f32 to vector<2000x128xf32>
    %mul3A_31 = arith.mulf %mul3A_30, %mul3A_29 : vector<2000x128xf32>
    %add3A_32 = arith.addf %get3A_20, %mul3A_31 : vector<2000x128xf32>
    %swap3A = arith.constant 0 : index
    %swap3A_33 = arith.constant 0 : index
    %swap3A_34 = vector.load %arg8[%swap3A, %swap3A_33] : memref<2000x128xf32, #tpu.memory_space<vmem>>, vector<2000x128xf32>
    tpu.vector_store %arg8[%swap3A, %swap3A_33], %add3A {strides = array<i32>} : memref<2000x128xf32, #tpu.memory_space<vmem>>, vector<2000x128xf32>,
    %swap3A_35 = arith.constant 0 : index
    %swap3A_36 = arith.constant 0 : index
    %swap3A_37 = vector.load %arg9[%swap3A_35, %swap3A_36] : memref<2000x128xf32, #tpu.memory_space<vmem>>, vector<2000x128xf32>
    tpu.vector_store %arg9[%swap3A_35, %swap3A_36], %add3A_32 {strides = array<i32>} : memref<2000x128xf32, #tpu.memory_space<vmem>>, vector<2000x128xf32>,
    %mul3A_38 = vector.broadcast %get3A_1 : vector<2000x1xf32> to vector<2000x128xf32>
    %mul3A_39 = arith.mulf %add3A, %mul3A_38 : vector<2000x128xf32>
    %swap3A_40 = arith.constant 0 : index
    %swap3A_41 = arith.constant 0 : index
    %swap3A_42 = vector.load %arg10[%swap3A_40, %swap3A_41] : memref<2000x128xf32, #tpu.memory_space<vmem>>, vector<2000x128xf32>
    tpu.vector_store %arg10[%swap3A_40, %swap3A_41], %mul3A_39 {strides = array<i32>} : memref<2000x128xf32, #tpu.memory_space<vmem>>, vector<2000x128xf32>,
    %mul3A_43 = vector.broadcast %get3A_4 : vector<2000x1xf32> to vector<2000x128xf32>
    %mul3A_44 = arith.mulf %add3A_32, %mul3A_43 : vector<2000x128xf32>
    %swap3A_45 = arith.constant 0 : index
    %swap3A_46 = arith.constant 0 : index
    %swap3A_47 = vector.load %arg11[%swap3A_45, %swap3A_46] : memref<2000x128xf32, #tpu.memory_space<vmem>>, vector<2000x128xf32>
    tpu.vector_store %arg11[%swap3A_45, %swap3A_46], %mul3A_44 {strides = array<i32>} : memref<2000x128xf32, #tpu.memory_space<vmem>>, vector<2000x128xf32>,
    return
  }
  func.func @transform_0(%arg0: i32) -> (i32, i32) {
    %c0_i32 = arith.constant 0 : i32
    %c0_i32_0 = arith.constant 0 : i32
    return %arg0, %c0_i32 : i32, i32
  }
  func.func @transform_1(%arg0: i32) -> (i32, i32) {
    %c0_i32 = arith.constant 0 : i32
    %c0_i32_0 = arith.constant 0 : i32
    return %arg0, %c0_i32 : i32, i32
  }
  func.func @transform_2(%arg0: i32) -> (i32, i32) {
    %c0_i32 = arith.constant 0 : i32
    %c0_i32_0 = arith.constant 0 : i32
    return %arg0, %c0_i32 : i32, i32
  }
  func.func @transform_3(%arg0: i32) -> (i32, i32) {
    %c0_i32 = arith.constant 0 : i32
    %c0_i32_0 = arith.constant 0 : i32
    return %arg0, %c0_i32 : i32, i32
  }
  func.func @transform_4(%arg0: i32) -> (i32, i32) {
    %c0_i32 = arith.constant 0 : i32
    %c0_i32_0 = arith.constant 0 : i32
    return %arg0, %c0_i32 : i32, i32
  }
  func.func @transform_5(%arg0: i32) -> (i32, i32) {
    %c0_i32 = arith.constant 0 : i32
    %c0_i32_0 = arith.constant 0 : i32
    return %arg0, %c0_i32 : i32, i32
  }
  func.func @transform_6(%arg0: i32) -> (i32, i32) {
    %c0_i32 = arith.constant 0 : i32
    %c0_i32_0 = arith.constant 0 : i32
    %c0_i32_1 = arith.constant 0 : i32
    return %c0_i32, %c0_i32_0 : i32, i32
  }
  func.func @transform_7(%arg0: i32) -> (i32, i32) {
    %c0_i32 = arith.constant 0 : i32
    %c0_i32_0 = arith.constant 0 : i32
    return %arg0, %c0_i32 : i32, i32
  }
  func.func @transform_8(%arg0: i32) -> (i32, i32) {
    %c0_i32 = arith.constant 0 : i32
    %c0_i32_0 = arith.constant 0 : i32
    return %arg0, %c0_i32 : i32, i32
  }
  func.func @transform_9(%arg0: i32) -> (i32, i32) {
    %c0_i32 = arith.constant 0 : i32
    %c0_i32_0 = arith.constant 0 : i32
    return %arg0, %c0_i32 : i32, i32
  }
  func.func @transform_10(%arg0: i32) -> (i32, i32) {
    %c0_i32 = arith.constant 0 : i32
    %c0_i32_0 = arith.constant 0 : i32
    return %arg0, %c0_i32 : i32, i32
  }
}

module attributes {stable_mosaic.version = 14 : i64} {
  func.func @_final_body(%arg0: i32, %arg1: memref<2000x128xf32, #tpu.memory_space<vmem>>, %arg2: memref<2000x128xf32, #tpu.memory_space<vmem>>, %arg3: memref<2000x128xf32, #tpu.memory_space<vmem>>, %arg4: memref<2000x128xf32, #tpu.memory_space<vmem>>, %arg5: memref<2000x1xf32, #tpu.memory_space<vmem>>, %arg6: memref<2000x1xf32, #tpu.memory_space<vmem>>, %arg7: memref<1x2xf32, #tpu.memory_space<vmem>>, %arg8: memref<2000x128xf32, #tpu.memory_space<vmem>>, %arg9: memref<2000x128xf32, #tpu.memory_space<vmem>>) attributes {dimension_semantics = [#tpu.dimension_semantics<arbitrary>], iteration_bounds = array<i64: 5>, scalar_prefetch = 0 : i64, scratch_operands = 0 : i64, tpu.core_type = #tpu.core_type<tc>, window_params = [{transform_indices = @transform_0, window_bounds = array<i64: 2000, 128>}, {transform_indices = @transform_1, window_bounds = array<i64: 2000, 128>}, {transform_indices = @transform_2, window_bounds = array<i64: 2000, 128>}, {transform_indices = @transform_3, window_bounds = array<i64: 2000, 128>}, {transform_indices = @transform_4, window_bounds = array<i64: 2000, 1>}, {transform_indices = @transform_5, window_bounds = array<i64: 2000, 1>}, {pipeline_mode = #tpu.pipeline_mode<synchronous>, transform_indices = @transform_6, window_bounds = array<i64: 1, 2>}, {transform_indices = @transform_7, window_bounds = array<i64: 2000, 128>}, {transform_indices = @transform_8, window_bounds = array<i64: 2000, 128>}]} {
    %get3A = arith.constant 0 : index
    %get3A_0 = arith.constant 0 : index
    %get3A_1 = vector.load %arg1[%get3A, %get3A_0] : memref<2000x128xf32, #tpu.memory_space<vmem>>, vector<2000x128xf32>
    %get3A_2 = arith.constant 0 : index
    %get3A_3 = arith.constant 0 : index
    %get3A_4 = vector.load %arg7[%get3A_2, %get3A_3] : memref<1x2xf32, #tpu.memory_space<vmem>>, vector<1x1xf32>
    %get3A_5 = vector.extract %get3A_4[0, 0] : f32 from vector<1x1xf32>
    %get3A_6 = arith.constant 0 : index
    %get3A_7 = arith.constant 0 : index
    %get3A_8 = vector.load %arg5[%get3A_6, %get3A_7] : memref<2000x1xf32, #tpu.memory_space<vmem>>, vector<2000x1xf32>
    %get3A_9 = arith.constant 0 : index
    %get3A_10 = arith.constant 0 : index
    %get3A_11 = vector.load %arg3[%get3A_9, %get3A_10] : memref<2000x128xf32, #tpu.memory_space<vmem>>, vector<2000x128xf32>
    %mul3A = vector.broadcast %get3A_8 : vector<2000x1xf32> to vector<2000x128xf32>
    %mul3A_12 = arith.mulf %mul3A, %get3A_11 : vector<2000x128xf32>
    %mul3A_13 = vector.broadcast %get3A_5 : f32 to vector<2000x128xf32>
    %mul3A_14 = arith.mulf %mul3A_13, %mul3A_12 : vector<2000x128xf32>
    %add3A = arith.addf %get3A_1, %mul3A_14 : vector<2000x128xf32>
    %swap3A = arith.constant 0 : index
    %swap3A_15 = arith.constant 0 : index
    %swap3A_16 = vector.load %arg8[%swap3A, %swap3A_15] : memref<2000x128xf32, #tpu.memory_space<vmem>>, vector<2000x128xf32>
    tpu.vector_store %arg8[%swap3A, %swap3A_15], %add3A {strides = array<i32>} : memref<2000x128xf32, #tpu.memory_space<vmem>>, vector<2000x128xf32>,
    %get3A_17 = arith.constant 0 : index
    %get3A_18 = arith.constant 0 : index
    %get3A_19 = vector.load %arg2[%get3A_17, %get3A_18] : memref<2000x128xf32, #tpu.memory_space<vmem>>, vector<2000x128xf32>
    %get3A_20 = arith.constant 0 : index
    %get3A_21 = arith.constant 1 : index
    %get3A_22 = vector.load %arg7[%get3A_20, %get3A_21] : memref<1x2xf32, #tpu.memory_space<vmem>>, vector<1x1xf32>
    %get3A_23 = vector.extract %get3A_22[0, 0] : f32 from vector<1x1xf32>
    %get3A_24 = arith.constant 0 : index
    %get3A_25 = arith.constant 0 : index
    %get3A_26 = vector.load %arg6[%get3A_24, %get3A_25] : memref<2000x1xf32, #tpu.memory_space<vmem>>, vector<2000x1xf32>
    %get3A_27 = arith.constant 0 : index
    %get3A_28 = arith.constant 0 : index
    %get3A_29 = vector.load %arg4[%get3A_27, %get3A_28] : memref<2000x128xf32, #tpu.memory_space<vmem>>, vector<2000x128xf32>
    %mul3A_30 = vector.broadcast %get3A_26 : vector<2000x1xf32> to vector<2000x128xf32>
    %mul3A_31 = arith.mulf %mul3A_30, %get3A_29 : vector<2000x128xf32>
    %mul3A_32 = vector.broadcast %get3A_23 : f32 to vector<2000x128xf32>
    %mul3A_33 = arith.mulf %mul3A_32, %mul3A_31 : vector<2000x128xf32>
    %add3A_34 = arith.addf %get3A_19, %mul3A_33 : vector<2000x128xf32>
    %swap3A_35 = arith.constant 0 : index
    %swap3A_36 = arith.constant 0 : index
    %swap3A_37 = vector.load %arg9[%swap3A_35, %swap3A_36] : memref<2000x128xf32, #tpu.memory_space<vmem>>, vector<2000x128xf32>
    tpu.vector_store %arg9[%swap3A_35, %swap3A_36], %add3A_34 {strides = array<i32>} : memref<2000x128xf32, #tpu.memory_space<vmem>>, vector<2000x128xf32>,
    return
  }
  func.func @transform_0(%arg0: i32) -> (i32, i32) {
    %c0_i32 = arith.constant 0 : i32
    %c0_i32_0 = arith.constant 0 : i32
    return %arg0, %c0_i32 : i32, i32
  }
  func.func @transform_1(%arg0: i32) -> (i32, i32) {
    %c0_i32 = arith.constant 0 : i32
    %c0_i32_0 = arith.constant 0 : i32
    return %arg0, %c0_i32 : i32, i32
  }
  func.func @transform_2(%arg0: i32) -> (i32, i32) {
    %c0_i32 = arith.constant 0 : i32
    %c0_i32_0 = arith.constant 0 : i32
    return %arg0, %c0_i32 : i32, i32
  }
  func.func @transform_3(%arg0: i32) -> (i32, i32) {
    %c0_i32 = arith.constant 0 : i32
    %c0_i32_0 = arith.constant 0 : i32
    return %arg0, %c0_i32 : i32, i32
  }
  func.func @transform_4(%arg0: i32) -> (i32, i32) {
    %c0_i32 = arith.constant 0 : i32
    %c0_i32_0 = arith.constant 0 : i32
    return %arg0, %c0_i32 : i32, i32
  }
  func.func @transform_5(%arg0: i32) -> (i32, i32) {
    %c0_i32 = arith.constant 0 : i32
    %c0_i32_0 = arith.constant 0 : i32
    return %arg0, %c0_i32 : i32, i32
  }
  func.func @transform_6(%arg0: i32) -> (i32, i32) {
    %c0_i32 = arith.constant 0 : i32
    %c0_i32_0 = arith.constant 0 : i32
    %c0_i32_1 = arith.constant 0 : i32
    return %c0_i32, %c0_i32_0 : i32, i32
  }
  func.func @transform_7(%arg0: i32) -> (i32, i32) {
    %c0_i32 = arith.constant 0 : i32
    %c0_i32_0 = arith.constant 0 : i32
    return %arg0, %c0_i32 : i32, i32
  }
  func.func @transform_8(%arg0: i32) -> (i32, i32) {
    %c0_i32 = arith.constant 0 : i32
    %c0_i32_0 = arith.constant 0 : i32
    return %arg0, %c0_i32 : i32, i32
  }
}

</mosaic_0001>

<sc_bundles>
// kernel: kernel.11.cloned.1.call-start
scs
__scs_entry_jumppad:
0x0: {  	(pc) =	sbr.rel $0x88, $3  }
0x1: {  	(tag) =	ssettag $0x0;
	lr =	simm.s32 $0x1  }
0x2: {  	[smem:$0x3F94] =	sst lr;
	_ =	strace $0xD0000000  }
0x3: {  	_ = 	snop  }
0x4: {  	_ = 	snop  }
0x5: {  	_ = 	snop  }
0x6: {  	_ = 	snop  }
0x7: {  	_ = 	snop  }
__scs_overlays_trampoline_lowered:
0x8: {  	[smem:$0x3FA3] =	sst s0  }
0x9: {  	[smem:$0x3FA4] =	sst s1  }
0xa: {  	[smem:$0x3FA5] =	sst s2  }
0xb: {  	[smem:$0x3FA6] =	sst s3  }
0xc: {  	[smem:$0x3FA7] =	sst s4  }
0xd: {  	[smem:$0x3FA8] =	sst s5  }
0xe: {  	[smem:$0x3FA9] =	sst s6  }
0xf: {  	[smem:$0x3FAA] =	sst s7  }
0x10: {  	[smem:$0x3FAB] =	sst s8  }
0x11: {  	[smem:$0x3FAC] =	sst s9;
	s0 =	simm.s32 @!p0 $0x0  }
0x12: {  	s1 =	sld [smem:$0x3F92];
	s0 =	simm.s32 @p0 $0x1  }
0x13: {  	[smem:$0x3FAD] =	sst s0;
	s0 =	simm.s32 @!p1 $0x0  }
0x14: {  	s2 =	sld [smem:$0x3F91];
	s0 =	simm.s32 @p1 $0x1  }
0x15: {  	[smem:$0x3FAE] =	sst s0;
	s0 =	simm.s32 @!p2 $0x0  }
0x16: {  	s3 =	sld [smem:$0x3FDB];
	s0 =	simm.s32 @p2 $0x1  }
0x17: {  	s4 =	simm.s32 $0x1BF5;
	[smem:$0x3FB0] =	sst s0  }
0x18: {  	s0 =	sld [smem:$0x3F93];
	_ =	swait.ge [sflag:s4], $0x0  }
0x19: {  	s7 =	sld [smem:$0x3F94]  }
0x1a: {  	s8 =	sadd.s32 $0xFFFFE003, lr  }
0x1b: {  	s9 =	sadd.s32 $0xFFFFFEF7, lr;
	s5 =	simm.s32 $0xFFFFFFFF;
	p2 =	slt.u32 s8, $0xFFFFF086  }
0x1c: {  	p1 =	slt.u32 s9, $0xF7A;
	s5 =	simm.s32 @!p2 $0x0  }
0x1d: {  	s5 =	simm.s32 @p1 $0x1;
	p0 =	seq.s32 s7, s2  }
0x1e: {  	s7 =	smul.u32 @!p0 $0xF7A, s2;
	p2 =	seq.s32 @!p0 s5, $0x0  }
0x1f: {  	s9 =	smul.u32 $0xF7A, s1;
	s8 =	simm.s32 @!p0 $0x1BF5;
	p2 =	por !p2, p0  }
0x20: {  	[sflag:s8] =	ssyncset.s32 @!p0 $0xFFFFF086;
	s6 =	sadd.s32 @!p0 s3, s7;
	s7 =	simm.s32 @!p0 $0x108  }
0x21: {  	s3 =	sadd.s32 s3, s9;
	s6 =	sadd.s32 @!p0 $0x88, s6;
	s7 =	simm.s32 @p2 $0x1082  }
0x22: {  	[simem:s7], [sflag:s8] =	dma.local @!p0 [hbm:s6], $0xF7A  }
0x23: {  	s9 =	sor.u32 $0xD0000000, s2;
	s6 =	simm.s32 $0x108;
	_ =	swait.ge @!p0 [sflag:s8], $0x0  }
0x24: {  	s3 =	sadd.s32 $0x88, s3;
	s6 =	simm.s32 @!p1 $0x1082;
	[sflag:s4] =	ssyncset.s32 $0xFFFFF086  }
0x25: {  	[simem:s6], [sflag:s4] =	dma.local [hbm:s3], $0xF7A  }
0x26: {  	[smem:$0x3F94] =	sst s1;
	(tag) =	ssettag s2;
	_ =	strace s9  }
0x27: {  	s1 =	sld [smem:$0x3FA4]  }
0x28: {  	s2 =	sld [smem:$0x3FA5]  }
0x29: {  	s4 =	sld [smem:$0x3FA7]  }
0x2a: {  	p0 =	seq.s32 s5, $0x0;
	s5 =	sld [smem:$0x3FA8]  }
0x2b: {  	s6 =	sld [smem:$0x3FA9]  }
0x2c: {  	s7 =	sld [smem:$0x3FAA]  }
0x2d: {  	s3 =	simm.s32 $0x108;
	s8 =	sld [smem:$0x3FAB]  }
0x2e: {  	s3 =	simm.s32 @!p0 $0x1082;
	s9 =	sld [smem:$0x3FAC]  }
0x2f: {  	lr =	sadd.s32 s0, s3;
	s0 =	sld [smem:$0x3FA3]  }
0x30: {  	s3 =	sld [smem:$0x3FA6]  }
0x31: {  	[smem:$0x3FAF] =	sst s10  }
0x32: {  	s10 =	sld [smem:$0x3FAD];
	_ =	sdelay $0x3  }
0x33: {  	p0 =	seq.s32 s10, $0x1;
	s10 =	sld [smem:$0x3FAF];
	_ =	sdelay $0x3  }
0x34: {  	[smem:$0x3FAF] =	sst s10  }
0x35: {  	s10 =	sld [smem:$0x3FAE];
	_ =	sdelay $0x3  }
0x36: {  	p1 =	seq.s32 s10, $0x1;
	s10 =	sld [smem:$0x3FAF];
	_ =	sdelay $0x3  }
0x37: {  	[smem:$0x3FAF] =	sst s10  }
0x38: {  	s10 =	sld [smem:$0x3FB0]  }
0x39: {  	_ = 	snop;
	(pc) =	sbr.ind lr, $3  }
0x3a: {  	_ = 	snop  }
0x3b: {  	_ = 	snop  }
0x3c: {  	p2 =	seq.s32 s10, $0x1;
	s10 =	sld [smem:$0x3FAF]  }
0x3d: {  	_ =	shalt  }
0x3e: {  	_ =	shalt  }
0x3f: {  	_ =	shalt  }
0x40: {  	_ =	shalt  }
0x41: {  	_ =	shalt  }
0x42: {  	_ =	shalt  }
0x43: {  	_ =	shalt  }
0x44: {  	_ =	shalt  }
0x45: {  	_ =	shalt  }
0x46: {  	_ =	shalt  }
0x47: {  	_ =	shalt  }
0x48: {  	_ =	shalt  }
0x49: {  	_ =	shalt  }
0x4a: {  	_ =	shalt  }
0x4b: {  	_ =	shalt  }
0x4c: {  	_ =	shalt  }
0x4d: {  	_ =	shalt  }
0x4e: {  	_ =	shalt  }
0x4f: {  	_ =	shalt  }
0x50: {  	_ =	shalt  }
0x51: {  	_ =	shalt  }
0x52: {  	_ =	shalt  }
0x53: {  	_ =	shalt  }
0x54: {  	_ =	shalt  }
0x55: {  	_ =	shalt  }
0x56: {  	_ =	shalt  }
0x57: {  	_ =	shalt  }
0x58: {  	_ =	shalt  }
0x59: {  	_ =	shalt  }
0x5a: {  	_ =	shalt  }
0x5b: {  	_ =	shalt  }
0x5c: {  	_ =	shalt  }
0x5d: {  	_ =	shalt  }
0x5e: {  	_ =	shalt  }
0x5f: {  	_ =	shalt  }
0x60: {  	_ =	shalt  }
0x61: {  	_ =	shalt  }
0x62: {  	_ =	shalt  }
0x63: {  	_ =	shalt  }
0x64: {  	_ =	shalt  }
0x65: {  	_ =	shalt  }
0x66: {  	_ =	shalt  }
0x67: {  	_ =	shalt  }
0x68: {  	_ =	shalt  }
0x69: {  	_ =	shalt  }
0x6a: {  	_ =	shalt  }
0x6b: {  	_ =	shalt  }
0x6c: {  	_ =	shalt  }
0x6d: {  	_ =	shalt  }
0x6e: {  	_ =	shalt  }
0x6f: {  	_ =	shalt  }
0x70: {  	_ =	shalt  }
0x71: {  	_ =	shalt  }
0x72: {  	_ =	shalt  }
0x73: {  	_ =	shalt  }
0x74: {  	_ =	shalt  }
0x75: {  	_ =	shalt  }
0x76: {  	_ =	shalt  }
0x77: {  	_ =	shalt  }
0x78: {  	_ =	shalt  }
0x79: {  	_ =	shalt  }
0x7a: {  	_ =	shalt  }
0x7b: {  	_ =	shalt  }
0x7c: {  	_ =	shalt  }
0x7d: {  	_ =	shalt  }
0x7e: {  	_ =	shalt  }
0x7f: {  	_ =	shalt  }
0x80: {  	_ =	shalt  }
0x81: {  	_ =	shalt  }
0x82: {  	_ =	shalt  }
0x83: {  	_ =	shalt  }
0x84: {  	_ =	shalt  }
0x85: {  	_ =	shalt  }
0x86: {  	_ =	shalt  }
0x87: {  	_ =	shalt  }
.Lfunc_end0:
.L_simem_size_0:
called_computation.1_lowered:
.L_overlay_start_0:
0x88: {  	s2 =	sld [smem:$0x3FD9]  }
0x89: {  	s3 =	sld [smem:$0x3FFE];
	_ =	sdelay $0x1  }
0x8a: {  	s1 =	srdreg.scid  }
0x8b: {  	s0 =	sand.u32 $0x1, s1  }
0x8c: {  	s16 =	sshll.u32 s0, $0xA;
	s2 =	sadd.s32 s3, s2  }
0x8d: {  	s2 =	sadd.s32 s2, s16  }
0x8e: {  	[smem:$0x3FBB] =	sst s2  }
0x8f: {  	_ = 	snop  }
0x90: {  	(tm) =	ssettm $0x1  }
0x91: {  	s17 =	sld [smem:$0x3FFB];
	_ =	sdelay $0x3  }
0x92: {  	_ =	strace s17  }
0x93: {  	s2 =	sld [smem:$0x3FFC];
	_ =	sdelay $0x3  }
0x94: {  	_ =	strace s2  }
0x95: {  	s2 =	sld [smem:$0x3FFD];
	_ =	sdelay $0x3  }
0x96: {  	_ =	strace s2  }
0x97: {  	_ =	strace $0x8FFFFFFF  }
0x98: {  	s18 =	sld [smem:$0x3FDB];
	_ =	sdelay $0x1  }
0x99: {  	s19 =	simm.s32 $_scs_section_size  }
0x9a: {  	s4 =	simm.s32 $_size__tile_overlayer_lowered;
	s5 =	simm.s32 $_tile_overlayer_lowered  }
0x9b: {  	s22 =	simm.s32 $0x1BFF;
	s21 =	sshll.u32 s5, $0x1;
	s2 =	sadd.s32 s19, s18  }
0x9c: {  	s6 =	simm.s32 $0x0;
	s20 =	sshll.u32 s4, $0x1;
	s4 =	sadd.s32 s21, s2  }
0x9d: {  	[timem:s6], [sflag:s22] =	dma.local [hbm:s4], s20  }
0x9e: {  	_ =	swait.ge [sflag:s22], s20  }
0x9f: {  	s3 =	ssub.s32 $0x0, s20;
	[sflag:s22] =	ssyncset.done $0x0  }
0xa0: {  	[sflag:s22] =	ssyncadd.s32 s3;
	_ =	sdelay $0x1  }
0xa1: {  	s23 =	simm.s32 $0x1B8B  }
0xa2: {  	_ =	swait.ge [sflag:s23], $0x1  }
0xa3: {  	[sflag:s23] =	ssyncset.done $0x0  }
0xa4: {  	s25 =	simm.s32 $0x1B8E;
	s24 =	sld [smem:$0x3FFE];
	[sflag:s23] =	ssyncadd.s32 $0xFFFFFFFF  }
0xa5: {  	s26 =	simm.s32 $execute0_lowered;
	[smem:$0x3FD2] =	sst s25  }
0xa6: {  	s4 =	sshll.u32 s26, $0x1;
	_ =	strace $0x80000049;
	[dreg:$0x1] =	wrdreg $0xFFFFFFFF  }
0xa7: {  	s28 =	simm.s32 $_size_execute0_lowered;
	s2 =	sadd.s32 s2, s4;
	[dreg:$0x0] =	wrdreg $0x0  }
0xa8: {  	s4 =	sshll.u32 s28, $0x1;
	[dreg:$0x2] =	wrdreg s2  }
0xa9: {  	[dreg:$0x3] =	wrdreg s4  }
0xaa: {  	[dreg:$0x4] =	wrdreg $0xC0  }
0xab: {  	_ =	task [dreg:s6], $0x5FFFF  }
0xac: {  	[dreg:$0x1] =	wrdreg $0xFFFFFFFF  }
0xad: {  	[dreg:$0x0] =	wrdreg $0x60  }
0xae: {  	[dreg:$0x2] =	wrdreg s24  }
0xaf: {  	[dreg:$0x3] =	wrdreg $0xA8000  }
0xb0: {  	[dreg:$0x4] =	wrdreg $0x9  }
0xb1: {  	_ =	task.clear_ibuf [dreg:s6], $0x5FFFF;
	_ =	strace $0x90000049  }
0xb2: {  	s29 =	simm.s32 $0x9;
	_ =	strace $0x8000004B  }
0xb3: {  	_ =	swait.ge [sflag:s29], $0x1  }
0xb4: {  	[sflag:s29] =	ssyncadd.s32 $0xFFFFFFFF  }
0xb5: {  	_ =	strace $0x9000004B  }
0xb6: {  	_ =	sfence  }
0xb7: {  	s30 =	sld [smem:$0x0];
	_ =	sdelay $0x2  }
0xb8: {  	s31 =	sshll.u32 s1, $0xD;
	s1 =	sshrl.u32 s1, $0x2  }
0xb9: {  	s3 =	sand.u32 $0x4000, s31;
	s1 =	sadd.s32 s1, s30  }
0xba: {  	s0 =	sor.u32 s3, s0;
	s1 =	sshll.u32 s1, $0x11  }
0xbb: {  	s0 =	sor.u32 s1, s0  }
0xbc: {  	s0 =	sadd.s32 $0x8F2B, s0  }
0xbd: {  	[sflag:s0] =	ssyncadd.remote.s32 $0x1  }
0xbe: {  	_ =	sfence.sel $0xFFFF  }
0xbf: {  	[dreg:$0x0] =	wrdreg $0xFFFFFFFF;
	(pc) =	sbr.abs _section_cstart, $3  }
0xc0: {  	[dreg:$0x1] =	wrdreg $0xFFFFFFFF  }
0xc1: {  	_ =	task.clear_ibuf [dreg:s6], $0x2FFFF;
	_ =	strace $0x9FFFFFFF  }
0xc2: {  	(tm) =	ssettm $0x7FFFFFFF  }
0xc3: {  	_ =	shalt  }
tec
execute0_lowered:
.L_overlay_start_1:
0x0: {  	(tag) =	ssettag $0x1  }
0x1: {  	s0 =	rddreg [dreg:$0x0]  }
0x2: {  	s1 =	rddreg [dreg:$0x1];
	s2 =	simm.s32 $0x0  }
0x3: {  	s6 =	srdreg.scid;
	s4 =	stileid.u32;
	s28 =	simm.s32 $0x2800  }
0x4: {  	s29 =	simm.s32 $0x1;
	s30 =	simm.s32 $0x2;
	[smem:$0x7FF] =	sst s2  }
0x5: {  	s3 =	sadd.s32 $0x65E00, s0;
	s5 =	sadd.s32 $0x8D000, s0;
	s12 =	smul.u32 $0x4E000, s4  }
0x6: {  	s9 =	sadd.s32 $0xDA00, s0;
	s11 =	sadd.s32 $0x3A00, s0;
	s20 =	smul.u32 $0x2700, s4  }
0x7: {  	s8 =	sand.u32 $0x1, s6;
	s6 =	sadd.s32 $0xB4200, s0;
	s22 =	smul.u32 $0x5000, s4  }
0x8: {  	s7 =	sadd.s32 $0xDB400, s0;
	s23 =	smul.u32 $0xA00, s4;
	s25 =	sadd.s32 $0x8CE00, s0  }
0x9: {  	s0 =	sadd.s32 $0xB4000, s0;
	p1 =	sne.s32 s4, $0xF;
	p2 =	seq.s32 s4, $0xF  }
0xa: {  	_ =	strace $0x8000004A;
	s10 =	ssub.s32 $0x2, s8;
	[dreg:$0x4] =	wrdreg s25  }
0xb: {  	p0 =	seq.s32 s8, $0x1;
	[dreg:$0x7] =	wrdreg s0;
	s25 =	simm.s32 $0x3  }
0xc: {  	s13 =	sshrl.u32 s10, $0x1;
	s19 =	sshrl.u32 s12, $0x2;
	s24 =	sadd.s32 s3, s20  }
0xd: {  	s17 =	sshrl.u32 s22, $0x3;
	s12 =	sadd.s32 s11, s23;
	s26 =	sadd.s32 s6, s20  }
0xe: {  	s31 =	sadd.s32 s5, s20;
	s21 =	ssub.s32 s10, s13;
	s8 =	sadd.s32 s19, s1  }
0xf: {  	[dreg:$0x3] =	wrdreg s24;
	s10 =	sadd.s32 $0x138000, s1;
	s15 =	sadd.s32 $0x280, s17  }
.Ltmp0:
0x10: {  	s13 =	sadd.s32 s9, s23;
	[dreg:$0x5] =	wrdreg s26;
	(pc) =	sbr.rel .LBB2_1-.Ltmp0, $4  }
0x11: {  	s18 =	sadd.s32 $0x500, s17;
	s19 =	sadd.s32 $0x780, s17;
	[dreg:$0x6] =	wrdreg s31  }
0x12: {  	s23 =	sadd.s32 s7, s20;
	s26 =	simm.s32 $0x7D;
	s14 =	sadd.s32 s11, s15  }
0x13: {  	s15 =	sadd.s32 s9, s15;
	s16 =	sadd.s32 s11, s18;
	s17 =	sadd.s32 s9, s18  }
0x14: {  	s18 =	sadd.s32 s11, s19;
	s19 =	sadd.s32 s9, s19;
	s24 =	smax.u32 s21, $0x1  }
.LBB2_44:
0x15: {  	s0 =	sadd.s32 $0x27000, s0;
	s9 =	sshrl.u32 s10, $0x3  }
0x16: {  	[hbm:s0], [sflag:s31] =	dma.local [spmem:s9], $0x100  }
0x17: {  	_ =	swait.ge [sflag:s25], $0x100  }
0x18: {  	[sflag:s25] =	ssyncset.done $0x0  }
0x19: {  	[sflag:s25] =	ssyncadd.s32 $0xFFFFFF00  }
.LBB2_45:
0x1a: {  	s2 =	sadd.s32 $0x1, s2  }
0x1b: {  	p3 =	sne.s32 s2, s24  }
.Ltmp1:
0x1c: {  	_ = 	snop;
	(pc) =	sbr.rel @!p3 .LBB2_46-.Ltmp1, $1  }
0x1d: {  	_ =	sdelay $0x3  }
.LBB2_1:
.Ltmp2:
0x1e: {  	(pc) =	sbr.rel @!p0 .LBB2_2-.Ltmp2, $3  }
0x1f: {  	_ =	sdelay $0x1  }
0x20: {  	s11 =	sshll.u32 s4, $0x6  }
0x21: {  	s0 =	sshrl.u32 s8, $0x3;
	s9 =	sshrl.u32 @!p1 s10, $0x3;
	s31 =	sor.u32 $0x1C03, s11  }
0x22: {  	s31 =	sor.u32 $0x1C03, s11;
	s22 =	rddreg [dreg:$0x6]  }
0x23: {  	[spmem:s0], [sflag:s31] =	dma.local [hbm:s22], $0x2700  }
0x24: {  	_ =	swait.ge [sflag:s25], $0x2700  }
0x25: {  	[sflag:s25] =	ssyncset.done $0x0  }
0x26: {  	s11 =	rddreg [dreg:$0x7];
	[sflag:s25] =	ssyncadd.s32 $0xFFFFD900  }
0x27: {  	[spmem:s9], [sflag:s31] =	dma.local @!p1 [hbm:s11], $0x100  }
0x28: {  	s9 =	simm.s32 @!p1 $0x3  }
0x29: {  	_ =	swait.ge @!p1 [sflag:s9], $0x100  }
0x2a: {  	[sflag:s9] =	ssyncset.done @!p1 $0x0  }
0x2b: {  	[sflag:s9] =	ssyncadd.s32 @!p1 $0xFFFFFF00  }
0x2c: {  	s9 =	simm.s32 $0x0;
	[bflag:$0x0] =	sbarrier.arrive $0xFFFF  }
0x2d: {  	[tilespmem:s9], [sflag:$0x3] =	stream.linear.gather [hbm4b:s13+s9], $0x1400, $0x38;
	[tilespmem:$0x1E080] =	vst v63  }
0x2e: {  	_ =	swait.ge [sflag:s25], $0x1400  }
0x2f: {  	[sflag:s25] =	ssyncset.done $0x0  }
0x30: {  	s11 =	simm.s32 $0x1400;
	[sflag:s25] =	ssyncadd.s32 $0xFFFFEC00  }
0x31: {  	[tilespmem:s11], [sflag:$0x3] =	stream.linear.gather [hbm4b:s12+s9], $0x1400, $0x38;
	[tilespmem:$0x1E080] =	vst v63  }
.Ltmp3:
0x32: {  	_ = 	snop;
	(pc) =	sbr.rel .LBB2_24-.Ltmp3, $4  }
0x33: {  	_ =	swait.ge [sflag:s25], $0x1400  }
0x34: {  	[sflag:s25] =	ssyncset.done $0x0  }
0x35: {  	s20 =	simm.s32 $0x80;
	s21 =	simm.s32 $0x0;
	[sflag:s25] =	ssyncadd.s32 $0xFFFFEC00  }
0x36: {  	[tilespmem:s28], [sflag:$0x1] =	stream.indirect.gather [hbm4b:s5+s26], $0x80, s9, s26, $0xb8;
	[tilespmem:$0x1E080] =	vst v63  }
.LBB2_27:
0x37: {  	s21 =	sadd.s32 $0x1, s21  }
0x38: {  	p3 =	sne.s32 s21, $0x28  }
.Ltmp4:
0x39: {  	s9 =	sadd.s32 $0x4000, s9;
	(pc) =	sbr.rel @!p3 .LBB2_28-.Ltmp4, $4  }
0x3a: {  	s22 =	sand.u32 $0x4000, s9  }
0x3b: {  	s22 =	sor.u32 $0x2800, s22  }
0x3c: {  	[tilespmem:s22], [sflag:$0x1] =	stream.indirect.gather [hbm4b:s5+s26], $0x80, s20, s26, $0xb8;
	[tilespmem:$0x1E080] =	vst v63  }
0x3d: {  	s11 =	sadd.s32 $0x80, s11;
	s20 =	sadd.s32 $0x80, s20  }
.LBB2_24:
0x3e: {  	p3 =	seq.s32 s21, $0x0  }
.Ltmp5:
0x3f: {  	_ = 	snop;
	(pc) =	sbr.rel @p3 .LBB2_27-.Ltmp5, $4  }
0x40: {  	_ =	swait.ge [sflag:s29], $0x3E80  }
0x41: {  	s22 =	sand.u32 $0x4000, s9;
	[sflag:s29] =	ssyncset.done $0x0  }
0x42: {  	s22 =	sor.u32 $0x2800, s22;
	[sflag:s29] =	ssyncadd.s32 $0xFFFFC180  }
0x43: {  	[spmem:s1] =	stream.indirect.scatter.add.f32 [tilespmem:s22], [sflag:$0x2], $0x80, s11, s26, $0xb8;
	[tilespmem:$0x1E080] =	vst v63  }
0x44: {  	p3 =	seq.s32 s21, $0x27  }
.Ltmp6:
0x45: {  	_ = 	snop;
	(pc) =	sbr.rel @p3 .LBB2_28-.Ltmp6, $1  }
0x46: {  	_ =	sdelay $0x3  }
.Ltmp7:
0x47: {  	(pc) =	sbr.rel .LBB2_27-.Ltmp7, $4  }
0x48: {  	_ = 	snop  }
0x49: {  	_ =	swait.ge [sflag:s30], $0x3E80  }
0x4a: {  	[sflag:s30] =	ssyncset.done $0x0  }
0x4b: {  	[sflag:s30] =	ssyncadd.s32 $0xFFFFC180  }
.LBB2_2:
0x4c: {  	s11 =	rddreg [dreg:$0x3]  }
0x4d: {  	[spmem:s0], [sflag:s31] =	dma.local [hbm:s11], $0x2700  }
0x4e: {  	_ =	swait.ge [sflag:s25], $0x2700  }
0x4f: {  	[sflag:s25] =	ssyncset.done $0x0  }
0x50: {  	s11 =	rddreg [dreg:$0x4];
	[sflag:s25] =	ssyncadd.s32 $0xFFFFD900  }
0x51: {  	[spmem:s9], [sflag:s31] =	dma.local @!p1 [hbm:s11], $0x100  }
0x52: {  	s9 =	simm.s32 @!p1 $0x3  }
0x53: {  	_ =	swait.ge @!p1 [sflag:s9], $0x100  }
0x54: {  	[sflag:s9] =	ssyncset.done @!p1 $0x0  }
0x55: {  	[sflag:s9] =	ssyncadd.s32 @!p1 $0xFFFFFF00  }
0x56: {  	s9 =	simm.s32 $0x0;
	[bflag:$0x0] =	sbarrier.arrive $0xFFFF  }
0x57: {  	[tilespmem:s9], [sflag:$0x3] =	stream.linear.gather [hbm4b:s12+s9], $0x1400, $0x38;
	[tilespmem:$0x1E080] =	vst v63  }
0x58: {  	_ =	swait.ge [sflag:s25], $0x1400  }
0x59: {  	[sflag:s25] =	ssyncset.done $0x0  }
0x5a: {  	s11 =	simm.s32 $0x1400;
	[sflag:s25] =	ssyncadd.s32 $0xFFFFEC00  }
0x5b: {  	[tilespmem:s11], [sflag:$0x3] =	stream.linear.gather [hbm4b:s13+s9], $0x1400, $0x38;
	[tilespmem:$0x1E080] =	vst v63  }
.Ltmp8:
0x5c: {  	_ = 	snop;
	(pc) =	sbr.rel .LBB2_3-.Ltmp8, $4  }
0x5d: {  	_ =	swait.ge [sflag:s25], $0x1400  }
0x5e: {  	[sflag:s25] =	ssyncset.done $0x0  }
0x5f: {  	s20 =	simm.s32 $0x80;
	s21 =	simm.s32 $0x0;
	[sflag:s25] =	ssyncadd.s32 $0xFFFFEC00  }
0x60: {  	[tilespmem:s28], [sflag:$0x1] =	stream.indirect.gather [hbm4b:s3+s26], $0x80, s9, s26, $0xb8;
	[tilespmem:$0x1E080] =	vst v63  }
.LBB2_6:
0x61: {  	s21 =	sadd.s32 $0x1, s21  }
0x62: {  	p3 =	sne.s32 s21, $0x28  }
.Ltmp9:
0x63: {  	s9 =	sadd.s32 $0x4000, s9;
	(pc) =	sbr.rel @!p3 .LBB2_7-.Ltmp9, $4  }
0x64: {  	s22 =	sand.u32 $0x4000, s9  }
0x65: {  	s22 =	sor.u32 $0x2800, s22  }
0x66: {  	[tilespmem:s22], [sflag:$0x1] =	stream.indirect.gather [hbm4b:s3+s26], $0x80, s20, s26, $0xb8;
	[tilespmem:$0x1E080] =	vst v63  }
0x67: {  	s11 =	sadd.s32 $0x80, s11;
	s20 =	sadd.s32 $0x80, s20  }
.LBB2_3:
0x68: {  	p3 =	seq.s32 s21, $0x0  }
.Ltmp10:
0x69: {  	_ = 	snop;
	(pc) =	sbr.rel @p3 .LBB2_6-.Ltmp10, $4  }
0x6a: {  	_ =	swait.ge [sflag:s29], $0x3E80  }
0x6b: {  	s22 =	sand.u32 $0x4000, s9;
	[sflag:s29] =	ssyncset.done $0x0  }
0x6c: {  	s22 =	sor.u32 $0x2800, s22;
	[sflag:s29] =	ssyncadd.s32 $0xFFFFC180  }
0x6d: {  	[spmem:s1] =	stream.indirect.scatter.add.f32 [tilespmem:s22], [sflag:$0x2], $0x80, s11, s26, $0xb8;
	[tilespmem:$0x1E080] =	vst v63  }
0x6e: {  	p3 =	seq.s32 s21, $0x27  }
.Ltmp11:
0x6f: {  	_ = 	snop;
	(pc) =	sbr.rel @p3 .LBB2_7-.Ltmp11, $1  }
0x70: {  	_ =	sdelay $0x3  }
.Ltmp12:
0x71: {  	(pc) =	sbr.rel .LBB2_6-.Ltmp12, $4  }
0x72: {  	_ = 	snop  }
0x73: {  	_ =	swait.ge [sflag:s30], $0x3E80  }
0x74: {  	[sflag:s30] =	ssyncset.done $0x0  }
0x75: {  	[sflag:s30] =	ssyncadd.s32 $0xFFFFC180  }
.LBB2_28:
0x76: {  	_ =	swait.ge [sflag:s30], $0x3E80  }
0x77: {  	[sflag:s30] =	ssyncset.done $0x0  }
0x78: {  	[sflag:s30] =	ssyncadd.s32 $0xFFFFC180  }
0x79: {  	_ =	swait.ge [sflag:s30], $0x3E80  }
0x7a: {  	[sflag:s30] =	ssyncset.done $0x0  }
0x7b: {  	s9 =	simm.s32 $0x0;
	[sflag:s30] =	ssyncadd.s32 $0xFFFFC180  }
0x7c: {  	[tilespmem:s9], [sflag:$0x3] =	stream.linear.gather [hbm4b:s15+s9], $0x1400, $0x38;
	[tilespmem:$0x1E080] =	vst v63  }
0x7d: {  	_ =	swait.ge [sflag:s25], $0x1400  }
0x7e: {  	[sflag:s25] =	ssyncset.done $0x0  }
0x7f: {  	s11 =	simm.s32 $0x1400;
	[sflag:s25] =	ssyncadd.s32 $0xFFFFEC00  }
0x80: {  	[tilespmem:s11], [sflag:$0x3] =	stream.linear.gather [hbm4b:s14+s9], $0x1400, $0x38;
	[tilespmem:$0x1E080] =	vst v63  }
.Ltmp13:
0x81: {  	_ = 	snop;
	(pc) =	sbr.rel .LBB2_29-.Ltmp13, $4  }
0x82: {  	_ =	swait.ge [sflag:s25], $0x1400  }
0x83: {  	[sflag:s25] =	ssyncset.done $0x0  }
0x84: {  	s20 =	simm.s32 $0x80;
	s21 =	simm.s32 $0x0;
	[sflag:s25] =	ssyncadd.s32 $0xFFFFEC00  }
0x85: {  	[tilespmem:s28], [sflag:$0x1] =	stream.indirect.gather [hbm4b:s5+s26], $0x80, s9, s26, $0xb8;
	[tilespmem:$0x1E080] =	vst v63  }
.LBB2_32:
0x86: {  	s21 =	sadd.s32 $0x1, s21  }
0x87: {  	p3 =	sne.s32 s21, $0x28  }
.Ltmp14:
0x88: {  	s9 =	sadd.s32 $0x4000, s9;
	(pc) =	sbr.rel @!p3 .LBB2_33-.Ltmp14, $4  }
0x89: {  	s22 =	sand.u32 $0x4000, s9  }
0x8a: {  	s22 =	sor.u32 $0x2800, s22  }
0x8b: {  	[tilespmem:s22], [sflag:$0x1] =	stream.indirect.gather [hbm4b:s5+s26], $0x80, s20, s26, $0xb8;
	[tilespmem:$0x1E080] =	vst v63  }
0x8c: {  	s11 =	sadd.s32 $0x80, s11;
	s20 =	sadd.s32 $0x80, s20  }
.LBB2_29:
0x8d: {  	p3 =	seq.s32 s21, $0x0  }
.Ltmp15:
0x8e: {  	_ = 	snop;
	(pc) =	sbr.rel @p3 .LBB2_32-.Ltmp15, $4  }
0x8f: {  	_ =	swait.ge [sflag:s29], $0x3E80  }
0x90: {  	s22 =	sand.u32 $0x4000, s9;
	[sflag:s29] =	ssyncset.done $0x0  }
0x91: {  	s22 =	sor.u32 $0x2800, s22;
	[sflag:s29] =	ssyncadd.s32 $0xFFFFC180  }
0x92: {  	[spmem:s1] =	stream.indirect.scatter.add.f32 [tilespmem:s22], [sflag:$0x2], $0x80, s11, s26, $0xb8;
	[tilespmem:$0x1E080] =	vst v63  }
0x93: {  	p3 =	seq.s32 s21, $0x27  }
.Ltmp16:
0x94: {  	_ = 	snop;
	(pc) =	sbr.rel @p3 .LBB2_33-.Ltmp16, $1  }
0x95: {  	_ =	sdelay $0x3  }
.Ltmp17:
0x96: {  	(pc) =	sbr.rel .LBB2_32-.Ltmp17, $4  }
0x97: {  	_ = 	snop  }
0x98: {  	_ =	swait.ge [sflag:s30], $0x3E80  }
0x99: {  	[sflag:s30] =	ssyncset.done $0x0  }
0x9a: {  	[sflag:s30] =	ssyncadd.s32 $0xFFFFC180  }
.LBB2_7:
0x9b: {  	_ =	swait.ge [sflag:s30], $0x3E80  }
0x9c: {  	[sflag:s30] =	ssyncset.done $0x0  }
0x9d: {  	[sflag:s30] =	ssyncadd.s32 $0xFFFFC180  }
0x9e: {  	_ =	swait.ge [sflag:s30], $0x3E80  }
0x9f: {  	[sflag:s30] =	ssyncset.done $0x0  }
0xa0: {  	s9 =	simm.s32 $0x0;
	[sflag:s30] =	ssyncadd.s32 $0xFFFFC180  }
0xa1: {  	[tilespmem:s9], [sflag:$0x3] =	stream.linear.gather [hbm4b:s14+s9], $0x1400, $0x38;
	[tilespmem:$0x1E080] =	vst v63  }
0xa2: {  	_ =	swait.ge [sflag:s25], $0x1400  }
0xa3: {  	[sflag:s25] =	ssyncset.done $0x0  }
0xa4: {  	s11 =	simm.s32 $0x1400;
	[sflag:s25] =	ssyncadd.s32 $0xFFFFEC00  }
0xa5: {  	[tilespmem:s11], [sflag:$0x3] =	stream.linear.gather [hbm4b:s15+s9], $0x1400, $0x38;
	[tilespmem:$0x1E080] =	vst v63  }
.Ltmp18:
0xa6: {  	_ = 	snop;
	(pc) =	sbr.rel .LBB2_8-.Ltmp18, $4  }
0xa7: {  	_ =	swait.ge [sflag:s25], $0x1400  }
0xa8: {  	[sflag:s25] =	ssyncset.done $0x0  }
0xa9: {  	s20 =	simm.s32 $0x80;
	s21 =	simm.s32 $0x0;
	[sflag:s25] =	ssyncadd.s32 $0xFFFFEC00  }
0xaa: {  	[tilespmem:s28], [sflag:$0x1] =	stream.indirect.gather [hbm4b:s3+s26], $0x80, s9, s26, $0xb8;
	[tilespmem:$0x1E080] =	vst v63  }
.LBB2_11:
0xab: {  	s21 =	sadd.s32 $0x1, s21  }
0xac: {  	p3 =	sne.s32 s21, $0x28  }
.Ltmp19:
0xad: {  	s9 =	sadd.s32 $0x4000, s9;
	(pc) =	sbr.rel @!p3 .LBB2_12-.Ltmp19, $4  }
0xae: {  	s22 =	sand.u32 $0x4000, s9  }
0xaf: {  	s22 =	sor.u32 $0x2800, s22  }
0xb0: {  	[tilespmem:s22], [sflag:$0x1] =	stream.indirect.gather [hbm4b:s3+s26], $0x80, s20, s26, $0xb8;
	[tilespmem:$0x1E080] =	vst v63  }
0xb1: {  	s11 =	sadd.s32 $0x80, s11;
	s20 =	sadd.s32 $0x80, s20  }
.LBB2_8:
0xb2: {  	p3 =	seq.s32 s21, $0x0  }
.Ltmp20:
0xb3: {  	_ = 	snop;
	(pc) =	sbr.rel @p3 .LBB2_11-.Ltmp20, $4  }
0xb4: {  	_ =	swait.ge [sflag:s29], $0x3E80  }
0xb5: {  	s22 =	sand.u32 $0x4000, s9;
	[sflag:s29] =	ssyncset.done $0x0  }
0xb6: {  	s22 =	sor.u32 $0x2800, s22;
	[sflag:s29] =	ssyncadd.s32 $0xFFFFC180  }
0xb7: {  	[spmem:s1] =	stream.indirect.scatter.add.f32 [tilespmem:s22], [sflag:$0x2], $0x80, s11, s26, $0xb8;
	[tilespmem:$0x1E080] =	vst v63  }
0xb8: {  	p3 =	seq.s32 s21, $0x27  }
.Ltmp21:
0xb9: {  	_ = 	snop;
	(pc) =	sbr.rel @p3 .LBB2_12-.Ltmp21, $1  }
0xba: {  	_ =	sdelay $0x3  }
.Ltmp22:
0xbb: {  	(pc) =	sbr.rel .LBB2_11-.Ltmp22, $4  }
0xbc: {  	_ = 	snop  }
0xbd: {  	_ =	swait.ge [sflag:s30], $0x3E80  }
0xbe: {  	[sflag:s30] =	ssyncset.done $0x0  }
0xbf: {  	[sflag:s30] =	ssyncadd.s32 $0xFFFFC180  }
.LBB2_33:
0xc0: {  	_ =	swait.ge [sflag:s30], $0x3E80  }
0xc1: {  	[sflag:s30] =	ssyncset.done $0x0  }
0xc2: {  	[sflag:s30] =	ssyncadd.s32 $0xFFFFC180  }
0xc3: {  	_ =	swait.ge [sflag:s30], $0x3E80  }
0xc4: {  	[sflag:s30] =	ssyncset.done $0x0  }
0xc5: {  	s9 =	simm.s32 $0x0;
	[sflag:s30] =	ssyncadd.s32 $0xFFFFC180  }
0xc6: {  	[tilespmem:s9], [sflag:$0x3] =	stream.linear.gather [hbm4b:s17+s9], $0x1400, $0x38;
	[tilespmem:$0x1E080] =	vst v63  }
0xc7: {  	_ =	swait.ge [sflag:s25], $0x1400  }
0xc8: {  	[sflag:s25] =	ssyncset.done $0x0  }
0xc9: {  	s11 =	simm.s32 $0x1400;
	[sflag:s25] =	ssyncadd.s32 $0xFFFFEC00  }
0xca: {  	[tilespmem:s11], [sflag:$0x3] =	stream.linear.gather [hbm4b:s16+s9], $0x1400, $0x38;
	[tilespmem:$0x1E080] =	vst v63  }
.Ltmp23:
0xcb: {  	_ = 	snop;
	(pc) =	sbr.rel .LBB2_34-.Ltmp23, $4  }
0xcc: {  	_ =	swait.ge [sflag:s25], $0x1400  }
0xcd: {  	[sflag:s25] =	ssyncset.done $0x0  }
0xce: {  	s20 =	simm.s32 $0x80;
	s21 =	simm.s32 $0x0;
	[sflag:s25] =	ssyncadd.s32 $0xFFFFEC00  }
0xcf: {  	[tilespmem:s28], [sflag:$0x1] =	stream.indirect.gather [hbm4b:s5+s26], $0x80, s9, s26, $0xb8;
	[tilespmem:$0x1E080] =	vst v63  }
.LBB2_37:
0xd0: {  	s21 =	sadd.s32 $0x1, s21  }
0xd1: {  	p3 =	sne.s32 s21, $0x28  }
.Ltmp24:
0xd2: {  	s9 =	sadd.s32 $0x4000, s9;
	(pc) =	sbr.rel @!p3 .LBB2_38-.Ltmp24, $4  }
0xd3: {  	s22 =	sand.u32 $0x4000, s9  }
0xd4: {  	s22 =	sor.u32 $0x2800, s22  }
0xd5: {  	[tilespmem:s22], [sflag:$0x1] =	stream.indirect.gather [hbm4b:s5+s26], $0x80, s20, s26, $0xb8;
	[tilespmem:$0x1E080] =	vst v63  }
0xd6: {  	s11 =	sadd.s32 $0x80, s11;
	s20 =	sadd.s32 $0x80, s20  }
.LBB2_34:
0xd7: {  	p3 =	seq.s32 s21, $0x0  }
.Ltmp25:
0xd8: {  	_ = 	snop;
	(pc) =	sbr.rel @p3 .LBB2_37-.Ltmp25, $4  }
0xd9: {  	_ =	swait.ge [sflag:s29], $0x3E80  }
0xda: {  	s22 =	sand.u32 $0x4000, s9;
	[sflag:s29] =	ssyncset.done $0x0  }
0xdb: {  	s22 =	sor.u32 $0x2800, s22;
	[sflag:s29] =	ssyncadd.s32 $0xFFFFC180  }
0xdc: {  	[spmem:s1] =	stream.indirect.scatter.add.f32 [tilespmem:s22], [sflag:$0x2], $0x80, s11, s26, $0xb8;
	[tilespmem:$0x1E080] =	vst v63  }
0xdd: {  	p3 =	seq.s32 s21, $0x27  }
.Ltmp26:
0xde: {  	_ = 	snop;
	(pc) =	sbr.rel @p3 .LBB2_38-.Ltmp26, $1  }
0xdf: {  	_ =	sdelay $0x3  }
.Ltmp27:
0xe0: {  	(pc) =	sbr.rel .LBB2_37-.Ltmp27, $4  }
0xe1: {  	_ = 	snop  }
0xe2: {  	_ =	swait.ge [sflag:s30], $0x3E80  }
0xe3: {  	[sflag:s30] =	ssyncset.done $0x0  }
0xe4: {  	[sflag:s30] =	ssyncadd.s32 $0xFFFFC180  }
.LBB2_12:
0xe5: {  	_ =	swait.ge [sflag:s30], $0x3E80  }
0xe6: {  	[sflag:s30] =	ssyncset.done $0x0  }
0xe7: {  	[sflag:s30] =	ssyncadd.s32 $0xFFFFC180  }
0xe8: {  	_ =	swait.ge [sflag:s30], $0x3E80  }
0xe9: {  	[sflag:s30] =	ssyncset.done $0x0  }
0xea: {  	s9 =	simm.s32 $0x0;
	[sflag:s30] =	ssyncadd.s32 $0xFFFFC180  }
0xeb: {  	[tilespmem:s9], [sflag:$0x3] =	stream.linear.gather [hbm4b:s16+s9], $0x1400, $0x38;
	[tilespmem:$0x1E080] =	vst v63  }
0xec: {  	_ =	swait.ge [sflag:s25], $0x1400  }
0xed: {  	[sflag:s25] =	ssyncset.done $0x0  }
0xee: {  	s11 =	simm.s32 $0x1400;
	[sflag:s25] =	ssyncadd.s32 $0xFFFFEC00  }
0xef: {  	[tilespmem:s11], [sflag:$0x3] =	stream.linear.gather [hbm4b:s17+s9], $0x1400, $0x38;
	[tilespmem:$0x1E080] =	vst v63  }
.Ltmp28:
0xf0: {  	_ = 	snop;
	(pc) =	sbr.rel .LBB2_13-.Ltmp28, $4  }
0xf1: {  	_ =	swait.ge [sflag:s25], $0x1400  }
0xf2: {  	[sflag:s25] =	ssyncset.done $0x0  }
0xf3: {  	s20 =	simm.s32 $0x80;
	s21 =	simm.s32 $0x0;
	[sflag:s25] =	ssyncadd.s32 $0xFFFFEC00  }
0xf4: {  	[tilespmem:s28], [sflag:$0x1] =	stream.indirect.gather [hbm4b:s3+s26], $0x80, s9, s26, $0xb8;
	[tilespmem:$0x1E080] =	vst v63  }
.LBB2_16:
0xf5: {  	s21 =	sadd.s32 $0x1, s21  }
0xf6: {  	p3 =	sne.s32 s21, $0x28  }
.Ltmp29:
0xf7: {  	s9 =	sadd.s32 $0x4000, s9;
	(pc) =	sbr.rel @!p3 .LBB2_17-.Ltmp29, $4  }
0xf8: {  	s22 =	sand.u32 $0x4000, s9  }
0xf9: {  	s22 =	sor.u32 $0x2800, s22  }
0xfa: {  	[tilespmem:s22], [sflag:$0x1] =	stream.indirect.gather [hbm4b:s3+s26], $0x80, s20, s26, $0xb8;
	[tilespmem:$0x1E080] =	vst v63  }
0xfb: {  	s11 =	sadd.s32 $0x80, s11;
	s20 =	sadd.s32 $0x80, s20  }
.LBB2_13:
0xfc: {  	p3 =	seq.s32 s21, $0x0  }
.Ltmp30:
0xfd: {  	_ = 	snop;
	(pc) =	sbr.rel @p3 .LBB2_16-.Ltmp30, $4  }
0xfe: {  	_ =	swait.ge [sflag:s29], $0x3E80  }
0xff: {  	s22 =	sand.u32 $0x4000, s9;
	[sflag:s29] =	ssyncset.done $0x0  }
0x100: {  	s22 =	sor.u32 $0x2800, s22;
	[sflag:s29] =	ssyncadd.s32 $0xFFFFC180  }
0x101: {  	[spmem:s1] =	stream.indirect.scatter.add.f32 [tilespmem:s22], [sflag:$0x2], $0x80, s11, s26, $0xb8;
	[tilespmem:$0x1E080] =	vst v63  }
0x102: {  	p3 =	seq.s32 s21, $0x27  }
.Ltmp31:
0x103: {  	_ = 	snop;
	(pc) =	sbr.rel @p3 .LBB2_17-.Ltmp31, $1  }
0x104: {  	_ =	sdelay $0x3  }
.Ltmp32:
0x105: {  	(pc) =	sbr.rel .LBB2_16-.Ltmp32, $4  }
0x106: {  	_ = 	snop  }
0x107: {  	_ =	swait.ge [sflag:s30], $0x3E80  }
0x108: {  	[sflag:s30] =	ssyncset.done $0x0  }
0x109: {  	[sflag:s30] =	ssyncadd.s32 $0xFFFFC180  }
.LBB2_38:
0x10a: {  	_ =	swait.ge [sflag:s30], $0x3E80  }
0x10b: {  	[sflag:s30] =	ssyncset.done $0x0  }
0x10c: {  	[sflag:s30] =	ssyncadd.s32 $0xFFFFC180  }
0x10d: {  	_ =	swait.ge [sflag:s30], $0x3E80  }
0x10e: {  	[sflag:s30] =	ssyncset.done $0x0  }
0x10f: {  	s9 =	simm.s32 $0x0;
	[sflag:s30] =	ssyncadd.s32 $0xFFFFC180  }
0x110: {  	[tilespmem:s9], [sflag:$0x3] =	stream.linear.gather [hbm4b:s19+s9], $0x1400, $0x38;
	[tilespmem:$0x1E080] =	vst v63  }
0x111: {  	_ =	swait.ge [sflag:s25], $0x1400  }
0x112: {  	[sflag:s25] =	ssyncset.done $0x0  }
0x113: {  	s11 =	simm.s32 $0x1400;
	[sflag:s25] =	ssyncadd.s32 $0xFFFFEC00  }
0x114: {  	[tilespmem:s11], [sflag:$0x3] =	stream.linear.gather [hbm4b:s18+s9], $0x1400, $0x38;
	[tilespmem:$0x1E080] =	vst v63  }
.Ltmp33:
0x115: {  	_ = 	snop;
	(pc) =	sbr.rel .LBB2_39-.Ltmp33, $4  }
0x116: {  	_ =	swait.ge [sflag:s25], $0x1400  }
0x117: {  	[sflag:s25] =	ssyncset.done $0x0  }
0x118: {  	s20 =	simm.s32 $0x80;
	s21 =	simm.s32 $0x0;
	[sflag:s25] =	ssyncadd.s32 $0xFFFFEC00  }
0x119: {  	[tilespmem:s28], [sflag:$0x1] =	stream.indirect.gather [hbm4b:s5+s26], $0x80, s9, s26, $0xb8;
	[tilespmem:$0x1E080] =	vst v63  }
.LBB2_42:
0x11a: {  	s21 =	sadd.s32 $0x1, s21  }
0x11b: {  	p3 =	sne.s32 s21, $0x28  }
.Ltmp34:
0x11c: {  	s9 =	sadd.s32 $0x4000, s9;
	(pc) =	sbr.rel @!p3 .LBB2_43-.Ltmp34, $4  }
0x11d: {  	s22 =	sand.u32 $0x4000, s9  }
0x11e: {  	s22 =	sor.u32 $0x2800, s22  }
0x11f: {  	[tilespmem:s22], [sflag:$0x1] =	stream.indirect.gather [hbm4b:s5+s26], $0x80, s20, s26, $0xb8;
	[tilespmem:$0x1E080] =	vst v63  }
0x120: {  	s11 =	sadd.s32 $0x80, s11;
	s20 =	sadd.s32 $0x80, s20  }
.LBB2_39:
0x121: {  	p3 =	seq.s32 s21, $0x0  }
.Ltmp35:
0x122: {  	_ = 	snop;
	(pc) =	sbr.rel @p3 .LBB2_42-.Ltmp35, $4  }
0x123: {  	_ =	swait.ge [sflag:s29], $0x3E80  }
0x124: {  	s22 =	sand.u32 $0x4000, s9;
	[sflag:s29] =	ssyncset.done $0x0  }
0x125: {  	s22 =	sor.u32 $0x2800, s22;
	[sflag:s29] =	ssyncadd.s32 $0xFFFFC180  }
0x126: {  	[spmem:s1] =	stream.indirect.scatter.add.f32 [tilespmem:s22], [sflag:$0x2], $0x80, s11, s26, $0xb8;
	[tilespmem:$0x1E080] =	vst v63  }
0x127: {  	p3 =	seq.s32 s21, $0x27  }
.Ltmp36:
0x128: {  	_ = 	snop;
	(pc) =	sbr.rel @p3 .LBB2_43-.Ltmp36, $1  }
0x129: {  	_ =	sdelay $0x3  }
.Ltmp37:
0x12a: {  	(pc) =	sbr.rel .LBB2_42-.Ltmp37, $4  }
0x12b: {  	_ = 	snop  }
0x12c: {  	_ =	swait.ge [sflag:s30], $0x3E80  }
0x12d: {  	[sflag:s30] =	ssyncset.done $0x0  }
0x12e: {  	[sflag:s30] =	ssyncadd.s32 $0xFFFFC180  }
.LBB2_17:
0x12f: {  	_ =	swait.ge [sflag:s30], $0x3E80  }
0x130: {  	[sflag:s30] =	ssyncset.done $0x0  }
0x131: {  	[sflag:s30] =	ssyncadd.s32 $0xFFFFC180  }
0x132: {  	_ =	swait.ge [sflag:s30], $0x3E80  }
0x133: {  	[sflag:s30] =	ssyncset.done $0x0  }
0x134: {  	s9 =	simm.s32 $0x0;
	[sflag:s30] =	ssyncadd.s32 $0xFFFFC180  }
0x135: {  	[tilespmem:s9], [sflag:$0x3] =	stream.linear.gather [hbm4b:s18+s9], $0x1400, $0x38;
	[tilespmem:$0x1E080] =	vst v63  }
0x136: {  	_ =	swait.ge [sflag:s25], $0x1400  }
0x137: {  	[sflag:s25] =	ssyncset.done $0x0  }
0x138: {  	s11 =	simm.s32 $0x1400;
	[sflag:s25] =	ssyncadd.s32 $0xFFFFEC00  }
0x139: {  	[tilespmem:s11], [sflag:$0x3] =	stream.linear.gather [hbm4b:s19+s9], $0x1400, $0x38;
	[tilespmem:$0x1E080] =	vst v63  }
.Ltmp38:
0x13a: {  	_ = 	snop;
	(pc) =	sbr.rel .LBB2_18-.Ltmp38, $4  }
0x13b: {  	_ =	swait.ge [sflag:s25], $0x1400  }
0x13c: {  	[sflag:s25] =	ssyncset.done $0x0  }
0x13d: {  	s20 =	simm.s32 $0x80;
	s21 =	simm.s32 $0x0;
	[sflag:s25] =	ssyncadd.s32 $0xFFFFEC00  }
0x13e: {  	[tilespmem:s28], [sflag:$0x1] =	stream.indirect.gather [hbm4b:s3+s26], $0x80, s9, s26, $0xb8;
	[tilespmem:$0x1E080] =	vst v63  }
.LBB2_21:
0x13f: {  	s21 =	sadd.s32 $0x1, s21  }
0x140: {  	p3 =	sne.s32 s21, $0x28  }
.Ltmp39:
0x141: {  	s9 =	sadd.s32 $0x4000, s9;
	(pc) =	sbr.rel @!p3 .LBB2_22-.Ltmp39, $4  }
0x142: {  	s22 =	sand.u32 $0x4000, s9  }
0x143: {  	s22 =	sor.u32 $0x2800, s22  }
0x144: {  	[tilespmem:s22], [sflag:$0x1] =	stream.indirect.gather [hbm4b:s3+s26], $0x80, s20, s26, $0xb8;
	[tilespmem:$0x1E080] =	vst v63  }
0x145: {  	s11 =	sadd.s32 $0x80, s11;
	s20 =	sadd.s32 $0x80, s20  }
.LBB2_18:
0x146: {  	p3 =	seq.s32 s21, $0x0  }
.Ltmp40:
0x147: {  	_ = 	snop;
	(pc) =	sbr.rel @p3 .LBB2_21-.Ltmp40, $4  }
0x148: {  	_ =	swait.ge [sflag:s29], $0x3E80  }
0x149: {  	s22 =	sand.u32 $0x4000, s9;
	[sflag:s29] =	ssyncset.done $0x0  }
0x14a: {  	s22 =	sor.u32 $0x2800, s22;
	[sflag:s29] =	ssyncadd.s32 $0xFFFFC180  }
0x14b: {  	[spmem:s1] =	stream.indirect.scatter.add.f32 [tilespmem:s22], [sflag:$0x2], $0x80, s11, s26, $0xb8;
	[tilespmem:$0x1E080] =	vst v63  }
0x14c: {  	p3 =	seq.s32 s21, $0x27  }
.Ltmp41:
0x14d: {  	_ = 	snop;
	(pc) =	sbr.rel @p3 .LBB2_22-.Ltmp41, $1  }
0x14e: {  	_ =	sdelay $0x3  }
.Ltmp42:
0x14f: {  	(pc) =	sbr.rel .LBB2_21-.Ltmp42, $4  }
0x150: {  	_ = 	snop  }
0x151: {  	_ =	swait.ge [sflag:s30], $0x3E80  }
0x152: {  	[sflag:s30] =	ssyncset.done $0x0  }
0x153: {  	[sflag:s30] =	ssyncadd.s32 $0xFFFFC180  }
.LBB2_43:
0x154: {  	_ =	swait.ge [sflag:s30], $0x3E80  }
0x155: {  	[sflag:s30] =	ssyncset.done $0x0  }
0x156: {  	[sflag:s30] =	ssyncadd.s32 $0xFFFFC180  }
0x157: {  	_ =	swait.ge [sflag:s30], $0x3E80  }
0x158: {  	[sflag:s30] =	ssyncset.done $0x0  }
0x159: {  	[sflag:s30] =	ssyncadd.s32 $0xFFFFC180  }
0x15a: {  	[bflag:$0x0] =	sbarrier.arrive $0xFFFF  }
0x15b: {  	[hbm:s23], [sflag:s31] =	dma.local [spmem:s0], $0x2700  }
.Ltmp43:
0x15c: {  	_ = 	snop;
	(pc) =	sbr.rel @p1 .LBB2_45-.Ltmp43, $4  }
.Ltmp44:
0x15d: {  	_ = 	snop;
	(pc) =	sbr.rel @!p1 .LBB2_44-.Ltmp44, $4  }
0x15e: {  	_ =	swait.ge [sflag:s25], $0x2700  }
0x15f: {  	[sflag:s25] =	ssyncset.done $0x0  }
0x160: {  	s0 =	smov.u32 s7;
	[sflag:s25] =	ssyncadd.s32 $0xFFFFD900  }
0x161: {  	_ = 	snop  }
.LBB2_22:
0x162: {  	_ =	swait.ge [sflag:s30], $0x3E80  }
0x163: {  	[sflag:s30] =	ssyncset.done $0x0  }
0x164: {  	[sflag:s30] =	ssyncadd.s32 $0xFFFFC180  }
0x165: {  	_ =	swait.ge [sflag:s30], $0x3E80  }
0x166: {  	[sflag:s30] =	ssyncset.done $0x0  }
0x167: {  	[sflag:s30] =	ssyncadd.s32 $0xFFFFC180  }
0x168: {  	[bflag:$0x0] =	sbarrier.arrive $0xFFFF  }
0x169: {  	s9 =	rddreg [dreg:$0x5]  }
0x16a: {  	[hbm:s9], [sflag:s31] =	dma.local [spmem:s0], $0x2700  }
.Ltmp45:
0x16b: {  	_ = 	snop;
	(pc) =	sbr.rel @p2 .LBB2_44-.Ltmp45, $4  }
.Ltmp46:
0x16c: {  	_ = 	snop;
	(pc) =	sbr.rel @!p2 .LBB2_45-.Ltmp46, $4  }
0x16d: {  	_ =	swait.ge [sflag:s25], $0x2700  }
0x16e: {  	[sflag:s25] =	ssyncset.done $0x0  }
0x16f: {  	s0 =	smov.u32 s6;
	[sflag:s25] =	ssyncadd.s32 $0xFFFFD900  }
0x170: {  	_ = 	snop  }
.LBB2_46:
0x171: {  	_ =	sfence.sel $0x180000  }
0x172: {  	[bflag:$0x0] =	sbarrier.arrive $0xFFFF  }
0x173: {  	_ =	strace $0x9000004A  }
0x174: {  	[bflag:$0x2] =	sbarrier.arrive $0xFFFF  }
0x175: {  	p0 =	sne.s32 s4, $0x0;
	s0 =	rddreg [dreg:$0x2]  }
0x176: {  	s0 =	sadd.s32 @!p0 $0x100000, s0  }
0x177: {  	[sflag:s0] =	ssyncadd.tile.s32 @!p0 $0x1;
	_ =	shalt  }
.Lfunc_end2:
_tile_overlayer_lowered:
.L_overlay_start_2:
0x178: {  	(tag) =	ssettag $0x2  }
0x179: {  	s0 =	rddreg [dreg:$0x0];
	s2 =	stileid.u32  }
0x17a: {  	s1 =	rddreg [dreg:$0x1];
	p0 =	sne.s32 s2, $0x0  }
0x17b: {  	s3 =	rddreg [dreg:$0x2];
	[bflag:$0x3] =	sbarrier.arrive $0xFFFF;
	s2 =	simm.s32 @!p0 $0x1C03  }
0x17c: {  	[timem:s3], [sflag:s2] =	dma.local @!p0 [hbm:s0], s1  }
0x17d: {  	s0 =	simm.s32 @!p0 $0x3  }
0x17e: {  	_ =	swait.ge @!p0 [sflag:s0], s1  }
0x17f: {  	s1 =	ssub.s32 @!p0 $0x0, s1;
	[sflag:s0] =	ssyncset.done @!p0 $0x0  }
0x180: {  	[sflag:s0] =	ssyncadd.s32 @!p0 s1  }
0x181: {  	[bflag:$0x3] =	sbarrier.arrive $0xFFFF  }
0x182: {  	_ =	shalt  }

// kernel: kernel.14.cloned.1.call-start
scs
__scs_entry_jumppad:
0x0: {  	(pc) =	sbr.rel $0x88, $3  }
0x1: {  	(tag) =	ssettag $0x0;
	lr =	simm.s32 $0x1  }
0x2: {  	[smem:$0x3F94] =	sst lr;
	_ =	strace $0xD0000000  }
0x3: {  	_ = 	snop  }
0x4: {  	_ = 	snop  }
0x5: {  	_ = 	snop  }
0x6: {  	_ = 	snop  }
0x7: {  	_ = 	snop  }
__scs_overlays_trampoline_lowered:
0x8: {  	[smem:$0x3FA3] =	sst s0  }
0x9: {  	[smem:$0x3FA4] =	sst s1  }
0xa: {  	[smem:$0x3FA5] =	sst s2  }
0xb: {  	[smem:$0x3FA6] =	sst s3  }
0xc: {  	[smem:$0x3FA7] =	sst s4  }
0xd: {  	[smem:$0x3FA8] =	sst s5  }
0xe: {  	[smem:$0x3FA9] =	sst s6  }
0xf: {  	[smem:$0x3FAA] =	sst s7  }
0x10: {  	[smem:$0x3FAB] =	sst s8  }
0x11: {  	[smem:$0x3FAC] =	sst s9;
	s0 =	simm.s32 @!p0 $0x0  }
0x12: {  	s1 =	sld [smem:$0x3F92];
	s0 =	simm.s32 @p0 $0x1  }
0x13: {  	[smem:$0x3FAD] =	sst s0;
	s0 =	simm.s32 @!p1 $0x0  }
0x14: {  	s2 =	sld [smem:$0x3F91];
	s0 =	simm.s32 @p1 $0x1  }
0x15: {  	[smem:$0x3FAE] =	sst s0;
	s0 =	simm.s32 @!p2 $0x0  }
0x16: {  	s3 =	sld [smem:$0x3FDB];
	s0 =	simm.s32 @p2 $0x1  }
0x17: {  	s4 =	simm.s32 $0x1BF5;
	[smem:$0x3FB0] =	sst s0  }
0x18: {  	s0 =	sld [smem:$0x3F93];
	_ =	swait.ge [sflag:s4], $0x0  }
0x19: {  	s7 =	sld [smem:$0x3F94]  }
0x1a: {  	s8 =	sadd.s32 $0xFFFFE003, lr  }
0x1b: {  	s9 =	sadd.s32 $0xFFFFFEF7, lr;
	s5 =	simm.s32 $0xFFFFFFFF;
	p2 =	slt.u32 s8, $0xFFFFF086  }
0x1c: {  	p1 =	slt.u32 s9, $0xF7A;
	s5 =	simm.s32 @!p2 $0x0  }
0x1d: {  	s5 =	simm.s32 @p1 $0x1;
	p0 =	seq.s32 s7, s2  }
0x1e: {  	s7 =	smul.u32 @!p0 $0xF7A, s2;
	p2 =	seq.s32 @!p0 s5, $0x0  }
0x1f: {  	s9 =	smul.u32 $0xF7A, s1;
	s8 =	simm.s32 @!p0 $0x1BF5;
	p2 =	por !p2, p0  }
0x20: {  	[sflag:s8] =	ssyncset.s32 @!p0 $0xFFFFF086;
	s6 =	sadd.s32 @!p0 s3, s7;
	s7 =	simm.s32 @!p0 $0x108  }
0x21: {  	s3 =	sadd.s32 s3, s9;
	s6 =	sadd.s32 @!p0 $0x88, s6;
	s7 =	simm.s32 @p2 $0x1082  }
0x22: {  	[simem:s7], [sflag:s8] =	dma.local @!p0 [hbm:s6], $0xF7A  }
0x23: {  	s9 =	sor.u32 $0xD0000000, s2;
	s6 =	simm.s32 $0x108;
	_ =	swait.ge @!p0 [sflag:s8], $0x0  }
0x24: {  	s3 =	sadd.s32 $0x88, s3;
	s6 =	simm.s32 @!p1 $0x1082;
	[sflag:s4] =	ssyncset.s32 $0xFFFFF086  }
0x25: {  	[simem:s6], [sflag:s4] =	dma.local [hbm:s3], $0xF7A  }
0x26: {  	[smem:$0x3F94] =	sst s1;
	(tag) =	ssettag s2;
	_ =	strace s9  }
0x27: {  	s1 =	sld [smem:$0x3FA4]  }
0x28: {  	s2 =	sld [smem:$0x3FA5]  }
0x29: {  	s4 =	sld [smem:$0x3FA7]  }
0x2a: {  	p0 =	seq.s32 s5, $0x0;
	s5 =	sld [smem:$0x3FA8]  }
0x2b: {  	s6 =	sld [smem:$0x3FA9]  }
0x2c: {  	s7 =	sld [smem:$0x3FAA]  }
0x2d: {  	s3 =	simm.s32 $0x108;
	s8 =	sld [smem:$0x3FAB]  }
0x2e: {  	s3 =	simm.s32 @!p0 $0x1082;
	s9 =	sld [smem:$0x3FAC]  }
0x2f: {  	lr =	sadd.s32 s0, s3;
	s0 =	sld [smem:$0x3FA3]  }
0x30: {  	s3 =	sld [smem:$0x3FA6]  }
0x31: {  	[smem:$0x3FAF] =	sst s10  }
0x32: {  	s10 =	sld [smem:$0x3FAD];
	_ =	sdelay $0x3  }
0x33: {  	p0 =	seq.s32 s10, $0x1;
	s10 =	sld [smem:$0x3FAF];
	_ =	sdelay $0x3  }
0x34: {  	[smem:$0x3FAF] =	sst s10  }
0x35: {  	s10 =	sld [smem:$0x3FAE];
	_ =	sdelay $0x3  }
0x36: {  	p1 =	seq.s32 s10, $0x1;
	s10 =	sld [smem:$0x3FAF];
	_ =	sdelay $0x3  }
0x37: {  	[smem:$0x3FAF] =	sst s10  }
0x38: {  	s10 =	sld [smem:$0x3FB0]  }
0x39: {  	_ = 	snop;
	(pc) =	sbr.ind lr, $3  }
0x3a: {  	_ = 	snop  }
0x3b: {  	_ = 	snop  }
0x3c: {  	p2 =	seq.s32 s10, $0x1;
	s10 =	sld [smem:$0x3FAF]  }
0x3d: {  	_ =	shalt  }
0x3e: {  	_ =	shalt  }
0x3f: {  	_ =	shalt  }
0x40: {  	_ =	shalt  }
0x41: {  	_ =	shalt  }
0x42: {  	_ =	shalt  }
0x43: {  	_ =	shalt  }
0x44: {  	_ =	shalt  }
0x45: {  	_ =	shalt  }
0x46: {  	_ =	shalt  }
0x47: {  	_ =	shalt  }
0x48: {  	_ =	shalt  }
0x49: {  	_ =	shalt  }
0x4a: {  	_ =	shalt  }
0x4b: {  	_ =	shalt  }
0x4c: {  	_ =	shalt  }
0x4d: {  	_ =	shalt  }
0x4e: {  	_ =	shalt  }
0x4f: {  	_ =	shalt  }
0x50: {  	_ =	shalt  }
0x51: {  	_ =	shalt  }
0x52: {  	_ =	shalt  }
0x53: {  	_ =	shalt  }
0x54: {  	_ =	shalt  }
0x55: {  	_ =	shalt  }
0x56: {  	_ =	shalt  }
0x57: {  	_ =	shalt  }
0x58: {  	_ =	shalt  }
0x59: {  	_ =	shalt  }
0x5a: {  	_ =	shalt  }
0x5b: {  	_ =	shalt  }
0x5c: {  	_ =	shalt  }
0x5d: {  	_ =	shalt  }
0x5e: {  	_ =	shalt  }
0x5f: {  	_ =	shalt  }
0x60: {  	_ =	shalt  }
0x61: {  	_ =	shalt  }
0x62: {  	_ =	shalt  }
0x63: {  	_ =	shalt  }
0x64: {  	_ =	shalt  }
0x65: {  	_ =	shalt  }
0x66: {  	_ =	shalt  }
0x67: {  	_ =	shalt  }
0x68: {  	_ =	shalt  }
0x69: {  	_ =	shalt  }
0x6a: {  	_ =	shalt  }
0x6b: {  	_ =	shalt  }
0x6c: {  	_ =	shalt  }
0x6d: {  	_ =	shalt  }
0x6e: {  	_ =	shalt  }
0x6f: {  	_ =	shalt  }
0x70: {  	_ =	shalt  }
0x71: {  	_ =	shalt  }
0x72: {  	_ =	shalt  }
0x73: {  	_ =	shalt  }
0x74: {  	_ =	shalt  }
0x75: {  	_ =	shalt  }
0x76: {  	_ =	shalt  }
0x77: {  	_ =	shalt  }
0x78: {  	_ =	shalt  }
0x79: {  	_ =	shalt  }
0x7a: {  	_ =	shalt  }
0x7b: {  	_ =	shalt  }
0x7c: {  	_ =	shalt  }
0x7d: {  	_ =	shalt  }
0x7e: {  	_ =	shalt  }
0x7f: {  	_ =	shalt  }
0x80: {  	_ =	shalt  }
0x81: {  	_ =	shalt  }
0x82: {  	_ =	shalt  }
0x83: {  	_ =	shalt  }
0x84: {  	_ =	shalt  }
0x85: {  	_ =	shalt  }
0x86: {  	_ =	shalt  }
0x87: {  	_ =	shalt  }
.Lfunc_end0:
.L_simem_size_0:
called_computation.2_lowered:
.L_overlay_start_0:
0x88: {  	s2 =	sld [smem:$0x3FD9]  }
0x89: {  	s3 =	sld [smem:$0x3FFE];
	_ =	sdelay $0x1  }
0x8a: {  	s1 =	srdreg.scid  }
0x8b: {  	s0 =	sand.u32 $0x1, s1  }
0x8c: {  	s14 =	sshll.u32 s0, $0xA;
	s2 =	sadd.s32 s3, s2  }
0x8d: {  	s2 =	sadd.s32 s2, s14  }
0x8e: {  	[smem:$0x3FBB] =	sst s2  }
0x8f: {  	_ = 	snop  }
0x90: {  	s2 =	sld [smem:$0x3FD0];
	_ =	sdelay $0x2  }
0x91: {  	s15 =	simm.s32 $0xA;
	s4 =	simm.s32 $0x10  }
0x92: {  	[smem:s4], [sflag:s15] =	dma.local [hbm:s2], $0x1  }
0x93: {  	_ =	swait.eq [sflag:s15], $0x1  }
0x94: {  	[sflag:s15] =	ssyncset.done $0x0  }
0x95: {  	s16 =	sld [smem:$0x10];
	[sflag:s15] =	ssyncadd.s32 $0xFFFFFFFF  }
0x96: {  	s17 =	sld [smem:$0x11];
	(tm) =	ssettm $0x1  }
0x97: {  	s18 =	sld [smem:$0x3FFB];
	_ =	sdelay $0x3  }
0x98: {  	_ =	strace s18  }
0x99: {  	s4 =	sld [smem:$0x3FFC];
	_ =	sdelay $0x3  }
0x9a: {  	_ =	strace s4  }
0x9b: {  	s4 =	sld [smem:$0x3FFD];
	_ =	sdelay $0x3  }
0x9c: {  	_ =	strace s4  }
0x9d: {  	_ =	strace $0x8FFFFFFF  }
0x9e: {  	s19 =	sld [smem:$0x3FDB];
	_ =	sdelay $0x1  }
0x9f: {  	s5 =	simm.s32 $_scs_section_size  }
0xa0: {  	s6 =	simm.s32 $_size__tile_overlayer_lowered;
	s7 =	simm.s32 $_tile_overlayer_lowered  }
0xa1: {  	s22 =	simm.s32 $0x1BFF;
	s21 =	sshll.u32 s7, $0x1;
	s4 =	sadd.s32 s5, s19  }
0xa2: {  	s8 =	simm.s32 $0x0;
	s20 =	sshll.u32 s6, $0x1;
	s6 =	sadd.s32 s21, s4  }
0xa3: {  	[timem:s8], [sflag:s22] =	dma.local [hbm:s6], s20  }
0xa4: {  	_ =	swait.ge [sflag:s22], s20  }
0xa5: {  	s5 =	ssub.s32 $0x0, s20;
	[sflag:s22] =	ssyncset.done $0x0  }
0xa6: {  	[sflag:s22] =	ssyncadd.s32 s5;
	_ =	sdelay $0x1  }
0xa7: {  	s23 =	simm.s32 $0x1B8B  }
0xa8: {  	_ =	swait.ge [sflag:s23], $0x1  }
0xa9: {  	[sflag:s23] =	ssyncset.done $0x0  }
0xaa: {  	s25 =	simm.s32 $0x1B8E;
	s24 =	sld [smem:$0x3FFE];
	[sflag:s23] =	ssyncadd.s32 $0xFFFFFFFF  }
0xab: {  	s26 =	simm.s32 $execute0_lowered;
	[smem:$0x3FD2] =	sst s25  }
0xac: {  	s6 =	sshll.u32 s26, $0x1;
	_ =	strace $0x8000004C;
	[dreg:$0x1] =	wrdreg $0xFFFFFFFF  }
0xad: {  	s28 =	simm.s32 $_size_execute0_lowered;
	s4 =	sadd.s32 s4, s6;
	[dreg:$0x0] =	wrdreg $0x0  }
0xae: {  	s6 =	sshll.u32 s28, $0x1;
	[dreg:$0x2] =	wrdreg s4  }
0xaf: {  	[dreg:$0x3] =	wrdreg s6  }
0xb0: {  	[dreg:$0x4] =	wrdreg $0xC0  }
0xb1: {  	_ =	task [dreg:s8], $0x5FFFF  }
0xb2: {  	[dreg:$0x1] =	wrdreg $0xFFFFFFFF  }
0xb3: {  	[dreg:$0x0] =	wrdreg $0x60  }
0xb4: {  	[dreg:$0x2] =	wrdreg s17  }
0xb5: {  	[dreg:$0x3] =	wrdreg s16  }
0xb6: {  	[dreg:$0x4] =	wrdreg s24  }
0xb7: {  	[dreg:$0x5] =	wrdreg $0xA8000  }
0xb8: {  	[dreg:$0x6] =	wrdreg $0x9  }
0xb9: {  	_ =	task.clear_ibuf [dreg:s8], $0x7FFFF;
	_ =	strace $0x9000004C  }
0xba: {  	s29 =	simm.s32 $0x9;
	_ =	strace $0x8000004E  }
0xbb: {  	_ =	swait.ge [sflag:s29], $0x1  }
0xbc: {  	[sflag:s29] =	ssyncadd.s32 $0xFFFFFFFF  }
0xbd: {  	_ =	strace $0x9000004E  }
0xbe: {  	_ =	sfence  }
0xbf: {  	s30 =	sld [smem:$0x0];
	_ =	sdelay $0x2  }
0xc0: {  	s31 =	sshll.u32 s1, $0xD;
	s1 =	sshrl.u32 s1, $0x2  }
0xc1: {  	s3 =	sand.u32 $0x4000, s31;
	s1 =	sadd.s32 s1, s30  }
0xc2: {  	s0 =	sor.u32 s3, s0;
	s1 =	sshll.u32 s1, $0x11  }
0xc3: {  	s0 =	sor.u32 s1, s0  }
0xc4: {  	s0 =	sadd.s32 $0x8F2B, s0  }
0xc5: {  	[sflag:s0] =	ssyncadd.remote.s32 $0x1  }
0xc6: {  	_ =	sfence.sel $0xFFFF  }
0xc7: {  	[dreg:$0x0] =	wrdreg $0xFFFFFFFF;
	(pc) =	sbr.abs _section_cstart, $3  }
0xc8: {  	[dreg:$0x1] =	wrdreg $0xFFFFFFFF  }
0xc9: {  	_ =	task.clear_ibuf [dreg:s8], $0x2FFFF;
	_ =	strace $0x9FFFFFFF  }
0xca: {  	(tm) =	ssettm $0x7FFFFFFF  }
0xcb: {  	_ =	shalt  }
tec
execute0_lowered:
.L_overlay_start_1:
0x0: {  	(tag) =	ssettag $0x1  }
0x1: {  	s1 =	rddreg [dreg:$0x0]  }
0x2: {  	s2 =	rddreg [dreg:$0x1]  }
0x3: {  	s0 =	rddreg [dreg:$0x2]  }
0x4: {  	s3 =	rddreg [dreg:$0x3];
	s4 =	simm.s32 $0x0;
	s6 =	srdreg.scid  }
0x5: {  	s5 =	stileid.u32;
	s28 =	simm.s32 $0x2800;
	s29 =	simm.s32 $0x1  }
0x6: {  	s30 =	simm.s32 $0x2;
	[smem:$0x7FF] =	sst s4;
	s12 =	smul.u32 $0x4E000, s5  }
0x7: {  	s9 =	sadd.s32 $0xDA00, s0;
	s11 =	sadd.s32 $0x3A00, s0;
	s20 =	smul.u32 $0x2700, s5  }
0x8: {  	s8 =	sand.u32 $0x1, s6;
	s6 =	sadd.s32 $0x65E00, s0;
	s22 =	smul.u32 $0x5000, s5  }
0x9: {  	s7 =	sadd.s32 $0x8D000, s0;
	s13 =	smul.u32 $0xA00, s5;
	s24 =	sadd.s32 $0x27000, s1  }
0xa: {  	s31 =	sadd.s32 $0x27000, s2;
	p1 =	sne.s32 s5, $0xF;
	p2 =	seq.s32 s5, $0xF  }
0xb: {  	_ =	strace $0x8000004D;
	s10 =	ssub.s32 $0x2, s8;
	[dreg:$0x6] =	wrdreg s24  }
0xc: {  	p0 =	seq.s32 s8, $0x1;
	[dreg:$0x9] =	wrdreg s31;
	s19 =	sshrl.u32 s10, $0x1  }
0xd: {  	s21 =	sshrl.u32 s12, $0x2;
	s23 =	sadd.s32 s1, s20;
	s17 =	sshrl.u32 s22, $0x3  }
0xe: {  	s12 =	sadd.s32 s11, s13;
	s13 =	sadd.s32 s9, s13;
	s25 =	sadd.s32 s6, s20  }
0xf: {  	s26 =	sadd.s32 s2, s20;
	s0 =	ssub.s32 s10, s19;
	s8 =	sadd.s32 s21, s3  }
0x10: {  	[dreg:$0x5] =	wrdreg s23;
	s10 =	sadd.s32 $0x138000, s3;
	s15 =	sadd.s32 $0x280, s17  }
.Ltmp0:
0x11: {  	s18 =	sadd.s32 $0x500, s17;
	[dreg:$0x7] =	wrdreg s25;
	(pc) =	sbr.rel .LBB2_1-.Ltmp0, $4  }
0x12: {  	s19 =	sadd.s32 $0x780, s17;
	[dreg:$0x8] =	wrdreg s26;
	s23 =	sadd.s32 s7, s20  }
0x13: {  	s25 =	simm.s32 $0x3;
	s26 =	simm.s32 $0x7D;
	s14 =	sadd.s32 s11, s15  }
0x14: {  	s15 =	sadd.s32 s9, s15;
	s16 =	sadd.s32 s11, s18;
	s17 =	sadd.s32 s9, s18  }
0x15: {  	s18 =	sadd.s32 s11, s19;
	s19 =	sadd.s32 s9, s19;
	s24 =	smax.u32 s0, $0x1  }
.LBB2_44:
0x16: {  	s0 =	sadd.s32 $0x27000, s0;
	s9 =	sshrl.u32 s10, $0x3  }
0x17: {  	[hbm:s0], [sflag:s31] =	dma.local [spmem:s9], $0x100  }
0x18: {  	_ =	swait.ge [sflag:s25], $0x100  }
0x19: {  	[sflag:s25] =	ssyncset.done $0x0  }
0x1a: {  	[sflag:s25] =	ssyncadd.s32 $0xFFFFFF00  }
.LBB2_45:
0x1b: {  	s4 =	sadd.s32 $0x1, s4  }
0x1c: {  	p3 =	sne.s32 s4, s24  }
.Ltmp1:
0x1d: {  	_ = 	snop;
	(pc) =	sbr.rel @!p3 .LBB2_46-.Ltmp1, $1  }
0x1e: {  	_ =	sdelay $0x3  }
.LBB2_1:
.Ltmp2:
0x1f: {  	(pc) =	sbr.rel @!p0 .LBB2_2-.Ltmp2, $3  }
0x20: {  	_ =	sdelay $0x1  }
0x21: {  	s11 =	sshll.u32 s5, $0x6  }
0x22: {  	s0 =	sshrl.u32 s8, $0x3;
	s9 =	sshrl.u32 @!p1 s10, $0x3;
	s31 =	sor.u32 $0x1C03, s11  }
0x23: {  	s31 =	sor.u32 $0x1C03, s11;
	s22 =	rddreg [dreg:$0x8]  }
0x24: {  	[spmem:s0], [sflag:s31] =	dma.local [hbm:s22], $0x2700  }
0x25: {  	_ =	swait.ge [sflag:s25], $0x2700  }
0x26: {  	[sflag:s25] =	ssyncset.done $0x0  }
0x27: {  	s11 =	rddreg [dreg:$0x9];
	[sflag:s25] =	ssyncadd.s32 $0xFFFFD900  }
0x28: {  	[spmem:s9], [sflag:s31] =	dma.local @!p1 [hbm:s11], $0x100  }
0x29: {  	s9 =	simm.s32 @!p1 $0x3  }
0x2a: {  	_ =	swait.ge @!p1 [sflag:s9], $0x100  }
0x2b: {  	[sflag:s9] =	ssyncset.done @!p1 $0x0  }
0x2c: {  	[sflag:s9] =	ssyncadd.s32 @!p1 $0xFFFFFF00  }
0x2d: {  	s9 =	simm.s32 $0x0;
	[bflag:$0x0] =	sbarrier.arrive $0xFFFF  }
0x2e: {  	[tilespmem:s9], [sflag:$0x3] =	stream.linear.gather [hbm4b:s13+s9], $0x1400, $0x38;
	[tilespmem:$0x1E080] =	vst v63  }
0x2f: {  	_ =	swait.ge [sflag:s25], $0x1400  }
0x30: {  	[sflag:s25] =	ssyncset.done $0x0  }
0x31: {  	s11 =	simm.s32 $0x1400;
	[sflag:s25] =	ssyncadd.s32 $0xFFFFEC00  }
0x32: {  	[tilespmem:s11], [sflag:$0x3] =	stream.linear.gather [hbm4b:s12+s9], $0x1400, $0x38;
	[tilespmem:$0x1E080] =	vst v63  }
.Ltmp3:
0x33: {  	_ = 	snop;
	(pc) =	sbr.rel .LBB2_24-.Ltmp3, $4  }
0x34: {  	_ =	swait.ge [sflag:s25], $0x1400  }
0x35: {  	[sflag:s25] =	ssyncset.done $0x0  }
0x36: {  	s20 =	simm.s32 $0x80;
	s21 =	simm.s32 $0x0;
	[sflag:s25] =	ssyncadd.s32 $0xFFFFEC00  }
0x37: {  	[tilespmem:s28], [sflag:$0x1] =	stream.indirect.gather [hbm4b:s2+s26], $0x80, s9, s26, $0xb8;
	[tilespmem:$0x1E080] =	vst v63  }
.LBB2_27:
0x38: {  	s21 =	sadd.s32 $0x1, s21  }
0x39: {  	p3 =	sne.s32 s21, $0x28  }
.Ltmp4:
0x3a: {  	s9 =	sadd.s32 $0x4000, s9;
	(pc) =	sbr.rel @!p3 .LBB2_28-.Ltmp4, $4  }
0x3b: {  	s22 =	sand.u32 $0x4000, s9  }
0x3c: {  	s22 =	sor.u32 $0x2800, s22  }
0x3d: {  	[tilespmem:s22], [sflag:$0x1] =	stream.indirect.gather [hbm4b:s2+s26], $0x80, s20, s26, $0xb8;
	[tilespmem:$0x1E080] =	vst v63  }
0x3e: {  	s11 =	sadd.s32 $0x80, s11;
	s20 =	sadd.s32 $0x80, s20  }
.LBB2_24:
0x3f: {  	p3 =	seq.s32 s21, $0x0  }
.Ltmp5:
0x40: {  	_ = 	snop;
	(pc) =	sbr.rel @p3 .LBB2_27-.Ltmp5, $4  }
0x41: {  	_ =	swait.ge [sflag:s29], $0x3E80  }
0x42: {  	s22 =	sand.u32 $0x4000, s9;
	[sflag:s29] =	ssyncset.done $0x0  }
0x43: {  	s22 =	sor.u32 $0x2800, s22;
	[sflag:s29] =	ssyncadd.s32 $0xFFFFC180  }
0x44: {  	[spmem:s3] =	stream.indirect.scatter.add.f32 [tilespmem:s22], [sflag:$0x2], $0x80, s11, s26, $0xb8;
	[tilespmem:$0x1E080] =	vst v63  }
0x45: {  	p3 =	seq.s32 s21, $0x27  }
.Ltmp6:
0x46: {  	_ = 	snop;
	(pc) =	sbr.rel @p3 .LBB2_28-.Ltmp6, $1  }
0x47: {  	_ =	sdelay $0x3  }
.Ltmp7:
0x48: {  	(pc) =	sbr.rel .LBB2_27-.Ltmp7, $4  }
0x49: {  	_ = 	snop  }
0x4a: {  	_ =	swait.ge [sflag:s30], $0x3E80  }
0x4b: {  	[sflag:s30] =	ssyncset.done $0x0  }
0x4c: {  	[sflag:s30] =	ssyncadd.s32 $0xFFFFC180  }
.LBB2_2:
0x4d: {  	s11 =	rddreg [dreg:$0x5]  }
0x4e: {  	[spmem:s0], [sflag:s31] =	dma.local [hbm:s11], $0x2700  }
0x4f: {  	_ =	swait.ge [sflag:s25], $0x2700  }
0x50: {  	[sflag:s25] =	ssyncset.done $0x0  }
0x51: {  	s11 =	rddreg [dreg:$0x6];
	[sflag:s25] =	ssyncadd.s32 $0xFFFFD900  }
0x52: {  	[spmem:s9], [sflag:s31] =	dma.local @!p1 [hbm:s11], $0x100  }
0x53: {  	s9 =	simm.s32 @!p1 $0x3  }
0x54: {  	_ =	swait.ge @!p1 [sflag:s9], $0x100  }
0x55: {  	[sflag:s9] =	ssyncset.done @!p1 $0x0  }
0x56: {  	[sflag:s9] =	ssyncadd.s32 @!p1 $0xFFFFFF00  }
0x57: {  	s9 =	simm.s32 $0x0;
	[bflag:$0x0] =	sbarrier.arrive $0xFFFF  }
0x58: {  	[tilespmem:s9], [sflag:$0x3] =	stream.linear.gather [hbm4b:s12+s9], $0x1400, $0x38;
	[tilespmem:$0x1E080] =	vst v63  }
0x59: {  	_ =	swait.ge [sflag:s25], $0x1400  }
0x5a: {  	[sflag:s25] =	ssyncset.done $0x0  }
0x5b: {  	s11 =	simm.s32 $0x1400;
	[sflag:s25] =	ssyncadd.s32 $0xFFFFEC00  }
0x5c: {  	[tilespmem:s11], [sflag:$0x3] =	stream.linear.gather [hbm4b:s13+s9], $0x1400, $0x38;
	[tilespmem:$0x1E080] =	vst v63  }
.Ltmp8:
0x5d: {  	_ = 	snop;
	(pc) =	sbr.rel .LBB2_3-.Ltmp8, $4  }
0x5e: {  	_ =	swait.ge [sflag:s25], $0x1400  }
0x5f: {  	[sflag:s25] =	ssyncset.done $0x0  }
0x60: {  	s20 =	simm.s32 $0x80;
	s21 =	simm.s32 $0x0;
	[sflag:s25] =	ssyncadd.s32 $0xFFFFEC00  }
0x61: {  	[tilespmem:s28], [sflag:$0x1] =	stream.indirect.gather [hbm4b:s1+s26], $0x80, s9, s26, $0xb8;
	[tilespmem:$0x1E080] =	vst v63  }
.LBB2_6:
0x62: {  	s21 =	sadd.s32 $0x1, s21  }
0x63: {  	p3 =	sne.s32 s21, $0x28  }
.Ltmp9:
0x64: {  	s9 =	sadd.s32 $0x4000, s9;
	(pc) =	sbr.rel @!p3 .LBB2_7-.Ltmp9, $4  }
0x65: {  	s22 =	sand.u32 $0x4000, s9  }
0x66: {  	s22 =	sor.u32 $0x2800, s22  }
0x67: {  	[tilespmem:s22], [sflag:$0x1] =	stream.indirect.gather [hbm4b:s1+s26], $0x80, s20, s26, $0xb8;
	[tilespmem:$0x1E080] =	vst v63  }
0x68: {  	s11 =	sadd.s32 $0x80, s11;
	s20 =	sadd.s32 $0x80, s20  }
.LBB2_3:
0x69: {  	p3 =	seq.s32 s21, $0x0  }
.Ltmp10:
0x6a: {  	_ = 	snop;
	(pc) =	sbr.rel @p3 .LBB2_6-.Ltmp10, $4  }
0x6b: {  	_ =	swait.ge [sflag:s29], $0x3E80  }
0x6c: {  	s22 =	sand.u32 $0x4000, s9;
	[sflag:s29] =	ssyncset.done $0x0  }
0x6d: {  	s22 =	sor.u32 $0x2800, s22;
	[sflag:s29] =	ssyncadd.s32 $0xFFFFC180  }
0x6e: {  	[spmem:s3] =	stream.indirect.scatter.add.f32 [tilespmem:s22], [sflag:$0x2], $0x80, s11, s26, $0xb8;
	[tilespmem:$0x1E080] =	vst v63  }
0x6f: {  	p3 =	seq.s32 s21, $0x27  }
.Ltmp11:
0x70: {  	_ = 	snop;
	(pc) =	sbr.rel @p3 .LBB2_7-.Ltmp11, $1  }
0x71: {  	_ =	sdelay $0x3  }
.Ltmp12:
0x72: {  	(pc) =	sbr.rel .LBB2_6-.Ltmp12, $4  }
0x73: {  	_ = 	snop  }
0x74: {  	_ =	swait.ge [sflag:s30], $0x3E80  }
0x75: {  	[sflag:s30] =	ssyncset.done $0x0  }
0x76: {  	[sflag:s30] =	ssyncadd.s32 $0xFFFFC180  }
.LBB2_28:
0x77: {  	_ =	swait.ge [sflag:s30], $0x3E80  }
0x78: {  	[sflag:s30] =	ssyncset.done $0x0  }
0x79: {  	[sflag:s30] =	ssyncadd.s32 $0xFFFFC180  }
0x7a: {  	_ =	swait.ge [sflag:s30], $0x3E80  }
0x7b: {  	[sflag:s30] =	ssyncset.done $0x0  }
0x7c: {  	s9 =	simm.s32 $0x0;
	[sflag:s30] =	ssyncadd.s32 $0xFFFFC180  }
0x7d: {  	[tilespmem:s9], [sflag:$0x3] =	stream.linear.gather [hbm4b:s15+s9], $0x1400, $0x38;
	[tilespmem:$0x1E080] =	vst v63  }
0x7e: {  	_ =	swait.ge [sflag:s25], $0x1400  }
0x7f: {  	[sflag:s25] =	ssyncset.done $0x0  }
0x80: {  	s11 =	simm.s32 $0x1400;
	[sflag:s25] =	ssyncadd.s32 $0xFFFFEC00  }
0x81: {  	[tilespmem:s11], [sflag:$0x3] =	stream.linear.gather [hbm4b:s14+s9], $0x1400, $0x38;
	[tilespmem:$0x1E080] =	vst v63  }
.Ltmp13:
0x82: {  	_ = 	snop;
	(pc) =	sbr.rel .LBB2_29-.Ltmp13, $4  }
0x83: {  	_ =	swait.ge [sflag:s25], $0x1400  }
0x84: {  	[sflag:s25] =	ssyncset.done $0x0  }
0x85: {  	s20 =	simm.s32 $0x80;
	s21 =	simm.s32 $0x0;
	[sflag:s25] =	ssyncadd.s32 $0xFFFFEC00  }
0x86: {  	[tilespmem:s28], [sflag:$0x1] =	stream.indirect.gather [hbm4b:s2+s26], $0x80, s9, s26, $0xb8;
	[tilespmem:$0x1E080] =	vst v63  }
.LBB2_32:
0x87: {  	s21 =	sadd.s32 $0x1, s21  }
0x88: {  	p3 =	sne.s32 s21, $0x28  }
.Ltmp14:
0x89: {  	s9 =	sadd.s32 $0x4000, s9;
	(pc) =	sbr.rel @!p3 .LBB2_33-.Ltmp14, $4  }
0x8a: {  	s22 =	sand.u32 $0x4000, s9  }
0x8b: {  	s22 =	sor.u32 $0x2800, s22  }
0x8c: {  	[tilespmem:s22], [sflag:$0x1] =	stream.indirect.gather [hbm4b:s2+s26], $0x80, s20, s26, $0xb8;
	[tilespmem:$0x1E080] =	vst v63  }
0x8d: {  	s11 =	sadd.s32 $0x80, s11;
	s20 =	sadd.s32 $0x80, s20  }
.LBB2_29:
0x8e: {  	p3 =	seq.s32 s21, $0x0  }
.Ltmp15:
0x8f: {  	_ = 	snop;
	(pc) =	sbr.rel @p3 .LBB2_32-.Ltmp15, $4  }
0x90: {  	_ =	swait.ge [sflag:s29], $0x3E80  }
0x91: {  	s22 =	sand.u32 $0x4000, s9;
	[sflag:s29] =	ssyncset.done $0x0  }
0x92: {  	s22 =	sor.u32 $0x2800, s22;
	[sflag:s29] =	ssyncadd.s32 $0xFFFFC180  }
0x93: {  	[spmem:s3] =	stream.indirect.scatter.add.f32 [tilespmem:s22], [sflag:$0x2], $0x80, s11, s26, $0xb8;
	[tilespmem:$0x1E080] =	vst v63  }
0x94: {  	p3 =	seq.s32 s21, $0x27  }
.Ltmp16:
0x95: {  	_ = 	snop;
	(pc) =	sbr.rel @p3 .LBB2_33-.Ltmp16, $1  }
0x96: {  	_ =	sdelay $0x3  }
.Ltmp17:
0x97: {  	(pc) =	sbr.rel .LBB2_32-.Ltmp17, $4  }
0x98: {  	_ = 	snop  }
0x99: {  	_ =	swait.ge [sflag:s30], $0x3E80  }
0x9a: {  	[sflag:s30] =	ssyncset.done $0x0  }
0x9b: {  	[sflag:s30] =	ssyncadd.s32 $0xFFFFC180  }
.LBB2_7:
0x9c: {  	_ =	swait.ge [sflag:s30], $0x3E80  }
0x9d: {  	[sflag:s30] =	ssyncset.done $0x0  }
0x9e: {  	[sflag:s30] =	ssyncadd.s32 $0xFFFFC180  }
0x9f: {  	_ =	swait.ge [sflag:s30], $0x3E80  }
0xa0: {  	[sflag:s30] =	ssyncset.done $0x0  }
0xa1: {  	s9 =	simm.s32 $0x0;
	[sflag:s30] =	ssyncadd.s32 $0xFFFFC180  }
0xa2: {  	[tilespmem:s9], [sflag:$0x3] =	stream.linear.gather [hbm4b:s14+s9], $0x1400, $0x38;
	[tilespmem:$0x1E080] =	vst v63  }
0xa3: {  	_ =	swait.ge [sflag:s25], $0x1400  }
0xa4: {  	[sflag:s25] =	ssyncset.done $0x0  }
0xa5: {  	s11 =	simm.s32 $0x1400;
	[sflag:s25] =	ssyncadd.s32 $0xFFFFEC00  }
0xa6: {  	[tilespmem:s11], [sflag:$0x3] =	stream.linear.gather [hbm4b:s15+s9], $0x1400, $0x38;
	[tilespmem:$0x1E080] =	vst v63  }
.Ltmp18:
0xa7: {  	_ = 	snop;
	(pc) =	sbr.rel .LBB2_8-.Ltmp18, $4  }
0xa8: {  	_ =	swait.ge [sflag:s25], $0x1400  }
0xa9: {  	[sflag:s25] =	ssyncset.done $0x0  }
0xaa: {  	s20 =	simm.s32 $0x80;
	s21 =	simm.s32 $0x0;
	[sflag:s25] =	ssyncadd.s32 $0xFFFFEC00  }
0xab: {  	[tilespmem:s28], [sflag:$0x1] =	stream.indirect.gather [hbm4b:s1+s26], $0x80, s9, s26, $0xb8;
	[tilespmem:$0x1E080] =	vst v63  }
.LBB2_11:
0xac: {  	s21 =	sadd.s32 $0x1, s21  }
0xad: {  	p3 =	sne.s32 s21, $0x28  }
.Ltmp19:
0xae: {  	s9 =	sadd.s32 $0x4000, s9;
	(pc) =	sbr.rel @!p3 .LBB2_12-.Ltmp19, $4  }
0xaf: {  	s22 =	sand.u32 $0x4000, s9  }
0xb0: {  	s22 =	sor.u32 $0x2800, s22  }
0xb1: {  	[tilespmem:s22], [sflag:$0x1] =	stream.indirect.gather [hbm4b:s1+s26], $0x80, s20, s26, $0xb8;
	[tilespmem:$0x1E080] =	vst v63  }
0xb2: {  	s11 =	sadd.s32 $0x80, s11;
	s20 =	sadd.s32 $0x80, s20  }
.LBB2_8:
0xb3: {  	p3 =	seq.s32 s21, $0x0  }
.Ltmp20:
0xb4: {  	_ = 	snop;
	(pc) =	sbr.rel @p3 .LBB2_11-.Ltmp20, $4  }
0xb5: {  	_ =	swait.ge [sflag:s29], $0x3E80  }
0xb6: {  	s22 =	sand.u32 $0x4000, s9;
	[sflag:s29] =	ssyncset.done $0x0  }
0xb7: {  	s22 =	sor.u32 $0x2800, s22;
	[sflag:s29] =	ssyncadd.s32 $0xFFFFC180  }
0xb8: {  	[spmem:s3] =	stream.indirect.scatter.add.f32 [tilespmem:s22], [sflag:$0x2], $0x80, s11, s26, $0xb8;
	[tilespmem:$0x1E080] =	vst v63  }
0xb9: {  	p3 =	seq.s32 s21, $0x27  }
.Ltmp21:
0xba: {  	_ = 	snop;
	(pc) =	sbr.rel @p3 .LBB2_12-.Ltmp21, $1  }
0xbb: {  	_ =	sdelay $0x3  }
.Ltmp22:
0xbc: {  	(pc) =	sbr.rel .LBB2_11-.Ltmp22, $4  }
0xbd: {  	_ = 	snop  }
0xbe: {  	_ =	swait.ge [sflag:s30], $0x3E80  }
0xbf: {  	[sflag:s30] =	ssyncset.done $0x0  }
0xc0: {  	[sflag:s30] =	ssyncadd.s32 $0xFFFFC180  }
.LBB2_33:
0xc1: {  	_ =	swait.ge [sflag:s30], $0x3E80  }
0xc2: {  	[sflag:s30] =	ssyncset.done $0x0  }
0xc3: {  	[sflag:s30] =	ssyncadd.s32 $0xFFFFC180  }
0xc4: {  	_ =	swait.ge [sflag:s30], $0x3E80  }
0xc5: {  	[sflag:s30] =	ssyncset.done $0x0  }
0xc6: {  	s9 =	simm.s32 $0x0;
	[sflag:s30] =	ssyncadd.s32 $0xFFFFC180  }
0xc7: {  	[tilespmem:s9], [sflag:$0x3] =	stream.linear.gather [hbm4b:s17+s9], $0x1400, $0x38;
	[tilespmem:$0x1E080] =	vst v63  }
0xc8: {  	_ =	swait.ge [sflag:s25], $0x1400  }
0xc9: {  	[sflag:s25] =	ssyncset.done $0x0  }
0xca: {  	s11 =	simm.s32 $0x1400;
	[sflag:s25] =	ssyncadd.s32 $0xFFFFEC00  }
0xcb: {  	[tilespmem:s11], [sflag:$0x3] =	stream.linear.gather [hbm4b:s16+s9], $0x1400, $0x38;
	[tilespmem:$0x1E080] =	vst v63  }
.Ltmp23:
0xcc: {  	_ = 	snop;
	(pc) =	sbr.rel .LBB2_34-.Ltmp23, $4  }
0xcd: {  	_ =	swait.ge [sflag:s25], $0x1400  }
0xce: {  	[sflag:s25] =	ssyncset.done $0x0  }
0xcf: {  	s20 =	simm.s32 $0x80;
	s21 =	simm.s32 $0x0;
	[sflag:s25] =	ssyncadd.s32 $0xFFFFEC00  }
0xd0: {  	[tilespmem:s28], [sflag:$0x1] =	stream.indirect.gather [hbm4b:s2+s26], $0x80, s9, s26, $0xb8;
	[tilespmem:$0x1E080] =	vst v63  }
.LBB2_37:
0xd1: {  	s21 =	sadd.s32 $0x1, s21  }
0xd2: {  	p3 =	sne.s32 s21, $0x28  }
.Ltmp24:
0xd3: {  	s9 =	sadd.s32 $0x4000, s9;
	(pc) =	sbr.rel @!p3 .LBB2_38-.Ltmp24, $4  }
0xd4: {  	s22 =	sand.u32 $0x4000, s9  }
0xd5: {  	s22 =	sor.u32 $0x2800, s22  }
0xd6: {  	[tilespmem:s22], [sflag:$0x1] =	stream.indirect.gather [hbm4b:s2+s26], $0x80, s20, s26, $0xb8;
	[tilespmem:$0x1E080] =	vst v63  }
0xd7: {  	s11 =	sadd.s32 $0x80, s11;
	s20 =	sadd.s32 $0x80, s20  }
.LBB2_34:
0xd8: {  	p3 =	seq.s32 s21, $0x0  }
.Ltmp25:
0xd9: {  	_ = 	snop;
	(pc) =	sbr.rel @p3 .LBB2_37-.Ltmp25, $4  }
0xda: {  	_ =	swait.ge [sflag:s29], $0x3E80  }
0xdb: {  	s22 =	sand.u32 $0x4000, s9;
	[sflag:s29] =	ssyncset.done $0x0  }
0xdc: {  	s22 =	sor.u32 $0x2800, s22;
	[sflag:s29] =	ssyncadd.s32 $0xFFFFC180  }
0xdd: {  	[spmem:s3] =	stream.indirect.scatter.add.f32 [tilespmem:s22], [sflag:$0x2], $0x80, s11, s26, $0xb8;
	[tilespmem:$0x1E080] =	vst v63  }
0xde: {  	p3 =	seq.s32 s21, $0x27  }
.Ltmp26:
0xdf: {  	_ = 	snop;
	(pc) =	sbr.rel @p3 .LBB2_38-.Ltmp26, $1  }
0xe0: {  	_ =	sdelay $0x3  }
.Ltmp27:
0xe1: {  	(pc) =	sbr.rel .LBB2_37-.Ltmp27, $4  }
0xe2: {  	_ = 	snop  }
0xe3: {  	_ =	swait.ge [sflag:s30], $0x3E80  }
0xe4: {  	[sflag:s30] =	ssyncset.done $0x0  }
0xe5: {  	[sflag:s30] =	ssyncadd.s32 $0xFFFFC180  }
.LBB2_12:
0xe6: {  	_ =	swait.ge [sflag:s30], $0x3E80  }
0xe7: {  	[sflag:s30] =	ssyncset.done $0x0  }
0xe8: {  	[sflag:s30] =	ssyncadd.s32 $0xFFFFC180  }
0xe9: {  	_ =	swait.ge [sflag:s30], $0x3E80  }
0xea: {  	[sflag:s30] =	ssyncset.done $0x0  }
0xeb: {  	s9 =	simm.s32 $0x0;
	[sflag:s30] =	ssyncadd.s32 $0xFFFFC180  }
0xec: {  	[tilespmem:s9], [sflag:$0x3] =	stream.linear.gather [hbm4b:s16+s9], $0x1400, $0x38;
	[tilespmem:$0x1E080] =	vst v63  }
0xed: {  	_ =	swait.ge [sflag:s25], $0x1400  }
0xee: {  	[sflag:s25] =	ssyncset.done $0x0  }
0xef: {  	s11 =	simm.s32 $0x1400;
	[sflag:s25] =	ssyncadd.s32 $0xFFFFEC00  }
0xf0: {  	[tilespmem:s11], [sflag:$0x3] =	stream.linear.gather [hbm4b:s17+s9], $0x1400, $0x38;
	[tilespmem:$0x1E080] =	vst v63  }
.Ltmp28:
0xf1: {  	_ = 	snop;
	(pc) =	sbr.rel .LBB2_13-.Ltmp28, $4  }
0xf2: {  	_ =	swait.ge [sflag:s25], $0x1400  }
0xf3: {  	[sflag:s25] =	ssyncset.done $0x0  }
0xf4: {  	s20 =	simm.s32 $0x80;
	s21 =	simm.s32 $0x0;
	[sflag:s25] =	ssyncadd.s32 $0xFFFFEC00  }
0xf5: {  	[tilespmem:s28], [sflag:$0x1] =	stream.indirect.gather [hbm4b:s1+s26], $0x80, s9, s26, $0xb8;
	[tilespmem:$0x1E080] =	vst v63  }
.LBB2_16:
0xf6: {  	s21 =	sadd.s32 $0x1, s21  }
0xf7: {  	p3 =	sne.s32 s21, $0x28  }
.Ltmp29:
0xf8: {  	s9 =	sadd.s32 $0x4000, s9;
	(pc) =	sbr.rel @!p3 .LBB2_17-.Ltmp29, $4  }
0xf9: {  	s22 =	sand.u32 $0x4000, s9  }
0xfa: {  	s22 =	sor.u32 $0x2800, s22  }
0xfb: {  	[tilespmem:s22], [sflag:$0x1] =	stream.indirect.gather [hbm4b:s1+s26], $0x80, s20, s26, $0xb8;
	[tilespmem:$0x1E080] =	vst v63  }
0xfc: {  	s11 =	sadd.s32 $0x80, s11;
	s20 =	sadd.s32 $0x80, s20  }
.LBB2_13:
0xfd: {  	p3 =	seq.s32 s21, $0x0  }
.Ltmp30:
0xfe: {  	_ = 	snop;
	(pc) =	sbr.rel @p3 .LBB2_16-.Ltmp30, $4  }
0xff: {  	_ =	swait.ge [sflag:s29], $0x3E80  }
0x100: {  	s22 =	sand.u32 $0x4000, s9;
	[sflag:s29] =	ssyncset.done $0x0  }
0x101: {  	s22 =	sor.u32 $0x2800, s22;
	[sflag:s29] =	ssyncadd.s32 $0xFFFFC180  }
0x102: {  	[spmem:s3] =	stream.indirect.scatter.add.f32 [tilespmem:s22], [sflag:$0x2], $0x80, s11, s26, $0xb8;
	[tilespmem:$0x1E080] =	vst v63  }
0x103: {  	p3 =	seq.s32 s21, $0x27  }
.Ltmp31:
0x104: {  	_ = 	snop;
	(pc) =	sbr.rel @p3 .LBB2_17-.Ltmp31, $1  }
0x105: {  	_ =	sdelay $0x3  }
.Ltmp32:
0x106: {  	(pc) =	sbr.rel .LBB2_16-.Ltmp32, $4  }
0x107: {  	_ = 	snop  }
0x108: {  	_ =	swait.ge [sflag:s30], $0x3E80  }
0x109: {  	[sflag:s30] =	ssyncset.done $0x0  }
0x10a: {  	[sflag:s30] =	ssyncadd.s32 $0xFFFFC180  }
.LBB2_38:
0x10b: {  	_ =	swait.ge [sflag:s30], $0x3E80  }
0x10c: {  	[sflag:s30] =	ssyncset.done $0x0  }
0x10d: {  	[sflag:s30] =	ssyncadd.s32 $0xFFFFC180  }
0x10e: {  	_ =	swait.ge [sflag:s30], $0x3E80  }
0x10f: {  	[sflag:s30] =	ssyncset.done $0x0  }
0x110: {  	s9 =	simm.s32 $0x0;
	[sflag:s30] =	ssyncadd.s32 $0xFFFFC180  }
0x111: {  	[tilespmem:s9], [sflag:$0x3] =	stream.linear.gather [hbm4b:s19+s9], $0x1400, $0x38;
	[tilespmem:$0x1E080] =	vst v63  }
0x112: {  	_ =	swait.ge [sflag:s25], $0x1400  }
0x113: {  	[sflag:s25] =	ssyncset.done $0x0  }
0x114: {  	s11 =	simm.s32 $0x1400;
	[sflag:s25] =	ssyncadd.s32 $0xFFFFEC00  }
0x115: {  	[tilespmem:s11], [sflag:$0x3] =	stream.linear.gather [hbm4b:s18+s9], $0x1400, $0x38;
	[tilespmem:$0x1E080] =	vst v63  }
.Ltmp33:
0x116: {  	_ = 	snop;
	(pc) =	sbr.rel .LBB2_39-.Ltmp33, $4  }
0x117: {  	_ =	swait.ge [sflag:s25], $0x1400  }
0x118: {  	[sflag:s25] =	ssyncset.done $0x0  }
0x119: {  	s20 =	simm.s32 $0x80;
	s21 =	simm.s32 $0x0;
	[sflag:s25] =	ssyncadd.s32 $0xFFFFEC00  }
0x11a: {  	[tilespmem:s28], [sflag:$0x1] =	stream.indirect.gather [hbm4b:s2+s26], $0x80, s9, s26, $0xb8;
	[tilespmem:$0x1E080] =	vst v63  }
.LBB2_42:
0x11b: {  	s21 =	sadd.s32 $0x1, s21  }
0x11c: {  	p3 =	sne.s32 s21, $0x28  }
.Ltmp34:
0x11d: {  	s9 =	sadd.s32 $0x4000, s9;
	(pc) =	sbr.rel @!p3 .LBB2_43-.Ltmp34, $4  }
0x11e: {  	s22 =	sand.u32 $0x4000, s9  }
0x11f: {  	s22 =	sor.u32 $0x2800, s22  }
0x120: {  	[tilespmem:s22], [sflag:$0x1] =	stream.indirect.gather [hbm4b:s2+s26], $0x80, s20, s26, $0xb8;
	[tilespmem:$0x1E080] =	vst v63  }
0x121: {  	s11 =	sadd.s32 $0x80, s11;
	s20 =	sadd.s32 $0x80, s20  }
.LBB2_39:
0x122: {  	p3 =	seq.s32 s21, $0x0  }
.Ltmp35:
0x123: {  	_ = 	snop;
	(pc) =	sbr.rel @p3 .LBB2_42-.Ltmp35, $4  }
0x124: {  	_ =	swait.ge [sflag:s29], $0x3E80  }
0x125: {  	s22 =	sand.u32 $0x4000, s9;
	[sflag:s29] =	ssyncset.done $0x0  }
0x126: {  	s22 =	sor.u32 $0x2800, s22;
	[sflag:s29] =	ssyncadd.s32 $0xFFFFC180  }
0x127: {  	[spmem:s3] =	stream.indirect.scatter.add.f32 [tilespmem:s22], [sflag:$0x2], $0x80, s11, s26, $0xb8;
	[tilespmem:$0x1E080] =	vst v63  }
0x128: {  	p3 =	seq.s32 s21, $0x27  }
.Ltmp36:
0x129: {  	_ = 	snop;
	(pc) =	sbr.rel @p3 .LBB2_43-.Ltmp36, $1  }
0x12a: {  	_ =	sdelay $0x3  }
.Ltmp37:
0x12b: {  	(pc) =	sbr.rel .LBB2_42-.Ltmp37, $4  }
0x12c: {  	_ = 	snop  }
0x12d: {  	_ =	swait.ge [sflag:s30], $0x3E80  }
0x12e: {  	[sflag:s30] =	ssyncset.done $0x0  }
0x12f: {  	[sflag:s30] =	ssyncadd.s32 $0xFFFFC180  }
.LBB2_17:
0x130: {  	_ =	swait.ge [sflag:s30], $0x3E80  }
0x131: {  	[sflag:s30] =	ssyncset.done $0x0  }
0x132: {  	[sflag:s30] =	ssyncadd.s32 $0xFFFFC180  }
0x133: {  	_ =	swait.ge [sflag:s30], $0x3E80  }
0x134: {  	[sflag:s30] =	ssyncset.done $0x0  }
0x135: {  	s9 =	simm.s32 $0x0;
	[sflag:s30] =	ssyncadd.s32 $0xFFFFC180  }
0x136: {  	[tilespmem:s9], [sflag:$0x3] =	stream.linear.gather [hbm4b:s18+s9], $0x1400, $0x38;
	[tilespmem:$0x1E080] =	vst v63  }
0x137: {  	_ =	swait.ge [sflag:s25], $0x1400  }
0x138: {  	[sflag:s25] =	ssyncset.done $0x0  }
0x139: {  	s11 =	simm.s32 $0x1400;
	[sflag:s25] =	ssyncadd.s32 $0xFFFFEC00  }
0x13a: {  	[tilespmem:s11], [sflag:$0x3] =	stream.linear.gather [hbm4b:s19+s9], $0x1400, $0x38;
	[tilespmem:$0x1E080] =	vst v63  }
.Ltmp38:
0x13b: {  	_ = 	snop;
	(pc) =	sbr.rel .LBB2_18-.Ltmp38, $4  }
0x13c: {  	_ =	swait.ge [sflag:s25], $0x1400  }
0x13d: {  	[sflag:s25] =	ssyncset.done $0x0  }
0x13e: {  	s20 =	simm.s32 $0x80;
	s21 =	simm.s32 $0x0;
	[sflag:s25] =	ssyncadd.s32 $0xFFFFEC00  }
0x13f: {  	[tilespmem:s28], [sflag:$0x1] =	stream.indirect.gather [hbm4b:s1+s26], $0x80, s9, s26, $0xb8;
	[tilespmem:$0x1E080] =	vst v63  }
.LBB2_21:
0x140: {  	s21 =	sadd.s32 $0x1, s21  }
0x141: {  	p3 =	sne.s32 s21, $0x28  }
.Ltmp39:
0x142: {  	s9 =	sadd.s32 $0x4000, s9;
	(pc) =	sbr.rel @!p3 .LBB2_22-.Ltmp39, $4  }
0x143: {  	s22 =	sand.u32 $0x4000, s9  }
0x144: {  	s22 =	sor.u32 $0x2800, s22  }
0x145: {  	[tilespmem:s22], [sflag:$0x1] =	stream.indirect.gather [hbm4b:s1+s26], $0x80, s20, s26, $0xb8;
	[tilespmem:$0x1E080] =	vst v63  }
0x146: {  	s11 =	sadd.s32 $0x80, s11;
	s20 =	sadd.s32 $0x80, s20  }
.LBB2_18:
0x147: {  	p3 =	seq.s32 s21, $0x0  }
.Ltmp40:
0x148: {  	_ = 	snop;
	(pc) =	sbr.rel @p3 .LBB2_21-.Ltmp40, $4  }
0x149: {  	_ =	swait.ge [sflag:s29], $0x3E80  }
0x14a: {  	s22 =	sand.u32 $0x4000, s9;
	[sflag:s29] =	ssyncset.done $0x0  }
0x14b: {  	s22 =	sor.u32 $0x2800, s22;
	[sflag:s29] =	ssyncadd.s32 $0xFFFFC180  }
0x14c: {  	[spmem:s3] =	stream.indirect.scatter.add.f32 [tilespmem:s22], [sflag:$0x2], $0x80, s11, s26, $0xb8;
	[tilespmem:$0x1E080] =	vst v63  }
0x14d: {  	p3 =	seq.s32 s21, $0x27  }
.Ltmp41:
0x14e: {  	_ = 	snop;
	(pc) =	sbr.rel @p3 .LBB2_22-.Ltmp41, $1  }
0x14f: {  	_ =	sdelay $0x3  }
.Ltmp42:
0x150: {  	(pc) =	sbr.rel .LBB2_21-.Ltmp42, $4  }
0x151: {  	_ = 	snop  }
0x152: {  	_ =	swait.ge [sflag:s30], $0x3E80  }
0x153: {  	[sflag:s30] =	ssyncset.done $0x0  }
0x154: {  	[sflag:s30] =	ssyncadd.s32 $0xFFFFC180  }
.LBB2_43:
0x155: {  	_ =	swait.ge [sflag:s30], $0x3E80  }
0x156: {  	[sflag:s30] =	ssyncset.done $0x0  }
0x157: {  	[sflag:s30] =	ssyncadd.s32 $0xFFFFC180  }
0x158: {  	_ =	swait.ge [sflag:s30], $0x3E80  }
0x159: {  	[sflag:s30] =	ssyncset.done $0x0  }
0x15a: {  	[sflag:s30] =	ssyncadd.s32 $0xFFFFC180  }
0x15b: {  	[bflag:$0x0] =	sbarrier.arrive $0xFFFF  }
0x15c: {  	[hbm:s23], [sflag:s31] =	dma.local [spmem:s0], $0x2700  }
.Ltmp43:
0x15d: {  	_ = 	snop;
	(pc) =	sbr.rel @p1 .LBB2_45-.Ltmp43, $4  }
.Ltmp44:
0x15e: {  	_ = 	snop;
	(pc) =	sbr.rel @!p1 .LBB2_44-.Ltmp44, $4  }
0x15f: {  	_ =	swait.ge [sflag:s25], $0x2700  }
0x160: {  	[sflag:s25] =	ssyncset.done $0x0  }
0x161: {  	s0 =	smov.u32 s7;
	[sflag:s25] =	ssyncadd.s32 $0xFFFFD900  }
0x162: {  	_ = 	snop  }
.LBB2_22:
0x163: {  	_ =	swait.ge [sflag:s30], $0x3E80  }
0x164: {  	[sflag:s30] =	ssyncset.done $0x0  }
0x165: {  	[sflag:s30] =	ssyncadd.s32 $0xFFFFC180  }
0x166: {  	_ =	swait.ge [sflag:s30], $0x3E80  }
0x167: {  	[sflag:s30] =	ssyncset.done $0x0  }
0x168: {  	[sflag:s30] =	ssyncadd.s32 $0xFFFFC180  }
0x169: {  	[bflag:$0x0] =	sbarrier.arrive $0xFFFF  }
0x16a: {  	s9 =	rddreg [dreg:$0x7]  }
0x16b: {  	[hbm:s9], [sflag:s31] =	dma.local [spmem:s0], $0x2700  }
.Ltmp45:
0x16c: {  	_ = 	snop;
	(pc) =	sbr.rel @p2 .LBB2_44-.Ltmp45, $4  }
.Ltmp46:
0x16d: {  	_ = 	snop;
	(pc) =	sbr.rel @!p2 .LBB2_45-.Ltmp46, $4  }
0x16e: {  	_ =	swait.ge [sflag:s25], $0x2700  }
0x16f: {  	[sflag:s25] =	ssyncset.done $0x0  }
0x170: {  	s0 =	smov.u32 s6;
	[sflag:s25] =	ssyncadd.s32 $0xFFFFD900  }
0x171: {  	_ = 	snop  }
.LBB2_46:
0x172: {  	_ =	sfence.sel $0x180000  }
0x173: {  	[bflag:$0x0] =	sbarrier.arrive $0xFFFF  }
0x174: {  	_ =	strace $0x9000004D  }
0x175: {  	[bflag:$0x2] =	sbarrier.arrive $0xFFFF  }
0x176: {  	p0 =	sne.s32 s5, $0x0;
	s0 =	rddreg [dreg:$0x4]  }
0x177: {  	s0 =	sadd.s32 @!p0 $0x100000, s0  }
0x178: {  	[sflag:s0] =	ssyncadd.tile.s32 @!p0 $0x1;
	_ =	shalt  }
.Lfunc_end2:
_tile_overlayer_lowered:
.L_overlay_start_2:
0x179: {  	(tag) =	ssettag $0x2  }
0x17a: {  	s0 =	rddreg [dreg:$0x0];
	s2 =	stileid.u32  }
0x17b: {  	s1 =	rddreg [dreg:$0x1];
	p0 =	sne.s32 s2, $0x0  }
0x17c: {  	s3 =	rddreg [dreg:$0x2];
	[bflag:$0x3] =	sbarrier.arrive $0xFFFF;
	s2 =	simm.s32 @!p0 $0x1C03  }
0x17d: {  	[timem:s3], [sflag:s2] =	dma.local @!p0 [hbm:s0], s1  }
0x17e: {  	s0 =	simm.s32 @!p0 $0x3  }
0x17f: {  	_ =	swait.ge @!p0 [sflag:s0], s1  }
0x180: {  	s1 =	ssub.s32 @!p0 $0x0, s1;
	[sflag:s0] =	ssyncset.done @!p0 $0x0  }
0x181: {  	[sflag:s0] =	ssyncadd.s32 @!p0 s1  }
0x182: {  	[bflag:$0x3] =	sbarrier.arrive $0xFFFF  }
0x183: {  	_ =	shalt  }

// kernel: kernel.8.cloned.1.call-start
scs
__scs_entry_jumppad:
0x0: {  	(pc) =	sbr.rel $0x88, $3  }
0x1: {  	(tag) =	ssettag $0x0;
	lr =	simm.s32 $0x1  }
0x2: {  	[smem:$0x3F94] =	sst lr;
	_ =	strace $0xD0000000  }
0x3: {  	_ = 	snop  }
0x4: {  	_ = 	snop  }
0x5: {  	_ = 	snop  }
0x6: {  	_ = 	snop  }
0x7: {  	_ = 	snop  }
__scs_overlays_trampoline_lowered:
0x8: {  	[smem:$0x3FA3] =	sst s0  }
0x9: {  	[smem:$0x3FA4] =	sst s1  }
0xa: {  	[smem:$0x3FA5] =	sst s2  }
0xb: {  	[smem:$0x3FA6] =	sst s3  }
0xc: {  	[smem:$0x3FA7] =	sst s4  }
0xd: {  	[smem:$0x3FA8] =	sst s5  }
0xe: {  	[smem:$0x3FA9] =	sst s6  }
0xf: {  	[smem:$0x3FAA] =	sst s7  }
0x10: {  	[smem:$0x3FAB] =	sst s8  }
0x11: {  	[smem:$0x3FAC] =	sst s9;
	s0 =	simm.s32 @!p0 $0x0  }
0x12: {  	s1 =	sld [smem:$0x3F92];
	s0 =	simm.s32 @p0 $0x1  }
0x13: {  	[smem:$0x3FAD] =	sst s0;
	s0 =	simm.s32 @!p1 $0x0  }
0x14: {  	s2 =	sld [smem:$0x3F91];
	s0 =	simm.s32 @p1 $0x1  }
0x15: {  	[smem:$0x3FAE] =	sst s0;
	s0 =	simm.s32 @!p2 $0x0  }
0x16: {  	s3 =	sld [smem:$0x3FDB];
	s0 =	simm.s32 @p2 $0x1  }
0x17: {  	s4 =	simm.s32 $0x1BF5;
	[smem:$0x3FB0] =	sst s0  }
0x18: {  	s0 =	sld [smem:$0x3F93];
	_ =	swait.ge [sflag:s4], $0x0  }
0x19: {  	s7 =	sld [smem:$0x3F94]  }
0x1a: {  	s8 =	sadd.s32 $0xFFFFE003, lr  }
0x1b: {  	s9 =	sadd.s32 $0xFFFFFEF7, lr;
	s5 =	simm.s32 $0xFFFFFFFF;
	p2 =	slt.u32 s8, $0xFFFFF086  }
0x1c: {  	p1 =	slt.u32 s9, $0xF7A;
	s5 =	simm.s32 @!p2 $0x0  }
0x1d: {  	s5 =	simm.s32 @p1 $0x1;
	p0 =	seq.s32 s7, s2  }
0x1e: {  	s7 =	smul.u32 @!p0 $0xF7A, s2;
	p2 =	seq.s32 @!p0 s5, $0x0  }
0x1f: {  	s9 =	smul.u32 $0xF7A, s1;
	s8 =	simm.s32 @!p0 $0x1BF5;
	p2 =	por !p2, p0  }
0x20: {  	[sflag:s8] =	ssyncset.s32 @!p0 $0xFFFFF086;
	s6 =	sadd.s32 @!p0 s3, s7;
	s7 =	simm.s32 @!p0 $0x108  }
0x21: {  	s3 =	sadd.s32 s3, s9;
	s6 =	sadd.s32 @!p0 $0x88, s6;
	s7 =	simm.s32 @p2 $0x1082  }
0x22: {  	[simem:s7], [sflag:s8] =	dma.local @!p0 [hbm:s6], $0xF7A  }
0x23: {  	s9 =	sor.u32 $0xD0000000, s2;
	s6 =	simm.s32 $0x108;
	_ =	swait.ge @!p0 [sflag:s8], $0x0  }
0x24: {  	s3 =	sadd.s32 $0x88, s3;
	s6 =	simm.s32 @!p1 $0x1082;
	[sflag:s4] =	ssyncset.s32 $0xFFFFF086  }
0x25: {  	[simem:s6], [sflag:s4] =	dma.local [hbm:s3], $0xF7A  }
0x26: {  	[smem:$0x3F94] =	sst s1;
	(tag) =	ssettag s2;
	_ =	strace s9  }
0x27: {  	s1 =	sld [smem:$0x3FA4]  }
0x28: {  	s2 =	sld [smem:$0x3FA5]  }
0x29: {  	s4 =	sld [smem:$0x3FA7]  }
0x2a: {  	p0 =	seq.s32 s5, $0x0;
	s5 =	sld [smem:$0x3FA8]  }
0x2b: {  	s6 =	sld [smem:$0x3FA9]  }
0x2c: {  	s7 =	sld [smem:$0x3FAA]  }
0x2d: {  	s3 =	simm.s32 $0x108;
	s8 =	sld [smem:$0x3FAB]  }
0x2e: {  	s3 =	simm.s32 @!p0 $0x1082;
	s9 =	sld [smem:$0x3FAC]  }
0x2f: {  	lr =	sadd.s32 s0, s3;
	s0 =	sld [smem:$0x3FA3]  }
0x30: {  	s3 =	sld [smem:$0x3FA6]  }
0x31: {  	[smem:$0x3FAF] =	sst s10  }
0x32: {  	s10 =	sld [smem:$0x3FAD];
	_ =	sdelay $0x3  }
0x33: {  	p0 =	seq.s32 s10, $0x1;
	s10 =	sld [smem:$0x3FAF];
	_ =	sdelay $0x3  }
0x34: {  	[smem:$0x3FAF] =	sst s10  }
0x35: {  	s10 =	sld [smem:$0x3FAE];
	_ =	sdelay $0x3  }
0x36: {  	p1 =	seq.s32 s10, $0x1;
	s10 =	sld [smem:$0x3FAF];
	_ =	sdelay $0x3  }
0x37: {  	[smem:$0x3FAF] =	sst s10  }
0x38: {  	s10 =	sld [smem:$0x3FB0]  }
0x39: {  	_ = 	snop;
	(pc) =	sbr.ind lr, $3  }
0x3a: {  	_ = 	snop  }
0x3b: {  	_ = 	snop  }
0x3c: {  	p2 =	seq.s32 s10, $0x1;
	s10 =	sld [smem:$0x3FAF]  }
0x3d: {  	_ =	shalt  }
0x3e: {  	_ =	shalt  }
0x3f: {  	_ =	shalt  }
0x40: {  	_ =	shalt  }
0x41: {  	_ =	shalt  }
0x42: {  	_ =	shalt  }
0x43: {  	_ =	shalt  }
0x44: {  	_ =	shalt  }
0x45: {  	_ =	shalt  }
0x46: {  	_ =	shalt  }
0x47: {  	_ =	shalt  }
0x48: {  	_ =	shalt  }
0x49: {  	_ =	shalt  }
0x4a: {  	_ =	shalt  }
0x4b: {  	_ =	shalt  }
0x4c: {  	_ =	shalt  }
0x4d: {  	_ =	shalt  }
0x4e: {  	_ =	shalt  }
0x4f: {  	_ =	shalt  }
0x50: {  	_ =	shalt  }
0x51: {  	_ =	shalt  }
0x52: {  	_ =	shalt  }
0x53: {  	_ =	shalt  }
0x54: {  	_ =	shalt  }
0x55: {  	_ =	shalt  }
0x56: {  	_ =	shalt  }
0x57: {  	_ =	shalt  }
0x58: {  	_ =	shalt  }
0x59: {  	_ =	shalt  }
0x5a: {  	_ =	shalt  }
0x5b: {  	_ =	shalt  }
0x5c: {  	_ =	shalt  }
0x5d: {  	_ =	shalt  }
0x5e: {  	_ =	shalt  }
0x5f: {  	_ =	shalt  }
0x60: {  	_ =	shalt  }
0x61: {  	_ =	shalt  }
0x62: {  	_ =	shalt  }
0x63: {  	_ =	shalt  }
0x64: {  	_ =	shalt  }
0x65: {  	_ =	shalt  }
0x66: {  	_ =	shalt  }
0x67: {  	_ =	shalt  }
0x68: {  	_ =	shalt  }
0x69: {  	_ =	shalt  }
0x6a: {  	_ =	shalt  }
0x6b: {  	_ =	shalt  }
0x6c: {  	_ =	shalt  }
0x6d: {  	_ =	shalt  }
0x6e: {  	_ =	shalt  }
0x6f: {  	_ =	shalt  }
0x70: {  	_ =	shalt  }
0x71: {  	_ =	shalt  }
0x72: {  	_ =	shalt  }
0x73: {  	_ =	shalt  }
0x74: {  	_ =	shalt  }
0x75: {  	_ =	shalt  }
0x76: {  	_ =	shalt  }
0x77: {  	_ =	shalt  }
0x78: {  	_ =	shalt  }
0x79: {  	_ =	shalt  }
0x7a: {  	_ =	shalt  }
0x7b: {  	_ =	shalt  }
0x7c: {  	_ =	shalt  }
0x7d: {  	_ =	shalt  }
0x7e: {  	_ =	shalt  }
0x7f: {  	_ =	shalt  }
0x80: {  	_ =	shalt  }
0x81: {  	_ =	shalt  }
0x82: {  	_ =	shalt  }
0x83: {  	_ =	shalt  }
0x84: {  	_ =	shalt  }
0x85: {  	_ =	shalt  }
0x86: {  	_ =	shalt  }
0x87: {  	_ =	shalt  }
.Lfunc_end0:
.L_simem_size_0:
called_computation_lowered:
.L_overlay_start_0:
0x88: {  	s2 =	sld [smem:$0x3FD9]  }
0x89: {  	s3 =	sld [smem:$0x3FFE];
	_ =	sdelay $0x1  }
0x8a: {  	s1 =	srdreg.scid  }
0x8b: {  	s0 =	sand.u32 $0x1, s1  }
0x8c: {  	s14 =	sshll.u32 s0, $0xA;
	s2 =	sadd.s32 s3, s2  }
0x8d: {  	s2 =	sadd.s32 s2, s14  }
0x8e: {  	[smem:$0x3FBB] =	sst s2  }
0x8f: {  	_ = 	snop  }
0x90: {  	s2 =	sld [smem:$0x3FD0];
	_ =	sdelay $0x2  }
0x91: {  	s15 =	simm.s32 $0xA;
	s4 =	simm.s32 $0x10  }
0x92: {  	[smem:s4], [sflag:s15] =	dma.local [hbm:s2], $0x1  }
0x93: {  	_ =	swait.eq [sflag:s15], $0x1  }
0x94: {  	[sflag:s15] =	ssyncset.done $0x0  }
0x95: {  	[sflag:s15] =	ssyncadd.s32 $0xFFFFFFFF  }
0x96: {  	s16 =	sld [smem:$0x11];
	(tm) =	ssettm $0x1  }
0x97: {  	s17 =	sld [smem:$0x3FFB];
	_ =	sdelay $0x3  }
0x98: {  	_ =	strace s17  }
0x99: {  	s3 =	sld [smem:$0x3FFC];
	_ =	sdelay $0x3  }
0x9a: {  	_ =	strace s3  }
0x9b: {  	s3 =	sld [smem:$0x3FFD];
	_ =	sdelay $0x3  }
0x9c: {  	_ =	strace s3  }
0x9d: {  	_ =	strace $0x8FFFFFFF  }
0x9e: {  	s18 =	sld [smem:$0x3FDB];
	_ =	sdelay $0x1  }
0x9f: {  	s19 =	simm.s32 $_scs_section_size  }
0xa0: {  	s5 =	simm.s32 $_size__tile_overlayer_lowered;
	s6 =	simm.s32 $_tile_overlayer_lowered  }
0xa1: {  	s22 =	simm.s32 $0x1BFF;
	s21 =	sshll.u32 s6, $0x1;
	s3 =	sadd.s32 s19, s18  }
0xa2: {  	s7 =	simm.s32 $0x0;
	s20 =	sshll.u32 s5, $0x1;
	s5 =	sadd.s32 s21, s3  }
0xa3: {  	[timem:s7], [sflag:s22] =	dma.local [hbm:s5], s20  }
0xa4: {  	_ =	swait.ge [sflag:s22], s20  }
0xa5: {  	s4 =	ssub.s32 $0x0, s20;
	[sflag:s22] =	ssyncset.done $0x0  }
0xa6: {  	[sflag:s22] =	ssyncadd.s32 s4;
	_ =	sdelay $0x1  }
0xa7: {  	s23 =	simm.s32 $0x1B8B  }
0xa8: {  	_ =	swait.ge [sflag:s23], $0x1  }
0xa9: {  	[sflag:s23] =	ssyncset.done $0x0  }
0xaa: {  	s25 =	simm.s32 $0x1B8E;
	s24 =	sld [smem:$0x3FFE];
	[sflag:s23] =	ssyncadd.s32 $0xFFFFFFFF  }
0xab: {  	s26 =	simm.s32 $execute0_lowered;
	[smem:$0x3FD2] =	sst s25  }
0xac: {  	s5 =	sshll.u32 s26, $0x1;
	_ =	strace $0x80000046;
	[dreg:$0x1] =	wrdreg $0xFFFFFFFF  }
0xad: {  	s28 =	simm.s32 $_size_execute0_lowered;
	s3 =	sadd.s32 s3, s5;
	[dreg:$0x0] =	wrdreg $0x0  }
0xae: {  	s5 =	sshll.u32 s28, $0x1;
	[dreg:$0x2] =	wrdreg s3  }
0xaf: {  	[dreg:$0x3] =	wrdreg s5  }
0xb0: {  	[dreg:$0x4] =	wrdreg $0xC0  }
0xb1: {  	_ =	task [dreg:s7], $0x5FFFF  }
0xb2: {  	[dreg:$0x1] =	wrdreg $0xFFFFFFFF  }
0xb3: {  	[dreg:$0x0] =	wrdreg $0x60  }
0xb4: {  	[dreg:$0x2] =	wrdreg s24  }
0xb5: {  	[dreg:$0x3] =	wrdreg s16  }
0xb6: {  	[dreg:$0x4] =	wrdreg $0x53000  }
0xb7: {  	[dreg:$0x5] =	wrdreg $0x9  }
0xb8: {  	_ =	task.clear_ibuf [dreg:s7], $0x6FFFF;
	_ =	strace $0x90000046  }
0xb9: {  	s29 =	simm.s32 $0x9;
	_ =	strace $0x80000048  }
0xba: {  	_ =	swait.ge [sflag:s29], $0x1  }
0xbb: {  	[sflag:s29] =	ssyncadd.s32 $0xFFFFFFFF  }
0xbc: {  	_ =	strace $0x90000048  }
0xbd: {  	_ =	sfence  }
0xbe: {  	s30 =	sld [smem:$0x0];
	_ =	sdelay $0x2  }
0xbf: {  	s31 =	sshll.u32 s1, $0xD;
	s1 =	sshrl.u32 s1, $0x2  }
0xc0: {  	s3 =	sand.u32 $0x4000, s31;
	s1 =	sadd.s32 s1, s30  }
0xc1: {  	s0 =	sor.u32 s3, s0;
	s1 =	sshll.u32 s1, $0x11  }
0xc2: {  	s0 =	sor.u32 s1, s0  }
0xc3: {  	s0 =	sadd.s32 $0x8F2B, s0  }
0xc4: {  	[sflag:s0] =	ssyncadd.remote.s32 $0x1  }
0xc5: {  	_ =	sfence.sel $0xFFFF  }
0xc6: {  	[dreg:$0x0] =	wrdreg $0xFFFFFFFF;
	(pc) =	sbr.abs _section_cstart, $3  }
0xc7: {  	[dreg:$0x1] =	wrdreg $0xFFFFFFFF  }
0xc8: {  	_ =	task.clear_ibuf [dreg:s7], $0x2FFFF;
	_ =	strace $0x9FFFFFFF  }
0xc9: {  	(tm) =	ssettm $0x7FFFFFFF  }
tec
execute0_lowered:
.L_overlay_start_1:
0x0: {  	(tag) =	ssettag $0x1  }
0x1: {  	s5 =	rddreg [dreg:$0x0]  }
0x2: {  	s2 =	rddreg [dreg:$0x1]  }
0x3: {  	s3 =	rddreg [dreg:$0x2]  }
0x4: {  	s0 =	rddreg [dreg:$0x3]  }
0x5: {  	s1 =	stileid.u32;
	s6 =	srdreg.scid;
	s4 =	simm.s32 $0x0  }
0x6: {  	s12 =	simm.s32 $0x1;
	s13 =	simm.s32 $0x7D;
	s14 =	simm.s32 $0x5000  }
0x7: {  	s7 =	smul.u32 $0xA00, s1;
	s11 =	sand.u32 $0x1, s6;
	[smem:$0x7FF] =	sst s4  }
0x8: {  	s8 =	smul.u32 $0x280, s1;
	s15 =	sshll.u32 s1, $0x6;
	s6 =	ssub.s32 $0x2, s11  }
.Ltmp0:
0x9: {  	_ =	strace $0x80000047;
	p0 =	sne.s32 s11, $0x0;
	(pc) =	sbr.rel .LBB2_1-.Ltmp0, $4  }
0xa: {  	s11 =	simm.s32 $0x5080;
	s15 =	sor.u32 $0x1C01, s15;
	s31 =	sshrl.u32 s6, $0x1  }
0xb: {  	s9 =	sadd.s32 s7, s5;
	s5 =	sadd.s32 $0x17A00, s5;
	s10 =	ssub.s32 s6, s31  }
0xc: {  	s6 =	sadd.s32 s8, s3;
	s7 =	sadd.s32 $0x3A00, s9;
	s8 =	sshrl.u32 s8, $0x3  }
0xd: {  	v0 =	vimm.f32 $1.000000000e+00;
	v1 =	vimm.f32 $0.0e+00;
	s9 =	sadd.s32 $0xDA00, s9;
	s10 =	smax.u32 s10, $0x1;
	s16 =	sshrl.u32 s6, $0x3  }
.LBB2_7:
0xe: {  	[sflag:s12] =	ssyncadd.s32 $0xFFFFFF83;
	s17 =	smov.u32 s5  }
.LBB2_8:
0xf: {  	s4 =	sadd.s32 $0x1, s4  }
0x10: {  	p1 =	sne.s32 s4, s10  }
.Ltmp1:
0x11: {  	s17 =	sadd.s32 s17, s8;
	[bflag:$0x0] =	sbarrier.arrive $0xFFFF;
	(pc) =	sbr.rel @!p1 .LBB2_9-.Ltmp1, $4  }
0x12: {  	[hbm:s17], [sflag:s15] =	dma.local [spmem:s16], $0x50  }
0x13: {  	_ =	swait.ge [sflag:s12], $0x50  }
0x14: {  	[sflag:s12] =	ssyncset.done $0x0  }
0x15: {  	[sflag:s12] =	ssyncadd.s32 $0xFFFFFFB0  }
.LBB2_1:
0x16: {  	[tilespmem:$0x5000] =	vst v0  }
0x17: {  	[tilespmem:$0x5010] =	vst v0  }
0x18: {  	[tilespmem:$0x5020] =	vst v0  }
0x19: {  	[tilespmem:$0x5030] =	vst v0  }
0x1a: {  	[tilespmem:$0x5040] =	vst v0  }
0x1b: {  	[tilespmem:$0x5050] =	vst v0  }
0x1c: {  	[tilespmem:$0x5060] =	vst v0  }
0x1d: {  	[tilespmem:$0x5070] =	vst v0  }
0x1e: {  	[tilespmem:$0x5080] =	vst v1  }
0x1f: {  	[tilespmem:$0x5090] =	vst v1  }
0x20: {  	[tilespmem:$0x50A0] =	vst v1  }
0x21: {  	[tilespmem:$0x50B0] =	vst v1  }
0x22: {  	[tilespmem:$0x50C0] =	vst v1  }
0x23: {  	[tilespmem:$0x50D0] =	vst v1  }
0x24: {  	[tilespmem:$0x50E0] =	vst v1  }
0x25: {  	[tilespmem:$0x50F0] =	vst v1  }
0x26: {  	[tilespmem:$0x5100] =	vst v1  }
0x27: {  	[tilespmem:$0x5110] =	vst v1  }
0x28: {  	[tilespmem:$0x5120] =	vst v1  }
0x29: {  	[tilespmem:$0x5130] =	vst v1  }
0x2a: {  	[tilespmem:$0x5140] =	vst v1  }
0x2b: {  	[tilespmem:$0x5150] =	vst v1  }
0x2c: {  	[tilespmem:$0x5160] =	vst v1  }
0x2d: {  	[tilespmem:$0x5170] =	vst v1  }
0x2e: {  	[tilespmem:$0x5180] =	vst v1  }
0x2f: {  	[tilespmem:$0x5190] =	vst v1  }
0x30: {  	[tilespmem:$0x51A0] =	vst v1  }
0x31: {  	[tilespmem:$0x51B0] =	vst v1  }
0x32: {  	[tilespmem:$0x51C0] =	vst v1  }
0x33: {  	[tilespmem:$0x51D0] =	vst v1  }
0x34: {  	[tilespmem:$0x51E0] =	vst v1  }
0x35: {  	[tilespmem:$0x51F0] =	vst v1  }
0x36: {  	[tilespmem:$0x5200] =	vst v1  }
0x37: {  	[tilespmem:$0x5210] =	vst v1  }
0x38: {  	[tilespmem:$0x5220] =	vst v1  }
0x39: {  	[tilespmem:$0x5230] =	vst v1  }
0x3a: {  	[tilespmem:$0x5240] =	vst v1  }
0x3b: {  	[tilespmem:$0x5250] =	vst v1  }
0x3c: {  	[tilespmem:$0x5260] =	vst v1  }
0x3d: {  	[tilespmem:$0x5270] =	vst v1  }
0x3e: {  	[tilespmem:$0x5280] =	vst v1  }
0x3f: {  	[tilespmem:$0x5290] =	vst v1  }
0x40: {  	[tilespmem:$0x52A0] =	vst v1  }
0x41: {  	[tilespmem:$0x52B0] =	vst v1  }
0x42: {  	[tilespmem:$0x52C0] =	vst v1  }
0x43: {  	[tilespmem:$0x52D0] =	vst v1  }
0x44: {  	[tilespmem:$0x52E0] =	vst v1  }
0x45: {  	[tilespmem:$0x52F0] =	vst v1  }
0x46: {  	[spmem:s6] =	stream.linear.scatter [tilespmem:s11], [sflag:$0x1], $0x280, $0x38;
	[tilespmem:$0x5580] =	vst v63  }
.Ltmp2:
0x47: {  	_ =	swait.ge [sflag:s12], $0x280;
	(pc) =	sbr.rel @p0 .LBB2_5-.Ltmp2, $4  }
0x48: {  	[sflag:s12] =	ssyncset.done $0x0  }
0x49: {  	[sflag:s12] =	ssyncadd.s32 $0xFFFFFD80  }
0x4a: {  	[bflag:$0x0] =	sbarrier.arrive $0xFFFF  }
0x4b: {  	s17 =	simm.s32 $0x0  }
0x4c: {  	[tilespmem:s17], [sflag:$0x1] =	stream.linear.gather [hbm4b:s9+s17], $0x5000, $0x38;
	[tilespmem:$0x5580] =	vst v63  }
0x4d: {  	_ =	swait.ge [sflag:s12], $0x5000  }
0x4e: {  	[sflag:s12] =	ssyncset.done $0x0  }
0x4f: {  	s31 =	simm.s32 $0x0;
	[sflag:s12] =	ssyncadd.s32 $0xFFFFB000  }
0x50: {  	[spmem:s3] =	stream.indirect.scatter.add.f32 [tilespmem:s14], [sflag:$0x1], $0x1, s31, s13, $0xb8;
	[tilespmem:$0x5580] =	vst v63  }
0x51: {  	_ =	swait.ge [sflag:s12], $0x7D  }
0x52: {  	s17 =	simm.s32 $0x200;
	[sflag:s12] =	ssyncset.done $0x0  }
.LBB2_3:
0x53: {  	s18 =	sshra.s32 s17, $0x2;
	[sflag:s12] =	ssyncadd.s32 $0xFFFFFF83;
	p1 =	seq.s32 s17, $0x13E00  }
0x54: {  	[spmem:s3] =	stream.indirect.scatter.add.f32 [tilespmem:s14], [sflag:$0x1], $0x1, s18, s13, $0xb8;
	[tilespmem:$0x5580] =	vst v63  }
.Ltmp3:
0x55: {  	_ = 	snop;
	(pc) =	sbr.rel @!p1 .LBB2_3-.Ltmp3, $4  }
0x56: {  	_ = 	snop  }
0x57: {  	s17 =	sadd.s32 $0x200, s17  }
0x58: {  	_ =	swait.ge [sflag:s12], $0x7D  }
0x59: {  	[sflag:s12] =	ssyncset.done $0x0  }
.Ltmp4:
0x5a: {  	(pc) =	sbr.rel .LBB2_8-.Ltmp4, $2  }
0x5b: {  	_ =	sdelay $0x2  }
0x5c: {  	[sflag:s12] =	ssyncadd.s32 $0xFFFFFF83;
	s17 =	smov.u32 s2  }
.LBB2_5:
0x5d: {  	[tilespmem:s17], [sflag:$0x1] =	stream.linear.gather [hbm4b:s7+s17], $0x5000, $0x38;
	[tilespmem:$0x5580] =	vst v63  }
0x5e: {  	_ =	swait.ge [sflag:s12], $0x5000  }
0x5f: {  	[sflag:s12] =	ssyncset.done $0x0  }
0x60: {  	s31 =	simm.s32 $0x0;
	[sflag:s12] =	ssyncadd.s32 $0xFFFFB000  }
0x61: {  	[spmem:s3] =	stream.indirect.scatter.add.f32 [tilespmem:s14], [sflag:$0x1], $0x1, s31, s13, $0xb8;
	[tilespmem:$0x5580] =	vst v63  }
0x62: {  	_ =	swait.ge [sflag:s12], $0x7D  }
0x63: {  	s17 =	simm.s32 $0x200;
	[sflag:s12] =	ssyncset.done $0x0  }
.LBB2_6:
0x64: {  	s18 =	sshra.s32 s17, $0x2;
	[sflag:s12] =	ssyncadd.s32 $0xFFFFFF83;
	p1 =	sne.s32 s17, $0x13E00  }
0x65: {  	[spmem:s3] =	stream.indirect.scatter.add.f32 [tilespmem:s14], [sflag:$0x1], $0x1, s18, s13, $0xb8;
	[tilespmem:$0x5580] =	vst v63  }
.Ltmp5:
0x66: {  	_ = 	snop;
	(pc) =	sbr.rel @p1 .LBB2_6-.Ltmp5, $4  }
0x67: {  	_ = 	snop  }
0x68: {  	s17 =	sadd.s32 $0x200, s17  }
0x69: {  	_ =	swait.ge [sflag:s12], $0x7D  }
0x6a: {  	[sflag:s12] =	ssyncset.done $0x0  }
.Ltmp6:
0x6b: {  	_ = 	snop;
	(pc) =	sbr.rel .LBB2_7-.Ltmp6, $1  }
0x6c: {  	_ =	sdelay $0x3  }
.LBB2_9:
0x6d: {  	_ =	sfence.sel $0x180000  }
0x6e: {  	[bflag:$0x0] =	sbarrier.arrive $0xFFFF  }
0x6f: {  	p0 =	sne.s32 s1, $0x0;
	_ =	strace $0x90000047  }
0x70: {  	s0 =	sadd.s32 @!p0 $0x100000, s0;
	[bflag:$0x2] =	sbarrier.arrive $0xFFFF  }
0x71: {  	[sflag:s0] =	ssyncadd.tile.s32 @!p0 $0x1;
	_ =	shalt  }
.Lfunc_end2:
_tile_overlayer_lowered:
.L_overlay_start_2:
0x72: {  	(tag) =	ssettag $0x2  }
0x73: {  	s0 =	rddreg [dreg:$0x0];
	s2 =	stileid.u32  }
0x74: {  	s1 =	rddreg [dreg:$0x1];
	p0 =	sne.s32 s2, $0x0  }
0x75: {  	s3 =	rddreg [dreg:$0x2];
	[bflag:$0x3] =	sbarrier.arrive $0xFFFF;
	s2 =	simm.s32 @!p0 $0x1C01  }
0x76: {  	[timem:s3], [sflag:s2] =	dma.local @!p0 [hbm:s0], s1  }
0x77: {  	s0 =	simm.s32 @!p0 $0x1  }
0x78: {  	_ =	swait.ge @!p0 [sflag:s0], s1  }
0x79: {  	s1 =	ssub.s32 @!p0 $0x0, s1;
	[sflag:s0] =	ssyncset.done @!p0 $0x0  }
0x7a: {  	[sflag:s0] =	ssyncadd.s32 @!p0 s1  }
0x7b: {  	[bflag:$0x3] =	sbarrier.arrive $0xFFFF  }
0x7c: {  	_ =	shalt  }

</sc_bundles>
